<compile_context>
chip_gen: v7x
topology: tpu7x:2x2x1
jax: 0.10.2.dev20260603
libtpu: 0.0.44.dev20260713+nightly
codegen_flags: <defaults>
</compile_context>

<pallas_src>
import jax
import jax.numpy as jnp
from jax import lax
from jax.experimental import pallas as pl
from jax.experimental.pallas import tpu as pltpu

D_MODEL = 768
D_FF = 3072
N_EMB = 16384
K = 64
N_BUCKET = N_EMB // K
TOK_CHUNK = 16
BUCKETS_PER_STEP = 8

_INTERPRET = False



def _maxabs_kernel(x_ref, o_ref):
    @pl.when(pl.program_id(0) == 0)
    def _init():
        o_ref[...] = jnp.zeros_like(o_ref)
    o_ref[...] = jnp.maximum(o_ref[...],
                             jnp.max(jnp.abs(x_ref[...])).reshape(1, 1))


def _global_maxabs(x, tile_rows):
    rows = x.shape[0]
    grid = rows // tile_rows
    return pl.pallas_call(
        _maxabs_kernel,
        grid=(grid,),
        in_specs=[pl.BlockSpec((tile_rows, x.shape[1]), lambda i: (i, 0))],
        out_specs=pl.BlockSpec((1, 1), lambda i: (0, 0)),
        out_shape=jax.ShapeDtypeStruct((1, 1), jnp.float32),
        interpret=_INTERPRET,
    )(x)


def _maxabs2_kernel(a_ref, b_ref, oa_ref, ob_ref):
    @pl.when(pl.program_id(0) == 0)
    def _init():
        oa_ref[...] = jnp.zeros_like(oa_ref)
        ob_ref[...] = jnp.zeros_like(ob_ref)
    oa_ref[...] = jnp.maximum(oa_ref[...],
                              jnp.max(jnp.abs(a_ref[...])).reshape(1, 1))
    ob_ref[...] = jnp.maximum(ob_ref[...],
                              jnp.max(jnp.abs(b_ref[...])).reshape(1, 1))


def _global_maxabs2(a, b, tile_cols):
    grid = a.shape[1] // tile_cols
    return pl.pallas_call(
        _maxabs2_kernel,
        grid=(grid,),
        in_specs=[
            pl.BlockSpec((a.shape[0], tile_cols), lambda i: (0, i)),
            pl.BlockSpec((a.shape[0], tile_cols), lambda i: (0, i)),
        ],
        out_specs=[
            pl.BlockSpec((1, 1), lambda i: (0, 0)),
            pl.BlockSpec((1, 1), lambda i: (0, 0)),
        ],
        out_shape=[
            jax.ShapeDtypeStruct((1, 1), jnp.float32),
            jax.ShapeDtypeStruct((1, 1), jnp.float32),
        ],
        interpret=_INTERPRET,
    )(a, b)



def _xsim_ln_kernel(x_ref, xmax_ref, g_ref, b_ref, xsim_ref, a_ref):
    s = 32767.0 / jnp.maximum(xmax_ref[...], 1e-8)
    xq = jnp.round(x_ref[...] * s) / s
    xsim_ref[...] = xq
    m = jnp.mean(xq, axis=-1, keepdims=True)
    v = jnp.mean((xq - m) ** 2, axis=-1, keepdims=True)
    a_ref[...] = (xq - m) * lax.rsqrt(v + 1e-5) * g_ref[...] + b_ref[...]


def _quantize_x_ln(x2d, xmax, ln_g, ln_b, tile_rows):
    grid = x2d.shape[0] // tile_rows
    return pl.pallas_call(
        _xsim_ln_kernel,
        grid=(grid,),
        in_specs=[
            pl.BlockSpec((tile_rows, D_MODEL), lambda i: (i, 0)),
            pl.BlockSpec((1, 1), lambda i: (0, 0)),
            pl.BlockSpec((1, D_MODEL), lambda i: (0, 0)),
            pl.BlockSpec((1, D_MODEL), lambda i: (0, 0)),
        ],
        out_specs=[
            pl.BlockSpec((tile_rows, D_MODEL), lambda i: (i, 0)),
            pl.BlockSpec((tile_rows, D_MODEL), lambda i: (i, 0)),
        ],
        out_shape=[
            jax.ShapeDtypeStruct(x2d.shape, jnp.float32),
            jax.ShapeDtypeStruct(x2d.shape, jnp.float32),
        ],
        interpret=_INTERPRET,
    )(x2d, xmax, ln_g.reshape(1, -1), ln_b.reshape(1, -1))



TC_G = 128


def _tc_gather_kernel(idx_ref, src_ref, o_ref):
    i = pl.program_id(0)
    for j in range(TC_G):
        o_ref[j, :] = src_ref[idx_ref[i * TC_G + j], :]


def _tc_gather_rows(src, idx, n_out):
    return pl.pallas_call(
        _tc_gather_kernel,
        grid_spec=pltpu.PrefetchScalarGridSpec(
            num_scalar_prefetch=1,
            grid=(n_out // TC_G,),
            in_specs=[pl.BlockSpec(src.shape, lambda i, idx: (0, 0))],
            out_specs=pl.BlockSpec((TC_G, D_MODEL), lambda i, idx: (i, 0)),
        ),
        out_shape=jax.ShapeDtypeStruct((n_out, D_MODEL), jnp.float32),
        interpret=_INTERPRET,
    )(idx, src)



def _attn_kernel(off8_ref, cnt_ref, wk_ref, wv_ref, kmax_ref, vmax_ref,
                 a_ref, o_ref):
    step = pl.program_id(0)
    ks = 127.0 / jnp.maximum(kmax_ref[...], 1e-8)
    vs = 127.0 / jnp.maximum(vmax_ref[...], 1e-8)
    kq_all = jnp.round(wk_ref[...] * ks)
    vq_all = jnp.round(wv_ref[...] * vs)
    inv_ks = 1.0 / ks
    inv_vs = 1.0 / vs

    for j in range(BUCKETS_PER_STEP):
        b = step * BUCKETS_PER_STEP + j
        start8 = off8_ref[b]
        cnt = cnt_ref[b]
        end = start8 * 8 + cnt
        nchunks = (cnt + TOK_CHUNK - 1) // TOK_CHUNK
        kq = kq_all[:, j * K:(j + 1) * K]
        vq = vq_all[:, j * K:(j + 1) * K]

        def chunk_body(c, _, start8=start8, end=end, kq=kq, vq=vq):
            s0 = (start8 + c * (TOK_CHUNK // 8)) * 8
            a_chunk = a_ref[pl.ds(s0, TOK_CHUNK), :]
            s = jnp.dot(a_chunk, kq, preferred_element_type=jnp.float32)
            s = s * inv_ks
            s = s - jnp.max(s, axis=-1, keepdims=True)
            e = jnp.exp(s)
            p = (e * inv_vs) / jnp.sum(e, axis=-1, keepdims=True)
            comb = lax.dot_general(p, vq, (((1,), (1,)), ((), ())),
                                   preferred_element_type=jnp.float32)
            rows = s0 + lax.broadcasted_iota(jnp.int32, (TOK_CHUNK, 1), 0)
            mask = rows < end
            cur = o_ref[pl.ds(s0, TOK_CHUNK), :]
            o_ref[pl.ds(s0, TOK_CHUNK), :] = jnp.where(mask, comb, cur)
            return 0

        lax.fori_loop(0, nchunks, chunk_body, 0)


def _bucket_attention(W_K, W_V, kmax, vmax, a_sorted, off8, cnts, n_pad):
    grid = N_BUCKET // BUCKETS_PER_STEP
    cols = BUCKETS_PER_STEP * K
    return pl.pallas_call(
        _attn_kernel,
        grid_spec=pltpu.PrefetchScalarGridSpec(
            num_scalar_prefetch=2,
            grid=(grid,),
            in_specs=[
                pl.BlockSpec((D_MODEL, cols), lambda i, o, c: (0, i)),
                pl.BlockSpec((D_MODEL, cols), lambda i, o, c: (0, i)),
                pl.BlockSpec((1, 1), lambda i, o, c: (0, 0)),
                pl.BlockSpec((1, 1), lambda i, o, c: (0, 0)),
                pl.BlockSpec((n_pad, D_MODEL), lambda i, o, c: (0, 0)),
            ],
            out_specs=pl.BlockSpec((n_pad, D_MODEL), lambda i, o, c: (0, 0)),
        ),
        out_shape=jax.ShapeDtypeStruct((n_pad, D_MODEL), jnp.float32),
        interpret=_INTERPRET,
    )(off8, cnts, W_K, W_V, kmax, vmax, a_sorted)



def _ffn1_kernel(comb_ref, win_ref, h_ref, hmax_ref):
    cmax = jnp.max(jnp.abs(win_ref[...]), axis=0, keepdims=True)
    cs = 127.0 / jnp.maximum(cmax, 1e-8)
    wq = jnp.round(win_ref[...] * cs) / cs
    h = jnp.dot(comb_ref[...], wq, preferred_element_type=jnp.float32)
    h_ref[...] = h

    @pl.when(pl.program_id(0) == 0)
    def _init():
        hmax_ref[...] = jnp.zeros_like(hmax_ref)
    hmax_ref[...] = jnp.maximum(hmax_ref[...],
                                jnp.max(jnp.abs(h)).reshape(1, 1))


def _ffn1(comb, W_in, tile_rows):
    grid = comb.shape[0] // tile_rows
    return pl.pallas_call(
        _ffn1_kernel,
        grid=(grid,),
        in_specs=[
            pl.BlockSpec((tile_rows, D_MODEL), lambda i: (i, 0)),
            pl.BlockSpec((D_MODEL, D_FF), lambda i: (0, 0)),
        ],
        out_specs=[
            pl.BlockSpec((tile_rows, D_FF), lambda i: (i, 0)),
            pl.BlockSpec((1, 1), lambda i: (0, 0)),
        ],
        out_shape=[
            jax.ShapeDtypeStruct((comb.shape[0], D_FF), jnp.float32),
            jax.ShapeDtypeStruct((1, 1), jnp.float32),
        ],
        interpret=_INTERPRET,
    )(comb, W_in)



def _ffn2_kernel(h_ref, hmax_ref, xsim_ref, wout_ref, wskip_ref,
                 g_ref, b_ref, o_ref):
    hs = 32767.0 / jnp.maximum(hmax_ref[...], 1e-8)
    h = jnp.round(h_ref[...] * hs) / hs
    m = jnp.mean(h, axis=-1, keepdims=True)
    v = jnp.mean((h - m) ** 2, axis=-1, keepdims=True)
    ln = (h - m) * lax.rsqrt(v + 1e-5) * g_ref[...] + b_ref[...]

    rmax = jnp.max(jnp.abs(wout_ref[...]), axis=1, keepdims=True)
    rs = 127.0 / jnp.maximum(rmax, 1e-8)
    woq = jnp.round(wout_ref[...] * rs) / rs

    smax = jnp.max(jnp.abs(wskip_ref[...]))
    ss = 127.0 / jnp.maximum(smax, 1e-8)
    wsq = jnp.round(wskip_ref[...] * ss) / ss

    o_ref[...] = (
        jnp.dot(ln, woq, preferred_element_type=jnp.float32)
        + jnp.dot(xsim_ref[...], wsq, preferred_element_type=jnp.float32)
    )


def _ffn2(hidden, hmax, x_sim, W_out, W_skip, ln2_g, ln2_b, tile_rows):
    grid = hidden.shape[0] // tile_rows
    return pl.pallas_call(
        _ffn2_kernel,
        grid=(grid,),
        in_specs=[
            pl.BlockSpec((tile_rows, D_FF), lambda i: (i, 0)),
            pl.BlockSpec((1, 1), lambda i: (0, 0)),
            pl.BlockSpec((tile_rows, D_MODEL), lambda i: (i, 0)),
            pl.BlockSpec((D_FF, D_MODEL), lambda i: (0, 0)),
            pl.BlockSpec((D_MODEL, D_MODEL), lambda i: (0, 0)),
            pl.BlockSpec((1, D_FF), lambda i: (0, 0)),
            pl.BlockSpec((1, D_FF), lambda i: (0, 0)),
        ],
        out_specs=pl.BlockSpec((tile_rows, D_MODEL), lambda i: (i, 0)),
        out_shape=jax.ShapeDtypeStruct((hidden.shape[0], D_MODEL), jnp.float32),
        interpret=_INTERPRET,
    )(hidden, hmax, x_sim, W_out, W_skip,
      ln2_g.reshape(1, -1), ln2_b.reshape(1, -1))



def kernel(x, input_ids, W_K, W_V, W_in, W_out, W_skip,
           ln1_g, ln1_b, ln2_g, ln2_b):
    B, T, D = x.shape
    n_tok = B * T
    n_pad = 4096
    assert n_tok + N_BUCKET * 7 + TOK_CHUNK <= n_pad
    x2d = x.reshape(n_tok, D)

    ids = input_ids.reshape(n_tok).astype(jnp.int32) % N_BUCKET
    onehot = (ids[:, None] == jnp.arange(N_BUCKET, dtype=jnp.int32)[None, :])
    onehot = onehot.astype(jnp.int32)
    occ = jnp.cumsum(onehot, axis=0)
    counts = occ[-1].astype(jnp.int32)
    rank = jnp.take_along_axis(occ, ids[:, None], axis=1)[:, 0] - 1
    aligned = ((counts + 7) // 8) * 8
    aligned_off = jnp.concatenate([jnp.zeros((1,), jnp.int32),
                                   jnp.cumsum(aligned).astype(jnp.int32)])
    off8 = (aligned_off // 8).astype(jnp.int32)
    inv_pos = (aligned_off[ids] + rank).astype(jnp.int32)
    slot_token = jnp.zeros((n_pad,), jnp.int32).at[inv_pos].set(
        jnp.arange(n_tok, dtype=jnp.int32))

    xmax = _global_maxabs(x2d, 256)
    kmax, vmax = _global_maxabs2(W_K, W_V, 2048)

    x_sim, a_nat = _quantize_x_ln(x2d, xmax, ln1_g, ln1_b, 256)
    a_sorted = _tc_gather_rows(a_nat, slot_token, n_pad)

    comb_sorted = _bucket_attention(W_K, W_V, kmax, vmax, a_sorted,
                                    off8, counts, n_pad)
    comb = _tc_gather_rows(comb_sorted, inv_pos, n_tok)

    hidden, hmax = _ffn1(comb, W_in, 256)
    out = _ffn2(hidden, hmax, x_sim, W_out, W_skip, ln2_g, ln2_b, 256)
    return out.reshape(B, T, D)

# --- scband reference (transcript-rebuilt; emitter-appended) ---
"""Pipeline reference for scband-progressive-l3-layer-23785528885991 (READ-ONLY COPY).

The authoritative reference and input builder live on the scoring server;
editing this copy changes nothing except your own understanding.
"""

import jax, jax.numpy as jnp
import numpy as np

D_MODEL = 768
D_FF = 3072
N_EMB = 16384
K = 64
VOCAB = 50257
B, T = 1, 2048


def quantize_w8(w):
    scale = 127.0 / jnp.clip(jnp.max(jnp.abs(w)), 1e-8, None)
    w_q = jnp.clip(jnp.round(w * scale), -128, 127) / scale
    return w + jax.lax.stop_gradient(w_q - w)


def quantize_w8_axis(w, axis):
    # faithful to the per-neuron loop: quantize_w8 applied independently per
    # column of W_in (axis=0 reduction) / per row of W_out (axis=1 reduction),
    # since all neuron_ages == 3 -> base quant fn for every neuron.
    scale = 127.0 / jnp.clip(jnp.max(jnp.abs(w), axis=axis, keepdims=True), 1e-8, None)
    w_q = jnp.clip(jnp.round(w * scale), -128, 127) / scale
    return w + jax.lax.stop_gradient(w_q - w)


def quantize_a16(x):
    scale = 32767.0 / jnp.clip(jnp.max(jnp.abs(x)), 1e-8, None)
    x_q = jnp.clip(jnp.round(x * scale), -32768, 32767) / scale
    return x + jax.lax.stop_gradient(x_q - x)


def layernorm(x, g, b, eps=1e-5):
    m = jnp.mean(x, axis=-1, keepdims=True)
    v = jnp.var(x, axis=-1, keepdims=True)
    return (x - m) / jnp.sqrt(v + eps) * g + b


def setup_inputs(seed: int = 0) -> dict:
    key = jax.random.key(seed)
    ks = jax.random.split(key, 8)
    x = jax.random.normal(ks[0], (B, T, D_MODEL), dtype=jnp.float32)
    input_ids = jax.random.randint(ks[1], (B, T), 0, VOCAB)
    W_K = jax.random.normal(ks[2], (D_MODEL, N_EMB), dtype=jnp.float32) / np.sqrt(D_MODEL)
    W_V = jax.random.normal(ks[3], (D_MODEL, N_EMB), dtype=jnp.float32) / np.sqrt(D_MODEL)
    W_in = jax.random.normal(ks[4], (D_MODEL, D_FF), dtype=jnp.float32) / np.sqrt(D_MODEL)
    W_out = jax.random.normal(ks[5], (D_FF, D_MODEL), dtype=jnp.float32) / np.sqrt(D_FF)
    W_skip = jax.random.normal(ks[6], (D_MODEL, D_MODEL), dtype=jnp.float32) / np.sqrt(D_MODEL)
    ln1_g = jnp.ones((D_MODEL,), dtype=jnp.float32)
    ln1_b = jnp.zeros((D_MODEL,), dtype=jnp.float32)
    ln2_g = jnp.ones((D_FF,), dtype=jnp.float32)
    ln2_b = jnp.zeros((D_FF,), dtype=jnp.float32)
    return {"x": x, "input_ids": input_ids, "W_K": W_K, "W_V": W_V,
            "W_in": W_in, "W_out": W_out, "W_skip": W_skip,
            "ln1_g": ln1_g, "ln1_b": ln1_b, "ln2_g": ln2_g, "ln2_b": ln2_b}


def reference(x, input_ids, W_K, W_V, W_in, W_out, W_skip, ln1_g, ln1_b, ln2_g, ln2_b):
    # base_quant='W8A16', is_ageing=False, all neuron_ages==3 -> q_fn everywhere
    W_in_sim = quantize_w8_axis(W_in, axis=0)   # per-column (per d_ff neuron)
    W_out_sim = quantize_w8_axis(W_out, axis=1)  # per-row (per d_ff neuron)
    W_K_sim = quantize_w8(W_K)
    W_V_sim = quantize_w8(W_V)
    W_skip_sim = quantize_w8(W_skip)
    x_sim = quantize_a16(x)
    A = layernorm(x_sim, ln1_g, ln1_b)
    # emb_alloc[v, j] = clamp((v*k + j) % n_emb, max=n_emb-1) == (v*k + j) % n_emb
    idx = (input_ids[..., None] * K + jnp.arange(K)) % N_EMB  # [B, T, K]
    local_K = jnp.take(W_K_sim.T, idx, axis=0)  # [B, T, K, D_MODEL]
    local_V = jnp.take(W_V_sim.T, idx, axis=0)  # [B, T, K, D_MODEL]
    score = jnp.einsum('btd,btsd->bts', A, local_K)
    probs = jax.nn.softmax(score, axis=-1)
    comb_embs = jnp.einsum('bts,btsd->btd', probs, local_V)
    hidden = comb_embs @ W_in_sim
    hidden_sim = quantize_a16(hidden)
    out = layernorm(hidden_sim, ln2_g, ln2_b) @ W_out_sim + x_sim @ W_skip_sim
    return out

if __name__ == "__main__":
    import jax
    _d = setup_inputs()
    print(jax.jit(kernel)(*tuple(_d.values())))

</pallas_src>

<mosaic_0001>
module attributes {stable_mosaic.version = 14 : i64} {
  func.func @_maxabs_kernel(%arg0: i32, %arg1: memref<256x768xf32, #tpu.memory_space<vmem>>, %arg2: memref<1x1xf32, #tpu.memory_space<vmem>>) attributes {dimension_semantics = [#tpu.dimension_semantics<arbitrary>], iteration_bounds = array<i64: 8>, scalar_prefetch = 0 : i64, scratch_operands = 0 : i64, tpu.core_type = #tpu.core_type<tc>, window_params = [{transform_indices = @transform_0, window_bounds = array<i64: 256, 768>}, {pipeline_mode = #tpu.pipeline_mode<synchronous>, transform_indices = @transform_1, window_bounds = array<i64: 1, 1>}]} {
    %eq3A = arith.constant 0 : i32
    %eq3A_0 = arith.cmpi eq, %arg0, %eq3A : i32
    %convert_element_type3A = arith.extui %eq3A_0 : i1 to i32
    %cond3A = arith.constant 0 : i32
    %cond3A_1 = arith.cmpi ne, %convert_element_type3A, %cond3A : i32
    scf.if %cond3A_1 {
      %broadcast_in_dim3A = arith.constant 0.000000e+00 : f32
      %broadcast_in_dim3A_13 = vector.broadcast %broadcast_in_dim3A : f32 to vector<1x1xf32>
      %swap3A_14 = arith.constant 0 : index
      %swap3A_15 = arith.constant 0 : index
      %swap3A_16 = vector.load %arg2[%swap3A_14, %swap3A_15] : memref<1x1xf32, #tpu.memory_space<vmem>>, vector<1x1xf32>
      tpu.vector_store %arg2[%swap3A_14, %swap3A_15], %broadcast_in_dim3A_13 {strides = array<i32>} : memref<1x1xf32, #tpu.memory_space<vmem>>, vector<1x1xf32>,
    } else {
    }
    %get3A = arith.constant 0 : index
    %get3A_2 = arith.constant 0 : index
    %get3A_3 = vector.load %arg2[%get3A, %get3A_2] : memref<1x1xf32, #tpu.memory_space<vmem>>, vector<1x1xf32>
    %get3A_4 = arith.constant 0 : index
    %get3A_5 = arith.constant 0 : index
    %get3A_6 = vector.load %arg1[%get3A_4, %get3A_5] : memref<256x768xf32, #tpu.memory_space<vmem>>, vector<256x768xf32>
    %abs3A = math.absf %get3A_6 : vector<256x768xf32>
    %reduce_max3A = vector.shape_cast %abs3A : vector<256x768xf32> to vector<1x256x768xf32>
    %reduce_max3A_7 = arith.constant dense<0xFF800000> : vector<1xf32>
    %reduce_max3A_8 = vector.multi_reduction <maximumf>, %reduce_max3A, %reduce_max3A_7 [1, 2] : vector<1x256x768xf32> to vector<1xf32>
    %reduce_max3A_9 = vector.shape_cast %reduce_max3A_8 : vector<1xf32> to vector<1x1x1xf32>
    %reduce_max3A_10 = vector.extract %reduce_max3A_9[0, 0, 0] : f32 from vector<1x1x1xf32>
    %reshape3A = vector.broadcast %reduce_max3A_10 : f32 to vector<1x1xf32>
    %max3A = arith.maximumf %get3A_3, %reshape3A : vector<1x1xf32>
    %swap3A = arith.constant 0 : index
    %swap3A_11 = arith.constant 0 : index
    %swap3A_12 = vector.load %arg2[%swap3A, %swap3A_11] : memref<1x1xf32, #tpu.memory_space<vmem>>, vector<1x1xf32>
    tpu.vector_store %arg2[%swap3A, %swap3A_11], %max3A {strides = array<i32>} : memref<1x1xf32, #tpu.memory_space<vmem>>, vector<1x1xf32>,
    return
  }
  func.func @transform_0(%arg0: i32) -> (i32, i32) {
    %c0_i32 = arith.constant 0 : i32
    %c0_i32_0 = arith.constant 0 : i32
    return %arg0, %c0_i32 : i32, i32
  }
  func.func @transform_1(%arg0: i32) -> (i32, i32) {
    %c0_i32 = arith.constant 0 : i32
    %c0_i32_0 = arith.constant 0 : i32
    %c0_i32_1 = arith.constant 0 : i32
    return %c0_i32, %c0_i32_0 : i32, i32
  }
}

module attributes {stable_mosaic.version = 14 : i64} {
  func.func @_maxabs2_kernel(%arg0: i32, %arg1: memref<768x2048xf32, #tpu.memory_space<vmem>>, %arg2: memref<768x2048xf32, #tpu.memory_space<vmem>>, %arg3: memref<1x1xf32, #tpu.memory_space<vmem>>, %arg4: memref<1x1xf32, #tpu.memory_space<vmem>>) attributes {dimension_semantics = [#tpu.dimension_semantics<arbitrary>], iteration_bounds = array<i64: 8>, scalar_prefetch = 0 : i64, scratch_operands = 0 : i64, tpu.core_type = #tpu.core_type<tc>, window_params = [{transform_indices = @transform_0, window_bounds = array<i64: 768, 2048>}, {transform_indices = @transform_1, window_bounds = array<i64: 768, 2048>}, {pipeline_mode = #tpu.pipeline_mode<synchronous>, transform_indices = @transform_2, window_bounds = array<i64: 1, 1>}, {pipeline_mode = #tpu.pipeline_mode<synchronous>, transform_indices = @transform_3, window_bounds = array<i64: 1, 1>}]} {
    %eq3A = arith.constant 0 : i32
    %eq3A_0 = arith.cmpi eq, %arg0, %eq3A : i32
    %convert_element_type3A = arith.extui %eq3A_0 : i1 to i32
    %cond3A = arith.constant 0 : i32
    %cond3A_1 = arith.cmpi ne, %convert_element_type3A, %cond3A : i32
    scf.if %cond3A_1 {
      %broadcast_in_dim3A = arith.constant 0.000000e+00 : f32
      %broadcast_in_dim3A_30 = vector.broadcast %broadcast_in_dim3A : f32 to vector<1x1xf32>
      %swap3A_31 = arith.constant 0 : index
      %swap3A_32 = arith.constant 0 : index
      %swap3A_33 = vector.load %arg3[%swap3A_31, %swap3A_32] : memref<1x1xf32, #tpu.memory_space<vmem>>, vector<1x1xf32>
      tpu.vector_store %arg3[%swap3A_31, %swap3A_32], %broadcast_in_dim3A_30 {strides = array<i32>} : memref<1x1xf32, #tpu.memory_space<vmem>>, vector<1x1xf32>,
      %broadcast_in_dim3A_34 = arith.constant 0.000000e+00 : f32
      %broadcast_in_dim3A_35 = vector.broadcast %broadcast_in_dim3A_34 : f32 to vector<1x1xf32>
      %swap3A_36 = arith.constant 0 : index
      %swap3A_37 = arith.constant 0 : index
      %swap3A_38 = vector.load %arg4[%swap3A_36, %swap3A_37] : memref<1x1xf32, #tpu.memory_space<vmem>>, vector<1x1xf32>
      tpu.vector_store %arg4[%swap3A_36, %swap3A_37], %broadcast_in_dim3A_35 {strides = array<i32>} : memref<1x1xf32, #tpu.memory_space<vmem>>, vector<1x1xf32>,
    } else {
    }
    %get3A = arith.constant 0 : index
    %get3A_2 = arith.constant 0 : index
    %get3A_3 = vector.load %arg3[%get3A, %get3A_2] : memref<1x1xf32, #tpu.memory_space<vmem>>, vector<1x1xf32>
    %get3A_4 = arith.constant 0 : index
    %get3A_5 = arith.constant 0 : index
    %get3A_6 = vector.load %arg1[%get3A_4, %get3A_5] : memref<768x2048xf32, #tpu.memory_space<vmem>>, vector<768x2048xf32>
    %abs3A = math.absf %get3A_6 : vector<768x2048xf32>
    %reduce_max3A = vector.shape_cast %abs3A : vector<768x2048xf32> to vector<1x768x2048xf32>
    %reduce_max3A_7 = arith.constant dense<0xFF800000> : vector<1xf32>
    %reduce_max3A_8 = vector.multi_reduction <maximumf>, %reduce_max3A, %reduce_max3A_7 [1, 2] : vector<1x768x2048xf32> to vector<1xf32>
    %reduce_max3A_9 = vector.shape_cast %reduce_max3A_8 : vector<1xf32> to vector<1x1x1xf32>
    %reduce_max3A_10 = vector.extract %reduce_max3A_9[0, 0, 0] : f32 from vector<1x1x1xf32>
    %reshape3A = vector.broadcast %reduce_max3A_10 : f32 to vector<1x1xf32>
    %max3A = arith.maximumf %get3A_3, %reshape3A : vector<1x1xf32>
    %swap3A = arith.constant 0 : index
    %swap3A_11 = arith.constant 0 : index
    %swap3A_12 = vector.load %arg3[%swap3A, %swap3A_11] : memref<1x1xf32, #tpu.memory_space<vmem>>, vector<1x1xf32>
    tpu.vector_store %arg3[%swap3A, %swap3A_11], %max3A {strides = array<i32>} : memref<1x1xf32, #tpu.memory_space<vmem>>, vector<1x1xf32>,
    %get3A_13 = arith.constant 0 : index
    %get3A_14 = arith.constant 0 : index
    %get3A_15 = vector.load %arg4[%get3A_13, %get3A_14] : memref<1x1xf32, #tpu.memory_space<vmem>>, vector<1x1xf32>
    %get3A_16 = arith.constant 0 : index
    %get3A_17 = arith.constant 0 : index
    %get3A_18 = vector.load %arg2[%get3A_16, %get3A_17] : memref<768x2048xf32, #tpu.memory_space<vmem>>, vector<768x2048xf32>
    %abs3A_19 = math.absf %get3A_18 : vector<768x2048xf32>
    %reduce_max3A_20 = vector.shape_cast %abs3A_19 : vector<768x2048xf32> to vector<1x768x2048xf32>
    %reduce_max3A_21 = arith.constant dense<0xFF800000> : vector<1xf32>
    %reduce_max3A_22 = vector.multi_reduction <maximumf>, %reduce_max3A_20, %reduce_max3A_21 [1, 2] : vector<1x768x2048xf32> to vector<1xf32>
    %reduce_max3A_23 = vector.shape_cast %reduce_max3A_22 : vector<1xf32> to vector<1x1x1xf32>
    %reduce_max3A_24 = vector.extract %reduce_max3A_23[0, 0, 0] : f32 from vector<1x1x1xf32>
    %reshape3A_25 = vector.broadcast %reduce_max3A_24 : f32 to vector<1x1xf32>
    %max3A_26 = arith.maximumf %get3A_15, %reshape3A_25 : vector<1x1xf32>
    %swap3A_27 = arith.constant 0 : index
    %swap3A_28 = arith.constant 0 : index
    %swap3A_29 = vector.load %arg4[%swap3A_27, %swap3A_28] : memref<1x1xf32, #tpu.memory_space<vmem>>, vector<1x1xf32>
    tpu.vector_store %arg4[%swap3A_27, %swap3A_28], %max3A_26 {strides = array<i32>} : memref<1x1xf32, #tpu.memory_space<vmem>>, vector<1x1xf32>,
    return
  }
  func.func @transform_0(%arg0: i32) -> (i32, i32) {
    %c0_i32 = arith.constant 0 : i32
    %c0_i32_0 = arith.constant 0 : i32
    return %c0_i32, %arg0 : i32, i32
  }
  func.func @transform_1(%arg0: i32) -> (i32, i32) {
    %c0_i32 = arith.constant 0 : i32
    %c0_i32_0 = arith.constant 0 : i32
    return %c0_i32, %arg0 : i32, i32
  }
  func.func @transform_2(%arg0: i32) -> (i32, i32) {
    %c0_i32 = arith.constant 0 : i32
    %c0_i32_0 = arith.constant 0 : i32
    %c0_i32_1 = arith.constant 0 : i32
    return %c0_i32, %c0_i32_0 : i32, i32
  }
  func.func @transform_3(%arg0: i32) -> (i32, i32) {
    %c0_i32 = arith.constant 0 : i32
    %c0_i32_0 = arith.constant 0 : i32
    %c0_i32_1 = arith.constant 0 : i32
    return %c0_i32, %c0_i32_0 : i32, i32
  }
}

module attributes {stable_mosaic.version = 14 : i64} {
  func.func @_xsim_ln_kernel(%arg0: i32, %arg1: memref<256x768xf32, #tpu.memory_space<vmem>>, %arg2: memref<1x1xf32, #tpu.memory_space<vmem>>, %arg3: memref<1x768xf32, #tpu.memory_space<vmem>>, %arg4: memref<1x768xf32, #tpu.memory_space<vmem>>, %arg5: memref<256x768xf32, #tpu.memory_space<vmem>>, %arg6: memref<256x768xf32, #tpu.memory_space<vmem>>) attributes {dimension_semantics = [#tpu.dimension_semantics<arbitrary>], iteration_bounds = array<i64: 8>, scalar_prefetch = 0 : i64, scratch_operands = 0 : i64, tpu.core_type = #tpu.core_type<tc>, window_params = [{transform_indices = @transform_0, window_bounds = array<i64: 256, 768>}, {pipeline_mode = #tpu.pipeline_mode<synchronous>, transform_indices = @transform_1, window_bounds = array<i64: 1, 1>}, {pipeline_mode = #tpu.pipeline_mode<synchronous>, transform_indices = @transform_2, window_bounds = array<i64: 1, 768>}, {pipeline_mode = #tpu.pipeline_mode<synchronous>, transform_indices = @transform_3, window_bounds = array<i64: 1, 768>}, {transform_indices = @transform_4, window_bounds = array<i64: 256, 768>}, {transform_indices = @transform_5, window_bounds = array<i64: 256, 768>}]} {
    %get3A = arith.constant 0 : index
    %get3A_0 = arith.constant 0 : index
    %get3A_1 = vector.load %arg2[%get3A, %get3A_0] : memref<1x1xf32, #tpu.memory_space<vmem>>, vector<1x1xf32>
    %max3A = arith.constant 9.99999993E-9 : f32
    %max3A_2 = vector.broadcast %max3A : f32 to vector<1x1xf32>
    %max3A_3 = arith.maximumf %get3A_1, %max3A_2 : vector<1x1xf32>
    %div3A = arith.constant 3.276700e+04 : f32
    %div3A_4 = vector.broadcast %div3A : f32 to vector<1x1xf32>
    %div3A_5 = arith.divf %div3A_4, %max3A_3 : vector<1x1xf32>
    %get3A_6 = arith.constant 0 : index
    %get3A_7 = arith.constant 0 : index
    %get3A_8 = vector.load %arg1[%get3A_6, %get3A_7] : memref<256x768xf32, #tpu.memory_space<vmem>>, vector<256x768xf32>
    %mul3A = vector.broadcast %div3A_5 : vector<1x1xf32> to vector<256x768xf32>
    %mul3A_9 = arith.mulf %get3A_8, %mul3A : vector<256x768xf32>
    %round3A = math.roundeven %mul3A_9 : vector<256x768xf32>
    %div3A_10 = vector.broadcast %div3A_5 : vector<1x1xf32> to vector<256x768xf32>
    %div3A_11 = arith.divf %round3A, %div3A_10 : vector<256x768xf32>
    %swap3A = arith.constant 0 : index
    %swap3A_12 = arith.constant 0 : index
    %swap3A_13 = vector.load %arg5[%swap3A, %swap3A_12] : memref<256x768xf32, #tpu.memory_space<vmem>>, vector<256x768xf32>
    tpu.vector_store %arg5[%swap3A, %swap3A_12], %div3A_11 {strides = array<i32>} : memref<256x768xf32, #tpu.memory_space<vmem>>, vector<256x768xf32>,
    %reduce_sum3A = arith.constant dense<0.000000e+00> : vector<256xf32>
    %reduce_sum3A_14 = vector.multi_reduction <add>, %div3A_11, %reduce_sum3A [1] : vector<256x768xf32> to vector<256xf32>
    %broadcast_in_dim3A = vector.shape_cast %reduce_sum3A_14 : vector<256xf32> to vector<256x1xf32>
    %div3A_15 = arith.constant 7.680000e+02 : f32
    %div3A_16 = vector.broadcast %div3A_15 : f32 to vector<256x1xf32>
    %div3A_17 = arith.divf %broadcast_in_dim3A, %div3A_16 : vector<256x1xf32>
    %sub3A = vector.broadcast %div3A_17 : vector<256x1xf32> to vector<256x768xf32>
    %sub3A_18 = arith.subf %div3A_11, %sub3A : vector<256x768xf32>
    %integer_pow3A = arith.mulf %sub3A_18, %sub3A_18 : vector<256x768xf32>
    %reduce_sum3A_19 = arith.constant dense<0.000000e+00> : vector<256xf32>
    %reduce_sum3A_20 = vector.multi_reduction <add>, %integer_pow3A, %reduce_sum3A_19 [1] : vector<256x768xf32> to vector<256xf32>
    %broadcast_in_dim3A_21 = vector.shape_cast %reduce_sum3A_20 : vector<256xf32> to vector<256x1xf32>
    %div3A_22 = arith.constant 7.680000e+02 : f32
    %div3A_23 = vector.broadcast %div3A_22 : f32 to vector<256x1xf32>
    %div3A_24 = arith.divf %broadcast_in_dim3A_21, %div3A_23 : vector<256x1xf32>
    %sub3A_25 = vector.broadcast %div3A_17 : vector<256x1xf32> to vector<256x768xf32>
    %sub3A_26 = arith.subf %div3A_11, %sub3A_25 : vector<256x768xf32>
    %add3A = arith.constant 9.99999974E-6 : f32
    %add3A_27 = vector.broadcast %add3A : f32 to vector<256x1xf32>
    %add3A_28 = arith.addf %div3A_24, %add3A_27 : vector<256x1xf32>
    %rsqrt3A = math.rsqrt %add3A_28 : vector<256x1xf32>
    %mul3A_29 = vector.broadcast %rsqrt3A : vector<256x1xf32> to vector<256x768xf32>
    %mul3A_30 = arith.mulf %sub3A_26, %mul3A_29 : vector<256x768xf32>
    %get3A_31 = arith.constant 0 : index
    %get3A_32 = arith.constant 0 : index
    %get3A_33 = vector.load %arg3[%get3A_31, %get3A_32] : memref<1x768xf32, #tpu.memory_space<vmem>>, vector<1x768xf32>
    %mul3A_34 = vector.broadcast %get3A_33 : vector<1x768xf32> to vector<256x768xf32>
    %mul3A_35 = arith.mulf %mul3A_30, %mul3A_34 : vector<256x768xf32>
    %get3A_36 = arith.constant 0 : index
    %get3A_37 = arith.constant 0 : index
    %get3A_38 = vector.load %arg4[%get3A_36, %get3A_37] : memref<1x768xf32, #tpu.memory_space<vmem>>, vector<1x768xf32>
    %add3A_39 = vector.broadcast %get3A_38 : vector<1x768xf32> to vector<256x768xf32>
    %add3A_40 = arith.addf %mul3A_35, %add3A_39 : vector<256x768xf32>
    %swap3A_41 = arith.constant 0 : index
    %swap3A_42 = arith.constant 0 : index
    %swap3A_43 = vector.load %arg6[%swap3A_41, %swap3A_42] : memref<256x768xf32, #tpu.memory_space<vmem>>, vector<256x768xf32>
    tpu.vector_store %arg6[%swap3A_41, %swap3A_42], %add3A_40 {strides = array<i32>} : memref<256x768xf32, #tpu.memory_space<vmem>>, vector<256x768xf32>,
    return
  }
  func.func @transform_0(%arg0: i32) -> (i32, i32) {
    %c0_i32 = arith.constant 0 : i32
    %c0_i32_0 = arith.constant 0 : i32
    return %arg0, %c0_i32 : i32, i32
  }
  func.func @transform_1(%arg0: i32) -> (i32, i32) {
    %c0_i32 = arith.constant 0 : i32
    %c0_i32_0 = arith.constant 0 : i32
    %c0_i32_1 = arith.constant 0 : i32
    return %c0_i32, %c0_i32_0 : i32, i32
  }
  func.func @transform_2(%arg0: i32) -> (i32, i32) {
    %c0_i32 = arith.constant 0 : i32
    %c0_i32_0 = arith.constant 0 : i32
    %c0_i32_1 = arith.constant 0 : i32
    return %c0_i32, %c0_i32_0 : i32, i32
  }
  func.func @transform_3(%arg0: i32) -> (i32, i32) {
    %c0_i32 = arith.constant 0 : i32
    %c0_i32_0 = arith.constant 0 : i32
    %c0_i32_1 = arith.constant 0 : i32
    return %c0_i32, %c0_i32_0 : i32, i32
  }
  func.func @transform_4(%arg0: i32) -> (i32, i32) {
    %c0_i32 = arith.constant 0 : i32
    %c0_i32_0 = arith.constant 0 : i32
    return %arg0, %c0_i32 : i32, i32
  }
  func.func @transform_5(%arg0: i32) -> (i32, i32) {
    %c0_i32 = arith.constant 0 : i32
    %c0_i32_0 = arith.constant 0 : i32
    return %arg0, %c0_i32 : i32, i32
  }
}

module attributes {stable_mosaic.version = 14 : i64} {
  func.func @_tc_gather_kernel(%arg0: i32, %arg1: memref<4096xi32, #tpu.memory_space<smem>>, %arg2: memref<2048x768xf32, #tpu.memory_space<vmem>>, %arg3: memref<128x768xf32, #tpu.memory_space<vmem>>) attributes {dimension_semantics = [#tpu.dimension_semantics<arbitrary>], iteration_bounds = array<i64: 32>, scalar_prefetch = 1 : i64, scratch_operands = 0 : i64, tpu.core_type = #tpu.core_type<tc>, window_params = [{pipeline_mode = #tpu.pipeline_mode<synchronous>, transform_indices = @transform_0, window_bounds = array<i64: 2048, 768>}, {transform_indices = @transform_1, window_bounds = array<i64: 128, 768>}]} {
    %mul3A = arith.constant 128 : i32
    %mul3A_0 = arith.muli %arg0, %mul3A : i32
    %add3A = arith.constant 0 : i32
    %add3A_1 = arith.addi %mul3A_0, %add3A : i32
    %get3A = arith.index_cast %add3A_1 : i32 to index
    %get3A_2 = memref.load %arg1[%get3A] : memref<4096xi32, #tpu.memory_space<smem>>
    %get3A_3 = arith.index_cast %get3A_2 : i32 to index
    %get3A_4 = arith.constant 0 : index
    %get3A_5 = vector.load %arg2[%get3A_3, %get3A_4] : memref<2048x768xf32, #tpu.memory_space<vmem>>, vector<1x768xf32>
    %get3A_6 = vector.shape_cast %get3A_5 : vector<1x768xf32> to vector<768xf32>
    %swap3A = arith.constant 0 : index
    %swap3A_7 = arith.constant 0 : index
    %swap3A_8 = vector.load %arg3[%swap3A, %swap3A_7] : memref<128x768xf32, #tpu.memory_space<vmem>>, vector<1x768xf32>
    %swap3A_9 = vector.shape_cast %swap3A_8 : vector<1x768xf32> to vector<768xf32>
    %swap3A_10 = vector.shape_cast %get3A_6 : vector<768xf32> to vector<1x768xf32>
    tpu.vector_store %arg3[%swap3A, %swap3A_7], %swap3A_10 {strides = array<i32>} : memref<128x768xf32, #tpu.memory_space<vmem>>, vector<1x768xf32>,
    %mul3A_11 = arith.constant 128 : i32
    %mul3A_12 = arith.muli %arg0, %mul3A_11 : i32
    %add3A_13 = arith.constant 1 : i32
    %add3A_14 = arith.addi %mul3A_12, %add3A_13 : i32
    %get3A_15 = arith.index_cast %add3A_14 : i32 to index
    %get3A_16 = memref.load %arg1[%get3A_15] : memref<4096xi32, #tpu.memory_space<smem>>
    %get3A_17 = arith.index_cast %get3A_16 : i32 to index
    %get3A_18 = arith.constant 0 : index
    %get3A_19 = vector.load %arg2[%get3A_17, %get3A_18] : memref<2048x768xf32, #tpu.memory_space<vmem>>, vector<1x768xf32>
    %get3A_20 = vector.shape_cast %get3A_19 : vector<1x768xf32> to vector<768xf32>
    %swap3A_21 = arith.constant 1 : index
    %swap3A_22 = arith.constant 0 : index
    %swap3A_23 = vector.load %arg3[%swap3A_21, %swap3A_22] : memref<128x768xf32, #tpu.memory_space<vmem>>, vector<1x768xf32>
    %swap3A_24 = vector.shape_cast %swap3A_23 : vector<1x768xf32> to vector<768xf32>
    %swap3A_25 = vector.shape_cast %get3A_20 : vector<768xf32> to vector<1x768xf32>
    tpu.vector_store %arg3[%swap3A_21, %swap3A_22], %swap3A_25 {strides = array<i32>} : memref<128x768xf32, #tpu.memory_space<vmem>>, vector<1x768xf32>,
    %mul3A_26 = arith.constant 128 : i32
    %mul3A_27 = arith.muli %arg0, %mul3A_26 : i32
    %add3A_28 = arith.constant 2 : i32
    %add3A_29 = arith.addi %mul3A_27, %add3A_28 : i32
    %get3A_30 = arith.index_cast %add3A_29 : i32 to index
    %get3A_31 = memref.load %arg1[%get3A_30] : memref<4096xi32, #tpu.memory_space<smem>>
    %get3A_32 = arith.index_cast %get3A_31 : i32 to index
    %get3A_33 = arith.constant 0 : index
    %get3A_34 = vector.load %arg2[%get3A_32, %get3A_33] : memref<2048x768xf32, #tpu.memory_space<vmem>>, vector<1x768xf32>
    %get3A_35 = vector.shape_cast %get3A_34 : vector<1x768xf32> to vector<768xf32>
    %swap3A_36 = arith.constant 2 : index
    %swap3A_37 = arith.constant 0 : index
    %swap3A_38 = vector.load %arg3[%swap3A_36, %swap3A_37] : memref<128x768xf32, #tpu.memory_space<vmem>>, vector<1x768xf32>
    %swap3A_39 = vector.shape_cast %swap3A_38 : vector<1x768xf32> to vector<768xf32>
    %swap3A_40 = vector.shape_cast %get3A_35 : vector<768xf32> to vector<1x768xf32>
    tpu.vector_store %arg3[%swap3A_36, %swap3A_37], %swap3A_40 {strides = array<i32>} : memref<128x768xf32, #tpu.memory_space<vmem>>, vector<1x768xf32>,
    %mul3A_41 = arith.constant 128 : i32
    %mul3A_42 = arith.muli %arg0, %mul3A_41 : i32
    %add3A_43 = arith.constant 3 : i32
    %add3A_44 = arith.addi %mul3A_42, %add3A_43 : i32
    %get3A_45 = arith.index_cast %add3A_44 : i32 to index
    %get3A_46 = memref.load %arg1[%get3A_45] : memref<4096xi32, #tpu.memory_space<smem>>
    %get3A_47 = arith.index_cast %get3A_46 : i32 to index
    %get3A_48 = arith.constant 0 : index
    %get3A_49 = vector.load %arg2[%get3A_47, %get3A_48] : memref<2048x768xf32, #tpu.memory_space<vmem>>, vector<1x768xf32>
    %get3A_50 = vector.shape_cast %get3A_49 : vector<1x768xf32> to vector<768xf32>
    %swap3A_51 = arith.constant 3 : index
    %swap3A_52 = arith.constant 0 : index
    %swap3A_53 = vector.load %arg3[%swap3A_51, %swap3A_52] : memref<128x768xf32, #tpu.memory_space<vmem>>, vector<1x768xf32>
    %swap3A_54 = vector.shape_cast %swap3A_53 : vector<1x768xf32> to vector<768xf32>
    %swap3A_55 = vector.shape_cast %get3A_50 : vector<768xf32> to vector<1x768xf32>
    tpu.vector_store %arg3[%swap3A_51, %swap3A_52], %swap3A_55 {strides = array<i32>} : memref<128x768xf32, #tpu.memory_space<vmem>>, vector<1x768xf32>,
    %mul3A_56 = arith.constant 128 : i32
    %mul3A_57 = arith.muli %arg0, %mul3A_56 : i32
    %add3A_58 = arith.constant 4 : i32
    %add3A_59 = arith.addi %mul3A_57, %add3A_58 : i32
    %get3A_60 = arith.index_cast %add3A_59 : i32 to index
    %get3A_61 = memref.load %arg1[%get3A_60] : memref<4096xi32, #tpu.memory_space<smem>>
    %get3A_62 = arith.index_cast %get3A_61 : i32 to index
    %get3A_63 = arith.constant 0 : index
    %get3A_64 = vector.load %arg2[%get3A_62, %get3A_63] : memref<2048x768xf32, #tpu.memory_space<vmem>>, vector<1x768xf32>
    %get3A_65 = vector.shape_cast %get3A_64 : vector<1x768xf32> to vector<768xf32>
    %swap3A_66 = arith.constant 4 : index
    %swap3A_67 = arith.constant 0 : index
    %swap3A_68 = vector.load %arg3[%swap3A_66, %swap3A_67] : memref<128x768xf32, #tpu.memory_space<vmem>>, vector<1x768xf32>
    %swap3A_69 = vector.shape_cast %swap3A_68 : vector<1x768xf32> to vector<768xf32>
    %swap3A_70 = vector.shape_cast %get3A_65 : vector<768xf32> to vector<1x768xf32>
    tpu.vector_store %arg3[%swap3A_66, %swap3A_67], %swap3A_70 {strides = array<i32>} : memref<128x768xf32, #tpu.memory_space<vmem>>, vector<1x768xf32>,
    %mul3A_71 = arith.constant 128 : i32
    %mul3A_72 = arith.muli %arg0, %mul3A_71 : i32
    %add3A_73 = arith.constant 5 : i32
    %add3A_74 = arith.addi %mul3A_72, %add3A_73 : i32
    %get3A_75 = arith.index_cast %add3A_74 : i32 to index
    %get3A_76 = memref.load %arg1[%get3A_75] : memref<4096xi32, #tpu.memory_space<smem>>
    %get3A_77 = arith.index_cast %get3A_76 : i32 to index
    %get3A_78 = arith.constant 0 : index
    %get3A_79 = vector.load %arg2[%get3A_77, %get3A_78] : memref<2048x768xf32, #tpu.memory_space<vmem>>, vector<1x768xf32>
    %get3A_80 = vector.shape_cast %get3A_79 : vector<1x768xf32> to vector<768xf32>
    %swap3A_81 = arith.constant 5 : index
    %swap3A_82 = arith.constant 0 : index
    %swap3A_83 = vector.load %arg3[%swap3A_81, %swap3A_82] : memref<128x768xf32, #tpu.memory_space<vmem>>, vector<1x768xf32>
    %swap3A_84 = vector.shape_cast %swap3A_83 : vector<1x768xf32> to vector<768xf32>
    %swap3A_85 = vector.shape_cast %get3A_80 : vector<768xf32> to vector<1x768xf32>
    tpu.vector_store %arg3[%swap3A_81, %swap3A_82], %swap3A_85 {strides = array<i32>} : memref<128x768xf32, #tpu.memory_space<vmem>>, vector<1x768xf32>,
    %mul3A_86 = arith.constant 128 : i32
    %mul3A_87 = arith.muli %arg0, %mul3A_86 : i32
    %add3A_88 = arith.constant 6 : i32
    %add3A_89 = arith.addi %mul3A_87, %add3A_88 : i32
    %get3A_90 = arith.index_cast %add3A_89 : i32 to index
    %get3A_91 = memref.load %arg1[%get3A_90] : memref<4096xi32, #tpu.memory_space<smem>>
    %get3A_92 = arith.index_cast %get3A_91 : i32 to index
    %get3A_93 = arith.constant 0 : index
    %get3A_94 = vector.load %arg2[%get3A_92, %get3A_93] : memref<2048x768xf32, #tpu.memory_space<vmem>>, vector<1x768xf32>
    %get3A_95 = vector.shape_cast %get3A_94 : vector<1x768xf32> to vector<768xf32>
    %swap3A_96 = arith.constant 6 : index
    %swap3A_97 = arith.constant 0 : index
    %swap3A_98 = vector.load %arg3[%swap3A_96, %swap3A_97] : memref<128x768xf32, #tpu.memory_space<vmem>>, vector<1x768xf32>
    %swap3A_99 = vector.shape_cast %swap3A_98 : vector<1x768xf32> to vector<768xf32>
    %swap3A_100 = vector.shape_cast %get3A_95 : vector<768xf32> to vector<1x768xf32>
    tpu.vector_store %arg3[%swap3A_96, %swap3A_97], %swap3A_100 {strides = array<i32>} : memref<128x768xf32, #tpu.memory_space<vmem>>, vector<1x768xf32>,
    %mul3A_101 = arith.constant 128 : i32
    %mul3A_102 = arith.muli %arg0, %mul3A_101 : i32
    %add3A_103 = arith.constant 7 : i32
    %add3A_104 = arith.addi %mul3A_102, %add3A_103 : i32
    %get3A_105 = arith.index_cast %add3A_104 : i32 to index
    %get3A_106 = memref.load %arg1[%get3A_105] : memref<4096xi32, #tpu.memory_space<smem>>
    %get3A_107 = arith.index_cast %get3A_106 : i32 to index
    %get3A_108 = arith.constant 0 : index
    %get3A_109 = vector.load %arg2[%get3A_107, %get3A_108] : memref<2048x768xf32, #tpu.memory_space<vmem>>, vector<1x768xf32>
    %get3A_110 = vector.shape_cast %get3A_109 : vector<1x768xf32> to vector<768xf32>
    %swap3A_111 = arith.constant 7 : index
    %swap3A_112 = arith.constant 0 : index
    %swap3A_113 = vector.load %arg3[%swap3A_111, %swap3A_112] : memref<128x768xf32, #tpu.memory_space<vmem>>, vector<1x768xf32>
    %swap3A_114 = vector.shape_cast %swap3A_113 : vector<1x768xf32> to vector<768xf32>
    %swap3A_115 = vector.shape_cast %get3A_110 : vector<768xf32> to vector<1x768xf32>
    tpu.vector_store %arg3[%swap3A_111, %swap3A_112], %swap3A_115 {strides = array<i32>} : memref<128x768xf32, #tpu.memory_space<vmem>>, vector<1x768xf32>,
    %mul3A_116 = arith.constant 128 : i32
    %mul3A_117 = arith.muli %arg0, %mul3A_116 : i32
    %add3A_118 = arith.constant 8 : i32
    %add3A_119 = arith.addi %mul3A_117, %add3A_118 : i32
    %get3A_120 = arith.index_cast %add3A_119 : i32 to index
    %get3A_121 = memref.load %arg1[%get3A_120] : memref<4096xi32, #tpu.memory_space<smem>>
    %get3A_122 = arith.index_cast %get3A_121 : i32 to index
    %get3A_123 = arith.constant 0 : index
    %get3A_124 = vector.load %arg2[%get3A_122, %get3A_123] : memref<2048x768xf32, #tpu.memory_space<vmem>>, vector<1x768xf32>
    %get3A_125 = vector.shape_cast %get3A_124 : vector<1x768xf32> to vector<768xf32>
    %swap3A_126 = arith.constant 8 : index
    %swap3A_127 = arith.constant 0 : index
    %swap3A_128 = vector.load %arg3[%swap3A_126, %swap3A_127] : memref<128x768xf32, #tpu.memory_space<vmem>>, vector<1x768xf32>
    %swap3A_129 = vector.shape_cast %swap3A_128 : vector<1x768xf32> to vector<768xf32>
    %swap3A_130 = vector.shape_cast %get3A_125 : vector<768xf32> to vector<1x768xf32>
    tpu.vector_store %arg3[%swap3A_126, %swap3A_127], %swap3A_130 {strides = array<i32>} : memref<128x768xf32, #tpu.memory_space<vmem>>, vector<1x768xf32>,
    %mul3A_131 = arith.constant 128 : i32
    %mul3A_132 = arith.muli %arg0, %mul3A_131 : i32
    %add3A_133 = arith.constant 9 : i32
    %add3A_134 = arith.addi %mul3A_132, %add3A_133 : i32
    %get3A_135 = arith.index_cast %add3A_134 : i32 to index
    %get3A_136 = memref.load %arg1[%get3A_135] : memref<4096xi32, #tpu.memory_space<smem>>
    %get3A_137 = arith.index_cast %get3A_136 : i32 to index
    %get3A_138 = arith.constant 0 : index
    %get3A_139 = vector.load %arg2[%get3A_137, %get3A_138] : memref<2048x768xf32, #tpu.memory_space<vmem>>, vector<1x768xf32>
    %get3A_140 = vector.shape_cast %get3A_139 : vector<1x768xf32> to vector<768xf32>
    %swap3A_141 = arith.constant 9 : index
    %swap3A_142 = arith.constant 0 : index
    %swap3A_143 = vector.load %arg3[%swap3A_141, %swap3A_142] : memref<128x768xf32, #tpu.memory_space<vmem>>, vector<1x768xf32>
    %swap3A_144 = vector.shape_cast %swap3A_143 : vector<1x768xf32> to vector<768xf32>
    %swap3A_145 = vector.shape_cast %get3A_140 : vector<768xf32> to vector<1x768xf32>
    tpu.vector_store %arg3[%swap3A_141, %swap3A_142], %swap3A_145 {strides = array<i32>} : memref<128x768xf32, #tpu.memory_space<vmem>>, vector<1x768xf32>,
    %mul3A_146 = arith.constant 128 : i32
    %mul3A_147 = arith.muli %arg0, %mul3A_146 : i32
    %add3A_148 = arith.constant 10 : i32
    %add3A_149 = arith.addi %mul3A_147, %add3A_148 : i32
    %get3A_150 = arith.index_cast %add3A_149 : i32 to index
    %get3A_151 = memref.load %arg1[%get3A_150] : memref<4096xi32, #tpu.memory_space<smem>>
    %get3A_152 = arith.index_cast %get3A_151 : i32 to index
    %get3A_153 = arith.constant 0 : index
    %get3A_154 = vector.load %arg2[%get3A_152, %get3A_153] : memref<2048x768xf32, #tpu.memory_space<vmem>>, vector<1x768xf32>
    %get3A_155 = vector.shape_cast %get3A_154 : vector<1x768xf32> to vector<768xf32>
    %swap3A_156 = arith.constant 10 : index
    %swap3A_157 = arith.constant 0 : index
    %swap3A_158 = vector.load %arg3[%swap3A_156, %swap3A_157] : memref<128x768xf32, #tpu.memory_space<vmem>>, vector<1x768xf32>
    %swap3A_159 = vector.shape_cast %swap3A_158 : vector<1x768xf32> to vector<768xf32>
    %swap3A_160 = vector.shape_cast %get3A_155 : vector<768xf32> to vector<1x768xf32>
    tpu.vector_store %arg3[%swap3A_156, %swap3A_157], %swap3A_160 {strides = array<i32>} : memref<128x768xf32, #tpu.memory_space<vmem>>, vector<1x768xf32>,
    %mul3A_161 = arith.constant 128 : i32
    %mul3A_162 = arith.muli %arg0, %mul3A_161 : i32
    %add3A_163 = arith.constant 11 : i32
    %add3A_164 = arith.addi %mul3A_162, %add3A_163 : i32
    %get3A_165 = arith.index_cast %add3A_164 : i32 to index
    %get3A_166 = memref.load %arg1[%get3A_165] : memref<4096xi32, #tpu.memory_space<smem>>
    %get3A_167 = arith.index_cast %get3A_166 : i32 to index
    %get3A_168 = arith.constant 0 : index
    %get3A_169 = vector.load %arg2[%get3A_167, %get3A_168] : memref<2048x768xf32, #tpu.memory_space<vmem>>, vector<1x768xf32>
    %get3A_170 = vector.shape_cast %get3A_169 : vector<1x768xf32> to vector<768xf32>
    %swap3A_171 = arith.constant 11 : index
    %swap3A_172 = arith.constant 0 : index
    %swap3A_173 = vector.load %arg3[%swap3A_171, %swap3A_172] : memref<128x768xf32, #tpu.memory_space<vmem>>, vector<1x768xf32>
    %swap3A_174 = vector.shape_cast %swap3A_173 : vector<1x768xf32> to vector<768xf32>
    %swap3A_175 = vector.shape_cast %get3A_170 : vector<768xf32> to vector<1x768xf32>
    tpu.vector_store %arg3[%swap3A_171, %swap3A_172], %swap3A_175 {strides = array<i32>} : memref<128x768xf32, #tpu.memory_space<vmem>>, vector<1x768xf32>,
    %mul3A_176 = arith.constant 128 : i32
    %mul3A_177 = arith.muli %arg0, %mul3A_176 : i32
    %add3A_178 = arith.constant 12 : i32
    %add3A_179 = arith.addi %mul3A_177, %add3A_178 : i32
    %get3A_180 = arith.index_cast %add3A_179 : i32 to index
    %get3A_181 = memref.load %arg1[%get3A_180] : memref<4096xi32, #tpu.memory_space<smem>>
    %get3A_182 = arith.index_cast %get3A_181 : i32 to index
    %get3A_183 = arith.constant 0 : index
    %get3A_184 = vector.load %arg2[%get3A_182, %get3A_183] : memref<2048x768xf32, #tpu.memory_space<vmem>>, vector<1x768xf32>
    %get3A_185 = vector.shape_cast %get3A_184 : vector<1x768xf32> to vector<768xf32>
    %swap3A_186 = arith.constant 12 : index
    %swap3A_187 = arith.constant 0 : index
    %swap3A_188 = vector.load %arg3[%swap3A_186, %swap3A_187] : memref<128x768xf32, #tpu.memory_space<vmem>>, vector<1x768xf32>
    %swap3A_189 = vector.shape_cast %swap3A_188 : vector<1x768xf32> to vector<768xf32>
    %swap3A_190 = vector.shape_cast %get3A_185 : vector<768xf32> to vector<1x768xf32>
    tpu.vector_store %arg3[%swap3A_186, %swap3A_187], %swap3A_190 {strides = array<i32>} : memref<128x768xf32, #tpu.memory_space<vmem>>, vector<1x768xf32>,
    %mul3A_191 = arith.constant 128 : i32
    %mul3A_192 = arith.muli %arg0, %mul3A_191 : i32
    %add3A_193 = arith.constant 13 : i32
    %add3A_194 = arith.addi %mul3A_192, %add3A_193 : i32
    %get3A_195 = arith.index_cast %add3A_194 : i32 to index
    %get3A_196 = memref.load %arg1[%get3A_195] : memref<4096xi32, #tpu.memory_space<smem>>
    %get3A_197 = arith.index_cast %get3A_196 : i32 to index
    %get3A_198 = arith.constant 0 : index
    %get3A_199 = vector.load %arg2[%get3A_197, %get3A_198] : memref<2048x768xf32, #tpu.memory_space<vmem>>, vector<1x768xf32>
    %get3A_200 = vector.shape_cast %get3A_199 : vector<1x768xf32> to vector<768xf32>
    %swap3A_201 = arith.constant 13 : index
    %swap3A_202 = arith.constant 0 : index
    %swap3A_203 = vector.load %arg3[%swap3A_201, %swap3A_202] : memref<128x768xf32, #tpu.memory_space<vmem>>, vector<1x768xf32>
    %swap3A_204 = vector.shape_cast %swap3A_203 : vector<1x768xf32> to vector<768xf32>
    %swap3A_205 = vector.shape_cast %get3A_200 : vector<768xf32> to vector<1x768xf32>
    tpu.vector_store %arg3[%swap3A_201, %swap3A_202], %swap3A_205 {strides = array<i32>} : memref<128x768xf32, #tpu.memory_space<vmem>>, vector<1x768xf32>,
    %mul3A_206 = arith.constant 128 : i32
    %mul3A_207 = arith.muli %arg0, %mul3A_206 : i32
    %add3A_208 = arith.constant 14 : i32
    %add3A_209 = arith.addi %mul3A_207, %add3A_208 : i32
    %get3A_210 = arith.index_cast %add3A_209 : i32 to index
    %get3A_211 = memref.load %arg1[%get3A_210] : memref<4096xi32, #tpu.memory_space<smem>>
    %get3A_212 = arith.index_cast %get3A_211 : i32 to index
    %get3A_213 = arith.constant 0 : index
    %get3A_214 = vector.load %arg2[%get3A_212, %get3A_213] : memref<2048x768xf32, #tpu.memory_space<vmem>>, vector<1x768xf32>
    %get3A_215 = vector.shape_cast %get3A_214 : vector<1x768xf32> to vector<768xf32>
    %swap3A_216 = arith.constant 14 : index
    %swap3A_217 = arith.constant 0 : index
    %swap3A_218 = vector.load %arg3[%swap3A_216, %swap3A_217] : memref<128x768xf32, #tpu.memory_space<vmem>>, vector<1x768xf32>
    %swap3A_219 = vector.shape_cast %swap3A_218 : vector<1x768xf32> to vector<768xf32>
    %swap3A_220 = vector.shape_cast %get3A_215 : vector<768xf32> to vector<1x768xf32>
    tpu.vector_store %arg3[%swap3A_216, %swap3A_217], %swap3A_220 {strides = array<i32>} : memref<128x768xf32, #tpu.memory_space<vmem>>, vector<1x768xf32>,
    %mul3A_221 = arith.constant 128 : i32
    %mul3A_222 = arith.muli %arg0, %mul3A_221 : i32
    %add3A_223 = arith.constant 15 : i32
    %add3A_224 = arith.addi %mul3A_222, %add3A_223 : i32
    %get3A_225 = arith.index_cast %add3A_224 : i32 to index
    %get3A_226 = memref.load %arg1[%get3A_225] : memref<4096xi32, #tpu.memory_space<smem>>
    %get3A_227 = arith.index_cast %get3A_226 : i32 to index
    %get3A_228 = arith.constant 0 : index
    %get3A_229 = vector.load %arg2[%get3A_227, %get3A_228] : memref<2048x768xf32, #tpu.memory_space<vmem>>, vector<1x768xf32>
    %get3A_230 = vector.shape_cast %get3A_229 : vector<1x768xf32> to vector<768xf32>
    %swap3A_231 = arith.constant 15 : index
    %swap3A_232 = arith.constant 0 : index
    %swap3A_233 = vector.load %arg3[%swap3A_231, %swap3A_232] : memref<128x768xf32, #tpu.memory_space<vmem>>, vector<1x768xf32>
    %swap3A_234 = vector.shape_cast %swap3A_233 : vector<1x768xf32> to vector<768xf32>
    %swap3A_235 = vector.shape_cast %get3A_230 : vector<768xf32> to vector<1x768xf32>
    tpu.vector_store %arg3[%swap3A_231, %swap3A_232], %swap3A_235 {strides = array<i32>} : memref<128x768xf32, #tpu.memory_space<vmem>>, vector<1x768xf32>,
    %mul3A_236 = arith.constant 128 : i32
    %mul3A_237 = arith.muli %arg0, %mul3A_236 : i32
    %add3A_238 = arith.constant 16 : i32
    %add3A_239 = arith.addi %mul3A_237, %add3A_238 : i32
    %get3A_240 = arith.index_cast %add3A_239 : i32 to index
    %get3A_241 = memref.load %arg1[%get3A_240] : memref<4096xi32, #tpu.memory_space<smem>>
    %get3A_242 = arith.index_cast %get3A_241 : i32 to index
    %get3A_243 = arith.constant 0 : index
    %get3A_244 = vector.load %arg2[%get3A_242, %get3A_243] : memref<2048x768xf32, #tpu.memory_space<vmem>>, vector<1x768xf32>
    %get3A_245 = vector.shape_cast %get3A_244 : vector<1x768xf32> to vector<768xf32>
    %swap3A_246 = arith.constant 16 : index
    %swap3A_247 = arith.constant 0 : index
    %swap3A_248 = vector.load %arg3[%swap3A_246, %swap3A_247] : memref<128x768xf32, #tpu.memory_space<vmem>>, vector<1x768xf32>
    %swap3A_249 = vector.shape_cast %swap3A_248 : vector<1x768xf32> to vector<768xf32>
    %swap3A_250 = vector.shape_cast %get3A_245 : vector<768xf32> to vector<1x768xf32>
    tpu.vector_store %arg3[%swap3A_246, %swap3A_247], %swap3A_250 {strides = array<i32>} : memref<128x768xf32, #tpu.memory_space<vmem>>, vector<1x768xf32>,
    %mul3A_251 = arith.constant 128 : i32
    %mul3A_252 = arith.muli %arg0, %mul3A_251 : i32
    %add3A_253 = arith.constant 17 : i32
    %add3A_254 = arith.addi %mul3A_252, %add3A_253 : i32
    %get3A_255 = arith.index_cast %add3A_254 : i32 to index
    %get3A_256 = memref.load %arg1[%get3A_255] : memref<4096xi32, #tpu.memory_space<smem>>
    %get3A_257 = arith.index_cast %get3A_256 : i32 to index
    %get3A_258 = arith.constant 0 : index
    %get3A_259 = vector.load %arg2[%get3A_257, %get3A_258] : memref<2048x768xf32, #tpu.memory_space<vmem>>, vector<1x768xf32>
    %get3A_260 = vector.shape_cast %get3A_259 : vector<1x768xf32> to vector<768xf32>
    %swap3A_261 = arith.constant 17 : index
    %swap3A_262 = arith.constant 0 : index
    %swap3A_263 = vector.load %arg3[%swap3A_261, %swap3A_262] : memref<128x768xf32, #tpu.memory_space<vmem>>, vector<1x768xf32>
    %swap3A_264 = vector.shape_cast %swap3A_263 : vector<1x768xf32> to vector<768xf32>
    %swap3A_265 = vector.shape_cast %get3A_260 : vector<768xf32> to vector<1x768xf32>
    tpu.vector_store %arg3[%swap3A_261, %swap3A_262], %swap3A_265 {strides = array<i32>} : memref<128x768xf32, #tpu.memory_space<vmem>>, vector<1x768xf32>,
    %mul3A_266 = arith.constant 128 : i32
    %mul3A_267 = arith.muli %arg0, %mul3A_266 : i32
    %add3A_268 = arith.constant 18 : i32
    %add3A_269 = arith.addi %mul3A_267, %add3A_268 : i32
    %get3A_270 = arith.index_cast %add3A_269 : i32 to index
    %get3A_271 = memref.load %arg1[%get3A_270] : memref<4096xi32, #tpu.memory_space<smem>>
    %get3A_272 = arith.index_cast %get3A_271 : i32 to index
    %get3A_273 = arith.constant 0 : index
    %get3A_274 = vector.load %arg2[%get3A_272, %get3A_273] : memref<2048x768xf32, #tpu.memory_space<vmem>>, vector<1x768xf32>
    %get3A_275 = vector.shape_cast %get3A_274 : vector<1x768xf32> to vector<768xf32>
    %swap3A_276 = arith.constant 18 : index
    %swap3A_277 = arith.constant 0 : index
    %swap3A_278 = vector.load %arg3[%swap3A_276, %swap3A_277] : memref<128x768xf32, #tpu.memory_space<vmem>>, vector<1x768xf32>
    %swap3A_279 = vector.shape_cast %swap3A_278 : vector<1x768xf32> to vector<768xf32>
    %swap3A_280 = vector.shape_cast %get3A_275 : vector<768xf32> to vector<1x768xf32>
    tpu.vector_store %arg3[%swap3A_276, %swap3A_277], %swap3A_280 {strides = array<i32>} : memref<128x768xf32, #tpu.memory_space<vmem>>, vector<1x768xf32>,
    %mul3A_281 = arith.constant 128 : i32
    %mul3A_282 = arith.muli %arg0, %mul3A_281 : i32
    %add3A_283 = arith.constant 19 : i32
    %add3A_284 = arith.addi %mul3A_282, %add3A_283 : i32
    %get3A_285 = arith.index_cast %add3A_284 : i32 to index
    %get3A_286 = memref.load %arg1[%get3A_285] : memref<4096xi32, #tpu.memory_space<smem>>
    %get3A_287 = arith.index_cast %get3A_286 : i32 to index
    %get3A_288 = arith.constant 0 : index
    %get3A_289 = vector.load %arg2[%get3A_287, %get3A_288] : memref<2048x768xf32, #tpu.memory_space<vmem>>, vector<1x768xf32>
    %get3A_290 = vector.shape_cast %get3A_289 : vector<1x768xf32> to vector<768xf32>
    %swap3A_291 = arith.constant 19 : index
    %swap3A_292 = arith.constant 0 : index
    %swap3A_293 = vector.load %arg3[%swap3A_291, %swap3A_292] : memref<128x768xf32, #tpu.memory_space<vmem>>, vector<1x768xf32>
    %swap3A_294 = vector.shape_cast %swap3A_293 : vector<1x768xf32> to vector<768xf32>
    %swap3A_295 = vector.shape_cast %get3A_290 : vector<768xf32> to vector<1x768xf32>
    tpu.vector_store %arg3[%swap3A_291, %swap3A_292], %swap3A_295 {strides = array<i32>} : memref<128x768xf32, #tpu.memory_space<vmem>>, vector<1x768xf32>,
    %mul3A_296 = arith.constant 128 : i32
    %mul3A_297 = arith.muli %arg0, %mul3A_296 : i32
    %add3A_298 = arith.constant 20 : i32
    %add3A_299 = arith.addi %mul3A_297, %add3A_298 : i32
    %get3A_300 = arith.index_cast %add3A_299 : i32 to index
    %get3A_301 = memref.load %arg1[%get3A_300] : memref<4096xi32, #tpu.memory_space<smem>>
    %get3A_302 = arith.index_cast %get3A_301 : i32 to index
    %get3A_303 = arith.constant 0 : index
    %get3A_304 = vector.load %arg2[%get3A_302, %get3A_303] : memref<2048x768xf32, #tpu.memory_space<vmem>>, vector<1x768xf32>
    %get3A_305 = vector.shape_cast %get3A_304 : vector<1x768xf32> to vector<768xf32>
    %swap3A_306 = arith.constant 20 : index
    %swap3A_307 = arith.constant 0 : index
    %swap3A_308 = vector.load %arg3[%swap3A_306, %swap3A_307] : memref<128x768xf32, #tpu.memory_space<vmem>>, vector<1x768xf32>
    %swap3A_309 = vector.shape_cast %swap3A_308 : vector<1x768xf32> to vector<768xf32>
    %swap3A_310 = vector.shape_cast %get3A_305 : vector<768xf32> to vector<1x768xf32>
    tpu.vector_store %arg3[%swap3A_306, %swap3A_307], %swap3A_310 {strides = array<i32>} : memref<128x768xf32, #tpu.memory_space<vmem>>, vector<1x768xf32>,
    %mul3A_311 = arith.constant 128 : i32
    %mul3A_312 = arith.muli %arg0, %mul3A_311 : i32
    %add3A_313 = arith.constant 21 : i32
    %add3A_314 = arith.addi %mul3A_312, %add3A_313 : i32
    %get3A_315 = arith.index_cast %add3A_314 : i32 to index
    %get3A_316 = memref.load %arg1[%get3A_315] : memref<4096xi32, #tpu.memory_space<smem>>
    %get3A_317 = arith.index_cast %get3A_316 : i32 to index
    %get3A_318 = arith.constant 0 : index
    %get3A_319 = vector.load %arg2[%get3A_317, %get3A_318] : memref<2048x768xf32, #tpu.memory_space<vmem>>, vector<1x768xf32>
    %get3A_320 = vector.shape_cast %get3A_319 : vector<1x768xf32> to vector<768xf32>
    %swap3A_321 = arith.constant 21 : index
    %swap3A_322 = arith.constant 0 : index
    %swap3A_323 = vector.load %arg3[%swap3A_321, %swap3A_322] : memref<128x768xf32, #tpu.memory_space<vmem>>, vector<1x768xf32>
    %swap3A_324 = vector.shape_cast %swap3A_323 : vector<1x768xf32> to vector<768xf32>
    %swap3A_325 = vector.shape_cast %get3A_320 : vector<768xf32> to vector<1x768xf32>
    tpu.vector_store %arg3[%swap3A_321, %swap3A_322], %swap3A_325 {strides = array<i32>} : memref<128x768xf32, #tpu.memory_space<vmem>>, vector<1x768xf32>,
    %mul3A_326 = arith.constant 128 : i32
    %mul3A_327 = arith.muli %arg0, %mul3A_326 : i32
    %add3A_328 = arith.constant 22 : i32
    %add3A_329 = arith.addi %mul3A_327, %add3A_328 : i32
    %get3A_330 = arith.index_cast %add3A_329 : i32 to index
    %get3A_331 = memref.load %arg1[%get3A_330] : memref<4096xi32, #tpu.memory_space<smem>>
    %get3A_332 = arith.index_cast %get3A_331 : i32 to index
    %get3A_333 = arith.constant 0 : index
    %get3A_334 = vector.load %arg2[%get3A_332, %get3A_333] : memref<2048x768xf32, #tpu.memory_space<vmem>>, vector<1x768xf32>
    %get3A_335 = vector.shape_cast %get3A_334 : vector<1x768xf32> to vector<768xf32>
    %swap3A_336 = arith.constant 22 : index
    %swap3A_337 = arith.constant 0 : index
    %swap3A_338 = vector.load %arg3[%swap3A_336, %swap3A_337] : memref<128x768xf32, #tpu.memory_space<vmem>>, vector<1x768xf32>
    %swap3A_339 = vector.shape_cast %swap3A_338 : vector<1x768xf32> to vector<768xf32>
    %swap3A_340 = vector.shape_cast %get3A_335 : vector<768xf32> to vector<1x768xf32>
    tpu.vector_store %arg3[%swap3A_336, %swap3A_337], %swap3A_340 {strides = array<i32>} : memref<128x768xf32, #tpu.memory_space<vmem>>, vector<1x768xf32>,
    %mul3A_341 = arith.constant 128 : i32
    %mul3A_342 = arith.muli %arg0, %mul3A_341 : i32
    %add3A_343 = arith.constant 23 : i32
    %add3A_344 = arith.addi %mul3A_342, %add3A_343 : i32
    %get3A_345 = arith.index_cast %add3A_344 : i32 to index
    %get3A_346 = memref.load %arg1[%get3A_345] : memref<4096xi32, #tpu.memory_space<smem>>
    %get3A_347 = arith.index_cast %get3A_346 : i32 to index
    %get3A_348 = arith.constant 0 : index
    %get3A_349 = vector.load %arg2[%get3A_347, %get3A_348] : memref<2048x768xf32, #tpu.memory_space<vmem>>, vector<1x768xf32>
    %get3A_350 = vector.shape_cast %get3A_349 : vector<1x768xf32> to vector<768xf32>
    %swap3A_351 = arith.constant 23 : index
    %swap3A_352 = arith.constant 0 : index
    %swap3A_353 = vector.load %arg3[%swap3A_351, %swap3A_352] : memref<128x768xf32, #tpu.memory_space<vmem>>, vector<1x768xf32>
    %swap3A_354 = vector.shape_cast %swap3A_353 : vector<1x768xf32> to vector<768xf32>
    %swap3A_355 = vector.shape_cast %get3A_350 : vector<768xf32> to vector<1x768xf32>
    tpu.vector_store %arg3[%swap3A_351, %swap3A_352], %swap3A_355 {strides = array<i32>} : memref<128x768xf32, #tpu.memory_space<vmem>>, vector<1x768xf32>,
    %mul3A_356 = arith.constant 128 : i32
    %mul3A_357 = arith.muli %arg0, %mul3A_356 : i32
    %add3A_358 = arith.constant 24 : i32
    %add3A_359 = arith.addi %mul3A_357, %add3A_358 : i32
    %get3A_360 = arith.index_cast %add3A_359 : i32 to index
    %get3A_361 = memref.load %arg1[%get3A_360] : memref<4096xi32, #tpu.memory_space<smem>>
    %get3A_362 = arith.index_cast %get3A_361 : i32 to index
    %get3A_363 = arith.constant 0 : index
    %get3A_364 = vector.load %arg2[%get3A_362, %get3A_363] : memref<2048x768xf32, #tpu.memory_space<vmem>>, vector<1x768xf32>
    %get3A_365 = vector.shape_cast %get3A_364 : vector<1x768xf32> to vector<768xf32>
    %swap3A_366 = arith.constant 24 : index
    %swap3A_367 = arith.constant 0 : index
    %swap3A_368 = vector.load %arg3[%swap3A_366, %swap3A_367] : memref<128x768xf32, #tpu.memory_space<vmem>>, vector<1x768xf32>
    %swap3A_369 = vector.shape_cast %swap3A_368 : vector<1x768xf32> to vector<768xf32>
    %swap3A_370 = vector.shape_cast %get3A_365 : vector<768xf32> to vector<1x768xf32>
    tpu.vector_store %arg3[%swap3A_366, %swap3A_367], %swap3A_370 {strides = array<i32>} : memref<128x768xf32, #tpu.memory_space<vmem>>, vector<1x768xf32>,
    %mul3A_371 = arith.constant 128 : i32
    %mul3A_372 = arith.muli %arg0, %mul3A_371 : i32
    %add3A_373 = arith.constant 25 : i32
    %add3A_374 = arith.addi %mul3A_372, %add3A_373 : i32
    %get3A_375 = arith.index_cast %add3A_374 : i32 to index
    %get3A_376 = memref.load %arg1[%get3A_375] : memref<4096xi32, #tpu.memory_space<smem>>
    %get3A_377 = arith.index_cast %get3A_376 : i32 to index
    %get3A_378 = arith.constant 0 : index
    %get3A_379 = vector.load %arg2[%get3A_377, %get3A_378] : memref<2048x768xf32, #tpu.memory_space<vmem>>, vector<1x768xf32>
    %get3A_380 = vector.shape_cast %get3A_379 : vector<1x768xf32> to vector<768xf32>
    %swap3A_381 = arith.constant 25 : index
    %swap3A_382 = arith.constant 0 : index
    %swap3A_383 = vector.load %arg3[%swap3A_381, %swap3A_382] : memref<128x768xf32, #tpu.memory_space<vmem>>, vector<1x768xf32>
    %swap3A_384 = vector.shape_cast %swap3A_383 : vector<1x768xf32> to vector<768xf32>
    %swap3A_385 = vector.shape_cast %get3A_380 : vector<768xf32> to vector<1x768xf32>
    tpu.vector_store %arg3[%swap3A_381, %swap3A_382], %swap3A_385 {strides = array<i32>} : memref<128x768xf32, #tpu.memory_space<vmem>>, vector<1x768xf32>,
    %mul3A_386 = arith.constant 128 : i32
    %mul3A_387 = arith.muli %arg0, %mul3A_386 : i32
    %add3A_388 = arith.constant 26 : i32
    %add3A_389 = arith.addi %mul3A_387, %add3A_388 : i32
    %get3A_390 = arith.index_cast %add3A_389 : i32 to index
    %get3A_391 = memref.load %arg1[%get3A_390] : memref<4096xi32, #tpu.memory_space<smem>>
    %get3A_392 = arith.index_cast %get3A_391 : i32 to index
    %get3A_393 = arith.constant 0 : index
    %get3A_394 = vector.load %arg2[%get3A_392, %get3A_393] : memref<2048x768xf32, #tpu.memory_space<vmem>>, vector<1x768xf32>
    %get3A_395 = vector.shape_cast %get3A_394 : vector<1x768xf32> to vector<768xf32>
    %swap3A_396 = arith.constant 26 : index
    %swap3A_397 = arith.constant 0 : index
    %swap3A_398 = vector.load %arg3[%swap3A_396, %swap3A_397] : memref<128x768xf32, #tpu.memory_space<vmem>>, vector<1x768xf32>
    %swap3A_399 = vector.shape_cast %swap3A_398 : vector<1x768xf32> to vector<768xf32>
    %swap3A_400 = vector.shape_cast %get3A_395 : vector<768xf32> to vector<1x768xf32>
    tpu.vector_store %arg3[%swap3A_396, %swap3A_397], %swap3A_400 {strides = array<i32>} : memref<128x768xf32, #tpu.memory_space<vmem>>, vector<1x768xf32>,
    %mul3A_401 = arith.constant 128 : i32
    %mul3A_402 = arith.muli %arg0, %mul3A_401 : i32
    %add3A_403 = arith.constant 27 : i32
    %add3A_404 = arith.addi %mul3A_402, %add3A_403 : i32
    %get3A_405 = arith.index_cast %add3A_404 : i32 to index
    %get3A_406 = memref.load %arg1[%get3A_405] : memref<4096xi32, #tpu.memory_space<smem>>
    %get3A_407 = arith.index_cast %get3A_406 : i32 to index
    %get3A_408 = arith.constant 0 : index
    %get3A_409 = vector.load %arg2[%get3A_407, %get3A_408] : memref<2048x768xf32, #tpu.memory_space<vmem>>, vector<1x768xf32>
    %get3A_410 = vector.shape_cast %get3A_409 : vector<1x768xf32> to vector<768xf32>
    %swap3A_411 = arith.constant 27 : index
    %swap3A_412 = arith.constant 0 : index
    %swap3A_413 = vector.load %arg3[%swap3A_411, %swap3A_412] : memref<128x768xf32, #tpu.memory_space<vmem>>, vector<1x768xf32>
    %swap3A_414 = vector.shape_cast %swap3A_413 : vector<1x768xf32> to vector<768xf32>
    %swap3A_415 = vector.shape_cast %get3A_410 : vector<768xf32> to vector<1x768xf32>
    tpu.vector_store %arg3[%swap3A_411, %swap3A_412], %swap3A_415 {strides = array<i32>} : memref<128x768xf32, #tpu.memory_space<vmem>>, vector<1x768xf32>,
    %mul3A_416 = arith.constant 128 : i32
    %mul3A_417 = arith.muli %arg0, %mul3A_416 : i32
    %add3A_418 = arith.constant 28 : i32
    %add3A_419 = arith.addi %mul3A_417, %add3A_418 : i32
    %get3A_420 = arith.index_cast %add3A_419 : i32 to index
    %get3A_421 = memref.load %arg1[%get3A_420] : memref<4096xi32, #tpu.memory_space<smem>>
    %get3A_422 = arith.index_cast %get3A_421 : i32 to index
    %get3A_423 = arith.constant 0 : index
    %get3A_424 = vector.load %arg2[%get3A_422, %get3A_423] : memref<2048x768xf32, #tpu.memory_space<vmem>>, vector<1x768xf32>
    %get3A_425 = vector.shape_cast %get3A_424 : vector<1x768xf32> to vector<768xf32>
    %swap3A_426 = arith.constant 28 : index
    %swap3A_427 = arith.constant 0 : index
    %swap3A_428 = vector.load %arg3[%swap3A_426, %swap3A_427] : memref<128x768xf32, #tpu.memory_space<vmem>>, vector<1x768xf32>
    %swap3A_429 = vector.shape_cast %swap3A_428 : vector<1x768xf32> to vector<768xf32>
    %swap3A_430 = vector.shape_cast %get3A_425 : vector<768xf32> to vector<1x768xf32>
    tpu.vector_store %arg3[%swap3A_426, %swap3A_427], %swap3A_430 {strides = array<i32>} : memref<128x768xf32, #tpu.memory_space<vmem>>, vector<1x768xf32>,
    %mul3A_431 = arith.constant 128 : i32
    %mul3A_432 = arith.muli %arg0, %mul3A_431 : i32
    %add3A_433 = arith.constant 29 : i32
    %add3A_434 = arith.addi %mul3A_432, %add3A_433 : i32
    %get3A_435 = arith.index_cast %add3A_434 : i32 to index
    %get3A_436 = memref.load %arg1[%get3A_435] : memref<4096xi32, #tpu.memory_space<smem>>
    %get3A_437 = arith.index_cast %get3A_436 : i32 to index
    %get3A_438 = arith.constant 0 : index
    %get3A_439 = vector.load %arg2[%get3A_437, %get3A_438] : memref<2048x768xf32, #tpu.memory_space<vmem>>, vector<1x768xf32>
    %get3A_440 = vector.shape_cast %get3A_439 : vector<1x768xf32> to vector<768xf32>
    %swap3A_441 = arith.constant 29 : index
    %swap3A_442 = arith.constant 0 : index
    %swap3A_443 = vector.load %arg3[%swap3A_441, %swap3A_442] : memref<128x768xf32, #tpu.memory_space<vmem>>, vector<1x768xf32>
    %swap3A_444 = vector.shape_cast %swap3A_443 : vector<1x768xf32> to vector<768xf32>
    %swap3A_445 = vector.shape_cast %get3A_440 : vector<768xf32> to vector<1x768xf32>
    tpu.vector_store %arg3[%swap3A_441, %swap3A_442], %swap3A_445 {strides = array<i32>} : memref<128x768xf32, #tpu.memory_space<vmem>>, vector<1x768xf32>,
    %mul3A_446 = arith.constant 128 : i32
    %mul3A_447 = arith.muli %arg0, %mul3A_446 : i32
    %add3A_448 = arith.constant 30 : i32
    %add3A_449 = arith.addi %mul3A_447, %add3A_448 : i32
    %get3A_450 = arith.index_cast %add3A_449 : i32 to index
    %get3A_451 = memref.load %arg1[%get3A_450] : memref<4096xi32, #tpu.memory_space<smem>>
    %get3A_452 = arith.index_cast %get3A_451 : i32 to index
    %get3A_453 = arith.constant 0 : index
    %get3A_454 = vector.load %arg2[%get3A_452, %get3A_453] : memref<2048x768xf32, #tpu.memory_space<vmem>>, vector<1x768xf32>
    %get3A_455 = vector.shape_cast %get3A_454 : vector<1x768xf32> to vector<768xf32>
    %swap3A_456 = arith.constant 30 : index
    %swap3A_457 = arith.constant 0 : index
    %swap3A_458 = vector.load %arg3[%swap3A_456, %swap3A_457] : memref<128x768xf32, #tpu.memory_space<vmem>>, vector<1x768xf32>
    %swap3A_459 = vector.shape_cast %swap3A_458 : vector<1x768xf32> to vector<768xf32>
    %swap3A_460 = vector.shape_cast %get3A_455 : vector<768xf32> to vector<1x768xf32>
    tpu.vector_store %arg3[%swap3A_456, %swap3A_457], %swap3A_460 {strides = array<i32>} : memref<128x768xf32, #tpu.memory_space<vmem>>, vector<1x768xf32>,
    %mul3A_461 = arith.constant 128 : i32
    %mul3A_462 = arith.muli %arg0, %mul3A_461 : i32
    %add3A_463 = arith.constant 31 : i32
    %add3A_464 = arith.addi %mul3A_462, %add3A_463 : i32
    %get3A_465 = arith.index_cast %add3A_464 : i32 to index
    %get3A_466 = memref.load %arg1[%get3A_465] : memref<4096xi32, #tpu.memory_space<smem>>
    %get3A_467 = arith.index_cast %get3A_466 : i32 to index
    %get3A_468 = arith.constant 0 : index
    %get3A_469 = vector.load %arg2[%get3A_467, %get3A_468] : memref<2048x768xf32, #tpu.memory_space<vmem>>, vector<1x768xf32>
    %get3A_470 = vector.shape_cast %get3A_469 : vector<1x768xf32> to vector<768xf32>
    %swap3A_471 = arith.constant 31 : index
    %swap3A_472 = arith.constant 0 : index
    %swap3A_473 = vector.load %arg3[%swap3A_471, %swap3A_472] : memref<128x768xf32, #tpu.memory_space<vmem>>, vector<1x768xf32>
    %swap3A_474 = vector.shape_cast %swap3A_473 : vector<1x768xf32> to vector<768xf32>
    %swap3A_475 = vector.shape_cast %get3A_470 : vector<768xf32> to vector<1x768xf32>
    tpu.vector_store %arg3[%swap3A_471, %swap3A_472], %swap3A_475 {strides = array<i32>} : memref<128x768xf32, #tpu.memory_space<vmem>>, vector<1x768xf32>,
    %mul3A_476 = arith.constant 128 : i32
    %mul3A_477 = arith.muli %arg0, %mul3A_476 : i32
    %add3A_478 = arith.constant 32 : i32
    %add3A_479 = arith.addi %mul3A_477, %add3A_478 : i32
    %get3A_480 = arith.index_cast %add3A_479 : i32 to index
    %get3A_481 = memref.load %arg1[%get3A_480] : memref<4096xi32, #tpu.memory_space<smem>>
    %get3A_482 = arith.index_cast %get3A_481 : i32 to index
    %get3A_483 = arith.constant 0 : index
    %get3A_484 = vector.load %arg2[%get3A_482, %get3A_483] : memref<2048x768xf32, #tpu.memory_space<vmem>>, vector<1x768xf32>
    %get3A_485 = vector.shape_cast %get3A_484 : vector<1x768xf32> to vector<768xf32>
    %swap3A_486 = arith.constant 32 : index
    %swap3A_487 = arith.constant 0 : index
    %swap3A_488 = vector.load %arg3[%swap3A_486, %swap3A_487] : memref<128x768xf32, #tpu.memory_space<vmem>>, vector<1x768xf32>
    %swap3A_489 = vector.shape_cast %swap3A_488 : vector<1x768xf32> to vector<768xf32>
    %swap3A_490 = vector.shape_cast %get3A_485 : vector<768xf32> to vector<1x768xf32>
    tpu.vector_store %arg3[%swap3A_486, %swap3A_487], %swap3A_490 {strides = array<i32>} : memref<128x768xf32, #tpu.memory_space<vmem>>, vector<1x768xf32>,
    %mul3A_491 = arith.constant 128 : i32
    %mul3A_492 = arith.muli %arg0, %mul3A_491 : i32
    %add3A_493 = arith.constant 33 : i32
    %add3A_494 = arith.addi %mul3A_492, %add3A_493 : i32
    %get3A_495 = arith.index_cast %add3A_494 : i32 to index
    %get3A_496 = memref.load %arg1[%get3A_495] : memref<4096xi32, #tpu.memory_space<smem>>
    %get3A_497 = arith.index_cast %get3A_496 : i32 to index
    %get3A_498 = arith.constant 0 : index
    %get3A_499 = vector.load %arg2[%get3A_497, %get3A_498] : memref<2048x768xf32, #tpu.memory_space<vmem>>, vector<1x768xf32>
    %get3A_500 = vector.shape_cast %get3A_499 : vector<1x768xf32> to vector<768xf32>
    %swap3A_501 = arith.constant 33 : index
    %swap3A_502 = arith.constant 0 : index
    %swap3A_503 = vector.load %arg3[%swap3A_501, %swap3A_502] : memref<128x768xf32, #tpu.memory_space<vmem>>, vector<1x768xf32>
    %swap3A_504 = vector.shape_cast %swap3A_503 : vector<1x768xf32> to vector<768xf32>
    %swap3A_505 = vector.shape_cast %get3A_500 : vector<768xf32> to vector<1x768xf32>
    tpu.vector_store %arg3[%swap3A_501, %swap3A_502], %swap3A_505 {strides = array<i32>} : memref<128x768xf32, #tpu.memory_space<vmem>>, vector<1x768xf32>,
    %mul3A_506 = arith.constant 128 : i32
    %mul3A_507 = arith.muli %arg0, %mul3A_506 : i32
    %add3A_508 = arith.constant 34 : i32
    %add3A_509 = arith.addi %mul3A_507, %add3A_508 : i32
    %get3A_510 = arith.index_cast %add3A_509 : i32 to index
    %get3A_511 = memref.load %arg1[%get3A_510] : memref<4096xi32, #tpu.memory_space<smem>>
    %get3A_512 = arith.index_cast %get3A_511 : i32 to index
    %get3A_513 = arith.constant 0 : index
    %get3A_514 = vector.load %arg2[%get3A_512, %get3A_513] : memref<2048x768xf32, #tpu.memory_space<vmem>>, vector<1x768xf32>
    %get3A_515 = vector.shape_cast %get3A_514 : vector<1x768xf32> to vector<768xf32>
    %swap3A_516 = arith.constant 34 : index
    %swap3A_517 = arith.constant 0 : index
    %swap3A_518 = vector.load %arg3[%swap3A_516, %swap3A_517] : memref<128x768xf32, #tpu.memory_space<vmem>>, vector<1x768xf32>
    %swap3A_519 = vector.shape_cast %swap3A_518 : vector<1x768xf32> to vector<768xf32>
    %swap3A_520 = vector.shape_cast %get3A_515 : vector<768xf32> to vector<1x768xf32>
    tpu.vector_store %arg3[%swap3A_516, %swap3A_517], %swap3A_520 {strides = array<i32>} : memref<128x768xf32, #tpu.memory_space<vmem>>, vector<1x768xf32>,
    %mul3A_521 = arith.constant 128 : i32
    %mul3A_522 = arith.muli %arg0, %mul3A_521 : i32
    %add3A_523 = arith.constant 35 : i32
    %add3A_524 = arith.addi %mul3A_522, %add3A_523 : i32
    %get3A_525 = arith.index_cast %add3A_524 : i32 to index
    %get3A_526 = memref.load %arg1[%get3A_525] : memref<4096xi32, #tpu.memory_space<smem>>
    %get3A_527 = arith.index_cast %get3A_526 : i32 to index
    %get3A_528 = arith.constant 0 : index
    %get3A_529 = vector.load %arg2[%get3A_527, %get3A_528] : memref<2048x768xf32, #tpu.memory_space<vmem>>, vector<1x768xf32>
    %get3A_530 = vector.shape_cast %get3A_529 : vector<1x768xf32> to vector<768xf32>
    %swap3A_531 = arith.constant 35 : index
    %swap3A_532 = arith.constant 0 : index
    %swap3A_533 = vector.load %arg3[%swap3A_531, %swap3A_532] : memref<128x768xf32, #tpu.memory_space<vmem>>, vector<1x768xf32>
    %swap3A_534 = vector.shape_cast %swap3A_533 : vector<1x768xf32> to vector<768xf32>
    %swap3A_535 = vector.shape_cast %get3A_530 : vector<768xf32> to vector<1x768xf32>
    tpu.vector_store %arg3[%swap3A_531, %swap3A_532], %swap3A_535 {strides = array<i32>} : memref<128x768xf32, #tpu.memory_space<vmem>>, vector<1x768xf32>,
    %mul3A_536 = arith.constant 128 : i32
    %mul3A_537 = arith.muli %arg0, %mul3A_536 : i32
    %add3A_538 = arith.constant 36 : i32
    %add3A_539 = arith.addi %mul3A_537, %add3A_538 : i32
    %get3A_540 = arith.index_cast %add3A_539 : i32 to index
    %get3A_541 = memref.load %arg1[%get3A_540] : memref<4096xi32, #tpu.memory_space<smem>>
    %get3A_542 = arith.index_cast %get3A_541 : i32 to index
    %get3A_543 = arith.constant 0 : index
    %get3A_544 = vector.load %arg2[%get3A_542, %get3A_543] : memref<2048x768xf32, #tpu.memory_space<vmem>>, vector<1x768xf32>
    %get3A_545 = vector.shape_cast %get3A_544 : vector<1x768xf32> to vector<768xf32>
    %swap3A_546 = arith.constant 36 : index
    %swap3A_547 = arith.constant 0 : index
    %swap3A_548 = vector.load %arg3[%swap3A_546, %swap3A_547] : memref<128x768xf32, #tpu.memory_space<vmem>>, vector<1x768xf32>
    %swap3A_549 = vector.shape_cast %swap3A_548 : vector<1x768xf32> to vector<768xf32>
    %swap3A_550 = vector.shape_cast %get3A_545 : vector<768xf32> to vector<1x768xf32>
    tpu.vector_store %arg3[%swap3A_546, %swap3A_547], %swap3A_550 {strides = array<i32>} : memref<128x768xf32, #tpu.memory_space<vmem>>, vector<1x768xf32>,
    %mul3A_551 = arith.constant 128 : i32
    %mul3A_552 = arith.muli %arg0, %mul3A_551 : i32
    %add3A_553 = arith.constant 37 : i32
    %add3A_554 = arith.addi %mul3A_552, %add3A_553 : i32
    %get3A_555 = arith.index_cast %add3A_554 : i32 to index
    %get3A_556 = memref.load %arg1[%get3A_555] : memref<4096xi32, #tpu.memory_space<smem>>
    %get3A_557 = arith.index_cast %get3A_556 : i32 to index
    %get3A_558 = arith.constant 0 : index
    %get3A_559 = vector.load %arg2[%get3A_557, %get3A_558] : memref<2048x768xf32, #tpu.memory_space<vmem>>, vector<1x768xf32>
    %get3A_560 = vector.shape_cast %get3A_559 : vector<1x768xf32> to vector<768xf32>
    %swap3A_561 = arith.constant 37 : index
    %swap3A_562 = arith.constant 0 : index
    %swap3A_563 = vector.load %arg3[%swap3A_561, %swap3A_562] : memref<128x768xf32, #tpu.memory_space<vmem>>, vector<1x768xf32>
    %swap3A_564 = vector.shape_cast %swap3A_563 : vector<1x768xf32> to vector<768xf32>
    %swap3A_565 = vector.shape_cast %get3A_560 : vector<768xf32> to vector<1x768xf32>
    tpu.vector_store %arg3[%swap3A_561, %swap3A_562], %swap3A_565 {strides = array<i32>} : memref<128x768xf32, #tpu.memory_space<vmem>>, vector<1x768xf32>,
    %mul3A_566 = arith.constant 128 : i32
    %mul3A_567 = arith.muli %arg0, %mul3A_566 : i32
    %add3A_568 = arith.constant 38 : i32
    %add3A_569 = arith.addi %mul3A_567, %add3A_568 : i32
    %get3A_570 = arith.index_cast %add3A_569 : i32 to index
    %get3A_571 = memref.load %arg1[%get3A_570] : memref<4096xi32, #tpu.memory_space<smem>>
    %get3A_572 = arith.index_cast %get3A_571 : i32 to index
    %get3A_573 = arith.constant 0 : index
    %get3A_574 = vector.load %arg2[%get3A_572, %get3A_573] : memref<2048x768xf32, #tpu.memory_space<vmem>>, vector<1x768xf32>
    %get3A_575 = vector.shape_cast %get3A_574 : vector<1x768xf32> to vector<768xf32>
    %swap3A_576 = arith.constant 38 : index
    %swap3A_577 = arith.constant 0 : index
    %swap3A_578 = vector.load %arg3[%swap3A_576, %swap3A_577] : memref<128x768xf32, #tpu.memory_space<vmem>>, vector<1x768xf32>
    %swap3A_579 = vector.shape_cast %swap3A_578 : vector<1x768xf32> to vector<768xf32>
    %swap3A_580 = vector.shape_cast %get3A_575 : vector<768xf32> to vector<1x768xf32>
    tpu.vector_store %arg3[%swap3A_576, %swap3A_577], %swap3A_580 {strides = array<i32>} : memref<128x768xf32, #tpu.memory_space<vmem>>, vector<1x768xf32>,
    %mul3A_581 = arith.constant 128 : i32
    %mul3A_582 = arith.muli %arg0, %mul3A_581 : i32
    %add3A_583 = arith.constant 39 : i32
    %add3A_584 = arith.addi %mul3A_582, %add3A_583 : i32
    %get3A_585 = arith.index_cast %add3A_584 : i32 to index
    %get3A_586 = memref.load %arg1[%get3A_585] : memref<4096xi32, #tpu.memory_space<smem>>
    %get3A_587 = arith.index_cast %get3A_586 : i32 to index
    %get3A_588 = arith.constant 0 : index
    %get3A_589 = vector.load %arg2[%get3A_587, %get3A_588] : memref<2048x768xf32, #tpu.memory_space<vmem>>, vector<1x768xf32>
    %get3A_590 = vector.shape_cast %get3A_589 : vector<1x768xf32> to vector<768xf32>
    %swap3A_591 = arith.constant 39 : index
    %swap3A_592 = arith.constant 0 : index
    %swap3A_593 = vector.load %arg3[%swap3A_591, %swap3A_592] : memref<128x768xf32, #tpu.memory_space<vmem>>, vector<1x768xf32>
    %swap3A_594 = vector.shape_cast %swap3A_593 : vector<1x768xf32> to vector<768xf32>
    %swap3A_595 = vector.shape_cast %get3A_590 : vector<768xf32> to vector<1x768xf32>
    tpu.vector_store %arg3[%swap3A_591, %swap3A_592], %swap3A_595 {strides = array<i32>} : memref<128x768xf32, #tpu.memory_space<vmem>>, vector<1x768xf32>,
    %mul3A_596 = arith.constant 128 : i32
    %mul3A_597 = arith.muli %arg0, %mul3A_596 : i32
    %add3A_598 = arith.constant 40 : i32
    %add3A_599 = arith.addi %mul3A_597, %add3A_598 : i32
    %get3A_600 = arith.index_cast %add3A_599 : i32 to index
    %get3A_601 = memref.load %arg1[%get3A_600] : memref<4096xi32, #tpu.memory_space<smem>>
    %get3A_602 = arith.index_cast %get3A_601 : i32 to index
    %get3A_603 = arith.constant 0 : index
    %get3A_604 = vector.load %arg2[%get3A_602, %get3A_603] : memref<2048x768xf32, #tpu.memory_space<vmem>>, vector<1x768xf32>
    %get3A_605 = vector.shape_cast %get3A_604 : vector<1x768xf32> to vector<768xf32>
    %swap3A_606 = arith.constant 40 : index
    %swap3A_607 = arith.constant 0 : index
    %swap3A_608 = vector.load %arg3[%swap3A_606, %swap3A_607] : memref<128x768xf32, #tpu.memory_space<vmem>>, vector<1x768xf32>
    %swap3A_609 = vector.shape_cast %swap3A_608 : vector<1x768xf32> to vector<768xf32>
    %swap3A_610 = vector.shape_cast %get3A_605 : vector<768xf32> to vector<1x768xf32>
    tpu.vector_store %arg3[%swap3A_606, %swap3A_607], %swap3A_610 {strides = array<i32>} : memref<128x768xf32, #tpu.memory_space<vmem>>, vector<1x768xf32>,
    %mul3A_611 = arith.constant 128 : i32
    %mul3A_612 = arith.muli %arg0, %mul3A_611 : i32
    %add3A_613 = arith.constant 41 : i32
    %add3A_614 = arith.addi %mul3A_612, %add3A_613 : i32
    %get3A_615 = arith.index_cast %add3A_614 : i32 to index
    %get3A_616 = memref.load %arg1[%get3A_615] : memref<4096xi32, #tpu.memory_space<smem>>
    %get3A_617 = arith.index_cast %get3A_616 : i32 to index
    %get3A_618 = arith.constant 0 : index
    %get3A_619 = vector.load %arg2[%get3A_617, %get3A_618] : memref<2048x768xf32, #tpu.memory_space<vmem>>, vector<1x768xf32>
    %get3A_620 = vector.shape_cast %get3A_619 : vector<1x768xf32> to vector<768xf32>
    %swap3A_621 = arith.constant 41 : index
    %swap3A_622 = arith.constant 0 : index
    %swap3A_623 = vector.load %arg3[%swap3A_621, %swap3A_622] : memref<128x768xf32, #tpu.memory_space<vmem>>, vector<1x768xf32>
    %swap3A_624 = vector.shape_cast %swap3A_623 : vector<1x768xf32> to vector<768xf32>
    %swap3A_625 = vector.shape_cast %get3A_620 : vector<768xf32> to vector<1x768xf32>
    tpu.vector_store %arg3[%swap3A_621, %swap3A_622], %swap3A_625 {strides = array<i32>} : memref<128x768xf32, #tpu.memory_space<vmem>>, vector<1x768xf32>,
    %mul3A_626 = arith.constant 128 : i32
    %mul3A_627 = arith.muli %arg0, %mul3A_626 : i32
    %add3A_628 = arith.constant 42 : i32
    %add3A_629 = arith.addi %mul3A_627, %add3A_628 : i32
    %get3A_630 = arith.index_cast %add3A_629 : i32 to index
    %get3A_631 = memref.load %arg1[%get3A_630] : memref<4096xi32, #tpu.memory_space<smem>>
    %get3A_632 = arith.index_cast %get3A_631 : i32 to index
    %get3A_633 = arith.constant 0 : index
    %get3A_634 = vector.load %arg2[%get3A_632, %get3A_633] : memref<2048x768xf32, #tpu.memory_space<vmem>>, vector<1x768xf32>
    %get3A_635 = vector.shape_cast %get3A_634 : vector<1x768xf32> to vector<768xf32>
    %swap3A_636 = arith.constant 42 : index
    %swap3A_637 = arith.constant 0 : index
    %swap3A_638 = vector.load %arg3[%swap3A_636, %swap3A_637] : memref<128x768xf32, #tpu.memory_space<vmem>>, vector<1x768xf32>
    %swap3A_639 = vector.shape_cast %swap3A_638 : vector<1x768xf32> to vector<768xf32>
    %swap3A_640 = vector.shape_cast %get3A_635 : vector<768xf32> to vector<1x768xf32>
    tpu.vector_store %arg3[%swap3A_636, %swap3A_637], %swap3A_640 {strides = array<i32>} : memref<128x768xf32, #tpu.memory_space<vmem>>, vector<1x768xf32>,
    %mul3A_641 = arith.constant 128 : i32
    %mul3A_642 = arith.muli %arg0, %mul3A_641 : i32
    %add3A_643 = arith.constant 43 : i32
    %add3A_644 = arith.addi %mul3A_642, %add3A_643 : i32
    %get3A_645 = arith.index_cast %add3A_644 : i32 to index
    %get3A_646 = memref.load %arg1[%get3A_645] : memref<4096xi32, #tpu.memory_space<smem>>
    %get3A_647 = arith.index_cast %get3A_646 : i32 to index
    %get3A_648 = arith.constant 0 : index
    %get3A_649 = vector.load %arg2[%get3A_647, %get3A_648] : memref<2048x768xf32, #tpu.memory_space<vmem>>, vector<1x768xf32>
    %get3A_650 = vector.shape_cast %get3A_649 : vector<1x768xf32> to vector<768xf32>
    %swap3A_651 = arith.constant 43 : index
    %swap3A_652 = arith.constant 0 : index
    %swap3A_653 = vector.load %arg3[%swap3A_651, %swap3A_652] : memref<128x768xf32, #tpu.memory_space<vmem>>, vector<1x768xf32>
    %swap3A_654 = vector.shape_cast %swap3A_653 : vector<1x768xf32> to vector<768xf32>
    %swap3A_655 = vector.shape_cast %get3A_650 : vector<768xf32> to vector<1x768xf32>
    tpu.vector_store %arg3[%swap3A_651, %swap3A_652], %swap3A_655 {strides = array<i32>} : memref<128x768xf32, #tpu.memory_space<vmem>>, vector<1x768xf32>,
    %mul3A_656 = arith.constant 128 : i32
    %mul3A_657 = arith.muli %arg0, %mul3A_656 : i32
    %add3A_658 = arith.constant 44 : i32
    %add3A_659 = arith.addi %mul3A_657, %add3A_658 : i32
    %get3A_660 = arith.index_cast %add3A_659 : i32 to index
    %get3A_661 = memref.load %arg1[%get3A_660] : memref<4096xi32, #tpu.memory_space<smem>>
    %get3A_662 = arith.index_cast %get3A_661 : i32 to index
    %get3A_663 = arith.constant 0 : index
    %get3A_664 = vector.load %arg2[%get3A_662, %get3A_663] : memref<2048x768xf32, #tpu.memory_space<vmem>>, vector<1x768xf32>
    %get3A_665 = vector.shape_cast %get3A_664 : vector<1x768xf32> to vector<768xf32>
    %swap3A_666 = arith.constant 44 : index
    %swap3A_667 = arith.constant 0 : index
    %swap3A_668 = vector.load %arg3[%swap3A_666, %swap3A_667] : memref<128x768xf32, #tpu.memory_space<vmem>>, vector<1x768xf32>
    %swap3A_669 = vector.shape_cast %swap3A_668 : vector<1x768xf32> to vector<768xf32>
    %swap3A_670 = vector.shape_cast %get3A_665 : vector<768xf32> to vector<1x768xf32>
    tpu.vector_store %arg3[%swap3A_666, %swap3A_667], %swap3A_670 {strides = array<i32>} : memref<128x768xf32, #tpu.memory_space<vmem>>, vector<1x768xf32>,
    %mul3A_671 = arith.constant 128 : i32
    %mul3A_672 = arith.muli %arg0, %mul3A_671 : i32
    %add3A_673 = arith.constant 45 : i32
    %add3A_674 = arith.addi %mul3A_672, %add3A_673 : i32
    %get3A_675 = arith.index_cast %add3A_674 : i32 to index
    %get3A_676 = memref.load %arg1[%get3A_675] : memref<4096xi32, #tpu.memory_space<smem>>
    %get3A_677 = arith.index_cast %get3A_676 : i32 to index
    %get3A_678 = arith.constant 0 : index
    %get3A_679 = vector.load %arg2[%get3A_677, %get3A_678] : memref<2048x768xf32, #tpu.memory_space<vmem>>, vector<1x768xf32>
    %get3A_680 = vector.shape_cast %get3A_679 : vector<1x768xf32> to vector<768xf32>
    %swap3A_681 = arith.constant 45 : index
    %swap3A_682 = arith.constant 0 : index
    %swap3A_683 = vector.load %arg3[%swap3A_681, %swap3A_682] : memref<128x768xf32, #tpu.memory_space<vmem>>, vector<1x768xf32>
    %swap3A_684 = vector.shape_cast %swap3A_683 : vector<1x768xf32> to vector<768xf32>
    %swap3A_685 = vector.shape_cast %get3A_680 : vector<768xf32> to vector<1x768xf32>
    tpu.vector_store %arg3[%swap3A_681, %swap3A_682], %swap3A_685 {strides = array<i32>} : memref<128x768xf32, #tpu.memory_space<vmem>>, vector<1x768xf32>,
    %mul3A_686 = arith.constant 128 : i32
    %mul3A_687 = arith.muli %arg0, %mul3A_686 : i32
    %add3A_688 = arith.constant 46 : i32
    %add3A_689 = arith.addi %mul3A_687, %add3A_688 : i32
    %get3A_690 = arith.index_cast %add3A_689 : i32 to index
    %get3A_691 = memref.load %arg1[%get3A_690] : memref<4096xi32, #tpu.memory_space<smem>>
    %get3A_692 = arith.index_cast %get3A_691 : i32 to index
    %get3A_693 = arith.constant 0 : index
    %get3A_694 = vector.load %arg2[%get3A_692, %get3A_693] : memref<2048x768xf32, #tpu.memory_space<vmem>>, vector<1x768xf32>
    %get3A_695 = vector.shape_cast %get3A_694 : vector<1x768xf32> to vector<768xf32>
    %swap3A_696 = arith.constant 46 : index
    %swap3A_697 = arith.constant 0 : index
    %swap3A_698 = vector.load %arg3[%swap3A_696, %swap3A_697] : memref<128x768xf32, #tpu.memory_space<vmem>>, vector<1x768xf32>
    %swap3A_699 = vector.shape_cast %swap3A_698 : vector<1x768xf32> to vector<768xf32>
    %swap3A_700 = vector.shape_cast %get3A_695 : vector<768xf32> to vector<1x768xf32>
    tpu.vector_store %arg3[%swap3A_696, %swap3A_697], %swap3A_700 {strides = array<i32>} : memref<128x768xf32, #tpu.memory_space<vmem>>, vector<1x768xf32>,
    %mul3A_701 = arith.constant 128 : i32
    %mul3A_702 = arith.muli %arg0, %mul3A_701 : i32
    %add3A_703 = arith.constant 47 : i32
    %add3A_704 = arith.addi %mul3A_702, %add3A_703 : i32
    %get3A_705 = arith.index_cast %add3A_704 : i32 to index
    %get3A_706 = memref.load %arg1[%get3A_705] : memref<4096xi32, #tpu.memory_space<smem>>
    %get3A_707 = arith.index_cast %get3A_706 : i32 to index
    %get3A_708 = arith.constant 0 : index
    %get3A_709 = vector.load %arg2[%get3A_707, %get3A_708] : memref<2048x768xf32, #tpu.memory_space<vmem>>, vector<1x768xf32>
    %get3A_710 = vector.shape_cast %get3A_709 : vector<1x768xf32> to vector<768xf32>
    %swap3A_711 = arith.constant 47 : index
    %swap3A_712 = arith.constant 0 : index
    %swap3A_713 = vector.load %arg3[%swap3A_711, %swap3A_712] : memref<128x768xf32, #tpu.memory_space<vmem>>, vector<1x768xf32>
    %swap3A_714 = vector.shape_cast %swap3A_713 : vector<1x768xf32> to vector<768xf32>
    %swap3A_715 = vector.shape_cast %get3A_710 : vector<768xf32> to vector<1x768xf32>
    tpu.vector_store %arg3[%swap3A_711, %swap3A_712], %swap3A_715 {strides = array<i32>} : memref<128x768xf32, #tpu.memory_space<vmem>>, vector<1x768xf32>,
    %mul3A_716 = arith.constant 128 : i32
    %mul3A_717 = arith.muli %arg0, %mul3A_716 : i32
    %add3A_718 = arith.constant 48 : i32
    %add3A_719 = arith.addi %mul3A_717, %add3A_718 : i32
    %get3A_720 = arith.index_cast %add3A_719 : i32 to index
    %get3A_721 = memref.load %arg1[%get3A_720] : memref<4096xi32, #tpu.memory_space<smem>>
    %get3A_722 = arith.index_cast %get3A_721 : i32 to index
    %get3A_723 = arith.constant 0 : index
    %get3A_724 = vector.load %arg2[%get3A_722, %get3A_723] : memref<2048x768xf32, #tpu.memory_space<vmem>>, vector<1x768xf32>
    %get3A_725 = vector.shape_cast %get3A_724 : vector<1x768xf32> to vector<768xf32>
    %swap3A_726 = arith.constant 48 : index
    %swap3A_727 = arith.constant 0 : index
    %swap3A_728 = vector.load %arg3[%swap3A_726, %swap3A_727] : memref<128x768xf32, #tpu.memory_space<vmem>>, vector<1x768xf32>
    %swap3A_729 = vector.shape_cast %swap3A_728 : vector<1x768xf32> to vector<768xf32>
    %swap3A_730 = vector.shape_cast %get3A_725 : vector<768xf32> to vector<1x768xf32>
    tpu.vector_store %arg3[%swap3A_726, %swap3A_727], %swap3A_730 {strides = array<i32>} : memref<128x768xf32, #tpu.memory_space<vmem>>, vector<1x768xf32>,
    %mul3A_731 = arith.constant 128 : i32
    %mul3A_732 = arith.muli %arg0, %mul3A_731 : i32
    %add3A_733 = arith.constant 49 : i32
    %add3A_734 = arith.addi %mul3A_732, %add3A_733 : i32
    %get3A_735 = arith.index_cast %add3A_734 : i32 to index
    %get3A_736 = memref.load %arg1[%get3A_735] : memref<4096xi32, #tpu.memory_space<smem>>
    %get3A_737 = arith.index_cast %get3A_736 : i32 to index
    %get3A_738 = arith.constant 0 : index
    %get3A_739 = vector.load %arg2[%get3A_737, %get3A_738] : memref<2048x768xf32, #tpu.memory_space<vmem>>, vector<1x768xf32>
    %get3A_740 = vector.shape_cast %get3A_739 : vector<1x768xf32> to vector<768xf32>
    %swap3A_741 = arith.constant 49 : index
    %swap3A_742 = arith.constant 0 : index
    %swap3A_743 = vector.load %arg3[%swap3A_741, %swap3A_742] : memref<128x768xf32, #tpu.memory_space<vmem>>, vector<1x768xf32>
    %swap3A_744 = vector.shape_cast %swap3A_743 : vector<1x768xf32> to vector<768xf32>
    %swap3A_745 = vector.shape_cast %get3A_740 : vector<768xf32> to vector<1x768xf32>
    tpu.vector_store %arg3[%swap3A_741, %swap3A_742], %swap3A_745 {strides = array<i32>} : memref<128x768xf32, #tpu.memory_space<vmem>>, vector<1x768xf32>,
    %mul3A_746 = arith.constant 128 : i32
    %mul3A_747 = arith.muli %arg0, %mul3A_746 : i32
    %add3A_748 = arith.constant 50 : i32
    %add3A_749 = arith.addi %mul3A_747, %add3A_748 : i32
    %get3A_750 = arith.index_cast %add3A_749 : i32 to index
    %get3A_751 = memref.load %arg1[%get3A_750] : memref<4096xi32, #tpu.memory_space<smem>>
    %get3A_752 = arith.index_cast %get3A_751 : i32 to index
    %get3A_753 = arith.constant 0 : index
    %get3A_754 = vector.load %arg2[%get3A_752, %get3A_753] : memref<2048x768xf32, #tpu.memory_space<vmem>>, vector<1x768xf32>
    %get3A_755 = vector.shape_cast %get3A_754 : vector<1x768xf32> to vector<768xf32>
    %swap3A_756 = arith.constant 50 : index
    %swap3A_757 = arith.constant 0 : index
    %swap3A_758 = vector.load %arg3[%swap3A_756, %swap3A_757] : memref<128x768xf32, #tpu.memory_space<vmem>>, vector<1x768xf32>
    %swap3A_759 = vector.shape_cast %swap3A_758 : vector<1x768xf32> to vector<768xf32>
    %swap3A_760 = vector.shape_cast %get3A_755 : vector<768xf32> to vector<1x768xf32>
    tpu.vector_store %arg3[%swap3A_756, %swap3A_757], %swap3A_760 {strides = array<i32>} : memref<128x768xf32, #tpu.memory_space<vmem>>, vector<1x768xf32>,
    %mul3A_761 = arith.constant 128 : i32
    %mul3A_762 = arith.muli %arg0, %mul3A_761 : i32
    %add3A_763 = arith.constant 51 : i32
    %add3A_764 = arith.addi %mul3A_762, %add3A_763 : i32
    %get3A_765 = arith.index_cast %add3A_764 : i32 to index
    %get3A_766 = memref.load %arg1[%get3A_765] : memref<4096xi32, #tpu.memory_space<smem>>
    %get3A_767 = arith.index_cast %get3A_766 : i32 to index
    %get3A_768 = arith.constant 0 : index
    %get3A_769 = vector.load %arg2[%get3A_767, %get3A_768] : memref<2048x768xf32, #tpu.memory_space<vmem>>, vector<1x768xf32>
    %get3A_770 = vector.shape_cast %get3A_769 : vector<1x768xf32> to vector<768xf32>
    %swap3A_771 = arith.constant 51 : index
    %swap3A_772 = arith.constant 0 : index
    %swap3A_773 = vector.load %arg3[%swap3A_771, %swap3A_772] : memref<128x768xf32, #tpu.memory_space<vmem>>, vector<1x768xf32>
    %swap3A_774 = vector.shape_cast %swap3A_773 : vector<1x768xf32> to vector<768xf32>
    %swap3A_775 = vector.shape_cast %get3A_770 : vector<768xf32> to vector<1x768xf32>
    tpu.vector_store %arg3[%swap3A_771, %swap3A_772], %swap3A_775 {strides = array<i32>} : memref<128x768xf32, #tpu.memory_space<vmem>>, vector<1x768xf32>,
    %mul3A_776 = arith.constant 128 : i32
    %mul3A_777 = arith.muli %arg0, %mul3A_776 : i32
    %add3A_778 = arith.constant 52 : i32
    %add3A_779 = arith.addi %mul3A_777, %add3A_778 : i32
    %get3A_780 = arith.index_cast %add3A_779 : i32 to index
    %get3A_781 = memref.load %arg1[%get3A_780] : memref<4096xi32, #tpu.memory_space<smem>>
    %get3A_782 = arith.index_cast %get3A_781 : i32 to index
    %get3A_783 = arith.constant 0 : index
    %get3A_784 = vector.load %arg2[%get3A_782, %get3A_783] : memref<2048x768xf32, #tpu.memory_space<vmem>>, vector<1x768xf32>
    %get3A_785 = vector.shape_cast %get3A_784 : vector<1x768xf32> to vector<768xf32>
    %swap3A_786 = arith.constant 52 : index
    %swap3A_787 = arith.constant 0 : index
    %swap3A_788 = vector.load %arg3[%swap3A_786, %swap3A_787] : memref<128x768xf32, #tpu.memory_space<vmem>>, vector<1x768xf32>
    %swap3A_789 = vector.shape_cast %swap3A_788 : vector<1x768xf32> to vector<768xf32>
    %swap3A_790 = vector.shape_cast %get3A_785 : vector<768xf32> to vector<1x768xf32>
    tpu.vector_store %arg3[%swap3A_786, %swap3A_787], %swap3A_790 {strides = array<i32>} : memref<128x768xf32, #tpu.memory_space<vmem>>, vector<1x768xf32>,
    %mul3A_791 = arith.constant 128 : i32
    %mul3A_792 = arith.muli %arg0, %mul3A_791 : i32
    %add3A_793 = arith.constant 53 : i32
    %add3A_794 = arith.addi %mul3A_792, %add3A_793 : i32
    %get3A_795 = arith.index_cast %add3A_794 : i32 to index
    %get3A_796 = memref.load %arg1[%get3A_795] : memref<4096xi32, #tpu.memory_space<smem>>
    %get3A_797 = arith.index_cast %get3A_796 : i32 to index
    %get3A_798 = arith.constant 0 : index
    %get3A_799 = vector.load %arg2[%get3A_797, %get3A_798] : memref<2048x768xf32, #tpu.memory_space<vmem>>, vector<1x768xf32>
    %get3A_800 = vector.shape_cast %get3A_799 : vector<1x768xf32> to vector<768xf32>
    %swap3A_801 = arith.constant 53 : index
    %swap3A_802 = arith.constant 0 : index
    %swap3A_803 = vector.load %arg3[%swap3A_801, %swap3A_802] : memref<128x768xf32, #tpu.memory_space<vmem>>, vector<1x768xf32>
    %swap3A_804 = vector.shape_cast %swap3A_803 : vector<1x768xf32> to vector<768xf32>
    %swap3A_805 = vector.shape_cast %get3A_800 : vector<768xf32> to vector<1x768xf32>
    tpu.vector_store %arg3[%swap3A_801, %swap3A_802], %swap3A_805 {strides = array<i32>} : memref<128x768xf32, #tpu.memory_space<vmem>>, vector<1x768xf32>,
    %mul3A_806 = arith.constant 128 : i32
    %mul3A_807 = arith.muli %arg0, %mul3A_806 : i32
    %add3A_808 = arith.constant 54 : i32
    %add3A_809 = arith.addi %mul3A_807, %add3A_808 : i32
    %get3A_810 = arith.index_cast %add3A_809 : i32 to index
    %get3A_811 = memref.load %arg1[%get3A_810] : memref<4096xi32, #tpu.memory_space<smem>>
    %get3A_812 = arith.index_cast %get3A_811 : i32 to index
    %get3A_813 = arith.constant 0 : index
    %get3A_814 = vector.load %arg2[%get3A_812, %get3A_813] : memref<2048x768xf32, #tpu.memory_space<vmem>>, vector<1x768xf32>
    %get3A_815 = vector.shape_cast %get3A_814 : vector<1x768xf32> to vector<768xf32>
    %swap3A_816 = arith.constant 54 : index
    %swap3A_817 = arith.constant 0 : index
    %swap3A_818 = vector.load %arg3[%swap3A_816, %swap3A_817] : memref<128x768xf32, #tpu.memory_space<vmem>>, vector<1x768xf32>
    %swap3A_819 = vector.shape_cast %swap3A_818 : vector<1x768xf32> to vector<768xf32>
    %swap3A_820 = vector.shape_cast %get3A_815 : vector<768xf32> to vector<1x768xf32>
    tpu.vector_store %arg3[%swap3A_816, %swap3A_817], %swap3A_820 {strides = array<i32>} : memref<128x768xf32, #tpu.memory_space<vmem>>, vector<1x768xf32>,
    %mul3A_821 = arith.constant 128 : i32
    %mul3A_822 = arith.muli %arg0, %mul3A_821 : i32
    %add3A_823 = arith.constant 55 : i32
    %add3A_824 = arith.addi %mul3A_822, %add3A_823 : i32
    %get3A_825 = arith.index_cast %add3A_824 : i32 to index
    %get3A_826 = memref.load %arg1[%get3A_825] : memref<4096xi32, #tpu.memory_space<smem>>
    %get3A_827 = arith.index_cast %get3A_826 : i32 to index
    %get3A_828 = arith.constant 0 : index
    %get3A_829 = vector.load %arg2[%get3A_827, %get3A_828] : memref<2048x768xf32, #tpu.memory_space<vmem>>, vector<1x768xf32>
    %get3A_830 = vector.shape_cast %get3A_829 : vector<1x768xf32> to vector<768xf32>
    %swap3A_831 = arith.constant 55 : index
    %swap3A_832 = arith.constant 0 : index
    %swap3A_833 = vector.load %arg3[%swap3A_831, %swap3A_832] : memref<128x768xf32, #tpu.memory_space<vmem>>, vector<1x768xf32>
    %swap3A_834 = vector.shape_cast %swap3A_833 : vector<1x768xf32> to vector<768xf32>
    %swap3A_835 = vector.shape_cast %get3A_830 : vector<768xf32> to vector<1x768xf32>
    tpu.vector_store %arg3[%swap3A_831, %swap3A_832], %swap3A_835 {strides = array<i32>} : memref<128x768xf32, #tpu.memory_space<vmem>>, vector<1x768xf32>,
    %mul3A_836 = arith.constant 128 : i32
    %mul3A_837 = arith.muli %arg0, %mul3A_836 : i32
    %add3A_838 = arith.constant 56 : i32
    %add3A_839 = arith.addi %mul3A_837, %add3A_838 : i32
    %get3A_840 = arith.index_cast %add3A_839 : i32 to index
    %get3A_841 = memref.load %arg1[%get3A_840] : memref<4096xi32, #tpu.memory_space<smem>>
    %get3A_842 = arith.index_cast %get3A_841 : i32 to index
    %get3A_843 = arith.constant 0 : index
    %get3A_844 = vector.load %arg2[%get3A_842, %get3A_843] : memref<2048x768xf32, #tpu.memory_space<vmem>>, vector<1x768xf32>
    %get3A_845 = vector.shape_cast %get3A_844 : vector<1x768xf32> to vector<768xf32>
    %swap3A_846 = arith.constant 56 : index
    %swap3A_847 = arith.constant 0 : index
    %swap3A_848 = vector.load %arg3[%swap3A_846, %swap3A_847] : memref<128x768xf32, #tpu.memory_space<vmem>>, vector<1x768xf32>
    %swap3A_849 = vector.shape_cast %swap3A_848 : vector<1x768xf32> to vector<768xf32>
    %swap3A_850 = vector.shape_cast %get3A_845 : vector<768xf32> to vector<1x768xf32>
    tpu.vector_store %arg3[%swap3A_846, %swap3A_847], %swap3A_850 {strides = array<i32>} : memref<128x768xf32, #tpu.memory_space<vmem>>, vector<1x768xf32>,
    %mul3A_851 = arith.constant 128 : i32
    %mul3A_852 = arith.muli %arg0, %mul3A_851 : i32
    %add3A_853 = arith.constant 57 : i32
    %add3A_854 = arith.addi %mul3A_852, %add3A_853 : i32
    %get3A_855 = arith.index_cast %add3A_854 : i32 to index
    %get3A_856 = memref.load %arg1[%get3A_855] : memref<4096xi32, #tpu.memory_space<smem>>
    %get3A_857 = arith.index_cast %get3A_856 : i32 to index
    %get3A_858 = arith.constant 0 : index
    %get3A_859 = vector.load %arg2[%get3A_857, %get3A_858] : memref<2048x768xf32, #tpu.memory_space<vmem>>, vector<1x768xf32>
    %get3A_860 = vector.shape_cast %get3A_859 : vector<1x768xf32> to vector<768xf32>
    %swap3A_861 = arith.constant 57 : index
    %swap3A_862 = arith.constant 0 : index
    %swap3A_863 = vector.load %arg3[%swap3A_861, %swap3A_862] : memref<128x768xf32, #tpu.memory_space<vmem>>, vector<1x768xf32>
    %swap3A_864 = vector.shape_cast %swap3A_863 : vector<1x768xf32> to vector<768xf32>
    %swap3A_865 = vector.shape_cast %get3A_860 : vector<768xf32> to vector<1x768xf32>
    tpu.vector_store %arg3[%swap3A_861, %swap3A_862], %swap3A_865 {strides = array<i32>} : memref<128x768xf32, #tpu.memory_space<vmem>>, vector<1x768xf32>,
    %mul3A_866 = arith.constant 128 : i32
    %mul3A_867 = arith.muli %arg0, %mul3A_866 : i32
    %add3A_868 = arith.constant 58 : i32
    %add3A_869 = arith.addi %mul3A_867, %add3A_868 : i32
    %get3A_870 = arith.index_cast %add3A_869 : i32 to index
    %get3A_871 = memref.load %arg1[%get3A_870] : memref<4096xi32, #tpu.memory_space<smem>>
    %get3A_872 = arith.index_cast %get3A_871 : i32 to index
    %get3A_873 = arith.constant 0 : index
    %get3A_874 = vector.load %arg2[%get3A_872, %get3A_873] : memref<2048x768xf32, #tpu.memory_space<vmem>>, vector<1x768xf32>
    %get3A_875 = vector.shape_cast %get3A_874 : vector<1x768xf32> to vector<768xf32>
    %swap3A_876 = arith.constant 58 : index
    %swap3A_877 = arith.constant 0 : index
    %swap3A_878 = vector.load %arg3[%swap3A_876, %swap3A_877] : memref<128x768xf32, #tpu.memory_space<vmem>>, vector<1x768xf32>
    %swap3A_879 = vector.shape_cast %swap3A_878 : vector<1x768xf32> to vector<768xf32>
    %swap3A_880 = vector.shape_cast %get3A_875 : vector<768xf32> to vector<1x768xf32>
    tpu.vector_store %arg3[%swap3A_876, %swap3A_877], %swap3A_880 {strides = array<i32>} : memref<128x768xf32, #tpu.memory_space<vmem>>, vector<1x768xf32>,
    %mul3A_881 = arith.constant 128 : i32
    %mul3A_882 = arith.muli %arg0, %mul3A_881 : i32
    %add3A_883 = arith.constant 59 : i32
    %add3A_884 = arith.addi %mul3A_882, %add3A_883 : i32
    %get3A_885 = arith.index_cast %add3A_884 : i32 to index
    %get3A_886 = memref.load %arg1[%get3A_885] : memref<4096xi32, #tpu.memory_space<smem>>
    %get3A_887 = arith.index_cast %get3A_886 : i32 to index
    %get3A_888 = arith.constant 0 : index
    %get3A_889 = vector.load %arg2[%get3A_887, %get3A_888] : memref<2048x768xf32, #tpu.memory_space<vmem>>, vector<1x768xf32>
    %get3A_890 = vector.shape_cast %get3A_889 : vector<1x768xf32> to vector<768xf32>
    %swap3A_891 = arith.constant 59 : index
    %swap3A_892 = arith.constant 0 : index
    %swap3A_893 = vector.load %arg3[%swap3A_891, %swap3A_892] : memref<128x768xf32, #tpu.memory_space<vmem>>, vector<1x768xf32>
    %swap3A_894 = vector.shape_cast %swap3A_893 : vector<1x768xf32> to vector<768xf32>
    %swap3A_895 = vector.shape_cast %get3A_890 : vector<768xf32> to vector<1x768xf32>
    tpu.vector_store %arg3[%swap3A_891, %swap3A_892], %swap3A_895 {strides = array<i32>} : memref<128x768xf32, #tpu.memory_space<vmem>>, vector<1x768xf32>,
    %mul3A_896 = arith.constant 128 : i32
    %mul3A_897 = arith.muli %arg0, %mul3A_896 : i32
    %add3A_898 = arith.constant 60 : i32
    %add3A_899 = arith.addi %mul3A_897, %add3A_898 : i32
    %get3A_900 = arith.index_cast %add3A_899 : i32 to index
    %get3A_901 = memref.load %arg1[%get3A_900] : memref<4096xi32, #tpu.memory_space<smem>>
    %get3A_902 = arith.index_cast %get3A_901 : i32 to index
    %get3A_903 = arith.constant 0 : index
    %get3A_904 = vector.load %arg2[%get3A_902, %get3A_903] : memref<2048x768xf32, #tpu.memory_space<vmem>>, vector<1x768xf32>
    %get3A_905 = vector.shape_cast %get3A_904 : vector<1x768xf32> to vector<768xf32>
    %swap3A_906 = arith.constant 60 : index
    %swap3A_907 = arith.constant 0 : index
    %swap3A_908 = vector.load %arg3[%swap3A_906, %swap3A_907] : memref<128x768xf32, #tpu.memory_space<vmem>>, vector<1x768xf32>
    %swap3A_909 = vector.shape_cast %swap3A_908 : vector<1x768xf32> to vector<768xf32>
    %swap3A_910 = vector.shape_cast %get3A_905 : vector<768xf32> to vector<1x768xf32>
    tpu.vector_store %arg3[%swap3A_906, %swap3A_907], %swap3A_910 {strides = array<i32>} : memref<128x768xf32, #tpu.memory_space<vmem>>, vector<1x768xf32>,
    %mul3A_911 = arith.constant 128 : i32
    %mul3A_912 = arith.muli %arg0, %mul3A_911 : i32
    %add3A_913 = arith.constant 61 : i32
    %add3A_914 = arith.addi %mul3A_912, %add3A_913 : i32
    %get3A_915 = arith.index_cast %add3A_914 : i32 to index
    %get3A_916 = memref.load %arg1[%get3A_915] : memref<4096xi32, #tpu.memory_space<smem>>
    %get3A_917 = arith.index_cast %get3A_916 : i32 to index
    %get3A_918 = arith.constant 0 : index
    %get3A_919 = vector.load %arg2[%get3A_917, %get3A_918] : memref<2048x768xf32, #tpu.memory_space<vmem>>, vector<1x768xf32>
    %get3A_920 = vector.shape_cast %get3A_919 : vector<1x768xf32> to vector<768xf32>
    %swap3A_921 = arith.constant 61 : index
    %swap3A_922 = arith.constant 0 : index
    %swap3A_923 = vector.load %arg3[%swap3A_921, %swap3A_922] : memref<128x768xf32, #tpu.memory_space<vmem>>, vector<1x768xf32>
    %swap3A_924 = vector.shape_cast %swap3A_923 : vector<1x768xf32> to vector<768xf32>
    %swap3A_925 = vector.shape_cast %get3A_920 : vector<768xf32> to vector<1x768xf32>
    tpu.vector_store %arg3[%swap3A_921, %swap3A_922], %swap3A_925 {strides = array<i32>} : memref<128x768xf32, #tpu.memory_space<vmem>>, vector<1x768xf32>,
    %mul3A_926 = arith.constant 128 : i32
    %mul3A_927 = arith.muli %arg0, %mul3A_926 : i32
    %add3A_928 = arith.constant 62 : i32
    %add3A_929 = arith.addi %mul3A_927, %add3A_928 : i32
    %get3A_930 = arith.index_cast %add3A_929 : i32 to index
    %get3A_931 = memref.load %arg1[%get3A_930] : memref<4096xi32, #tpu.memory_space<smem>>
    %get3A_932 = arith.index_cast %get3A_931 : i32 to index
    %get3A_933 = arith.constant 0 : index
    %get3A_934 = vector.load %arg2[%get3A_932, %get3A_933] : memref<2048x768xf32, #tpu.memory_space<vmem>>, vector<1x768xf32>
    %get3A_935 = vector.shape_cast %get3A_934 : vector<1x768xf32> to vector<768xf32>
    %swap3A_936 = arith.constant 62 : index
    %swap3A_937 = arith.constant 0 : index
    %swap3A_938 = vector.load %arg3[%swap3A_936, %swap3A_937] : memref<128x768xf32, #tpu.memory_space<vmem>>, vector<1x768xf32>
    %swap3A_939 = vector.shape_cast %swap3A_938 : vector<1x768xf32> to vector<768xf32>
    %swap3A_940 = vector.shape_cast %get3A_935 : vector<768xf32> to vector<1x768xf32>
    tpu.vector_store %arg3[%swap3A_936, %swap3A_937], %swap3A_940 {strides = array<i32>} : memref<128x768xf32, #tpu.memory_space<vmem>>, vector<1x768xf32>,
    %mul3A_941 = arith.constant 128 : i32
    %mul3A_942 = arith.muli %arg0, %mul3A_941 : i32
    %add3A_943 = arith.constant 63 : i32
    %add3A_944 = arith.addi %mul3A_942, %add3A_943 : i32
    %get3A_945 = arith.index_cast %add3A_944 : i32 to index
    %get3A_946 = memref.load %arg1[%get3A_945] : memref<4096xi32, #tpu.memory_space<smem>>
    %get3A_947 = arith.index_cast %get3A_946 : i32 to index
    %get3A_948 = arith.constant 0 : index
    %get3A_949 = vector.load %arg2[%get3A_947, %get3A_948] : memref<2048x768xf32, #tpu.memory_space<vmem>>, vector<1x768xf32>
    %get3A_950 = vector.shape_cast %get3A_949 : vector<1x768xf32> to vector<768xf32>
    %swap3A_951 = arith.constant 63 : index
    %swap3A_952 = arith.constant 0 : index
    %swap3A_953 = vector.load %arg3[%swap3A_951, %swap3A_952] : memref<128x768xf32, #tpu.memory_space<vmem>>, vector<1x768xf32>
    %swap3A_954 = vector.shape_cast %swap3A_953 : vector<1x768xf32> to vector<768xf32>
    %swap3A_955 = vector.shape_cast %get3A_950 : vector<768xf32> to vector<1x768xf32>
    tpu.vector_store %arg3[%swap3A_951, %swap3A_952], %swap3A_955 {strides = array<i32>} : memref<128x768xf32, #tpu.memory_space<vmem>>, vector<1x768xf32>,
    %mul3A_956 = arith.constant 128 : i32
    %mul3A_957 = arith.muli %arg0, %mul3A_956 : i32
    %add3A_958 = arith.constant 64 : i32
    %add3A_959 = arith.addi %mul3A_957, %add3A_958 : i32
    %get3A_960 = arith.index_cast %add3A_959 : i32 to index
    %get3A_961 = memref.load %arg1[%get3A_960] : memref<4096xi32, #tpu.memory_space<smem>>
    %get3A_962 = arith.index_cast %get3A_961 : i32 to index
    %get3A_963 = arith.constant 0 : index
    %get3A_964 = vector.load %arg2[%get3A_962, %get3A_963] : memref<2048x768xf32, #tpu.memory_space<vmem>>, vector<1x768xf32>
    %get3A_965 = vector.shape_cast %get3A_964 : vector<1x768xf32> to vector<768xf32>
    %swap3A_966 = arith.constant 64 : index
    %swap3A_967 = arith.constant 0 : index
    %swap3A_968 = vector.load %arg3[%swap3A_966, %swap3A_967] : memref<128x768xf32, #tpu.memory_space<vmem>>, vector<1x768xf32>
    %swap3A_969 = vector.shape_cast %swap3A_968 : vector<1x768xf32> to vector<768xf32>
    %swap3A_970 = vector.shape_cast %get3A_965 : vector<768xf32> to vector<1x768xf32>
    tpu.vector_store %arg3[%swap3A_966, %swap3A_967], %swap3A_970 {strides = array<i32>} : memref<128x768xf32, #tpu.memory_space<vmem>>, vector<1x768xf32>,
    %mul3A_971 = arith.constant 128 : i32
    %mul3A_972 = arith.muli %arg0, %mul3A_971 : i32
    %add3A_973 = arith.constant 65 : i32
    %add3A_974 = arith.addi %mul3A_972, %add3A_973 : i32
    %get3A_975 = arith.index_cast %add3A_974 : i32 to index
    %get3A_976 = memref.load %arg1[%get3A_975] : memref<4096xi32, #tpu.memory_space<smem>>
    %get3A_977 = arith.index_cast %get3A_976 : i32 to index
    %get3A_978 = arith.constant 0 : index
    %get3A_979 = vector.load %arg2[%get3A_977, %get3A_978] : memref<2048x768xf32, #tpu.memory_space<vmem>>, vector<1x768xf32>
    %get3A_980 = vector.shape_cast %get3A_979 : vector<1x768xf32> to vector<768xf32>
    %swap3A_981 = arith.constant 65 : index
    %swap3A_982 = arith.constant 0 : index
    %swap3A_983 = vector.load %arg3[%swap3A_981, %swap3A_982] : memref<128x768xf32, #tpu.memory_space<vmem>>, vector<1x768xf32>
    %swap3A_984 = vector.shape_cast %swap3A_983 : vector<1x768xf32> to vector<768xf32>
    %swap3A_985 = vector.shape_cast %get3A_980 : vector<768xf32> to vector<1x768xf32>
    tpu.vector_store %arg3[%swap3A_981, %swap3A_982], %swap3A_985 {strides = array<i32>} : memref<128x768xf32, #tpu.memory_space<vmem>>, vector<1x768xf32>,
    %mul3A_986 = arith.constant 128 : i32
    %mul3A_987 = arith.muli %arg0, %mul3A_986 : i32
    %add3A_988 = arith.constant 66 : i32
    %add3A_989 = arith.addi %mul3A_987, %add3A_988 : i32
    %get3A_990 = arith.index_cast %add3A_989 : i32 to index
    %get3A_991 = memref.load %arg1[%get3A_990] : memref<4096xi32, #tpu.memory_space<smem>>
    %get3A_992 = arith.index_cast %get3A_991 : i32 to index
    %get3A_993 = arith.constant 0 : index
    %get3A_994 = vector.load %arg2[%get3A_992, %get3A_993] : memref<2048x768xf32, #tpu.memory_space<vmem>>, vector<1x768xf32>
    %get3A_995 = vector.shape_cast %get3A_994 : vector<1x768xf32> to vector<768xf32>
    %swap3A_996 = arith.constant 66 : index
    %swap3A_997 = arith.constant 0 : index
    %swap3A_998 = vector.load %arg3[%swap3A_996, %swap3A_997] : memref<128x768xf32, #tpu.memory_space<vmem>>, vector<1x768xf32>
    %swap3A_999 = vector.shape_cast %swap3A_998 : vector<1x768xf32> to vector<768xf32>
    %swap3A_1000 = vector.shape_cast %get3A_995 : vector<768xf32> to vector<1x768xf32>
    tpu.vector_store %arg3[%swap3A_996, %swap3A_997], %swap3A_1000 {strides = array<i32>} : memref<128x768xf32, #tpu.memory_space<vmem>>, vector<1x768xf32>,
    %mul3A_1001 = arith.constant 128 : i32
    %mul3A_1002 = arith.muli %arg0, %mul3A_1001 : i32
    %add3A_1003 = arith.constant 67 : i32
    %add3A_1004 = arith.addi %mul3A_1002, %add3A_1003 : i32
    %get3A_1005 = arith.index_cast %add3A_1004 : i32 to index
    %get3A_1006 = memref.load %arg1[%get3A_1005] : memref<4096xi32, #tpu.memory_space<smem>>
    %get3A_1007 = arith.index_cast %get3A_1006 : i32 to index
    %get3A_1008 = arith.constant 0 : index
    %get3A_1009 = vector.load %arg2[%get3A_1007, %get3A_1008] : memref<2048x768xf32, #tpu.memory_space<vmem>>, vector<1x768xf32>
    %get3A_1010 = vector.shape_cast %get3A_1009 : vector<1x768xf32> to vector<768xf32>
    %swap3A_1011 = arith.constant 67 : index
    %swap3A_1012 = arith.constant 0 : index
    %swap3A_1013 = vector.load %arg3[%swap3A_1011, %swap3A_1012] : memref<128x768xf32, #tpu.memory_space<vmem>>, vector<1x768xf32>
    %swap3A_1014 = vector.shape_cast %swap3A_1013 : vector<1x768xf32> to vector<768xf32>
    %swap3A_1015 = vector.shape_cast %get3A_1010 : vector<768xf32> to vector<1x768xf32>
    tpu.vector_store %arg3[%swap3A_1011, %swap3A_1012], %swap3A_1015 {strides = array<i32>} : memref<128x768xf32, #tpu.memory_space<vmem>>, vector<1x768xf32>,
    %mul3A_1016 = arith.constant 128 : i32
    %mul3A_1017 = arith.muli %arg0, %mul3A_1016 : i32
    %add3A_1018 = arith.constant 68 : i32
    %add3A_1019 = arith.addi %mul3A_1017, %add3A_1018 : i32
    %get3A_1020 = arith.index_cast %add3A_1019 : i32 to index
    %get3A_1021 = memref.load %arg1[%get3A_1020] : memref<4096xi32, #tpu.memory_space<smem>>
    %get3A_1022 = arith.index_cast %get3A_1021 : i32 to index
    %get3A_1023 = arith.constant 0 : index
    %get3A_1024 = vector.load %arg2[%get3A_1022, %get3A_1023] : memref<2048x768xf32, #tpu.memory_space<vmem>>, vector<1x768xf32>
    %get3A_1025 = vector.shape_cast %get3A_1024 : vector<1x768xf32> to vector<768xf32>
    %swap3A_1026 = arith.constant 68 : index
    %swap3A_1027 = arith.constant 0 : index
    %swap3A_1028 = vector.load %arg3[%swap3A_1026, %swap3A_1027] : memref<128x768xf32, #tpu.memory_space<vmem>>, vector<1x768xf32>
    %swap3A_1029 = vector.shape_cast %swap3A_1028 : vector<1x768xf32> to vector<768xf32>
    %swap3A_1030 = vector.shape_cast %get3A_1025 : vector<768xf32> to vector<1x768xf32>
    tpu.vector_store %arg3[%swap3A_1026, %swap3A_1027], %swap3A_1030 {strides = array<i32>} : memref<128x768xf32, #tpu.memory_space<vmem>>, vector<1x768xf32>,
    %mul3A_1031 = arith.constant 128 : i32
    %mul3A_1032 = arith.muli %arg0, %mul3A_1031 : i32
    %add3A_1033 = arith.constant 69 : i32
    %add3A_1034 = arith.addi %mul3A_1032, %add3A_1033 : i32
    %get3A_1035 = arith.index_cast %add3A_1034 : i32 to index
    %get3A_1036 = memref.load %arg1[%get3A_1035] : memref<4096xi32, #tpu.memory_space<smem>>
    %get3A_1037 = arith.index_cast %get3A_1036 : i32 to index
    %get3A_1038 = arith.constant 0 : index
    %get3A_1039 = vector.load %arg2[%get3A_1037, %get3A_1038] : memref<2048x768xf32, #tpu.memory_space<vmem>>, vector<1x768xf32>
    %get3A_1040 = vector.shape_cast %get3A_1039 : vector<1x768xf32> to vector<768xf32>
    %swap3A_1041 = arith.constant 69 : index
    %swap3A_1042 = arith.constant 0 : index
    %swap3A_1043 = vector.load %arg3[%swap3A_1041, %swap3A_1042] : memref<128x768xf32, #tpu.memory_space<vmem>>, vector<1x768xf32>
    %swap3A_1044 = vector.shape_cast %swap3A_1043 : vector<1x768xf32> to vector<768xf32>
    %swap3A_1045 = vector.shape_cast %get3A_1040 : vector<768xf32> to vector<1x768xf32>
    tpu.vector_store %arg3[%swap3A_1041, %swap3A_1042], %swap3A_1045 {strides = array<i32>} : memref<128x768xf32, #tpu.memory_space<vmem>>, vector<1x768xf32>,
    %mul3A_1046 = arith.constant 128 : i32
    %mul3A_1047 = arith.muli %arg0, %mul3A_1046 : i32
    %add3A_1048 = arith.constant 70 : i32
    %add3A_1049 = arith.addi %mul3A_1047, %add3A_1048 : i32
    %get3A_1050 = arith.index_cast %add3A_1049 : i32 to index
    %get3A_1051 = memref.load %arg1[%get3A_1050] : memref<4096xi32, #tpu.memory_space<smem>>
    %get3A_1052 = arith.index_cast %get3A_1051 : i32 to index
    %get3A_1053 = arith.constant 0 : index
    %get3A_1054 = vector.load %arg2[%get3A_1052, %get3A_1053] : memref<2048x768xf32, #tpu.memory_space<vmem>>, vector<1x768xf32>
    %get3A_1055 = vector.shape_cast %get3A_1054 : vector<1x768xf32> to vector<768xf32>
    %swap3A_1056 = arith.constant 70 : index
    %swap3A_1057 = arith.constant 0 : index
    %swap3A_1058 = vector.load %arg3[%swap3A_1056, %swap3A_1057] : memref<128x768xf32, #tpu.memory_space<vmem>>, vector<1x768xf32>
    %swap3A_1059 = vector.shape_cast %swap3A_1058 : vector<1x768xf32> to vector<768xf32>
    %swap3A_1060 = vector.shape_cast %get3A_1055 : vector<768xf32> to vector<1x768xf32>
    tpu.vector_store %arg3[%swap3A_1056, %swap3A_1057], %swap3A_1060 {strides = array<i32>} : memref<128x768xf32, #tpu.memory_space<vmem>>, vector<1x768xf32>,
    %mul3A_1061 = arith.constant 128 : i32
    %mul3A_1062 = arith.muli %arg0, %mul3A_1061 : i32
    %add3A_1063 = arith.constant 71 : i32
    %add3A_1064 = arith.addi %mul3A_1062, %add3A_1063 : i32
    %get3A_1065 = arith.index_cast %add3A_1064 : i32 to index
    %get3A_1066 = memref.load %arg1[%get3A_1065] : memref<4096xi32, #tpu.memory_space<smem>>
    %get3A_1067 = arith.index_cast %get3A_1066 : i32 to index
    %get3A_1068 = arith.constant 0 : index
    %get3A_1069 = vector.load %arg2[%get3A_1067, %get3A_1068] : memref<2048x768xf32, #tpu.memory_space<vmem>>, vector<1x768xf32>
    %get3A_1070 = vector.shape_cast %get3A_1069 : vector<1x768xf32> to vector<768xf32>
    %swap3A_1071 = arith.constant 71 : index
    %swap3A_1072 = arith.constant 0 : index
    %swap3A_1073 = vector.load %arg3[%swap3A_1071, %swap3A_1072] : memref<128x768xf32, #tpu.memory_space<vmem>>, vector<1x768xf32>
    %swap3A_1074 = vector.shape_cast %swap3A_1073 : vector<1x768xf32> to vector<768xf32>
    %swap3A_1075 = vector.shape_cast %get3A_1070 : vector<768xf32> to vector<1x768xf32>
    tpu.vector_store %arg3[%swap3A_1071, %swap3A_1072], %swap3A_1075 {strides = array<i32>} : memref<128x768xf32, #tpu.memory_space<vmem>>, vector<1x768xf32>,
    %mul3A_1076 = arith.constant 128 : i32
    %mul3A_1077 = arith.muli %arg0, %mul3A_1076 : i32
    %add3A_1078 = arith.constant 72 : i32
    %add3A_1079 = arith.addi %mul3A_1077, %add3A_1078 : i32
    %get3A_1080 = arith.index_cast %add3A_1079 : i32 to index
    %get3A_1081 = memref.load %arg1[%get3A_1080] : memref<4096xi32, #tpu.memory_space<smem>>
    %get3A_1082 = arith.index_cast %get3A_1081 : i32 to index
    %get3A_1083 = arith.constant 0 : index
    %get3A_1084 = vector.load %arg2[%get3A_1082, %get3A_1083] : memref<2048x768xf32, #tpu.memory_space<vmem>>, vector<1x768xf32>
    %get3A_1085 = vector.shape_cast %get3A_1084 : vector<1x768xf32> to vector<768xf32>
    %swap3A_1086 = arith.constant 72 : index
    %swap3A_1087 = arith.constant 0 : index
    %swap3A_1088 = vector.load %arg3[%swap3A_1086, %swap3A_1087] : memref<128x768xf32, #tpu.memory_space<vmem>>, vector<1x768xf32>
    %swap3A_1089 = vector.shape_cast %swap3A_1088 : vector<1x768xf32> to vector<768xf32>
    %swap3A_1090 = vector.shape_cast %get3A_1085 : vector<768xf32> to vector<1x768xf32>
    tpu.vector_store %arg3[%swap3A_1086, %swap3A_1087], %swap3A_1090 {strides = array<i32>} : memref<128x768xf32, #tpu.memory_space<vmem>>, vector<1x768xf32>,
    %mul3A_1091 = arith.constant 128 : i32
    %mul3A_1092 = arith.muli %arg0, %mul3A_1091 : i32
    %add3A_1093 = arith.constant 73 : i32
    %add3A_1094 = arith.addi %mul3A_1092, %add3A_1093 : i32
    %get3A_1095 = arith.index_cast %add3A_1094 : i32 to index
    %get3A_1096 = memref.load %arg1[%get3A_1095] : memref<4096xi32, #tpu.memory_space<smem>>
    %get3A_1097 = arith.index_cast %get3A_1096 : i32 to index
    %get3A_1098 = arith.constant 0 : index
    %get3A_1099 = vector.load %arg2[%get3A_1097, %get3A_1098] : memref<2048x768xf32, #tpu.memory_space<vmem>>, vector<1x768xf32>
    %get3A_1100 = vector.shape_cast %get3A_1099 : vector<1x768xf32> to vector<768xf32>
    %swap3A_1101 = arith.constant 73 : index
    %swap3A_1102 = arith.constant 0 : index
    %swap3A_1103 = vector.load %arg3[%swap3A_1101, %swap3A_1102] : memref<128x768xf32, #tpu.memory_space<vmem>>, vector<1x768xf32>
    %swap3A_1104 = vector.shape_cast %swap3A_1103 : vector<1x768xf32> to vector<768xf32>
    %swap3A_1105 = vector.shape_cast %get3A_1100 : vector<768xf32> to vector<1x768xf32>
    tpu.vector_store %arg3[%swap3A_1101, %swap3A_1102], %swap3A_1105 {strides = array<i32>} : memref<128x768xf32, #tpu.memory_space<vmem>>, vector<1x768xf32>,
    %mul3A_1106 = arith.constant 128 : i32
    %mul3A_1107 = arith.muli %arg0, %mul3A_1106 : i32
    %add3A_1108 = arith.constant 74 : i32
    %add3A_1109 = arith.addi %mul3A_1107, %add3A_1108 : i32
    %get3A_1110 = arith.index_cast %add3A_1109 : i32 to index
    %get3A_1111 = memref.load %arg1[%get3A_1110] : memref<4096xi32, #tpu.memory_space<smem>>
    %get3A_1112 = arith.index_cast %get3A_1111 : i32 to index
    %get3A_1113 = arith.constant 0 : index
    %get3A_1114 = vector.load %arg2[%get3A_1112, %get3A_1113] : memref<2048x768xf32, #tpu.memory_space<vmem>>, vector<1x768xf32>
    %get3A_1115 = vector.shape_cast %get3A_1114 : vector<1x768xf32> to vector<768xf32>
    %swap3A_1116 = arith.constant 74 : index
    %swap3A_1117 = arith.constant 0 : index
    %swap3A_1118 = vector.load %arg3[%swap3A_1116, %swap3A_1117] : memref<128x768xf32, #tpu.memory_space<vmem>>, vector<1x768xf32>
    %swap3A_1119 = vector.shape_cast %swap3A_1118 : vector<1x768xf32> to vector<768xf32>
    %swap3A_1120 = vector.shape_cast %get3A_1115 : vector<768xf32> to vector<1x768xf32>
    tpu.vector_store %arg3[%swap3A_1116, %swap3A_1117], %swap3A_1120 {strides = array<i32>} : memref<128x768xf32, #tpu.memory_space<vmem>>, vector<1x768xf32>,
    %mul3A_1121 = arith.constant 128 : i32
    %mul3A_1122 = arith.muli %arg0, %mul3A_1121 : i32
    %add3A_1123 = arith.constant 75 : i32
    %add3A_1124 = arith.addi %mul3A_1122, %add3A_1123 : i32
    %get3A_1125 = arith.index_cast %add3A_1124 : i32 to index
    %get3A_1126 = memref.load %arg1[%get3A_1125] : memref<4096xi32, #tpu.memory_space<smem>>
    %get3A_1127 = arith.index_cast %get3A_1126 : i32 to index
    %get3A_1128 = arith.constant 0 : index
    %get3A_1129 = vector.load %arg2[%get3A_1127, %get3A_1128] : memref<2048x768xf32, #tpu.memory_space<vmem>>, vector<1x768xf32>
    %get3A_1130 = vector.shape_cast %get3A_1129 : vector<1x768xf32> to vector<768xf32>
    %swap3A_1131 = arith.constant 75 : index
    %swap3A_1132 = arith.constant 0 : index
    %swap3A_1133 = vector.load %arg3[%swap3A_1131, %swap3A_1132] : memref<128x768xf32, #tpu.memory_space<vmem>>, vector<1x768xf32>
    %swap3A_1134 = vector.shape_cast %swap3A_1133 : vector<1x768xf32> to vector<768xf32>
    %swap3A_1135 = vector.shape_cast %get3A_1130 : vector<768xf32> to vector<1x768xf32>
    tpu.vector_store %arg3[%swap3A_1131, %swap3A_1132], %swap3A_1135 {strides = array<i32>} : memref<128x768xf32, #tpu.memory_space<vmem>>, vector<1x768xf32>,
    %mul3A_1136 = arith.constant 128 : i32
    %mul3A_1137 = arith.muli %arg0, %mul3A_1136 : i32
    %add3A_1138 = arith.constant 76 : i32
    %add3A_1139 = arith.addi %mul3A_1137, %add3A_1138 : i32
    %get3A_1140 = arith.index_cast %add3A_1139 : i32 to index
    %get3A_1141 = memref.load %arg1[%get3A_1140] : memref<4096xi32, #tpu.memory_space<smem>>
    %get3A_1142 = arith.index_cast %get3A_1141 : i32 to index
    %get3A_1143 = arith.constant 0 : index
    %get3A_1144 = vector.load %arg2[%get3A_1142, %get3A_1143] : memref<2048x768xf32, #tpu.memory_space<vmem>>, vector<1x768xf32>
    %get3A_1145 = vector.shape_cast %get3A_1144 : vector<1x768xf32> to vector<768xf32>
    %swap3A_1146 = arith.constant 76 : index
    %swap3A_1147 = arith.constant 0 : index
    %swap3A_1148 = vector.load %arg3[%swap3A_1146, %swap3A_1147] : memref<128x768xf32, #tpu.memory_space<vmem>>, vector<1x768xf32>
    %swap3A_1149 = vector.shape_cast %swap3A_1148 : vector<1x768xf32> to vector<768xf32>
    %swap3A_1150 = vector.shape_cast %get3A_1145 : vector<768xf32> to vector<1x768xf32>
    tpu.vector_store %arg3[%swap3A_1146, %swap3A_1147], %swap3A_1150 {strides = array<i32>} : memref<128x768xf32, #tpu.memory_space<vmem>>, vector<1x768xf32>,
    %mul3A_1151 = arith.constant 128 : i32
    %mul3A_1152 = arith.muli %arg0, %mul3A_1151 : i32
    %add3A_1153 = arith.constant 77 : i32
    %add3A_1154 = arith.addi %mul3A_1152, %add3A_1153 : i32
    %get3A_1155 = arith.index_cast %add3A_1154 : i32 to index
    %get3A_1156 = memref.load %arg1[%get3A_1155] : memref<4096xi32, #tpu.memory_space<smem>>
    %get3A_1157 = arith.index_cast %get3A_1156 : i32 to index
    %get3A_1158 = arith.constant 0 : index
    %get3A_1159 = vector.load %arg2[%get3A_1157, %get3A_1158] : memref<2048x768xf32, #tpu.memory_space<vmem>>, vector<1x768xf32>
    %get3A_1160 = vector.shape_cast %get3A_1159 : vector<1x768xf32> to vector<768xf32>
    %swap3A_1161 = arith.constant 77 : index
    %swap3A_1162 = arith.constant 0 : index
    %swap3A_1163 = vector.load %arg3[%swap3A_1161, %swap3A_1162] : memref<128x768xf32, #tpu.memory_space<vmem>>, vector<1x768xf32>
    %swap3A_1164 = vector.shape_cast %swap3A_1163 : vector<1x768xf32> to vector<768xf32>
    %swap3A_1165 = vector.shape_cast %get3A_1160 : vector<768xf32> to vector<1x768xf32>
    tpu.vector_store %arg3[%swap3A_1161, %swap3A_1162], %swap3A_1165 {strides = array<i32>} : memref<128x768xf32, #tpu.memory_space<vmem>>, vector<1x768xf32>,
    %mul3A_1166 = arith.constant 128 : i32
    %mul3A_1167 = arith.muli %arg0, %mul3A_1166 : i32
    %add3A_1168 = arith.constant 78 : i32
    %add3A_1169 = arith.addi %mul3A_1167, %add3A_1168 : i32
    %get3A_1170 = arith.index_cast %add3A_1169 : i32 to index
    %get3A_1171 = memref.load %arg1[%get3A_1170] : memref<4096xi32, #tpu.memory_space<smem>>
    %get3A_1172 = arith.index_cast %get3A_1171 : i32 to index
    %get3A_1173 = arith.constant 0 : index
    %get3A_1174 = vector.load %arg2[%get3A_1172, %get3A_1173] : memref<2048x768xf32, #tpu.memory_space<vmem>>, vector<1x768xf32>
    %get3A_1175 = vector.shape_cast %get3A_1174 : vector<1x768xf32> to vector<768xf32>
    %swap3A_1176 = arith.constant 78 : index
    %swap3A_1177 = arith.constant 0 : index
    %swap3A_1178 = vector.load %arg3[%swap3A_1176, %swap3A_1177] : memref<128x768xf32, #tpu.memory_space<vmem>>, vector<1x768xf32>
    %swap3A_1179 = vector.shape_cast %swap3A_1178 : vector<1x768xf32> to vector<768xf32>
    %swap3A_1180 = vector.shape_cast %get3A_1175 : vector<768xf32> to vector<1x768xf32>
    tpu.vector_store %arg3[%swap3A_1176, %swap3A_1177], %swap3A_1180 {strides = array<i32>} : memref<128x768xf32, #tpu.memory_space<vmem>>, vector<1x768xf32>,
    %mul3A_1181 = arith.constant 128 : i32
    %mul3A_1182 = arith.muli %arg0, %mul3A_1181 : i32
    %add3A_1183 = arith.constant 79 : i32
    %add3A_1184 = arith.addi %mul3A_1182, %add3A_1183 : i32
    %get3A_1185 = arith.index_cast %add3A_1184 : i32 to index
    %get3A_1186 = memref.load %arg1[%get3A_1185] : memref<4096xi32, #tpu.memory_space<smem>>
    %get3A_1187 = arith.index_cast %get3A_1186 : i32 to index
    %get3A_1188 = arith.constant 0 : index
    %get3A_1189 = vector.load %arg2[%get3A_1187, %get3A_1188] : memref<2048x768xf32, #tpu.memory_space<vmem>>, vector<1x768xf32>
    %get3A_1190 = vector.shape_cast %get3A_1189 : vector<1x768xf32> to vector<768xf32>
    %swap3A_1191 = arith.constant 79 : index
    %swap3A_1192 = arith.constant 0 : index
    %swap3A_1193 = vector.load %arg3[%swap3A_1191, %swap3A_1192] : memref<128x768xf32, #tpu.memory_space<vmem>>, vector<1x768xf32>
    %swap3A_1194 = vector.shape_cast %swap3A_1193 : vector<1x768xf32> to vector<768xf32>
    %swap3A_1195 = vector.shape_cast %get3A_1190 : vector<768xf32> to vector<1x768xf32>
    tpu.vector_store %arg3[%swap3A_1191, %swap3A_1192], %swap3A_1195 {strides = array<i32>} : memref<128x768xf32, #tpu.memory_space<vmem>>, vector<1x768xf32>,
    %mul3A_1196 = arith.constant 128 : i32
    %mul3A_1197 = arith.muli %arg0, %mul3A_1196 : i32
    %add3A_1198 = arith.constant 80 : i32
    %add3A_1199 = arith.addi %mul3A_1197, %add3A_1198 : i32
    %get3A_1200 = arith.index_cast %add3A_1199 : i32 to index
    %get3A_1201 = memref.load %arg1[%get3A_1200] : memref<4096xi32, #tpu.memory_space<smem>>
    %get3A_1202 = arith.index_cast %get3A_1201 : i32 to index
    %get3A_1203 = arith.constant 0 : index
    %get3A_1204 = vector.load %arg2[%get3A_1202, %get3A_1203] : memref<2048x768xf32, #tpu.memory_space<vmem>>, vector<1x768xf32>
    %get3A_1205 = vector.shape_cast %get3A_1204 : vector<1x768xf32> to vector<768xf32>
    %swap3A_1206 = arith.constant 80 : index
    %swap3A_1207 = arith.constant 0 : index
    %swap3A_1208 = vector.load %arg3[%swap3A_1206, %swap3A_1207] : memref<128x768xf32, #tpu.memory_space<vmem>>, vector<1x768xf32>
    %swap3A_1209 = vector.shape_cast %swap3A_1208 : vector<1x768xf32> to vector<768xf32>
    %swap3A_1210 = vector.shape_cast %get3A_1205 : vector<768xf32> to vector<1x768xf32>
    tpu.vector_store %arg3[%swap3A_1206, %swap3A_1207], %swap3A_1210 {strides = array<i32>} : memref<128x768xf32, #tpu.memory_space<vmem>>, vector<1x768xf32>,
    %mul3A_1211 = arith.constant 128 : i32
    %mul3A_1212 = arith.muli %arg0, %mul3A_1211 : i32
    %add3A_1213 = arith.constant 81 : i32
    %add3A_1214 = arith.addi %mul3A_1212, %add3A_1213 : i32
    %get3A_1215 = arith.index_cast %add3A_1214 : i32 to index
    %get3A_1216 = memref.load %arg1[%get3A_1215] : memref<4096xi32, #tpu.memory_space<smem>>
    %get3A_1217 = arith.index_cast %get3A_1216 : i32 to index
    %get3A_1218 = arith.constant 0 : index
    %get3A_1219 = vector.load %arg2[%get3A_1217, %get3A_1218] : memref<2048x768xf32, #tpu.memory_space<vmem>>, vector<1x768xf32>
    %get3A_1220 = vector.shape_cast %get3A_1219 : vector<1x768xf32> to vector<768xf32>
    %swap3A_1221 = arith.constant 81 : index
    %swap3A_1222 = arith.constant 0 : index
    %swap3A_1223 = vector.load %arg3[%swap3A_1221, %swap3A_1222] : memref<128x768xf32, #tpu.memory_space<vmem>>, vector<1x768xf32>
    %swap3A_1224 = vector.shape_cast %swap3A_1223 : vector<1x768xf32> to vector<768xf32>
    %swap3A_1225 = vector.shape_cast %get3A_1220 : vector<768xf32> to vector<1x768xf32>
    tpu.vector_store %arg3[%swap3A_1221, %swap3A_1222], %swap3A_1225 {strides = array<i32>} : memref<128x768xf32, #tpu.memory_space<vmem>>, vector<1x768xf32>,
    %mul3A_1226 = arith.constant 128 : i32
    %mul3A_1227 = arith.muli %arg0, %mul3A_1226 : i32
    %add3A_1228 = arith.constant 82 : i32
    %add3A_1229 = arith.addi %mul3A_1227, %add3A_1228 : i32
    %get3A_1230 = arith.index_cast %add3A_1229 : i32 to index
    %get3A_1231 = memref.load %arg1[%get3A_1230] : memref<4096xi32, #tpu.memory_space<smem>>
    %get3A_1232 = arith.index_cast %get3A_1231 : i32 to index
    %get3A_1233 = arith.constant 0 : index
    %get3A_1234 = vector.load %arg2[%get3A_1232, %get3A_1233] : memref<2048x768xf32, #tpu.memory_space<vmem>>, vector<1x768xf32>
    %get3A_1235 = vector.shape_cast %get3A_1234 : vector<1x768xf32> to vector<768xf32>
    %swap3A_1236 = arith.constant 82 : index
    %swap3A_1237 = arith.constant 0 : index
    %swap3A_1238 = vector.load %arg3[%swap3A_1236, %swap3A_1237] : memref<128x768xf32, #tpu.memory_space<vmem>>, vector<1x768xf32>
    %swap3A_1239 = vector.shape_cast %swap3A_1238 : vector<1x768xf32> to vector<768xf32>
    %swap3A_1240 = vector.shape_cast %get3A_1235 : vector<768xf32> to vector<1x768xf32>
    tpu.vector_store %arg3[%swap3A_1236, %swap3A_1237], %swap3A_1240 {strides = array<i32>} : memref<128x768xf32, #tpu.memory_space<vmem>>, vector<1x768xf32>,
    %mul3A_1241 = arith.constant 128 : i32
    %mul3A_1242 = arith.muli %arg0, %mul3A_1241 : i32
    %add3A_1243 = arith.constant 83 : i32
    %add3A_1244 = arith.addi %mul3A_1242, %add3A_1243 : i32
    %get3A_1245 = arith.index_cast %add3A_1244 : i32 to index
    %get3A_1246 = memref.load %arg1[%get3A_1245] : memref<4096xi32, #tpu.memory_space<smem>>
    %get3A_1247 = arith.index_cast %get3A_1246 : i32 to index
    %get3A_1248 = arith.constant 0 : index
    %get3A_1249 = vector.load %arg2[%get3A_1247, %get3A_1248] : memref<2048x768xf32, #tpu.memory_space<vmem>>, vector<1x768xf32>
    %get3A_1250 = vector.shape_cast %get3A_1249 : vector<1x768xf32> to vector<768xf32>
    %swap3A_1251 = arith.constant 83 : index
    %swap3A_1252 = arith.constant 0 : index
    %swap3A_1253 = vector.load %arg3[%swap3A_1251, %swap3A_1252] : memref<128x768xf32, #tpu.memory_space<vmem>>, vector<1x768xf32>
    %swap3A_1254 = vector.shape_cast %swap3A_1253 : vector<1x768xf32> to vector<768xf32>
    %swap3A_1255 = vector.shape_cast %get3A_1250 : vector<768xf32> to vector<1x768xf32>
    tpu.vector_store %arg3[%swap3A_1251, %swap3A_1252], %swap3A_1255 {strides = array<i32>} : memref<128x768xf32, #tpu.memory_space<vmem>>, vector<1x768xf32>,
    %mul3A_1256 = arith.constant 128 : i32
    %mul3A_1257 = arith.muli %arg0, %mul3A_1256 : i32
    %add3A_1258 = arith.constant 84 : i32
    %add3A_1259 = arith.addi %mul3A_1257, %add3A_1258 : i32
    %get3A_1260 = arith.index_cast %add3A_1259 : i32 to index
    %get3A_1261 = memref.load %arg1[%get3A_1260] : memref<4096xi32, #tpu.memory_space<smem>>
    %get3A_1262 = arith.index_cast %get3A_1261 : i32 to index
    %get3A_1263 = arith.constant 0 : index
    %get3A_1264 = vector.load %arg2[%get3A_1262, %get3A_1263] : memref<2048x768xf32, #tpu.memory_space<vmem>>, vector<1x768xf32>
    %get3A_1265 = vector.shape_cast %get3A_1264 : vector<1x768xf32> to vector<768xf32>
    %swap3A_1266 = arith.constant 84 : index
    %swap3A_1267 = arith.constant 0 : index
    %swap3A_1268 = vector.load %arg3[%swap3A_1266, %swap3A_1267] : memref<128x768xf32, #tpu.memory_space<vmem>>, vector<1x768xf32>
    %swap3A_1269 = vector.shape_cast %swap3A_1268 : vector<1x768xf32> to vector<768xf32>
    %swap3A_1270 = vector.shape_cast %get3A_1265 : vector<768xf32> to vector<1x768xf32>
    tpu.vector_store %arg3[%swap3A_1266, %swap3A_1267], %swap3A_1270 {strides = array<i32>} : memref<128x768xf32, #tpu.memory_space<vmem>>, vector<1x768xf32>,
    %mul3A_1271 = arith.constant 128 : i32
    %mul3A_1272 = arith.muli %arg0, %mul3A_1271 : i32
    %add3A_1273 = arith.constant 85 : i32
    %add3A_1274 = arith.addi %mul3A_1272, %add3A_1273 : i32
    %get3A_1275 = arith.index_cast %add3A_1274 : i32 to index
    %get3A_1276 = memref.load %arg1[%get3A_1275] : memref<4096xi32, #tpu.memory_space<smem>>
    %get3A_1277 = arith.index_cast %get3A_1276 : i32 to index
    %get3A_1278 = arith.constant 0 : index
    %get3A_1279 = vector.load %arg2[%get3A_1277, %get3A_1278] : memref<2048x768xf32, #tpu.memory_space<vmem>>, vector<1x768xf32>
    %get3A_1280 = vector.shape_cast %get3A_1279 : vector<1x768xf32> to vector<768xf32>
    %swap3A_1281 = arith.constant 85 : index
    %swap3A_1282 = arith.constant 0 : index
    %swap3A_1283 = vector.load %arg3[%swap3A_1281, %swap3A_1282] : memref<128x768xf32, #tpu.memory_space<vmem>>, vector<1x768xf32>
    %swap3A_1284 = vector.shape_cast %swap3A_1283 : vector<1x768xf32> to vector<768xf32>
    %swap3A_1285 = vector.shape_cast %get3A_1280 : vector<768xf32> to vector<1x768xf32>
    tpu.vector_store %arg3[%swap3A_1281, %swap3A_1282], %swap3A_1285 {strides = array<i32>} : memref<128x768xf32, #tpu.memory_space<vmem>>, vector<1x768xf32>,
    %mul3A_1286 = arith.constant 128 : i32
    %mul3A_1287 = arith.muli %arg0, %mul3A_1286 : i32
    %add3A_1288 = arith.constant 86 : i32
    %add3A_1289 = arith.addi %mul3A_1287, %add3A_1288 : i32
    %get3A_1290 = arith.index_cast %add3A_1289 : i32 to index
    %get3A_1291 = memref.load %arg1[%get3A_1290] : memref<4096xi32, #tpu.memory_space<smem>>
    %get3A_1292 = arith.index_cast %get3A_1291 : i32 to index
    %get3A_1293 = arith.constant 0 : index
    %get3A_1294 = vector.load %arg2[%get3A_1292, %get3A_1293] : memref<2048x768xf32, #tpu.memory_space<vmem>>, vector<1x768xf32>
    %get3A_1295 = vector.shape_cast %get3A_1294 : vector<1x768xf32> to vector<768xf32>
    %swap3A_1296 = arith.constant 86 : index
    %swap3A_1297 = arith.constant 0 : index
    %swap3A_1298 = vector.load %arg3[%swap3A_1296, %swap3A_1297] : memref<128x768xf32, #tpu.memory_space<vmem>>, vector<1x768xf32>
    %swap3A_1299 = vector.shape_cast %swap3A_1298 : vector<1x768xf32> to vector<768xf32>
    %swap3A_1300 = vector.shape_cast %get3A_1295 : vector<768xf32> to vector<1x768xf32>
    tpu.vector_store %arg3[%swap3A_1296, %swap3A_1297], %swap3A_1300 {strides = array<i32>} : memref<128x768xf32, #tpu.memory_space<vmem>>, vector<1x768xf32>,
    %mul3A_1301 = arith.constant 128 : i32
    %mul3A_1302 = arith.muli %arg0, %mul3A_1301 : i32
    %add3A_1303 = arith.constant 87 : i32
    %add3A_1304 = arith.addi %mul3A_1302, %add3A_1303 : i32
    %get3A_1305 = arith.index_cast %add3A_1304 : i32 to index
    %get3A_1306 = memref.load %arg1[%get3A_1305] : memref<4096xi32, #tpu.memory_space<smem>>
    %get3A_1307 = arith.index_cast %get3A_1306 : i32 to index
    %get3A_1308 = arith.constant 0 : index
    %get3A_1309 = vector.load %arg2[%get3A_1307, %get3A_1308] : memref<2048x768xf32, #tpu.memory_space<vmem>>, vector<1x768xf32>
    %get3A_1310 = vector.shape_cast %get3A_1309 : vector<1x768xf32> to vector<768xf32>
    %swap3A_1311 = arith.constant 87 : index
    %swap3A_1312 = arith.constant 0 : index
    %swap3A_1313 = vector.load %arg3[%swap3A_1311, %swap3A_1312] : memref<128x768xf32, #tpu.memory_space<vmem>>, vector<1x768xf32>
    %swap3A_1314 = vector.shape_cast %swap3A_1313 : vector<1x768xf32> to vector<768xf32>
    %swap3A_1315 = vector.shape_cast %get3A_1310 : vector<768xf32> to vector<1x768xf32>
    tpu.vector_store %arg3[%swap3A_1311, %swap3A_1312], %swap3A_1315 {strides = array<i32>} : memref<128x768xf32, #tpu.memory_space<vmem>>, vector<1x768xf32>,
    %mul3A_1316 = arith.constant 128 : i32
    %mul3A_1317 = arith.muli %arg0, %mul3A_1316 : i32
    %add3A_1318 = arith.constant 88 : i32
    %add3A_1319 = arith.addi %mul3A_1317, %add3A_1318 : i32
    %get3A_1320 = arith.index_cast %add3A_1319 : i32 to index
    %get3A_1321 = memref.load %arg1[%get3A_1320] : memref<4096xi32, #tpu.memory_space<smem>>
    %get3A_1322 = arith.index_cast %get3A_1321 : i32 to index
    %get3A_1323 = arith.constant 0 : index
    %get3A_1324 = vector.load %arg2[%get3A_1322, %get3A_1323] : memref<2048x768xf32, #tpu.memory_space<vmem>>, vector<1x768xf32>
    %get3A_1325 = vector.shape_cast %get3A_1324 : vector<1x768xf32> to vector<768xf32>
    %swap3A_1326 = arith.constant 88 : index
    %swap3A_1327 = arith.constant 0 : index
    %swap3A_1328 = vector.load %arg3[%swap3A_1326, %swap3A_1327] : memref<128x768xf32, #tpu.memory_space<vmem>>, vector<1x768xf32>
    %swap3A_1329 = vector.shape_cast %swap3A_1328 : vector<1x768xf32> to vector<768xf32>
    %swap3A_1330 = vector.shape_cast %get3A_1325 : vector<768xf32> to vector<1x768xf32>
    tpu.vector_store %arg3[%swap3A_1326, %swap3A_1327], %swap3A_1330 {strides = array<i32>} : memref<128x768xf32, #tpu.memory_space<vmem>>, vector<1x768xf32>,
    %mul3A_1331 = arith.constant 128 : i32
    %mul3A_1332 = arith.muli %arg0, %mul3A_1331 : i32
    %add3A_1333 = arith.constant 89 : i32
    %add3A_1334 = arith.addi %mul3A_1332, %add3A_1333 : i32
    %get3A_1335 = arith.index_cast %add3A_1334 : i32 to index
    %get3A_1336 = memref.load %arg1[%get3A_1335] : memref<4096xi32, #tpu.memory_space<smem>>
    %get3A_1337 = arith.index_cast %get3A_1336 : i32 to index
    %get3A_1338 = arith.constant 0 : index
    %get3A_1339 = vector.load %arg2[%get3A_1337, %get3A_1338] : memref<2048x768xf32, #tpu.memory_space<vmem>>, vector<1x768xf32>
    %get3A_1340 = vector.shape_cast %get3A_1339 : vector<1x768xf32> to vector<768xf32>
    %swap3A_1341 = arith.constant 89 : index
    %swap3A_1342 = arith.constant 0 : index
    %swap3A_1343 = vector.load %arg3[%swap3A_1341, %swap3A_1342] : memref<128x768xf32, #tpu.memory_space<vmem>>, vector<1x768xf32>
    %swap3A_1344 = vector.shape_cast %swap3A_1343 : vector<1x768xf32> to vector<768xf32>
    %swap3A_1345 = vector.shape_cast %get3A_1340 : vector<768xf32> to vector<1x768xf32>
    tpu.vector_store %arg3[%swap3A_1341, %swap3A_1342], %swap3A_1345 {strides = array<i32>} : memref<128x768xf32, #tpu.memory_space<vmem>>, vector<1x768xf32>,
    %mul3A_1346 = arith.constant 128 : i32
    %mul3A_1347 = arith.muli %arg0, %mul3A_1346 : i32
    %add3A_1348 = arith.constant 90 : i32
    %add3A_1349 = arith.addi %mul3A_1347, %add3A_1348 : i32
    %get3A_1350 = arith.index_cast %add3A_1349 : i32 to index
    %get3A_1351 = memref.load %arg1[%get3A_1350] : memref<4096xi32, #tpu.memory_space<smem>>
    %get3A_1352 = arith.index_cast %get3A_1351 : i32 to index
    %get3A_1353 = arith.constant 0 : index
    %get3A_1354 = vector.load %arg2[%get3A_1352, %get3A_1353] : memref<2048x768xf32, #tpu.memory_space<vmem>>, vector<1x768xf32>
    %get3A_1355 = vector.shape_cast %get3A_1354 : vector<1x768xf32> to vector<768xf32>
    %swap3A_1356 = arith.constant 90 : index
    %swap3A_1357 = arith.constant 0 : index
    %swap3A_1358 = vector.load %arg3[%swap3A_1356, %swap3A_1357] : memref<128x768xf32, #tpu.memory_space<vmem>>, vector<1x768xf32>
    %swap3A_1359 = vector.shape_cast %swap3A_1358 : vector<1x768xf32> to vector<768xf32>
    %swap3A_1360 = vector.shape_cast %get3A_1355 : vector<768xf32> to vector<1x768xf32>
    tpu.vector_store %arg3[%swap3A_1356, %swap3A_1357], %swap3A_1360 {strides = array<i32>} : memref<128x768xf32, #tpu.memory_space<vmem>>, vector<1x768xf32>,
    %mul3A_1361 = arith.constant 128 : i32
    %mul3A_1362 = arith.muli %arg0, %mul3A_1361 : i32
    %add3A_1363 = arith.constant 91 : i32
    %add3A_1364 = arith.addi %mul3A_1362, %add3A_1363 : i32
    %get3A_1365 = arith.index_cast %add3A_1364 : i32 to index
    %get3A_1366 = memref.load %arg1[%get3A_1365] : memref<4096xi32, #tpu.memory_space<smem>>
    %get3A_1367 = arith.index_cast %get3A_1366 : i32 to index
    %get3A_1368 = arith.constant 0 : index
    %get3A_1369 = vector.load %arg2[%get3A_1367, %get3A_1368] : memref<2048x768xf32, #tpu.memory_space<vmem>>, vector<1x768xf32>
    %get3A_1370 = vector.shape_cast %get3A_1369 : vector<1x768xf32> to vector<768xf32>
    %swap3A_1371 = arith.constant 91 : index
    %swap3A_1372 = arith.constant 0 : index
    %swap3A_1373 = vector.load %arg3[%swap3A_1371, %swap3A_1372] : memref<128x768xf32, #tpu.memory_space<vmem>>, vector<1x768xf32>
    %swap3A_1374 = vector.shape_cast %swap3A_1373 : vector<1x768xf32> to vector<768xf32>
    %swap3A_1375 = vector.shape_cast %get3A_1370 : vector<768xf32> to vector<1x768xf32>
    tpu.vector_store %arg3[%swap3A_1371, %swap3A_1372], %swap3A_1375 {strides = array<i32>} : memref<128x768xf32, #tpu.memory_space<vmem>>, vector<1x768xf32>,
    %mul3A_1376 = arith.constant 128 : i32
    %mul3A_1377 = arith.muli %arg0, %mul3A_1376 : i32
    %add3A_1378 = arith.constant 92 : i32
    %add3A_1379 = arith.addi %mul3A_1377, %add3A_1378 : i32
    %get3A_1380 = arith.index_cast %add3A_1379 : i32 to index
    %get3A_1381 = memref.load %arg1[%get3A_1380] : memref<4096xi32, #tpu.memory_space<smem>>
    %get3A_1382 = arith.index_cast %get3A_1381 : i32 to index
    %get3A_1383 = arith.constant 0 : index
    %get3A_1384 = vector.load %arg2[%get3A_1382, %get3A_1383] : memref<2048x768xf32, #tpu.memory_space<vmem>>, vector<1x768xf32>
    %get3A_1385 = vector.shape_cast %get3A_1384 : vector<1x768xf32> to vector<768xf32>
    %swap3A_1386 = arith.constant 92 : index
    %swap3A_1387 = arith.constant 0 : index
    %swap3A_1388 = vector.load %arg3[%swap3A_1386, %swap3A_1387] : memref<128x768xf32, #tpu.memory_space<vmem>>, vector<1x768xf32>
    %swap3A_1389 = vector.shape_cast %swap3A_1388 : vector<1x768xf32> to vector<768xf32>
    %swap3A_1390 = vector.shape_cast %get3A_1385 : vector<768xf32> to vector<1x768xf32>
    tpu.vector_store %arg3[%swap3A_1386, %swap3A_1387], %swap3A_1390 {strides = array<i32>} : memref<128x768xf32, #tpu.memory_space<vmem>>, vector<1x768xf32>,
    %mul3A_1391 = arith.constant 128 : i32
    %mul3A_1392 = arith.muli %arg0, %mul3A_1391 : i32
    %add3A_1393 = arith.constant 93 : i32
    %add3A_1394 = arith.addi %mul3A_1392, %add3A_1393 : i32
    %get3A_1395 = arith.index_cast %add3A_1394 : i32 to index
    %get3A_1396 = memref.load %arg1[%get3A_1395] : memref<4096xi32, #tpu.memory_space<smem>>
    %get3A_1397 = arith.index_cast %get3A_1396 : i32 to index
    %get3A_1398 = arith.constant 0 : index
    %get3A_1399 = vector.load %arg2[%get3A_1397, %get3A_1398] : memref<2048x768xf32, #tpu.memory_space<vmem>>, vector<1x768xf32>
    %get3A_1400 = vector.shape_cast %get3A_1399 : vector<1x768xf32> to vector<768xf32>
    %swap3A_1401 = arith.constant 93 : index
    %swap3A_1402 = arith.constant 0 : index
    %swap3A_1403 = vector.load %arg3[%swap3A_1401, %swap3A_1402] : memref<128x768xf32, #tpu.memory_space<vmem>>, vector<1x768xf32>
    %swap3A_1404 = vector.shape_cast %swap3A_1403 : vector<1x768xf32> to vector<768xf32>
    %swap3A_1405 = vector.shape_cast %get3A_1400 : vector<768xf32> to vector<1x768xf32>
    tpu.vector_store %arg3[%swap3A_1401, %swap3A_1402], %swap3A_1405 {strides = array<i32>} : memref<128x768xf32, #tpu.memory_space<vmem>>, vector<1x768xf32>,
    %mul3A_1406 = arith.constant 128 : i32
    %mul3A_1407 = arith.muli %arg0, %mul3A_1406 : i32
    %add3A_1408 = arith.constant 94 : i32
    %add3A_1409 = arith.addi %mul3A_1407, %add3A_1408 : i32
    %get3A_1410 = arith.index_cast %add3A_1409 : i32 to index
    %get3A_1411 = memref.load %arg1[%get3A_1410] : memref<4096xi32, #tpu.memory_space<smem>>
    %get3A_1412 = arith.index_cast %get3A_1411 : i32 to index
    %get3A_1413 = arith.constant 0 : index
    %get3A_1414 = vector.load %arg2[%get3A_1412, %get3A_1413] : memref<2048x768xf32, #tpu.memory_space<vmem>>, vector<1x768xf32>
    %get3A_1415 = vector.shape_cast %get3A_1414 : vector<1x768xf32> to vector<768xf32>
    %swap3A_1416 = arith.constant 94 : index
    %swap3A_1417 = arith.constant 0 : index
    %swap3A_1418 = vector.load %arg3[%swap3A_1416, %swap3A_1417] : memref<128x768xf32, #tpu.memory_space<vmem>>, vector<1x768xf32>
    %swap3A_1419 = vector.shape_cast %swap3A_1418 : vector<1x768xf32> to vector<768xf32>
    %swap3A_1420 = vector.shape_cast %get3A_1415 : vector<768xf32> to vector<1x768xf32>
    tpu.vector_store %arg3[%swap3A_1416, %swap3A_1417], %swap3A_1420 {strides = array<i32>} : memref<128x768xf32, #tpu.memory_space<vmem>>, vector<1x768xf32>,
    %mul3A_1421 = arith.constant 128 : i32
    %mul3A_1422 = arith.muli %arg0, %mul3A_1421 : i32
    %add3A_1423 = arith.constant 95 : i32
    %add3A_1424 = arith.addi %mul3A_1422, %add3A_1423 : i32
    %get3A_1425 = arith.index_cast %add3A_1424 : i32 to index
    %get3A_1426 = memref.load %arg1[%get3A_1425] : memref<4096xi32, #tpu.memory_space<smem>>
    %get3A_1427 = arith.index_cast %get3A_1426 : i32 to index
    %get3A_1428 = arith.constant 0 : index
    %get3A_1429 = vector.load %arg2[%get3A_1427, %get3A_1428] : memref<2048x768xf32, #tpu.memory_space<vmem>>, vector<1x768xf32>
    %get3A_1430 = vector.shape_cast %get3A_1429 : vector<1x768xf32> to vector<768xf32>
    %swap3A_1431 = arith.constant 95 : index
    %swap3A_1432 = arith.constant 0 : index
    %swap3A_1433 = vector.load %arg3[%swap3A_1431, %swap3A_1432] : memref<128x768xf32, #tpu.memory_space<vmem>>, vector<1x768xf32>
    %swap3A_1434 = vector.shape_cast %swap3A_1433 : vector<1x768xf32> to vector<768xf32>
    %swap3A_1435 = vector.shape_cast %get3A_1430 : vector<768xf32> to vector<1x768xf32>
    tpu.vector_store %arg3[%swap3A_1431, %swap3A_1432], %swap3A_1435 {strides = array<i32>} : memref<128x768xf32, #tpu.memory_space<vmem>>, vector<1x768xf32>,
    %mul3A_1436 = arith.constant 128 : i32
    %mul3A_1437 = arith.muli %arg0, %mul3A_1436 : i32
    %add3A_1438 = arith.constant 96 : i32
    %add3A_1439 = arith.addi %mul3A_1437, %add3A_1438 : i32
    %get3A_1440 = arith.index_cast %add3A_1439 : i32 to index
    %get3A_1441 = memref.load %arg1[%get3A_1440] : memref<4096xi32, #tpu.memory_space<smem>>
    %get3A_1442 = arith.index_cast %get3A_1441 : i32 to index
    %get3A_1443 = arith.constant 0 : index
    %get3A_1444 = vector.load %arg2[%get3A_1442, %get3A_1443] : memref<2048x768xf32, #tpu.memory_space<vmem>>, vector<1x768xf32>
    %get3A_1445 = vector.shape_cast %get3A_1444 : vector<1x768xf32> to vector<768xf32>
    %swap3A_1446 = arith.constant 96 : index
    %swap3A_1447 = arith.constant 0 : index
    %swap3A_1448 = vector.load %arg3[%swap3A_1446, %swap3A_1447] : memref<128x768xf32, #tpu.memory_space<vmem>>, vector<1x768xf32>
    %swap3A_1449 = vector.shape_cast %swap3A_1448 : vector<1x768xf32> to vector<768xf32>
    %swap3A_1450 = vector.shape_cast %get3A_1445 : vector<768xf32> to vector<1x768xf32>
    tpu.vector_store %arg3[%swap3A_1446, %swap3A_1447], %swap3A_1450 {strides = array<i32>} : memref<128x768xf32, #tpu.memory_space<vmem>>, vector<1x768xf32>,
    %mul3A_1451 = arith.constant 128 : i32
    %mul3A_1452 = arith.muli %arg0, %mul3A_1451 : i32
    %add3A_1453 = arith.constant 97 : i32
    %add3A_1454 = arith.addi %mul3A_1452, %add3A_1453 : i32
    %get3A_1455 = arith.index_cast %add3A_1454 : i32 to index
    %get3A_1456 = memref.load %arg1[%get3A_1455] : memref<4096xi32, #tpu.memory_space<smem>>
    %get3A_1457 = arith.index_cast %get3A_1456 : i32 to index
    %get3A_1458 = arith.constant 0 : index
    %get3A_1459 = vector.load %arg2[%get3A_1457, %get3A_1458] : memref<2048x768xf32, #tpu.memory_space<vmem>>, vector<1x768xf32>
    %get3A_1460 = vector.shape_cast %get3A_1459 : vector<1x768xf32> to vector<768xf32>
    %swap3A_1461 = arith.constant 97 : index
    %swap3A_1462 = arith.constant 0 : index
    %swap3A_1463 = vector.load %arg3[%swap3A_1461, %swap3A_1462] : memref<128x768xf32, #tpu.memory_space<vmem>>, vector<1x768xf32>
    %swap3A_1464 = vector.shape_cast %swap3A_1463 : vector<1x768xf32> to vector<768xf32>
    %swap3A_1465 = vector.shape_cast %get3A_1460 : vector<768xf32> to vector<1x768xf32>
    tpu.vector_store %arg3[%swap3A_1461, %swap3A_1462], %swap3A_1465 {strides = array<i32>} : memref<128x768xf32, #tpu.memory_space<vmem>>, vector<1x768xf32>,
    %mul3A_1466 = arith.constant 128 : i32
    %mul3A_1467 = arith.muli %arg0, %mul3A_1466 : i32
    %add3A_1468 = arith.constant 98 : i32
    %add3A_1469 = arith.addi %mul3A_1467, %add3A_1468 : i32
    %get3A_1470 = arith.index_cast %add3A_1469 : i32 to index
    %get3A_1471 = memref.load %arg1[%get3A_1470] : memref<4096xi32, #tpu.memory_space<smem>>
    %get3A_1472 = arith.index_cast %get3A_1471 : i32 to index
    %get3A_1473 = arith.constant 0 : index
    %get3A_1474 = vector.load %arg2[%get3A_1472, %get3A_1473] : memref<2048x768xf32, #tpu.memory_space<vmem>>, vector<1x768xf32>
    %get3A_1475 = vector.shape_cast %get3A_1474 : vector<1x768xf32> to vector<768xf32>
    %swap3A_1476 = arith.constant 98 : index
    %swap3A_1477 = arith.constant 0 : index
    %swap3A_1478 = vector.load %arg3[%swap3A_1476, %swap3A_1477] : memref<128x768xf32, #tpu.memory_space<vmem>>, vector<1x768xf32>
    %swap3A_1479 = vector.shape_cast %swap3A_1478 : vector<1x768xf32> to vector<768xf32>
    %swap3A_1480 = vector.shape_cast %get3A_1475 : vector<768xf32> to vector<1x768xf32>
    tpu.vector_store %arg3[%swap3A_1476, %swap3A_1477], %swap3A_1480 {strides = array<i32>} : memref<128x768xf32, #tpu.memory_space<vmem>>, vector<1x768xf32>,
    %mul3A_1481 = arith.constant 128 : i32
    %mul3A_1482 = arith.muli %arg0, %mul3A_1481 : i32
    %add3A_1483 = arith.constant 99 : i32
    %add3A_1484 = arith.addi %mul3A_1482, %add3A_1483 : i32
    %get3A_1485 = arith.index_cast %add3A_1484 : i32 to index
    %get3A_1486 = memref.load %arg1[%get3A_1485] : memref<4096xi32, #tpu.memory_space<smem>>
    %get3A_1487 = arith.index_cast %get3A_1486 : i32 to index
    %get3A_1488 = arith.constant 0 : index
    %get3A_1489 = vector.load %arg2[%get3A_1487, %get3A_1488] : memref<2048x768xf32, #tpu.memory_space<vmem>>, vector<1x768xf32>
    %get3A_1490 = vector.shape_cast %get3A_1489 : vector<1x768xf32> to vector<768xf32>
    %swap3A_1491 = arith.constant 99 : index
    %swap3A_1492 = arith.constant 0 : index
    %swap3A_1493 = vector.load %arg3[%swap3A_1491, %swap3A_1492] : memref<128x768xf32, #tpu.memory_space<vmem>>, vector<1x768xf32>
    %swap3A_1494 = vector.shape_cast %swap3A_1493 : vector<1x768xf32> to vector<768xf32>
    %swap3A_1495 = vector.shape_cast %get3A_1490 : vector<768xf32> to vector<1x768xf32>
    tpu.vector_store %arg3[%swap3A_1491, %swap3A_1492], %swap3A_1495 {strides = array<i32>} : memref<128x768xf32, #tpu.memory_space<vmem>>, vector<1x768xf32>,
    %mul3A_1496 = arith.constant 128 : i32
    %mul3A_1497 = arith.muli %arg0, %mul3A_1496 : i32
    %add3A_1498 = arith.constant 100 : i32
    %add3A_1499 = arith.addi %mul3A_1497, %add3A_1498 : i32
    %get3A_1500 = arith.index_cast %add3A_1499 : i32 to index
    %get3A_1501 = memref.load %arg1[%get3A_1500] : memref<4096xi32, #tpu.memory_space<smem>>
    %get3A_1502 = arith.index_cast %get3A_1501 : i32 to index
    %get3A_1503 = arith.constant 0 : index
    %get3A_1504 = vector.load %arg2[%get3A_1502, %get3A_1503] : memref<2048x768xf32, #tpu.memory_space<vmem>>, vector<1x768xf32>
    %get3A_1505 = vector.shape_cast %get3A_1504 : vector<1x768xf32> to vector<768xf32>
    %swap3A_1506 = arith.constant 100 : index
    %swap3A_1507 = arith.constant 0 : index
    %swap3A_1508 = vector.load %arg3[%swap3A_1506, %swap3A_1507] : memref<128x768xf32, #tpu.memory_space<vmem>>, vector<1x768xf32>
    %swap3A_1509 = vector.shape_cast %swap3A_1508 : vector<1x768xf32> to vector<768xf32>
    %swap3A_1510 = vector.shape_cast %get3A_1505 : vector<768xf32> to vector<1x768xf32>
    tpu.vector_store %arg3[%swap3A_1506, %swap3A_1507], %swap3A_1510 {strides = array<i32>} : memref<128x768xf32, #tpu.memory_space<vmem>>, vector<1x768xf32>,
    %mul3A_1511 = arith.constant 128 : i32
    %mul3A_1512 = arith.muli %arg0, %mul3A_1511 : i32
    %add3A_1513 = arith.constant 101 : i32
    %add3A_1514 = arith.addi %mul3A_1512, %add3A_1513 : i32
    %get3A_1515 = arith.index_cast %add3A_1514 : i32 to index
    %get3A_1516 = memref.load %arg1[%get3A_1515] : memref<4096xi32, #tpu.memory_space<smem>>
    %get3A_1517 = arith.index_cast %get3A_1516 : i32 to index
    %get3A_1518 = arith.constant 0 : index
    %get3A_1519 = vector.load %arg2[%get3A_1517, %get3A_1518] : memref<2048x768xf32, #tpu.memory_space<vmem>>, vector<1x768xf32>
    %get3A_1520 = vector.shape_cast %get3A_1519 : vector<1x768xf32> to vector<768xf32>
    %swap3A_1521 = arith.constant 101 : index
    %swap3A_1522 = arith.constant 0 : index
    %swap3A_1523 = vector.load %arg3[%swap3A_1521, %swap3A_1522] : memref<128x768xf32, #tpu.memory_space<vmem>>, vector<1x768xf32>
    %swap3A_1524 = vector.shape_cast %swap3A_1523 : vector<1x768xf32> to vector<768xf32>
    %swap3A_1525 = vector.shape_cast %get3A_1520 : vector<768xf32> to vector<1x768xf32>
    tpu.vector_store %arg3[%swap3A_1521, %swap3A_1522], %swap3A_1525 {strides = array<i32>} : memref<128x768xf32, #tpu.memory_space<vmem>>, vector<1x768xf32>,
    %mul3A_1526 = arith.constant 128 : i32
    %mul3A_1527 = arith.muli %arg0, %mul3A_1526 : i32
    %add3A_1528 = arith.constant 102 : i32
    %add3A_1529 = arith.addi %mul3A_1527, %add3A_1528 : i32
    %get3A_1530 = arith.index_cast %add3A_1529 : i32 to index
    %get3A_1531 = memref.load %arg1[%get3A_1530] : memref<4096xi32, #tpu.memory_space<smem>>
    %get3A_1532 = arith.index_cast %get3A_1531 : i32 to index
    %get3A_1533 = arith.constant 0 : index
    %get3A_1534 = vector.load %arg2[%get3A_1532, %get3A_1533] : memref<2048x768xf32, #tpu.memory_space<vmem>>, vector<1x768xf32>
    %get3A_1535 = vector.shape_cast %get3A_1534 : vector<1x768xf32> to vector<768xf32>
    %swap3A_1536 = arith.constant 102 : index
    %swap3A_1537 = arith.constant 0 : index
    %swap3A_1538 = vector.load %arg3[%swap3A_1536, %swap3A_1537] : memref<128x768xf32, #tpu.memory_space<vmem>>, vector<1x768xf32>
    %swap3A_1539 = vector.shape_cast %swap3A_1538 : vector<1x768xf32> to vector<768xf32>
    %swap3A_1540 = vector.shape_cast %get3A_1535 : vector<768xf32> to vector<1x768xf32>
    tpu.vector_store %arg3[%swap3A_1536, %swap3A_1537], %swap3A_1540 {strides = array<i32>} : memref<128x768xf32, #tpu.memory_space<vmem>>, vector<1x768xf32>,
    %mul3A_1541 = arith.constant 128 : i32
    %mul3A_1542 = arith.muli %arg0, %mul3A_1541 : i32
    %add3A_1543 = arith.constant 103 : i32
    %add3A_1544 = arith.addi %mul3A_1542, %add3A_1543 : i32
    %get3A_1545 = arith.index_cast %add3A_1544 : i32 to index
    %get3A_1546 = memref.load %arg1[%get3A_1545] : memref<4096xi32, #tpu.memory_space<smem>>
    %get3A_1547 = arith.index_cast %get3A_1546 : i32 to index
    %get3A_1548 = arith.constant 0 : index
    %get3A_1549 = vector.load %arg2[%get3A_1547, %get3A_1548] : memref<2048x768xf32, #tpu.memory_space<vmem>>, vector<1x768xf32>
    %get3A_1550 = vector.shape_cast %get3A_1549 : vector<1x768xf32> to vector<768xf32>
    %swap3A_1551 = arith.constant 103 : index
    %swap3A_1552 = arith.constant 0 : index
    %swap3A_1553 = vector.load %arg3[%swap3A_1551, %swap3A_1552] : memref<128x768xf32, #tpu.memory_space<vmem>>, vector<1x768xf32>
    %swap3A_1554 = vector.shape_cast %swap3A_1553 : vector<1x768xf32> to vector<768xf32>
    %swap3A_1555 = vector.shape_cast %get3A_1550 : vector<768xf32> to vector<1x768xf32>
    tpu.vector_store %arg3[%swap3A_1551, %swap3A_1552], %swap3A_1555 {strides = array<i32>} : memref<128x768xf32, #tpu.memory_space<vmem>>, vector<1x768xf32>,
    %mul3A_1556 = arith.constant 128 : i32
    %mul3A_1557 = arith.muli %arg0, %mul3A_1556 : i32
    %add3A_1558 = arith.constant 104 : i32
    %add3A_1559 = arith.addi %mul3A_1557, %add3A_1558 : i32
    %get3A_1560 = arith.index_cast %add3A_1559 : i32 to index
    %get3A_1561 = memref.load %arg1[%get3A_1560] : memref<4096xi32, #tpu.memory_space<smem>>
    %get3A_1562 = arith.index_cast %get3A_1561 : i32 to index
    %get3A_1563 = arith.constant 0 : index
    %get3A_1564 = vector.load %arg2[%get3A_1562, %get3A_1563] : memref<2048x768xf32, #tpu.memory_space<vmem>>, vector<1x768xf32>
    %get3A_1565 = vector.shape_cast %get3A_1564 : vector<1x768xf32> to vector<768xf32>
    %swap3A_1566 = arith.constant 104 : index
    %swap3A_1567 = arith.constant 0 : index
    %swap3A_1568 = vector.load %arg3[%swap3A_1566, %swap3A_1567] : memref<128x768xf32, #tpu.memory_space<vmem>>, vector<1x768xf32>
    %swap3A_1569 = vector.shape_cast %swap3A_1568 : vector<1x768xf32> to vector<768xf32>
    %swap3A_1570 = vector.shape_cast %get3A_1565 : vector<768xf32> to vector<1x768xf32>
    tpu.vector_store %arg3[%swap3A_1566, %swap3A_1567], %swap3A_1570 {strides = array<i32>} : memref<128x768xf32, #tpu.memory_space<vmem>>, vector<1x768xf32>,
    %mul3A_1571 = arith.constant 128 : i32
    %mul3A_1572 = arith.muli %arg0, %mul3A_1571 : i32
    %add3A_1573 = arith.constant 105 : i32
    %add3A_1574 = arith.addi %mul3A_1572, %add3A_1573 : i32
    %get3A_1575 = arith.index_cast %add3A_1574 : i32 to index
    %get3A_1576 = memref.load %arg1[%get3A_1575] : memref<4096xi32, #tpu.memory_space<smem>>
    %get3A_1577 = arith.index_cast %get3A_1576 : i32 to index
    %get3A_1578 = arith.constant 0 : index
    %get3A_1579 = vector.load %arg2[%get3A_1577, %get3A_1578] : memref<2048x768xf32, #tpu.memory_space<vmem>>, vector<1x768xf32>
    %get3A_1580 = vector.shape_cast %get3A_1579 : vector<1x768xf32> to vector<768xf32>
    %swap3A_1581 = arith.constant 105 : index
    %swap3A_1582 = arith.constant 0 : index
    %swap3A_1583 = vector.load %arg3[%swap3A_1581, %swap3A_1582] : memref<128x768xf32, #tpu.memory_space<vmem>>, vector<1x768xf32>
    %swap3A_1584 = vector.shape_cast %swap3A_1583 : vector<1x768xf32> to vector<768xf32>
    %swap3A_1585 = vector.shape_cast %get3A_1580 : vector<768xf32> to vector<1x768xf32>
    tpu.vector_store %arg3[%swap3A_1581, %swap3A_1582], %swap3A_1585 {strides = array<i32>} : memref<128x768xf32, #tpu.memory_space<vmem>>, vector<1x768xf32>,
    %mul3A_1586 = arith.constant 128 : i32
    %mul3A_1587 = arith.muli %arg0, %mul3A_1586 : i32
    %add3A_1588 = arith.constant 106 : i32
    %add3A_1589 = arith.addi %mul3A_1587, %add3A_1588 : i32
    %get3A_1590 = arith.index_cast %add3A_1589 : i32 to index
    %get3A_1591 = memref.load %arg1[%get3A_1590] : memref<4096xi32, #tpu.memory_space<smem>>
    %get3A_1592 = arith.index_cast %get3A_1591 : i32 to index
    %get3A_1593 = arith.constant 0 : index
    %get3A_1594 = vector.load %arg2[%get3A_1592, %get3A_1593] : memref<2048x768xf32, #tpu.memory_space<vmem>>, vector<1x768xf32>
    %get3A_1595 = vector.shape_cast %get3A_1594 : vector<1x768xf32> to vector<768xf32>
    %swap3A_1596 = arith.constant 106 : index
    %swap3A_1597 = arith.constant 0 : index
    %swap3A_1598 = vector.load %arg3[%swap3A_1596, %swap3A_1597] : memref<128x768xf32, #tpu.memory_space<vmem>>, vector<1x768xf32>
    %swap3A_1599 = vector.shape_cast %swap3A_1598 : vector<1x768xf32> to vector<768xf32>
    %swap3A_1600 = vector.shape_cast %get3A_1595 : vector<768xf32> to vector<1x768xf32>
    tpu.vector_store %arg3[%swap3A_1596, %swap3A_1597], %swap3A_1600 {strides = array<i32>} : memref<128x768xf32, #tpu.memory_space<vmem>>, vector<1x768xf32>,
    %mul3A_1601 = arith.constant 128 : i32
    %mul3A_1602 = arith.muli %arg0, %mul3A_1601 : i32
    %add3A_1603 = arith.constant 107 : i32
    %add3A_1604 = arith.addi %mul3A_1602, %add3A_1603 : i32
    %get3A_1605 = arith.index_cast %add3A_1604 : i32 to index
    %get3A_1606 = memref.load %arg1[%get3A_1605] : memref<4096xi32, #tpu.memory_space<smem>>
    %get3A_1607 = arith.index_cast %get3A_1606 : i32 to index
    %get3A_1608 = arith.constant 0 : index
    %get3A_1609 = vector.load %arg2[%get3A_1607, %get3A_1608] : memref<2048x768xf32, #tpu.memory_space<vmem>>, vector<1x768xf32>
    %get3A_1610 = vector.shape_cast %get3A_1609 : vector<1x768xf32> to vector<768xf32>
    %swap3A_1611 = arith.constant 107 : index
    %swap3A_1612 = arith.constant 0 : index
    %swap3A_1613 = vector.load %arg3[%swap3A_1611, %swap3A_1612] : memref<128x768xf32, #tpu.memory_space<vmem>>, vector<1x768xf32>
    %swap3A_1614 = vector.shape_cast %swap3A_1613 : vector<1x768xf32> to vector<768xf32>
    %swap3A_1615 = vector.shape_cast %get3A_1610 : vector<768xf32> to vector<1x768xf32>
    tpu.vector_store %arg3[%swap3A_1611, %swap3A_1612], %swap3A_1615 {strides = array<i32>} : memref<128x768xf32, #tpu.memory_space<vmem>>, vector<1x768xf32>,
    %mul3A_1616 = arith.constant 128 : i32
    %mul3A_1617 = arith.muli %arg0, %mul3A_1616 : i32
    %add3A_1618 = arith.constant 108 : i32
    %add3A_1619 = arith.addi %mul3A_1617, %add3A_1618 : i32
    %get3A_1620 = arith.index_cast %add3A_1619 : i32 to index
    %get3A_1621 = memref.load %arg1[%get3A_1620] : memref<4096xi32, #tpu.memory_space<smem>>
    %get3A_1622 = arith.index_cast %get3A_1621 : i32 to index
    %get3A_1623 = arith.constant 0 : index
    %get3A_1624 = vector.load %arg2[%get3A_1622, %get3A_1623] : memref<2048x768xf32, #tpu.memory_space<vmem>>, vector<1x768xf32>
    %get3A_1625 = vector.shape_cast %get3A_1624 : vector<1x768xf32> to vector<768xf32>
    %swap3A_1626 = arith.constant 108 : index
    %swap3A_1627 = arith.constant 0 : index
    %swap3A_1628 = vector.load %arg3[%swap3A_1626, %swap3A_1627] : memref<128x768xf32, #tpu.memory_space<vmem>>, vector<1x768xf32>
    %swap3A_1629 = vector.shape_cast %swap3A_1628 : vector<1x768xf32> to vector<768xf32>
    %swap3A_1630 = vector.shape_cast %get3A_1625 : vector<768xf32> to vector<1x768xf32>
    tpu.vector_store %arg3[%swap3A_1626, %swap3A_1627], %swap3A_1630 {strides = array<i32>} : memref<128x768xf32, #tpu.memory_space<vmem>>, vector<1x768xf32>,
    %mul3A_1631 = arith.constant 128 : i32
    %mul3A_1632 = arith.muli %arg0, %mul3A_1631 : i32
    %add3A_1633 = arith.constant 109 : i32
    %add3A_1634 = arith.addi %mul3A_1632, %add3A_1633 : i32
    %get3A_1635 = arith.index_cast %add3A_1634 : i32 to index
    %get3A_1636 = memref.load %arg1[%get3A_1635] : memref<4096xi32, #tpu.memory_space<smem>>
    %get3A_1637 = arith.index_cast %get3A_1636 : i32 to index
    %get3A_1638 = arith.constant 0 : index
    %get3A_1639 = vector.load %arg2[%get3A_1637, %get3A_1638] : memref<2048x768xf32, #tpu.memory_space<vmem>>, vector<1x768xf32>
    %get3A_1640 = vector.shape_cast %get3A_1639 : vector<1x768xf32> to vector<768xf32>
    %swap3A_1641 = arith.constant 109 : index
    %swap3A_1642 = arith.constant 0 : index
    %swap3A_1643 = vector.load %arg3[%swap3A_1641, %swap3A_1642] : memref<128x768xf32, #tpu.memory_space<vmem>>, vector<1x768xf32>
    %swap3A_1644 = vector.shape_cast %swap3A_1643 : vector<1x768xf32> to vector<768xf32>
    %swap3A_1645 = vector.shape_cast %get3A_1640 : vector<768xf32> to vector<1x768xf32>
    tpu.vector_store %arg3[%swap3A_1641, %swap3A_1642], %swap3A_1645 {strides = array<i32>} : memref<128x768xf32, #tpu.memory_space<vmem>>, vector<1x768xf32>,
    %mul3A_1646 = arith.constant 128 : i32
    %mul3A_1647 = arith.muli %arg0, %mul3A_1646 : i32
    %add3A_1648 = arith.constant 110 : i32
    %add3A_1649 = arith.addi %mul3A_1647, %add3A_1648 : i32
    %get3A_1650 = arith.index_cast %add3A_1649 : i32 to index
    %get3A_1651 = memref.load %arg1[%get3A_1650] : memref<4096xi32, #tpu.memory_space<smem>>
    %get3A_1652 = arith.index_cast %get3A_1651 : i32 to index
    %get3A_1653 = arith.constant 0 : index
    %get3A_1654 = vector.load %arg2[%get3A_1652, %get3A_1653] : memref<2048x768xf32, #tpu.memory_space<vmem>>, vector<1x768xf32>
    %get3A_1655 = vector.shape_cast %get3A_1654 : vector<1x768xf32> to vector<768xf32>
    %swap3A_1656 = arith.constant 110 : index
    %swap3A_1657 = arith.constant 0 : index
    %swap3A_1658 = vector.load %arg3[%swap3A_1656, %swap3A_1657] : memref<128x768xf32, #tpu.memory_space<vmem>>, vector<1x768xf32>
    %swap3A_1659 = vector.shape_cast %swap3A_1658 : vector<1x768xf32> to vector<768xf32>
    %swap3A_1660 = vector.shape_cast %get3A_1655 : vector<768xf32> to vector<1x768xf32>
    tpu.vector_store %arg3[%swap3A_1656, %swap3A_1657], %swap3A_1660 {strides = array<i32>} : memref<128x768xf32, #tpu.memory_space<vmem>>, vector<1x768xf32>,
    %mul3A_1661 = arith.constant 128 : i32
    %mul3A_1662 = arith.muli %arg0, %mul3A_1661 : i32
    %add3A_1663 = arith.constant 111 : i32
    %add3A_1664 = arith.addi %mul3A_1662, %add3A_1663 : i32
    %get3A_1665 = arith.index_cast %add3A_1664 : i32 to index
    %get3A_1666 = memref.load %arg1[%get3A_1665] : memref<4096xi32, #tpu.memory_space<smem>>
    %get3A_1667 = arith.index_cast %get3A_1666 : i32 to index
    %get3A_1668 = arith.constant 0 : index
    %get3A_1669 = vector.load %arg2[%get3A_1667, %get3A_1668] : memref<2048x768xf32, #tpu.memory_space<vmem>>, vector<1x768xf32>
    %get3A_1670 = vector.shape_cast %get3A_1669 : vector<1x768xf32> to vector<768xf32>
    %swap3A_1671 = arith.constant 111 : index
    %swap3A_1672 = arith.constant 0 : index
    %swap3A_1673 = vector.load %arg3[%swap3A_1671, %swap3A_1672] : memref<128x768xf32, #tpu.memory_space<vmem>>, vector<1x768xf32>
    %swap3A_1674 = vector.shape_cast %swap3A_1673 : vector<1x768xf32> to vector<768xf32>
    %swap3A_1675 = vector.shape_cast %get3A_1670 : vector<768xf32> to vector<1x768xf32>
    tpu.vector_store %arg3[%swap3A_1671, %swap3A_1672], %swap3A_1675 {strides = array<i32>} : memref<128x768xf32, #tpu.memory_space<vmem>>, vector<1x768xf32>,
    %mul3A_1676 = arith.constant 128 : i32
    %mul3A_1677 = arith.muli %arg0, %mul3A_1676 : i32
    %add3A_1678 = arith.constant 112 : i32
    %add3A_1679 = arith.addi %mul3A_1677, %add3A_1678 : i32
    %get3A_1680 = arith.index_cast %add3A_1679 : i32 to index
    %get3A_1681 = memref.load %arg1[%get3A_1680] : memref<4096xi32, #tpu.memory_space<smem>>
    %get3A_1682 = arith.index_cast %get3A_1681 : i32 to index
    %get3A_1683 = arith.constant 0 : index
    %get3A_1684 = vector.load %arg2[%get3A_1682, %get3A_1683] : memref<2048x768xf32, #tpu.memory_space<vmem>>, vector<1x768xf32>
    %get3A_1685 = vector.shape_cast %get3A_1684 : vector<1x768xf32> to vector<768xf32>
    %swap3A_1686 = arith.constant 112 : index
    %swap3A_1687 = arith.constant 0 : index
    %swap3A_1688 = vector.load %arg3[%swap3A_1686, %swap3A_1687] : memref<128x768xf32, #tpu.memory_space<vmem>>, vector<1x768xf32>
    %swap3A_1689 = vector.shape_cast %swap3A_1688 : vector<1x768xf32> to vector<768xf32>
    %swap3A_1690 = vector.shape_cast %get3A_1685 : vector<768xf32> to vector<1x768xf32>
    tpu.vector_store %arg3[%swap3A_1686, %swap3A_1687], %swap3A_1690 {strides = array<i32>} : memref<128x768xf32, #tpu.memory_space<vmem>>, vector<1x768xf32>,
    %mul3A_1691 = arith.constant 128 : i32
    %mul3A_1692 = arith.muli %arg0, %mul3A_1691 : i32
    %add3A_1693 = arith.constant 113 : i32
    %add3A_1694 = arith.addi %mul3A_1692, %add3A_1693 : i32
    %get3A_1695 = arith.index_cast %add3A_1694 : i32 to index
    %get3A_1696 = memref.load %arg1[%get3A_1695] : memref<4096xi32, #tpu.memory_space<smem>>
    %get3A_1697 = arith.index_cast %get3A_1696 : i32 to index
    %get3A_1698 = arith.constant 0 : index
    %get3A_1699 = vector.load %arg2[%get3A_1697, %get3A_1698] : memref<2048x768xf32, #tpu.memory_space<vmem>>, vector<1x768xf32>
    %get3A_1700 = vector.shape_cast %get3A_1699 : vector<1x768xf32> to vector<768xf32>
    %swap3A_1701 = arith.constant 113 : index
    %swap3A_1702 = arith.constant 0 : index
    %swap3A_1703 = vector.load %arg3[%swap3A_1701, %swap3A_1702] : memref<128x768xf32, #tpu.memory_space<vmem>>, vector<1x768xf32>
    %swap3A_1704 = vector.shape_cast %swap3A_1703 : vector<1x768xf32> to vector<768xf32>
    %swap3A_1705 = vector.shape_cast %get3A_1700 : vector<768xf32> to vector<1x768xf32>
    tpu.vector_store %arg3[%swap3A_1701, %swap3A_1702], %swap3A_1705 {strides = array<i32>} : memref<128x768xf32, #tpu.memory_space<vmem>>, vector<1x768xf32>,
    %mul3A_1706 = arith.constant 128 : i32
    %mul3A_1707 = arith.muli %arg0, %mul3A_1706 : i32
    %add3A_1708 = arith.constant 114 : i32
    %add3A_1709 = arith.addi %mul3A_1707, %add3A_1708 : i32
    %get3A_1710 = arith.index_cast %add3A_1709 : i32 to index
    %get3A_1711 = memref.load %arg1[%get3A_1710] : memref<4096xi32, #tpu.memory_space<smem>>
    %get3A_1712 = arith.index_cast %get3A_1711 : i32 to index
    %get3A_1713 = arith.constant 0 : index
    %get3A_1714 = vector.load %arg2[%get3A_1712, %get3A_1713] : memref<2048x768xf32, #tpu.memory_space<vmem>>, vector<1x768xf32>
    %get3A_1715 = vector.shape_cast %get3A_1714 : vector<1x768xf32> to vector<768xf32>
    %swap3A_1716 = arith.constant 114 : index
    %swap3A_1717 = arith.constant 0 : index
    %swap3A_1718 = vector.load %arg3[%swap3A_1716, %swap3A_1717] : memref<128x768xf32, #tpu.memory_space<vmem>>, vector<1x768xf32>
    %swap3A_1719 = vector.shape_cast %swap3A_1718 : vector<1x768xf32> to vector<768xf32>
    %swap3A_1720 = vector.shape_cast %get3A_1715 : vector<768xf32> to vector<1x768xf32>
    tpu.vector_store %arg3[%swap3A_1716, %swap3A_1717], %swap3A_1720 {strides = array<i32>} : memref<128x768xf32, #tpu.memory_space<vmem>>, vector<1x768xf32>,
    %mul3A_1721 = arith.constant 128 : i32
    %mul3A_1722 = arith.muli %arg0, %mul3A_1721 : i32
    %add3A_1723 = arith.constant 115 : i32
    %add3A_1724 = arith.addi %mul3A_1722, %add3A_1723 : i32
    %get3A_1725 = arith.index_cast %add3A_1724 : i32 to index
    %get3A_1726 = memref.load %arg1[%get3A_1725] : memref<4096xi32, #tpu.memory_space<smem>>
    %get3A_1727 = arith.index_cast %get3A_1726 : i32 to index
    %get3A_1728 = arith.constant 0 : index
    %get3A_1729 = vector.load %arg2[%get3A_1727, %get3A_1728] : memref<2048x768xf32, #tpu.memory_space<vmem>>, vector<1x768xf32>
    %get3A_1730 = vector.shape_cast %get3A_1729 : vector<1x768xf32> to vector<768xf32>
    %swap3A_1731 = arith.constant 115 : index
    %swap3A_1732 = arith.constant 0 : index
    %swap3A_1733 = vector.load %arg3[%swap3A_1731, %swap3A_1732] : memref<128x768xf32, #tpu.memory_space<vmem>>, vector<1x768xf32>
    %swap3A_1734 = vector.shape_cast %swap3A_1733 : vector<1x768xf32> to vector<768xf32>
    %swap3A_1735 = vector.shape_cast %get3A_1730 : vector<768xf32> to vector<1x768xf32>
    tpu.vector_store %arg3[%swap3A_1731, %swap3A_1732], %swap3A_1735 {strides = array<i32>} : memref<128x768xf32, #tpu.memory_space<vmem>>, vector<1x768xf32>,
    %mul3A_1736 = arith.constant 128 : i32
    %mul3A_1737 = arith.muli %arg0, %mul3A_1736 : i32
    %add3A_1738 = arith.constant 116 : i32
    %add3A_1739 = arith.addi %mul3A_1737, %add3A_1738 : i32
    %get3A_1740 = arith.index_cast %add3A_1739 : i32 to index
    %get3A_1741 = memref.load %arg1[%get3A_1740] : memref<4096xi32, #tpu.memory_space<smem>>
    %get3A_1742 = arith.index_cast %get3A_1741 : i32 to index
    %get3A_1743 = arith.constant 0 : index
    %get3A_1744 = vector.load %arg2[%get3A_1742, %get3A_1743] : memref<2048x768xf32, #tpu.memory_space<vmem>>, vector<1x768xf32>
    %get3A_1745 = vector.shape_cast %get3A_1744 : vector<1x768xf32> to vector<768xf32>
    %swap3A_1746 = arith.constant 116 : index
    %swap3A_1747 = arith.constant 0 : index
    %swap3A_1748 = vector.load %arg3[%swap3A_1746, %swap3A_1747] : memref<128x768xf32, #tpu.memory_space<vmem>>, vector<1x768xf32>
    %swap3A_1749 = vector.shape_cast %swap3A_1748 : vector<1x768xf32> to vector<768xf32>
    %swap3A_1750 = vector.shape_cast %get3A_1745 : vector<768xf32> to vector<1x768xf32>
    tpu.vector_store %arg3[%swap3A_1746, %swap3A_1747], %swap3A_1750 {strides = array<i32>} : memref<128x768xf32, #tpu.memory_space<vmem>>, vector<1x768xf32>,
    %mul3A_1751 = arith.constant 128 : i32
    %mul3A_1752 = arith.muli %arg0, %mul3A_1751 : i32
    %add3A_1753 = arith.constant 117 : i32
    %add3A_1754 = arith.addi %mul3A_1752, %add3A_1753 : i32
    %get3A_1755 = arith.index_cast %add3A_1754 : i32 to index
    %get3A_1756 = memref.load %arg1[%get3A_1755] : memref<4096xi32, #tpu.memory_space<smem>>
    %get3A_1757 = arith.index_cast %get3A_1756 : i32 to index
    %get3A_1758 = arith.constant 0 : index
    %get3A_1759 = vector.load %arg2[%get3A_1757, %get3A_1758] : memref<2048x768xf32, #tpu.memory_space<vmem>>, vector<1x768xf32>
    %get3A_1760 = vector.shape_cast %get3A_1759 : vector<1x768xf32> to vector<768xf32>
    %swap3A_1761 = arith.constant 117 : index
    %swap3A_1762 = arith.constant 0 : index
    %swap3A_1763 = vector.load %arg3[%swap3A_1761, %swap3A_1762] : memref<128x768xf32, #tpu.memory_space<vmem>>, vector<1x768xf32>
    %swap3A_1764 = vector.shape_cast %swap3A_1763 : vector<1x768xf32> to vector<768xf32>
    %swap3A_1765 = vector.shape_cast %get3A_1760 : vector<768xf32> to vector<1x768xf32>
    tpu.vector_store %arg3[%swap3A_1761, %swap3A_1762], %swap3A_1765 {strides = array<i32>} : memref<128x768xf32, #tpu.memory_space<vmem>>, vector<1x768xf32>,
    %mul3A_1766 = arith.constant 128 : i32
    %mul3A_1767 = arith.muli %arg0, %mul3A_1766 : i32
    %add3A_1768 = arith.constant 118 : i32
    %add3A_1769 = arith.addi %mul3A_1767, %add3A_1768 : i32
    %get3A_1770 = arith.index_cast %add3A_1769 : i32 to index
    %get3A_1771 = memref.load %arg1[%get3A_1770] : memref<4096xi32, #tpu.memory_space<smem>>
    %get3A_1772 = arith.index_cast %get3A_1771 : i32 to index
    %get3A_1773 = arith.constant 0 : index
    %get3A_1774 = vector.load %arg2[%get3A_1772, %get3A_1773] : memref<2048x768xf32, #tpu.memory_space<vmem>>, vector<1x768xf32>
    %get3A_1775 = vector.shape_cast %get3A_1774 : vector<1x768xf32> to vector<768xf32>
    %swap3A_1776 = arith.constant 118 : index
    %swap3A_1777 = arith.constant 0 : index
    %swap3A_1778 = vector.load %arg3[%swap3A_1776, %swap3A_1777] : memref<128x768xf32, #tpu.memory_space<vmem>>, vector<1x768xf32>
    %swap3A_1779 = vector.shape_cast %swap3A_1778 : vector<1x768xf32> to vector<768xf32>
    %swap3A_1780 = vector.shape_cast %get3A_1775 : vector<768xf32> to vector<1x768xf32>
    tpu.vector_store %arg3[%swap3A_1776, %swap3A_1777], %swap3A_1780 {strides = array<i32>} : memref<128x768xf32, #tpu.memory_space<vmem>>, vector<1x768xf32>,
    %mul3A_1781 = arith.constant 128 : i32
    %mul3A_1782 = arith.muli %arg0, %mul3A_1781 : i32
    %add3A_1783 = arith.constant 119 : i32
    %add3A_1784 = arith.addi %mul3A_1782, %add3A_1783 : i32
    %get3A_1785 = arith.index_cast %add3A_1784 : i32 to index
    %get3A_1786 = memref.load %arg1[%get3A_1785] : memref<4096xi32, #tpu.memory_space<smem>>
    %get3A_1787 = arith.index_cast %get3A_1786 : i32 to index
    %get3A_1788 = arith.constant 0 : index
    %get3A_1789 = vector.load %arg2[%get3A_1787, %get3A_1788] : memref<2048x768xf32, #tpu.memory_space<vmem>>, vector<1x768xf32>
    %get3A_1790 = vector.shape_cast %get3A_1789 : vector<1x768xf32> to vector<768xf32>
    %swap3A_1791 = arith.constant 119 : index
    %swap3A_1792 = arith.constant 0 : index
    %swap3A_1793 = vector.load %arg3[%swap3A_1791, %swap3A_1792] : memref<128x768xf32, #tpu.memory_space<vmem>>, vector<1x768xf32>
    %swap3A_1794 = vector.shape_cast %swap3A_1793 : vector<1x768xf32> to vector<768xf32>
    %swap3A_1795 = vector.shape_cast %get3A_1790 : vector<768xf32> to vector<1x768xf32>
    tpu.vector_store %arg3[%swap3A_1791, %swap3A_1792], %swap3A_1795 {strides = array<i32>} : memref<128x768xf32, #tpu.memory_space<vmem>>, vector<1x768xf32>,
    %mul3A_1796 = arith.constant 128 : i32
    %mul3A_1797 = arith.muli %arg0, %mul3A_1796 : i32
    %add3A_1798 = arith.constant 120 : i32
    %add3A_1799 = arith.addi %mul3A_1797, %add3A_1798 : i32
    %get3A_1800 = arith.index_cast %add3A_1799 : i32 to index
    %get3A_1801 = memref.load %arg1[%get3A_1800] : memref<4096xi32, #tpu.memory_space<smem>>
    %get3A_1802 = arith.index_cast %get3A_1801 : i32 to index
    %get3A_1803 = arith.constant 0 : index
    %get3A_1804 = vector.load %arg2[%get3A_1802, %get3A_1803] : memref<2048x768xf32, #tpu.memory_space<vmem>>, vector<1x768xf32>
    %get3A_1805 = vector.shape_cast %get3A_1804 : vector<1x768xf32> to vector<768xf32>
    %swap3A_1806 = arith.constant 120 : index
    %swap3A_1807 = arith.constant 0 : index
    %swap3A_1808 = vector.load %arg3[%swap3A_1806, %swap3A_1807] : memref<128x768xf32, #tpu.memory_space<vmem>>, vector<1x768xf32>
    %swap3A_1809 = vector.shape_cast %swap3A_1808 : vector<1x768xf32> to vector<768xf32>
    %swap3A_1810 = vector.shape_cast %get3A_1805 : vector<768xf32> to vector<1x768xf32>
    tpu.vector_store %arg3[%swap3A_1806, %swap3A_1807], %swap3A_1810 {strides = array<i32>} : memref<128x768xf32, #tpu.memory_space<vmem>>, vector<1x768xf32>,
    %mul3A_1811 = arith.constant 128 : i32
    %mul3A_1812 = arith.muli %arg0, %mul3A_1811 : i32
    %add3A_1813 = arith.constant 121 : i32
    %add3A_1814 = arith.addi %mul3A_1812, %add3A_1813 : i32
    %get3A_1815 = arith.index_cast %add3A_1814 : i32 to index
    %get3A_1816 = memref.load %arg1[%get3A_1815] : memref<4096xi32, #tpu.memory_space<smem>>
    %get3A_1817 = arith.index_cast %get3A_1816 : i32 to index
    %get3A_1818 = arith.constant 0 : index
    %get3A_1819 = vector.load %arg2[%get3A_1817, %get3A_1818] : memref<2048x768xf32, #tpu.memory_space<vmem>>, vector<1x768xf32>
    %get3A_1820 = vector.shape_cast %get3A_1819 : vector<1x768xf32> to vector<768xf32>
    %swap3A_1821 = arith.constant 121 : index
    %swap3A_1822 = arith.constant 0 : index
    %swap3A_1823 = vector.load %arg3[%swap3A_1821, %swap3A_1822] : memref<128x768xf32, #tpu.memory_space<vmem>>, vector<1x768xf32>
    %swap3A_1824 = vector.shape_cast %swap3A_1823 : vector<1x768xf32> to vector<768xf32>
    %swap3A_1825 = vector.shape_cast %get3A_1820 : vector<768xf32> to vector<1x768xf32>
    tpu.vector_store %arg3[%swap3A_1821, %swap3A_1822], %swap3A_1825 {strides = array<i32>} : memref<128x768xf32, #tpu.memory_space<vmem>>, vector<1x768xf32>,
    %mul3A_1826 = arith.constant 128 : i32
    %mul3A_1827 = arith.muli %arg0, %mul3A_1826 : i32
    %add3A_1828 = arith.constant 122 : i32
    %add3A_1829 = arith.addi %mul3A_1827, %add3A_1828 : i32
    %get3A_1830 = arith.index_cast %add3A_1829 : i32 to index
    %get3A_1831 = memref.load %arg1[%get3A_1830] : memref<4096xi32, #tpu.memory_space<smem>>
    %get3A_1832 = arith.index_cast %get3A_1831 : i32 to index
    %get3A_1833 = arith.constant 0 : index
    %get3A_1834 = vector.load %arg2[%get3A_1832, %get3A_1833] : memref<2048x768xf32, #tpu.memory_space<vmem>>, vector<1x768xf32>
    %get3A_1835 = vector.shape_cast %get3A_1834 : vector<1x768xf32> to vector<768xf32>
    %swap3A_1836 = arith.constant 122 : index
    %swap3A_1837 = arith.constant 0 : index
    %swap3A_1838 = vector.load %arg3[%swap3A_1836, %swap3A_1837] : memref<128x768xf32, #tpu.memory_space<vmem>>, vector<1x768xf32>
    %swap3A_1839 = vector.shape_cast %swap3A_1838 : vector<1x768xf32> to vector<768xf32>
    %swap3A_1840 = vector.shape_cast %get3A_1835 : vector<768xf32> to vector<1x768xf32>
    tpu.vector_store %arg3[%swap3A_1836, %swap3A_1837], %swap3A_1840 {strides = array<i32>} : memref<128x768xf32, #tpu.memory_space<vmem>>, vector<1x768xf32>,
    %mul3A_1841 = arith.constant 128 : i32
    %mul3A_1842 = arith.muli %arg0, %mul3A_1841 : i32
    %add3A_1843 = arith.constant 123 : i32
    %add3A_1844 = arith.addi %mul3A_1842, %add3A_1843 : i32
    %get3A_1845 = arith.index_cast %add3A_1844 : i32 to index
    %get3A_1846 = memref.load %arg1[%get3A_1845] : memref<4096xi32, #tpu.memory_space<smem>>
    %get3A_1847 = arith.index_cast %get3A_1846 : i32 to index
    %get3A_1848 = arith.constant 0 : index
    %get3A_1849 = vector.load %arg2[%get3A_1847, %get3A_1848] : memref<2048x768xf32, #tpu.memory_space<vmem>>, vector<1x768xf32>
    %get3A_1850 = vector.shape_cast %get3A_1849 : vector<1x768xf32> to vector<768xf32>
    %swap3A_1851 = arith.constant 123 : index
    %swap3A_1852 = arith.constant 0 : index
    %swap3A_1853 = vector.load %arg3[%swap3A_1851, %swap3A_1852] : memref<128x768xf32, #tpu.memory_space<vmem>>, vector<1x768xf32>
    %swap3A_1854 = vector.shape_cast %swap3A_1853 : vector<1x768xf32> to vector<768xf32>
    %swap3A_1855 = vector.shape_cast %get3A_1850 : vector<768xf32> to vector<1x768xf32>
    tpu.vector_store %arg3[%swap3A_1851, %swap3A_1852], %swap3A_1855 {strides = array<i32>} : memref<128x768xf32, #tpu.memory_space<vmem>>, vector<1x768xf32>,
    %mul3A_1856 = arith.constant 128 : i32
    %mul3A_1857 = arith.muli %arg0, %mul3A_1856 : i32
    %add3A_1858 = arith.constant 124 : i32
    %add3A_1859 = arith.addi %mul3A_1857, %add3A_1858 : i32
    %get3A_1860 = arith.index_cast %add3A_1859 : i32 to index
    %get3A_1861 = memref.load %arg1[%get3A_1860] : memref<4096xi32, #tpu.memory_space<smem>>
    %get3A_1862 = arith.index_cast %get3A_1861 : i32 to index
    %get3A_1863 = arith.constant 0 : index
    %get3A_1864 = vector.load %arg2[%get3A_1862, %get3A_1863] : memref<2048x768xf32, #tpu.memory_space<vmem>>, vector<1x768xf32>
    %get3A_1865 = vector.shape_cast %get3A_1864 : vector<1x768xf32> to vector<768xf32>
    %swap3A_1866 = arith.constant 124 : index
    %swap3A_1867 = arith.constant 0 : index
    %swap3A_1868 = vector.load %arg3[%swap3A_1866, %swap3A_1867] : memref<128x768xf32, #tpu.memory_space<vmem>>, vector<1x768xf32>
    %swap3A_1869 = vector.shape_cast %swap3A_1868 : vector<1x768xf32> to vector<768xf32>
    %swap3A_1870 = vector.shape_cast %get3A_1865 : vector<768xf32> to vector<1x768xf32>
    tpu.vector_store %arg3[%swap3A_1866, %swap3A_1867], %swap3A_1870 {strides = array<i32>} : memref<128x768xf32, #tpu.memory_space<vmem>>, vector<1x768xf32>,
    %mul3A_1871 = arith.constant 128 : i32
    %mul3A_1872 = arith.muli %arg0, %mul3A_1871 : i32
    %add3A_1873 = arith.constant 125 : i32
    %add3A_1874 = arith.addi %mul3A_1872, %add3A_1873 : i32
    %get3A_1875 = arith.index_cast %add3A_1874 : i32 to index
    %get3A_1876 = memref.load %arg1[%get3A_1875] : memref<4096xi32, #tpu.memory_space<smem>>
    %get3A_1877 = arith.index_cast %get3A_1876 : i32 to index
    %get3A_1878 = arith.constant 0 : index
    %get3A_1879 = vector.load %arg2[%get3A_1877, %get3A_1878] : memref<2048x768xf32, #tpu.memory_space<vmem>>, vector<1x768xf32>
    %get3A_1880 = vector.shape_cast %get3A_1879 : vector<1x768xf32> to vector<768xf32>
    %swap3A_1881 = arith.constant 125 : index
    %swap3A_1882 = arith.constant 0 : index
    %swap3A_1883 = vector.load %arg3[%swap3A_1881, %swap3A_1882] : memref<128x768xf32, #tpu.memory_space<vmem>>, vector<1x768xf32>
    %swap3A_1884 = vector.shape_cast %swap3A_1883 : vector<1x768xf32> to vector<768xf32>
    %swap3A_1885 = vector.shape_cast %get3A_1880 : vector<768xf32> to vector<1x768xf32>
    tpu.vector_store %arg3[%swap3A_1881, %swap3A_1882], %swap3A_1885 {strides = array<i32>} : memref<128x768xf32, #tpu.memory_space<vmem>>, vector<1x768xf32>,
    %mul3A_1886 = arith.constant 128 : i32
    %mul3A_1887 = arith.muli %arg0, %mul3A_1886 : i32
    %add3A_1888 = arith.constant 126 : i32
    %add3A_1889 = arith.addi %mul3A_1887, %add3A_1888 : i32
    %get3A_1890 = arith.index_cast %add3A_1889 : i32 to index
    %get3A_1891 = memref.load %arg1[%get3A_1890] : memref<4096xi32, #tpu.memory_space<smem>>
    %get3A_1892 = arith.index_cast %get3A_1891 : i32 to index
    %get3A_1893 = arith.constant 0 : index
    %get3A_1894 = vector.load %arg2[%get3A_1892, %get3A_1893] : memref<2048x768xf32, #tpu.memory_space<vmem>>, vector<1x768xf32>
    %get3A_1895 = vector.shape_cast %get3A_1894 : vector<1x768xf32> to vector<768xf32>
    %swap3A_1896 = arith.constant 126 : index
    %swap3A_1897 = arith.constant 0 : index
    %swap3A_1898 = vector.load %arg3[%swap3A_1896, %swap3A_1897] : memref<128x768xf32, #tpu.memory_space<vmem>>, vector<1x768xf32>
    %swap3A_1899 = vector.shape_cast %swap3A_1898 : vector<1x768xf32> to vector<768xf32>
    %swap3A_1900 = vector.shape_cast %get3A_1895 : vector<768xf32> to vector<1x768xf32>
    tpu.vector_store %arg3[%swap3A_1896, %swap3A_1897], %swap3A_1900 {strides = array<i32>} : memref<128x768xf32, #tpu.memory_space<vmem>>, vector<1x768xf32>,
    %mul3A_1901 = arith.constant 128 : i32
    %mul3A_1902 = arith.muli %arg0, %mul3A_1901 : i32
    %add3A_1903 = arith.constant 127 : i32
    %add3A_1904 = arith.addi %mul3A_1902, %add3A_1903 : i32
    %get3A_1905 = arith.index_cast %add3A_1904 : i32 to index
    %get3A_1906 = memref.load %arg1[%get3A_1905] : memref<4096xi32, #tpu.memory_space<smem>>
    %get3A_1907 = arith.index_cast %get3A_1906 : i32 to index
    %get3A_1908 = arith.constant 0 : index
    %get3A_1909 = vector.load %arg2[%get3A_1907, %get3A_1908] : memref<2048x768xf32, #tpu.memory_space<vmem>>, vector<1x768xf32>
    %get3A_1910 = vector.shape_cast %get3A_1909 : vector<1x768xf32> to vector<768xf32>
    %swap3A_1911 = arith.constant 127 : index
    %swap3A_1912 = arith.constant 0 : index
    %swap3A_1913 = vector.load %arg3[%swap3A_1911, %swap3A_1912] : memref<128x768xf32, #tpu.memory_space<vmem>>, vector<1x768xf32>
    %swap3A_1914 = vector.shape_cast %swap3A_1913 : vector<1x768xf32> to vector<768xf32>
    %swap3A_1915 = vector.shape_cast %get3A_1910 : vector<768xf32> to vector<1x768xf32>
    tpu.vector_store %arg3[%swap3A_1911, %swap3A_1912], %swap3A_1915 {strides = array<i32>} : memref<128x768xf32, #tpu.memory_space<vmem>>, vector<1x768xf32>,
    return
  }
  func.func @transform_0(%arg0: i32, %arg1: memref<4096xi32, #tpu.memory_space<smem>>) -> (i32, i32) {
    %c0_i32 = arith.constant 0 : i32
    %c0_i32_0 = arith.constant 0 : i32
    %c0_i32_1 = arith.constant 0 : i32
    return %c0_i32, %c0_i32_0 : i32, i32
  }
  func.func @transform_1(%arg0: i32, %arg1: memref<4096xi32, #tpu.memory_space<smem>>) -> (i32, i32) {
    %c0_i32 = arith.constant 0 : i32
    %c0_i32_0 = arith.constant 0 : i32
    return %arg0, %c0_i32 : i32, i32
  }
}

module attributes {stable_mosaic.version = 14 : i64} {
  func.func @_attn_kernel(%arg0: i32, %arg1: memref<257xi32, #tpu.memory_space<smem>>, %arg2: memref<256xi32, #tpu.memory_space<smem>>, %arg3: memref<768x512xf32, #tpu.memory_space<vmem>>, %arg4: memref<768x512xf32, #tpu.memory_space<vmem>>, %arg5: memref<1x1xf32, #tpu.memory_space<vmem>>, %arg6: memref<1x1xf32, #tpu.memory_space<vmem>>, %arg7: memref<4096x768xf32, #tpu.memory_space<vmem>>, %arg8: memref<4096x768xf32, #tpu.memory_space<vmem>>) attributes {dimension_semantics = [#tpu.dimension_semantics<arbitrary>], iteration_bounds = array<i64: 32>, scalar_prefetch = 2 : i64, scratch_operands = 0 : i64, tpu.core_type = #tpu.core_type<tc>, window_params = [{transform_indices = @transform_0, window_bounds = array<i64: 768, 512>}, {transform_indices = @transform_1, window_bounds = array<i64: 768, 512>}, {pipeline_mode = #tpu.pipeline_mode<synchronous>, transform_indices = @transform_2, window_bounds = array<i64: 1, 1>}, {pipeline_mode = #tpu.pipeline_mode<synchronous>, transform_indices = @transform_3, window_bounds = array<i64: 1, 1>}, {pipeline_mode = #tpu.pipeline_mode<synchronous>, transform_indices = @transform_4, window_bounds = array<i64: 4096, 768>}, {pipeline_mode = #tpu.pipeline_mode<synchronous>, transform_indices = @transform_5, window_bounds = array<i64: 4096, 768>}]} {
    %get3A = arith.constant 0 : index
    %get3A_0 = arith.constant 0 : index
    %get3A_1 = vector.load %arg5[%get3A, %get3A_0] : memref<1x1xf32, #tpu.memory_space<vmem>>, vector<1x1xf32>
    %max3A = arith.constant 9.99999993E-9 : f32
    %max3A_2 = vector.broadcast %max3A : f32 to vector<1x1xf32>
    %max3A_3 = arith.maximumf %get3A_1, %max3A_2 : vector<1x1xf32>
    %div3A = arith.constant 1.270000e+02 : f32
    %div3A_4 = vector.broadcast %div3A : f32 to vector<1x1xf32>
    %div3A_5 = arith.divf %div3A_4, %max3A_3 : vector<1x1xf32>
    %get3A_6 = arith.constant 0 : index
    %get3A_7 = arith.constant 0 : index
    %get3A_8 = vector.load %arg6[%get3A_6, %get3A_7] : memref<1x1xf32, #tpu.memory_space<vmem>>, vector<1x1xf32>
    %max3A_9 = arith.constant 9.99999993E-9 : f32
    %max3A_10 = vector.broadcast %max3A_9 : f32 to vector<1x1xf32>
    %max3A_11 = arith.maximumf %get3A_8, %max3A_10 : vector<1x1xf32>
    %div3A_12 = arith.constant 1.270000e+02 : f32
    %div3A_13 = vector.broadcast %div3A_12 : f32 to vector<1x1xf32>
    %div3A_14 = arith.divf %div3A_13, %max3A_11 : vector<1x1xf32>
    %get3A_15 = arith.constant 0 : index
    %get3A_16 = arith.constant 0 : index
    %get3A_17 = vector.load %arg3[%get3A_15, %get3A_16] : memref<768x512xf32, #tpu.memory_space<vmem>>, vector<768x512xf32>
    %mul3A = vector.broadcast %div3A_5 : vector<1x1xf32> to vector<768x512xf32>
    %mul3A_18 = arith.mulf %get3A_17, %mul3A : vector<768x512xf32>
    %round3A = math.roundeven %mul3A_18 : vector<768x512xf32>
    %get3A_19 = arith.constant 0 : index
    %get3A_20 = arith.constant 0 : index
    %get3A_21 = vector.load %arg4[%get3A_19, %get3A_20] : memref<768x512xf32, #tpu.memory_space<vmem>>, vector<768x512xf32>
    %mul3A_22 = vector.broadcast %div3A_14 : vector<1x1xf32> to vector<768x512xf32>
    %mul3A_23 = arith.mulf %get3A_21, %mul3A_22 : vector<768x512xf32>
    %round3A_24 = math.roundeven %mul3A_23 : vector<768x512xf32>
    %div3A_25 = arith.constant 1.000000e+00 : f32
    %div3A_26 = vector.broadcast %div3A_25 : f32 to vector<1x1xf32>
    %div3A_27 = arith.divf %div3A_26, %div3A_5 : vector<1x1xf32>
    %div3A_28 = arith.constant 1.000000e+00 : f32
    %div3A_29 = vector.broadcast %div3A_28 : f32 to vector<1x1xf32>
    %div3A_30 = arith.divf %div3A_29, %div3A_14 : vector<1x1xf32>
    %mul3A_31 = arith.constant 8 : i32
    %mul3A_32 = arith.muli %arg0, %mul3A_31 : i32
    %add3A = arith.constant 0 : i32
    %add3A_33 = arith.addi %mul3A_32, %add3A : i32
    %get3A_34 = arith.index_cast %add3A_33 : i32 to index
    %get3A_35 = memref.load %arg1[%get3A_34] : memref<257xi32, #tpu.memory_space<smem>>
    %get3A_36 = arith.index_cast %add3A_33 : i32 to index
    %get3A_37 = memref.load %arg2[%get3A_36] : memref<256xi32, #tpu.memory_space<smem>>
    %mul3A_38 = arith.constant 8 : i32
    %mul3A_39 = arith.muli %get3A_35, %mul3A_38 : i32
    %add3A_40 = arith.addi %mul3A_39, %get3A_37 : i32
    %add3A_41 = arith.constant 16 : i32
    %add3A_42 = arith.addi %get3A_37, %add3A_41 : i32
    %sub3A = arith.constant 1 : i32
    %sub3A_43 = arith.subi %add3A_42, %sub3A : i32
    %jit3A = arith.constant 16 : i32
    %div3A_44 = arith.divsi %sub3A_43, %jit3A : i32
    %sign3A = arith.constant 0 : i32
    %sign3A_45 = arith.cmpi sgt, %sub3A_43, %sign3A : i32
    %sign3A_46 = arith.extui %sign3A_45 : i1 to i32
    %sign3A_47 = arith.constant 0 : i32
    %sign3A_48 = arith.cmpi slt, %sub3A_43, %sign3A_47 : i32
    %sign3A_49 = arith.extui %sign3A_48 : i1 to i32
    %sign3A_50 = arith.subi %sign3A_46, %sign3A_49 : i32
    %sign3A_51 = arith.constant 0 : i32
    %sign3A_52 = arith.cmpi sgt, %jit3A, %sign3A_51 : i32
    %sign3A_53 = arith.extui %sign3A_52 : i1 to i32
    %sign3A_54 = arith.constant 0 : i32
    %sign3A_55 = arith.cmpi slt, %jit3A, %sign3A_54 : i32
    %sign3A_56 = arith.extui %sign3A_55 : i1 to i32
    %sign3A_57 = arith.subi %sign3A_53, %sign3A_56 : i32
    %ne3A = arith.cmpi ne, %sign3A_50, %sign3A_57 : i32
    %rem3A = arith.remsi %sub3A_43, %jit3A : i32
    %ne3A_58 = arith.constant 0 : i32
    %ne3A_59 = arith.cmpi ne, %rem3A, %ne3A_58 : i32
    %and3A = arith.andi %ne3A, %ne3A_59 : i1
    %sub3A_60 = arith.constant 1 : i32
    %sub3A_61 = arith.subi %div3A_44, %sub3A_60 : i32
    %select_n3A = arith.select %and3A, %sub3A_61, %div3A_44 : i32
    %slice3A = vector.extract_strided_slice %round3A {offsets = [0, 0], sizes = [768, 64], strides = [1, 1]} : vector<768x512xf32> to vector<768x64xf32>
    %slice3A_62 = vector.extract_strided_slice %round3A_24 {offsets = [0, 0], sizes = [768, 64], strides = [1, 1]} : vector<768x512xf32> to vector<768x64xf32>
    %while3A = arith.constant 0 : i32
    %while3A_63 = arith.constant 0 : i32
    %while3A_64 = arith.subi %select_n3A, %while3A : i32
    %while3A_65 = arith.addi %while3A, %while3A_64 : i32
    %while3A_66 = arith.constant 1 : i32
    %while3A_67 = arith.divsi %while3A_64, %while3A_66 : i32
    %while3A_68 = arith.muli %while3A_67, %while3A_66 : i32
    %while3A_69 = arith.addi %while3A, %while3A_68 : i32
    %while3A_70 = arith.constant 1 : i32
    %while3A_71 = scf.for %while3A_445 = %while3A to %while3A_69 step %while3A_70 iter_args(%while3A_446 = %while3A_63) -> (i32)  : i32 {
      %mul3A_447 = arith.constant 2 : i32
      %mul3A_448 = arith.muli %while3A_445, %mul3A_447 : i32
      %add3A_449 = arith.addi %get3A_35, %mul3A_448 : i32
      %mul3A_450 = arith.constant 8 : i32
      %mul3A_451 = arith.muli %add3A_449, %mul3A_450 : i32
      %get3A_452 = arith.index_cast %mul3A_451 : i32 to index
      %get3A_453 = arith.constant 0 : index
      %get3A_454 = vector.load %arg7[%get3A_452, %get3A_453] : memref<4096x768xf32, #tpu.memory_space<vmem>>, vector<16x768xf32>
      %dot_general3A = arith.constant dense<0.000000e+00> : vector<16x64xf32>
      %dot_general3A_455 = tpu.matmul %get3A_454, %slice3A, %dot_general3A {dimension_numbers = #tpu.dot_dimension_numbers<[1], [0], [0], [1], [0, 0, 1, 1], [], []>, transpose_lhs_hint = false} : vector<16x768xf32>, vector<768x64xf32>, vector<16x64xf32> -> vector<16x64xf32>
      %mul3A_456 = vector.broadcast %div3A_27 : vector<1x1xf32> to vector<16x64xf32>
      %mul3A_457 = arith.mulf %dot_general3A_455, %mul3A_456 : vector<16x64xf32>
      %reduce_max3A = arith.constant dense<0xFF800000> : vector<16xf32>
      %reduce_max3A_458 = vector.multi_reduction <maximumf>, %mul3A_457, %reduce_max3A [1] : vector<16x64xf32> to vector<16xf32>
      %broadcast_in_dim3A = vector.shape_cast %reduce_max3A_458 : vector<16xf32> to vector<16x1xf32>
      %sub3A_459 = vector.broadcast %broadcast_in_dim3A : vector<16x1xf32> to vector<16x64xf32>
      %sub3A_460 = arith.subf %mul3A_457, %sub3A_459 : vector<16x64xf32>
      %exp3A = math.exp %sub3A_460 : vector<16x64xf32>
      %mul3A_461 = vector.broadcast %div3A_30 : vector<1x1xf32> to vector<16x64xf32>
      %mul3A_462 = arith.mulf %exp3A, %mul3A_461 : vector<16x64xf32>
      %reduce_sum3A = arith.constant dense<0.000000e+00> : vector<16xf32>
      %reduce_sum3A_463 = vector.multi_reduction <add>, %exp3A, %reduce_sum3A [1] : vector<16x64xf32> to vector<16xf32>
      %broadcast_in_dim3A_464 = vector.shape_cast %reduce_sum3A_463 : vector<16xf32> to vector<16x1xf32>
      %div3A_465 = vector.broadcast %broadcast_in_dim3A_464 : vector<16x1xf32> to vector<16x64xf32>
      %div3A_466 = arith.divf %mul3A_462, %div3A_465 : vector<16x64xf32>
      %dot_general3A_467 = arith.constant dense<0.000000e+00> : vector<16x768xf32>
      %dot_general3A_468 = tpu.matmul %div3A_466, %slice3A_62, %dot_general3A_467 {dimension_numbers = #tpu.dot_dimension_numbers<[1], [1], [0], [0], [0, 0, 1, 0], [], []>, transpose_lhs_hint = false} : vector<16x64xf32>, vector<768x64xf32>, vector<16x768xf32> -> vector<16x768xf32>
      %iota3A = tpu.iota {dimensions = array<i32: 0>} : vector<16x1xi32>
      %add3A_469 = vector.broadcast %mul3A_451 : i32 to vector<16x1xi32>
      %add3A_470 = arith.addi %add3A_469, %iota3A : vector<16x1xi32>
      %lt3A = vector.broadcast %add3A_40 : i32 to vector<16x1xi32>
      %lt3A_471 = arith.cmpi slt, %add3A_470, %lt3A : vector<16x1xi32>
      %get3A_472 = arith.index_cast %mul3A_451 : i32 to index
      %get3A_473 = arith.constant 0 : index
      %get3A_474 = vector.load %arg8[%get3A_472, %get3A_473] : memref<4096x768xf32, #tpu.memory_space<vmem>>, vector<16x768xf32>
      %broadcast_in_dim3A_475 = vector.shape_cast %lt3A_471 : vector<16x1xi1> to vector<16x1xi1>
      %broadcast_in_dim3A_476 = vector.broadcast %broadcast_in_dim3A_475 : vector<16x1xi1> to vector<16x768xi1>
      %select_n3A_477 = arith.select %broadcast_in_dim3A_476, %dot_general3A_468, %get3A_474 : vector<16x768xi1>, vector<16x768xf32>
      %swap3A = arith.index_cast %mul3A_451 : i32 to index
      %swap3A_478 = arith.constant 0 : index
      %swap3A_479 = vector.load %arg8[%swap3A, %swap3A_478] : memref<4096x768xf32, #tpu.memory_space<vmem>>, vector<16x768xf32>
      tpu.vector_store %arg8[%swap3A, %swap3A_478], %select_n3A_477 {strides = array<i32>} : memref<4096x768xf32, #tpu.memory_space<vmem>>, vector<16x768xf32>,
      %while3A_480 = arith.constant 0 : i32
      scf.yield %while3A_480 : i32
    }
    %while3A_72 = arith.constant 1 : i32
    %while3A_73 = scf.for %while3A_445 = %while3A_69 to %while3A_65 step %while3A_72 iter_args(%while3A_446 = %while3A_71) -> (i32)  : i32 {
      %mul3A_447 = arith.constant 2 : i32
      %mul3A_448 = arith.muli %while3A_445, %mul3A_447 : i32
      %add3A_449 = arith.addi %get3A_35, %mul3A_448 : i32
      %mul3A_450 = arith.constant 8 : i32
      %mul3A_451 = arith.muli %add3A_449, %mul3A_450 : i32
      %get3A_452 = arith.index_cast %mul3A_451 : i32 to index
      %get3A_453 = arith.constant 0 : index
      %get3A_454 = vector.load %arg7[%get3A_452, %get3A_453] : memref<4096x768xf32, #tpu.memory_space<vmem>>, vector<16x768xf32>
      %dot_general3A = arith.constant dense<0.000000e+00> : vector<16x64xf32>
      %dot_general3A_455 = tpu.matmul %get3A_454, %slice3A, %dot_general3A {dimension_numbers = #tpu.dot_dimension_numbers<[1], [0], [0], [1], [0, 0, 1, 1], [], []>, transpose_lhs_hint = false} : vector<16x768xf32>, vector<768x64xf32>, vector<16x64xf32> -> vector<16x64xf32>
      %mul3A_456 = vector.broadcast %div3A_27 : vector<1x1xf32> to vector<16x64xf32>
      %mul3A_457 = arith.mulf %dot_general3A_455, %mul3A_456 : vector<16x64xf32>
      %reduce_max3A = arith.constant dense<0xFF800000> : vector<16xf32>
      %reduce_max3A_458 = vector.multi_reduction <maximumf>, %mul3A_457, %reduce_max3A [1] : vector<16x64xf32> to vector<16xf32>
      %broadcast_in_dim3A = vector.shape_cast %reduce_max3A_458 : vector<16xf32> to vector<16x1xf32>
      %sub3A_459 = vector.broadcast %broadcast_in_dim3A : vector<16x1xf32> to vector<16x64xf32>
      %sub3A_460 = arith.subf %mul3A_457, %sub3A_459 : vector<16x64xf32>
      %exp3A = math.exp %sub3A_460 : vector<16x64xf32>
      %mul3A_461 = vector.broadcast %div3A_30 : vector<1x1xf32> to vector<16x64xf32>
      %mul3A_462 = arith.mulf %exp3A, %mul3A_461 : vector<16x64xf32>
      %reduce_sum3A = arith.constant dense<0.000000e+00> : vector<16xf32>
      %reduce_sum3A_463 = vector.multi_reduction <add>, %exp3A, %reduce_sum3A [1] : vector<16x64xf32> to vector<16xf32>
      %broadcast_in_dim3A_464 = vector.shape_cast %reduce_sum3A_463 : vector<16xf32> to vector<16x1xf32>
      %div3A_465 = vector.broadcast %broadcast_in_dim3A_464 : vector<16x1xf32> to vector<16x64xf32>
      %div3A_466 = arith.divf %mul3A_462, %div3A_465 : vector<16x64xf32>
      %dot_general3A_467 = arith.constant dense<0.000000e+00> : vector<16x768xf32>
      %dot_general3A_468 = tpu.matmul %div3A_466, %slice3A_62, %dot_general3A_467 {dimension_numbers = #tpu.dot_dimension_numbers<[1], [1], [0], [0], [0, 0, 1, 0], [], []>, transpose_lhs_hint = false} : vector<16x64xf32>, vector<768x64xf32>, vector<16x768xf32> -> vector<16x768xf32>
      %iota3A = tpu.iota {dimensions = array<i32: 0>} : vector<16x1xi32>
      %add3A_469 = vector.broadcast %mul3A_451 : i32 to vector<16x1xi32>
      %add3A_470 = arith.addi %add3A_469, %iota3A : vector<16x1xi32>
      %lt3A = vector.broadcast %add3A_40 : i32 to vector<16x1xi32>
      %lt3A_471 = arith.cmpi slt, %add3A_470, %lt3A : vector<16x1xi32>
      %get3A_472 = arith.index_cast %mul3A_451 : i32 to index
      %get3A_473 = arith.constant 0 : index
      %get3A_474 = vector.load %arg8[%get3A_472, %get3A_473] : memref<4096x768xf32, #tpu.memory_space<vmem>>, vector<16x768xf32>
      %broadcast_in_dim3A_475 = vector.shape_cast %lt3A_471 : vector<16x1xi1> to vector<16x1xi1>
      %broadcast_in_dim3A_476 = vector.broadcast %broadcast_in_dim3A_475 : vector<16x1xi1> to vector<16x768xi1>
      %select_n3A_477 = arith.select %broadcast_in_dim3A_476, %dot_general3A_468, %get3A_474 : vector<16x768xi1>, vector<16x768xf32>
      %swap3A = arith.index_cast %mul3A_451 : i32 to index
      %swap3A_478 = arith.constant 0 : index
      %swap3A_479 = vector.load %arg8[%swap3A, %swap3A_478] : memref<4096x768xf32, #tpu.memory_space<vmem>>, vector<16x768xf32>
      tpu.vector_store %arg8[%swap3A, %swap3A_478], %select_n3A_477 {strides = array<i32>} : memref<4096x768xf32, #tpu.memory_space<vmem>>, vector<16x768xf32>,
      %while3A_480 = arith.constant 0 : i32
      scf.yield %while3A_480 : i32
    }
    %mul3A_74 = arith.constant 8 : i32
    %mul3A_75 = arith.muli %arg0, %mul3A_74 : i32
    %add3A_76 = arith.constant 1 : i32
    %add3A_77 = arith.addi %mul3A_75, %add3A_76 : i32
    %get3A_78 = arith.index_cast %add3A_77 : i32 to index
    %get3A_79 = memref.load %arg1[%get3A_78] : memref<257xi32, #tpu.memory_space<smem>>
    %get3A_80 = arith.index_cast %add3A_77 : i32 to index
    %get3A_81 = memref.load %arg2[%get3A_80] : memref<256xi32, #tpu.memory_space<smem>>
    %mul3A_82 = arith.constant 8 : i32
    %mul3A_83 = arith.muli %get3A_79, %mul3A_82 : i32
    %add3A_84 = arith.addi %mul3A_83, %get3A_81 : i32
    %add3A_85 = arith.constant 16 : i32
    %add3A_86 = arith.addi %get3A_81, %add3A_85 : i32
    %sub3A_87 = arith.constant 1 : i32
    %sub3A_88 = arith.subi %add3A_86, %sub3A_87 : i32
    %jit3A_89 = arith.constant 16 : i32
    %div3A_90 = arith.divsi %sub3A_88, %jit3A_89 : i32
    %sign3A_91 = arith.constant 0 : i32
    %sign3A_92 = arith.cmpi sgt, %sub3A_88, %sign3A_91 : i32
    %sign3A_93 = arith.extui %sign3A_92 : i1 to i32
    %sign3A_94 = arith.constant 0 : i32
    %sign3A_95 = arith.cmpi slt, %sub3A_88, %sign3A_94 : i32
    %sign3A_96 = arith.extui %sign3A_95 : i1 to i32
    %sign3A_97 = arith.subi %sign3A_93, %sign3A_96 : i32
    %sign3A_98 = arith.constant 0 : i32
    %sign3A_99 = arith.cmpi sgt, %jit3A_89, %sign3A_98 : i32
    %sign3A_100 = arith.extui %sign3A_99 : i1 to i32
    %sign3A_101 = arith.constant 0 : i32
    %sign3A_102 = arith.cmpi slt, %jit3A_89, %sign3A_101 : i32
    %sign3A_103 = arith.extui %sign3A_102 : i1 to i32
    %sign3A_104 = arith.subi %sign3A_100, %sign3A_103 : i32
    %ne3A_105 = arith.cmpi ne, %sign3A_97, %sign3A_104 : i32
    %rem3A_106 = arith.remsi %sub3A_88, %jit3A_89 : i32
    %ne3A_107 = arith.constant 0 : i32
    %ne3A_108 = arith.cmpi ne, %rem3A_106, %ne3A_107 : i32
    %and3A_109 = arith.andi %ne3A_105, %ne3A_108 : i1
    %sub3A_110 = arith.constant 1 : i32
    %sub3A_111 = arith.subi %div3A_90, %sub3A_110 : i32
    %select_n3A_112 = arith.select %and3A_109, %sub3A_111, %div3A_90 : i32
    %slice3A_113 = vector.extract_strided_slice %round3A {offsets = [0, 64], sizes = [768, 64], strides = [1, 1]} : vector<768x512xf32> to vector<768x64xf32>
    %slice3A_114 = vector.extract_strided_slice %round3A_24 {offsets = [0, 64], sizes = [768, 64], strides = [1, 1]} : vector<768x512xf32> to vector<768x64xf32>
    %while3A_115 = arith.constant 0 : i32
    %while3A_116 = arith.constant 0 : i32
    %while3A_117 = arith.subi %select_n3A_112, %while3A_115 : i32
    %while3A_118 = arith.addi %while3A_115, %while3A_117 : i32
    %while3A_119 = arith.constant 1 : i32
    %while3A_120 = arith.divsi %while3A_117, %while3A_119 : i32
    %while3A_121 = arith.muli %while3A_120, %while3A_119 : i32
    %while3A_122 = arith.addi %while3A_115, %while3A_121 : i32
    %while3A_123 = arith.constant 1 : i32
    %while3A_124 = scf.for %while3A_445 = %while3A_115 to %while3A_122 step %while3A_123 iter_args(%while3A_446 = %while3A_116) -> (i32)  : i32 {
      %mul3A_447 = arith.constant 2 : i32
      %mul3A_448 = arith.muli %while3A_445, %mul3A_447 : i32
      %add3A_449 = arith.addi %get3A_79, %mul3A_448 : i32
      %mul3A_450 = arith.constant 8 : i32
      %mul3A_451 = arith.muli %add3A_449, %mul3A_450 : i32
      %get3A_452 = arith.index_cast %mul3A_451 : i32 to index
      %get3A_453 = arith.constant 0 : index
      %get3A_454 = vector.load %arg7[%get3A_452, %get3A_453] : memref<4096x768xf32, #tpu.memory_space<vmem>>, vector<16x768xf32>
      %dot_general3A = arith.constant dense<0.000000e+00> : vector<16x64xf32>
      %dot_general3A_455 = tpu.matmul %get3A_454, %slice3A_113, %dot_general3A {dimension_numbers = #tpu.dot_dimension_numbers<[1], [0], [0], [1], [0, 0, 1, 1], [], []>, transpose_lhs_hint = false} : vector<16x768xf32>, vector<768x64xf32>, vector<16x64xf32> -> vector<16x64xf32>
      %mul3A_456 = vector.broadcast %div3A_27 : vector<1x1xf32> to vector<16x64xf32>
      %mul3A_457 = arith.mulf %dot_general3A_455, %mul3A_456 : vector<16x64xf32>
      %reduce_max3A = arith.constant dense<0xFF800000> : vector<16xf32>
      %reduce_max3A_458 = vector.multi_reduction <maximumf>, %mul3A_457, %reduce_max3A [1] : vector<16x64xf32> to vector<16xf32>
      %broadcast_in_dim3A = vector.shape_cast %reduce_max3A_458 : vector<16xf32> to vector<16x1xf32>
      %sub3A_459 = vector.broadcast %broadcast_in_dim3A : vector<16x1xf32> to vector<16x64xf32>
      %sub3A_460 = arith.subf %mul3A_457, %sub3A_459 : vector<16x64xf32>
      %exp3A = math.exp %sub3A_460 : vector<16x64xf32>
      %mul3A_461 = vector.broadcast %div3A_30 : vector<1x1xf32> to vector<16x64xf32>
      %mul3A_462 = arith.mulf %exp3A, %mul3A_461 : vector<16x64xf32>
      %reduce_sum3A = arith.constant dense<0.000000e+00> : vector<16xf32>
      %reduce_sum3A_463 = vector.multi_reduction <add>, %exp3A, %reduce_sum3A [1] : vector<16x64xf32> to vector<16xf32>
      %broadcast_in_dim3A_464 = vector.shape_cast %reduce_sum3A_463 : vector<16xf32> to vector<16x1xf32>
      %div3A_465 = vector.broadcast %broadcast_in_dim3A_464 : vector<16x1xf32> to vector<16x64xf32>
      %div3A_466 = arith.divf %mul3A_462, %div3A_465 : vector<16x64xf32>
      %dot_general3A_467 = arith.constant dense<0.000000e+00> : vector<16x768xf32>
      %dot_general3A_468 = tpu.matmul %div3A_466, %slice3A_114, %dot_general3A_467 {dimension_numbers = #tpu.dot_dimension_numbers<[1], [1], [0], [0], [0, 0, 1, 0], [], []>, transpose_lhs_hint = false} : vector<16x64xf32>, vector<768x64xf32>, vector<16x768xf32> -> vector<16x768xf32>
      %iota3A = tpu.iota {dimensions = array<i32: 0>} : vector<16x1xi32>
      %add3A_469 = vector.broadcast %mul3A_451 : i32 to vector<16x1xi32>
      %add3A_470 = arith.addi %add3A_469, %iota3A : vector<16x1xi32>
      %lt3A = vector.broadcast %add3A_84 : i32 to vector<16x1xi32>
      %lt3A_471 = arith.cmpi slt, %add3A_470, %lt3A : vector<16x1xi32>
      %get3A_472 = arith.index_cast %mul3A_451 : i32 to index
      %get3A_473 = arith.constant 0 : index
      %get3A_474 = vector.load %arg8[%get3A_472, %get3A_473] : memref<4096x768xf32, #tpu.memory_space<vmem>>, vector<16x768xf32>
      %broadcast_in_dim3A_475 = vector.shape_cast %lt3A_471 : vector<16x1xi1> to vector<16x1xi1>
      %broadcast_in_dim3A_476 = vector.broadcast %broadcast_in_dim3A_475 : vector<16x1xi1> to vector<16x768xi1>
      %select_n3A_477 = arith.select %broadcast_in_dim3A_476, %dot_general3A_468, %get3A_474 : vector<16x768xi1>, vector<16x768xf32>
      %swap3A = arith.index_cast %mul3A_451 : i32 to index
      %swap3A_478 = arith.constant 0 : index
      %swap3A_479 = vector.load %arg8[%swap3A, %swap3A_478] : memref<4096x768xf32, #tpu.memory_space<vmem>>, vector<16x768xf32>
      tpu.vector_store %arg8[%swap3A, %swap3A_478], %select_n3A_477 {strides = array<i32>} : memref<4096x768xf32, #tpu.memory_space<vmem>>, vector<16x768xf32>,
      %while3A_480 = arith.constant 0 : i32
      scf.yield %while3A_480 : i32
    }
    %while3A_125 = arith.constant 1 : i32
    %while3A_126 = scf.for %while3A_445 = %while3A_122 to %while3A_118 step %while3A_125 iter_args(%while3A_446 = %while3A_124) -> (i32)  : i32 {
      %mul3A_447 = arith.constant 2 : i32
      %mul3A_448 = arith.muli %while3A_445, %mul3A_447 : i32
      %add3A_449 = arith.addi %get3A_79, %mul3A_448 : i32
      %mul3A_450 = arith.constant 8 : i32
      %mul3A_451 = arith.muli %add3A_449, %mul3A_450 : i32
      %get3A_452 = arith.index_cast %mul3A_451 : i32 to index
      %get3A_453 = arith.constant 0 : index
      %get3A_454 = vector.load %arg7[%get3A_452, %get3A_453] : memref<4096x768xf32, #tpu.memory_space<vmem>>, vector<16x768xf32>
      %dot_general3A = arith.constant dense<0.000000e+00> : vector<16x64xf32>
      %dot_general3A_455 = tpu.matmul %get3A_454, %slice3A_113, %dot_general3A {dimension_numbers = #tpu.dot_dimension_numbers<[1], [0], [0], [1], [0, 0, 1, 1], [], []>, transpose_lhs_hint = false} : vector<16x768xf32>, vector<768x64xf32>, vector<16x64xf32> -> vector<16x64xf32>
      %mul3A_456 = vector.broadcast %div3A_27 : vector<1x1xf32> to vector<16x64xf32>
      %mul3A_457 = arith.mulf %dot_general3A_455, %mul3A_456 : vector<16x64xf32>
      %reduce_max3A = arith.constant dense<0xFF800000> : vector<16xf32>
      %reduce_max3A_458 = vector.multi_reduction <maximumf>, %mul3A_457, %reduce_max3A [1] : vector<16x64xf32> to vector<16xf32>
      %broadcast_in_dim3A = vector.shape_cast %reduce_max3A_458 : vector<16xf32> to vector<16x1xf32>
      %sub3A_459 = vector.broadcast %broadcast_in_dim3A : vector<16x1xf32> to vector<16x64xf32>
      %sub3A_460 = arith.subf %mul3A_457, %sub3A_459 : vector<16x64xf32>
      %exp3A = math.exp %sub3A_460 : vector<16x64xf32>
      %mul3A_461 = vector.broadcast %div3A_30 : vector<1x1xf32> to vector<16x64xf32>
      %mul3A_462 = arith.mulf %exp3A, %mul3A_461 : vector<16x64xf32>
      %reduce_sum3A = arith.constant dense<0.000000e+00> : vector<16xf32>
      %reduce_sum3A_463 = vector.multi_reduction <add>, %exp3A, %reduce_sum3A [1] : vector<16x64xf32> to vector<16xf32>
      %broadcast_in_dim3A_464 = vector.shape_cast %reduce_sum3A_463 : vector<16xf32> to vector<16x1xf32>
      %div3A_465 = vector.broadcast %broadcast_in_dim3A_464 : vector<16x1xf32> to vector<16x64xf32>
      %div3A_466 = arith.divf %mul3A_462, %div3A_465 : vector<16x64xf32>
      %dot_general3A_467 = arith.constant dense<0.000000e+00> : vector<16x768xf32>
      %dot_general3A_468 = tpu.matmul %div3A_466, %slice3A_114, %dot_general3A_467 {dimension_numbers = #tpu.dot_dimension_numbers<[1], [1], [0], [0], [0, 0, 1, 0], [], []>, transpose_lhs_hint = false} : vector<16x64xf32>, vector<768x64xf32>, vector<16x768xf32> -> vector<16x768xf32>
      %iota3A = tpu.iota {dimensions = array<i32: 0>} : vector<16x1xi32>
      %add3A_469 = vector.broadcast %mul3A_451 : i32 to vector<16x1xi32>
      %add3A_470 = arith.addi %add3A_469, %iota3A : vector<16x1xi32>
      %lt3A = vector.broadcast %add3A_84 : i32 to vector<16x1xi32>
      %lt3A_471 = arith.cmpi slt, %add3A_470, %lt3A : vector<16x1xi32>
      %get3A_472 = arith.index_cast %mul3A_451 : i32 to index
      %get3A_473 = arith.constant 0 : index
      %get3A_474 = vector.load %arg8[%get3A_472, %get3A_473] : memref<4096x768xf32, #tpu.memory_space<vmem>>, vector<16x768xf32>
      %broadcast_in_dim3A_475 = vector.shape_cast %lt3A_471 : vector<16x1xi1> to vector<16x1xi1>
      %broadcast_in_dim3A_476 = vector.broadcast %broadcast_in_dim3A_475 : vector<16x1xi1> to vector<16x768xi1>
      %select_n3A_477 = arith.select %broadcast_in_dim3A_476, %dot_general3A_468, %get3A_474 : vector<16x768xi1>, vector<16x768xf32>
      %swap3A = arith.index_cast %mul3A_451 : i32 to index
      %swap3A_478 = arith.constant 0 : index
      %swap3A_479 = vector.load %arg8[%swap3A, %swap3A_478] : memref<4096x768xf32, #tpu.memory_space<vmem>>, vector<16x768xf32>
      tpu.vector_store %arg8[%swap3A, %swap3A_478], %select_n3A_477 {strides = array<i32>} : memref<4096x768xf32, #tpu.memory_space<vmem>>, vector<16x768xf32>,
      %while3A_480 = arith.constant 0 : i32
      scf.yield %while3A_480 : i32
    }
    %mul3A_127 = arith.constant 8 : i32
    %mul3A_128 = arith.muli %arg0, %mul3A_127 : i32
    %add3A_129 = arith.constant 2 : i32
    %add3A_130 = arith.addi %mul3A_128, %add3A_129 : i32
    %get3A_131 = arith.index_cast %add3A_130 : i32 to index
    %get3A_132 = memref.load %arg1[%get3A_131] : memref<257xi32, #tpu.memory_space<smem>>
    %get3A_133 = arith.index_cast %add3A_130 : i32 to index
    %get3A_134 = memref.load %arg2[%get3A_133] : memref<256xi32, #tpu.memory_space<smem>>
    %mul3A_135 = arith.constant 8 : i32
    %mul3A_136 = arith.muli %get3A_132, %mul3A_135 : i32
    %add3A_137 = arith.addi %mul3A_136, %get3A_134 : i32
    %add3A_138 = arith.constant 16 : i32
    %add3A_139 = arith.addi %get3A_134, %add3A_138 : i32
    %sub3A_140 = arith.constant 1 : i32
    %sub3A_141 = arith.subi %add3A_139, %sub3A_140 : i32
    %jit3A_142 = arith.constant 16 : i32
    %div3A_143 = arith.divsi %sub3A_141, %jit3A_142 : i32
    %sign3A_144 = arith.constant 0 : i32
    %sign3A_145 = arith.cmpi sgt, %sub3A_141, %sign3A_144 : i32
    %sign3A_146 = arith.extui %sign3A_145 : i1 to i32
    %sign3A_147 = arith.constant 0 : i32
    %sign3A_148 = arith.cmpi slt, %sub3A_141, %sign3A_147 : i32
    %sign3A_149 = arith.extui %sign3A_148 : i1 to i32
    %sign3A_150 = arith.subi %sign3A_146, %sign3A_149 : i32
    %sign3A_151 = arith.constant 0 : i32
    %sign3A_152 = arith.cmpi sgt, %jit3A_142, %sign3A_151 : i32
    %sign3A_153 = arith.extui %sign3A_152 : i1 to i32
    %sign3A_154 = arith.constant 0 : i32
    %sign3A_155 = arith.cmpi slt, %jit3A_142, %sign3A_154 : i32
    %sign3A_156 = arith.extui %sign3A_155 : i1 to i32
    %sign3A_157 = arith.subi %sign3A_153, %sign3A_156 : i32
    %ne3A_158 = arith.cmpi ne, %sign3A_150, %sign3A_157 : i32
    %rem3A_159 = arith.remsi %sub3A_141, %jit3A_142 : i32
    %ne3A_160 = arith.constant 0 : i32
    %ne3A_161 = arith.cmpi ne, %rem3A_159, %ne3A_160 : i32
    %and3A_162 = arith.andi %ne3A_158, %ne3A_161 : i1
    %sub3A_163 = arith.constant 1 : i32
    %sub3A_164 = arith.subi %div3A_143, %sub3A_163 : i32
    %select_n3A_165 = arith.select %and3A_162, %sub3A_164, %div3A_143 : i32
    %slice3A_166 = vector.extract_strided_slice %round3A {offsets = [0, 128], sizes = [768, 64], strides = [1, 1]} : vector<768x512xf32> to vector<768x64xf32>
    %slice3A_167 = vector.extract_strided_slice %round3A_24 {offsets = [0, 128], sizes = [768, 64], strides = [1, 1]} : vector<768x512xf32> to vector<768x64xf32>
    %while3A_168 = arith.constant 0 : i32
    %while3A_169 = arith.constant 0 : i32
    %while3A_170 = arith.subi %select_n3A_165, %while3A_168 : i32
    %while3A_171 = arith.addi %while3A_168, %while3A_170 : i32
    %while3A_172 = arith.constant 1 : i32
    %while3A_173 = arith.divsi %while3A_170, %while3A_172 : i32
    %while3A_174 = arith.muli %while3A_173, %while3A_172 : i32
    %while3A_175 = arith.addi %while3A_168, %while3A_174 : i32
    %while3A_176 = arith.constant 1 : i32
    %while3A_177 = scf.for %while3A_445 = %while3A_168 to %while3A_175 step %while3A_176 iter_args(%while3A_446 = %while3A_169) -> (i32)  : i32 {
      %mul3A_447 = arith.constant 2 : i32
      %mul3A_448 = arith.muli %while3A_445, %mul3A_447 : i32
      %add3A_449 = arith.addi %get3A_132, %mul3A_448 : i32
      %mul3A_450 = arith.constant 8 : i32
      %mul3A_451 = arith.muli %add3A_449, %mul3A_450 : i32
      %get3A_452 = arith.index_cast %mul3A_451 : i32 to index
      %get3A_453 = arith.constant 0 : index
      %get3A_454 = vector.load %arg7[%get3A_452, %get3A_453] : memref<4096x768xf32, #tpu.memory_space<vmem>>, vector<16x768xf32>
      %dot_general3A = arith.constant dense<0.000000e+00> : vector<16x64xf32>
      %dot_general3A_455 = tpu.matmul %get3A_454, %slice3A_166, %dot_general3A {dimension_numbers = #tpu.dot_dimension_numbers<[1], [0], [0], [1], [0, 0, 1, 1], [], []>, transpose_lhs_hint = false} : vector<16x768xf32>, vector<768x64xf32>, vector<16x64xf32> -> vector<16x64xf32>
      %mul3A_456 = vector.broadcast %div3A_27 : vector<1x1xf32> to vector<16x64xf32>
      %mul3A_457 = arith.mulf %dot_general3A_455, %mul3A_456 : vector<16x64xf32>
      %reduce_max3A = arith.constant dense<0xFF800000> : vector<16xf32>
      %reduce_max3A_458 = vector.multi_reduction <maximumf>, %mul3A_457, %reduce_max3A [1] : vector<16x64xf32> to vector<16xf32>
      %broadcast_in_dim3A = vector.shape_cast %reduce_max3A_458 : vector<16xf32> to vector<16x1xf32>
      %sub3A_459 = vector.broadcast %broadcast_in_dim3A : vector<16x1xf32> to vector<16x64xf32>
      %sub3A_460 = arith.subf %mul3A_457, %sub3A_459 : vector<16x64xf32>
      %exp3A = math.exp %sub3A_460 : vector<16x64xf32>
      %mul3A_461 = vector.broadcast %div3A_30 : vector<1x1xf32> to vector<16x64xf32>
      %mul3A_462 = arith.mulf %exp3A, %mul3A_461 : vector<16x64xf32>
      %reduce_sum3A = arith.constant dense<0.000000e+00> : vector<16xf32>
      %reduce_sum3A_463 = vector.multi_reduction <add>, %exp3A, %reduce_sum3A [1] : vector<16x64xf32> to vector<16xf32>
      %broadcast_in_dim3A_464 = vector.shape_cast %reduce_sum3A_463 : vector<16xf32> to vector<16x1xf32>
      %div3A_465 = vector.broadcast %broadcast_in_dim3A_464 : vector<16x1xf32> to vector<16x64xf32>
      %div3A_466 = arith.divf %mul3A_462, %div3A_465 : vector<16x64xf32>
      %dot_general3A_467 = arith.constant dense<0.000000e+00> : vector<16x768xf32>
      %dot_general3A_468 = tpu.matmul %div3A_466, %slice3A_167, %dot_general3A_467 {dimension_numbers = #tpu.dot_dimension_numbers<[1], [1], [0], [0], [0, 0, 1, 0], [], []>, transpose_lhs_hint = false} : vector<16x64xf32>, vector<768x64xf32>, vector<16x768xf32> -> vector<16x768xf32>
      %iota3A = tpu.iota {dimensions = array<i32: 0>} : vector<16x1xi32>
      %add3A_469 = vector.broadcast %mul3A_451 : i32 to vector<16x1xi32>
      %add3A_470 = arith.addi %add3A_469, %iota3A : vector<16x1xi32>
      %lt3A = vector.broadcast %add3A_137 : i32 to vector<16x1xi32>
      %lt3A_471 = arith.cmpi slt, %add3A_470, %lt3A : vector<16x1xi32>
      %get3A_472 = arith.index_cast %mul3A_451 : i32 to index
      %get3A_473 = arith.constant 0 : index
      %get3A_474 = vector.load %arg8[%get3A_472, %get3A_473] : memref<4096x768xf32, #tpu.memory_space<vmem>>, vector<16x768xf32>
      %broadcast_in_dim3A_475 = vector.shape_cast %lt3A_471 : vector<16x1xi1> to vector<16x1xi1>
      %broadcast_in_dim3A_476 = vector.broadcast %broadcast_in_dim3A_475 : vector<16x1xi1> to vector<16x768xi1>
      %select_n3A_477 = arith.select %broadcast_in_dim3A_476, %dot_general3A_468, %get3A_474 : vector<16x768xi1>, vector<16x768xf32>
      %swap3A = arith.index_cast %mul3A_451 : i32 to index
      %swap3A_478 = arith.constant 0 : index
      %swap3A_479 = vector.load %arg8[%swap3A, %swap3A_478] : memref<4096x768xf32, #tpu.memory_space<vmem>>, vector<16x768xf32>
      tpu.vector_store %arg8[%swap3A, %swap3A_478], %select_n3A_477 {strides = array<i32>} : memref<4096x768xf32, #tpu.memory_space<vmem>>, vector<16x768xf32>,
      %while3A_480 = arith.constant 0 : i32
      scf.yield %while3A_480 : i32
    }
    %while3A_178 = arith.constant 1 : i32
    %while3A_179 = scf.for %while3A_445 = %while3A_175 to %while3A_171 step %while3A_178 iter_args(%while3A_446 = %while3A_177) -> (i32)  : i32 {
      %mul3A_447 = arith.constant 2 : i32
      %mul3A_448 = arith.muli %while3A_445, %mul3A_447 : i32
      %add3A_449 = arith.addi %get3A_132, %mul3A_448 : i32
      %mul3A_450 = arith.constant 8 : i32
      %mul3A_451 = arith.muli %add3A_449, %mul3A_450 : i32
      %get3A_452 = arith.index_cast %mul3A_451 : i32 to index
      %get3A_453 = arith.constant 0 : index
      %get3A_454 = vector.load %arg7[%get3A_452, %get3A_453] : memref<4096x768xf32, #tpu.memory_space<vmem>>, vector<16x768xf32>
      %dot_general3A = arith.constant dense<0.000000e+00> : vector<16x64xf32>
      %dot_general3A_455 = tpu.matmul %get3A_454, %slice3A_166, %dot_general3A {dimension_numbers = #tpu.dot_dimension_numbers<[1], [0], [0], [1], [0, 0, 1, 1], [], []>, transpose_lhs_hint = false} : vector<16x768xf32>, vector<768x64xf32>, vector<16x64xf32> -> vector<16x64xf32>
      %mul3A_456 = vector.broadcast %div3A_27 : vector<1x1xf32> to vector<16x64xf32>
      %mul3A_457 = arith.mulf %dot_general3A_455, %mul3A_456 : vector<16x64xf32>
      %reduce_max3A = arith.constant dense<0xFF800000> : vector<16xf32>
      %reduce_max3A_458 = vector.multi_reduction <maximumf>, %mul3A_457, %reduce_max3A [1] : vector<16x64xf32> to vector<16xf32>
      %broadcast_in_dim3A = vector.shape_cast %reduce_max3A_458 : vector<16xf32> to vector<16x1xf32>
      %sub3A_459 = vector.broadcast %broadcast_in_dim3A : vector<16x1xf32> to vector<16x64xf32>
      %sub3A_460 = arith.subf %mul3A_457, %sub3A_459 : vector<16x64xf32>
      %exp3A = math.exp %sub3A_460 : vector<16x64xf32>
      %mul3A_461 = vector.broadcast %div3A_30 : vector<1x1xf32> to vector<16x64xf32>
      %mul3A_462 = arith.mulf %exp3A, %mul3A_461 : vector<16x64xf32>
      %reduce_sum3A = arith.constant dense<0.000000e+00> : vector<16xf32>
      %reduce_sum3A_463 = vector.multi_reduction <add>, %exp3A, %reduce_sum3A [1] : vector<16x64xf32> to vector<16xf32>
      %broadcast_in_dim3A_464 = vector.shape_cast %reduce_sum3A_463 : vector<16xf32> to vector<16x1xf32>
      %div3A_465 = vector.broadcast %broadcast_in_dim3A_464 : vector<16x1xf32> to vector<16x64xf32>
      %div3A_466 = arith.divf %mul3A_462, %div3A_465 : vector<16x64xf32>
      %dot_general3A_467 = arith.constant dense<0.000000e+00> : vector<16x768xf32>
      %dot_general3A_468 = tpu.matmul %div3A_466, %slice3A_167, %dot_general3A_467 {dimension_numbers = #tpu.dot_dimension_numbers<[1], [1], [0], [0], [0, 0, 1, 0], [], []>, transpose_lhs_hint = false} : vector<16x64xf32>, vector<768x64xf32>, vector<16x768xf32> -> vector<16x768xf32>
      %iota3A = tpu.iota {dimensions = array<i32: 0>} : vector<16x1xi32>
      %add3A_469 = vector.broadcast %mul3A_451 : i32 to vector<16x1xi32>
      %add3A_470 = arith.addi %add3A_469, %iota3A : vector<16x1xi32>
      %lt3A = vector.broadcast %add3A_137 : i32 to vector<16x1xi32>
      %lt3A_471 = arith.cmpi slt, %add3A_470, %lt3A : vector<16x1xi32>
      %get3A_472 = arith.index_cast %mul3A_451 : i32 to index
      %get3A_473 = arith.constant 0 : index
      %get3A_474 = vector.load %arg8[%get3A_472, %get3A_473] : memref<4096x768xf32, #tpu.memory_space<vmem>>, vector<16x768xf32>
      %broadcast_in_dim3A_475 = vector.shape_cast %lt3A_471 : vector<16x1xi1> to vector<16x1xi1>
      %broadcast_in_dim3A_476 = vector.broadcast %broadcast_in_dim3A_475 : vector<16x1xi1> to vector<16x768xi1>
      %select_n3A_477 = arith.select %broadcast_in_dim3A_476, %dot_general3A_468, %get3A_474 : vector<16x768xi1>, vector<16x768xf32>
      %swap3A = arith.index_cast %mul3A_451 : i32 to index
      %swap3A_478 = arith.constant 0 : index
      %swap3A_479 = vector.load %arg8[%swap3A, %swap3A_478] : memref<4096x768xf32, #tpu.memory_space<vmem>>, vector<16x768xf32>
      tpu.vector_store %arg8[%swap3A, %swap3A_478], %select_n3A_477 {strides = array<i32>} : memref<4096x768xf32, #tpu.memory_space<vmem>>, vector<16x768xf32>,
      %while3A_480 = arith.constant 0 : i32
      scf.yield %while3A_480 : i32
    }
    %mul3A_180 = arith.constant 8 : i32
    %mul3A_181 = arith.muli %arg0, %mul3A_180 : i32
    %add3A_182 = arith.constant 3 : i32
    %add3A_183 = arith.addi %mul3A_181, %add3A_182 : i32
    %get3A_184 = arith.index_cast %add3A_183 : i32 to index
    %get3A_185 = memref.load %arg1[%get3A_184] : memref<257xi32, #tpu.memory_space<smem>>
    %get3A_186 = arith.index_cast %add3A_183 : i32 to index
    %get3A_187 = memref.load %arg2[%get3A_186] : memref<256xi32, #tpu.memory_space<smem>>
    %mul3A_188 = arith.constant 8 : i32
    %mul3A_189 = arith.muli %get3A_185, %mul3A_188 : i32
    %add3A_190 = arith.addi %mul3A_189, %get3A_187 : i32
    %add3A_191 = arith.constant 16 : i32
    %add3A_192 = arith.addi %get3A_187, %add3A_191 : i32
    %sub3A_193 = arith.constant 1 : i32
    %sub3A_194 = arith.subi %add3A_192, %sub3A_193 : i32
    %jit3A_195 = arith.constant 16 : i32
    %div3A_196 = arith.divsi %sub3A_194, %jit3A_195 : i32
    %sign3A_197 = arith.constant 0 : i32
    %sign3A_198 = arith.cmpi sgt, %sub3A_194, %sign3A_197 : i32
    %sign3A_199 = arith.extui %sign3A_198 : i1 to i32
    %sign3A_200 = arith.constant 0 : i32
    %sign3A_201 = arith.cmpi slt, %sub3A_194, %sign3A_200 : i32
    %sign3A_202 = arith.extui %sign3A_201 : i1 to i32
    %sign3A_203 = arith.subi %sign3A_199, %sign3A_202 : i32
    %sign3A_204 = arith.constant 0 : i32
    %sign3A_205 = arith.cmpi sgt, %jit3A_195, %sign3A_204 : i32
    %sign3A_206 = arith.extui %sign3A_205 : i1 to i32
    %sign3A_207 = arith.constant 0 : i32
    %sign3A_208 = arith.cmpi slt, %jit3A_195, %sign3A_207 : i32
    %sign3A_209 = arith.extui %sign3A_208 : i1 to i32
    %sign3A_210 = arith.subi %sign3A_206, %sign3A_209 : i32
    %ne3A_211 = arith.cmpi ne, %sign3A_203, %sign3A_210 : i32
    %rem3A_212 = arith.remsi %sub3A_194, %jit3A_195 : i32
    %ne3A_213 = arith.constant 0 : i32
    %ne3A_214 = arith.cmpi ne, %rem3A_212, %ne3A_213 : i32
    %and3A_215 = arith.andi %ne3A_211, %ne3A_214 : i1
    %sub3A_216 = arith.constant 1 : i32
    %sub3A_217 = arith.subi %div3A_196, %sub3A_216 : i32
    %select_n3A_218 = arith.select %and3A_215, %sub3A_217, %div3A_196 : i32
    %slice3A_219 = vector.extract_strided_slice %round3A {offsets = [0, 192], sizes = [768, 64], strides = [1, 1]} : vector<768x512xf32> to vector<768x64xf32>
    %slice3A_220 = vector.extract_strided_slice %round3A_24 {offsets = [0, 192], sizes = [768, 64], strides = [1, 1]} : vector<768x512xf32> to vector<768x64xf32>
    %while3A_221 = arith.constant 0 : i32
    %while3A_222 = arith.constant 0 : i32
    %while3A_223 = arith.subi %select_n3A_218, %while3A_221 : i32
    %while3A_224 = arith.addi %while3A_221, %while3A_223 : i32
    %while3A_225 = arith.constant 1 : i32
    %while3A_226 = arith.divsi %while3A_223, %while3A_225 : i32
    %while3A_227 = arith.muli %while3A_226, %while3A_225 : i32
    %while3A_228 = arith.addi %while3A_221, %while3A_227 : i32
    %while3A_229 = arith.constant 1 : i32
    %while3A_230 = scf.for %while3A_445 = %while3A_221 to %while3A_228 step %while3A_229 iter_args(%while3A_446 = %while3A_222) -> (i32)  : i32 {
      %mul3A_447 = arith.constant 2 : i32
      %mul3A_448 = arith.muli %while3A_445, %mul3A_447 : i32
      %add3A_449 = arith.addi %get3A_185, %mul3A_448 : i32
      %mul3A_450 = arith.constant 8 : i32
      %mul3A_451 = arith.muli %add3A_449, %mul3A_450 : i32
      %get3A_452 = arith.index_cast %mul3A_451 : i32 to index
      %get3A_453 = arith.constant 0 : index
      %get3A_454 = vector.load %arg7[%get3A_452, %get3A_453] : memref<4096x768xf32, #tpu.memory_space<vmem>>, vector<16x768xf32>
      %dot_general3A = arith.constant dense<0.000000e+00> : vector<16x64xf32>
      %dot_general3A_455 = tpu.matmul %get3A_454, %slice3A_219, %dot_general3A {dimension_numbers = #tpu.dot_dimension_numbers<[1], [0], [0], [1], [0, 0, 1, 1], [], []>, transpose_lhs_hint = false} : vector<16x768xf32>, vector<768x64xf32>, vector<16x64xf32> -> vector<16x64xf32>
      %mul3A_456 = vector.broadcast %div3A_27 : vector<1x1xf32> to vector<16x64xf32>
      %mul3A_457 = arith.mulf %dot_general3A_455, %mul3A_456 : vector<16x64xf32>
      %reduce_max3A = arith.constant dense<0xFF800000> : vector<16xf32>
      %reduce_max3A_458 = vector.multi_reduction <maximumf>, %mul3A_457, %reduce_max3A [1] : vector<16x64xf32> to vector<16xf32>
      %broadcast_in_dim3A = vector.shape_cast %reduce_max3A_458 : vector<16xf32> to vector<16x1xf32>
      %sub3A_459 = vector.broadcast %broadcast_in_dim3A : vector<16x1xf32> to vector<16x64xf32>
      %sub3A_460 = arith.subf %mul3A_457, %sub3A_459 : vector<16x64xf32>
      %exp3A = math.exp %sub3A_460 : vector<16x64xf32>
      %mul3A_461 = vector.broadcast %div3A_30 : vector<1x1xf32> to vector<16x64xf32>
      %mul3A_462 = arith.mulf %exp3A, %mul3A_461 : vector<16x64xf32>
      %reduce_sum3A = arith.constant dense<0.000000e+00> : vector<16xf32>
      %reduce_sum3A_463 = vector.multi_reduction <add>, %exp3A, %reduce_sum3A [1] : vector<16x64xf32> to vector<16xf32>
      %broadcast_in_dim3A_464 = vector.shape_cast %reduce_sum3A_463 : vector<16xf32> to vector<16x1xf32>
      %div3A_465 = vector.broadcast %broadcast_in_dim3A_464 : vector<16x1xf32> to vector<16x64xf32>
      %div3A_466 = arith.divf %mul3A_462, %div3A_465 : vector<16x64xf32>
      %dot_general3A_467 = arith.constant dense<0.000000e+00> : vector<16x768xf32>
      %dot_general3A_468 = tpu.matmul %div3A_466, %slice3A_220, %dot_general3A_467 {dimension_numbers = #tpu.dot_dimension_numbers<[1], [1], [0], [0], [0, 0, 1, 0], [], []>, transpose_lhs_hint = false} : vector<16x64xf32>, vector<768x64xf32>, vector<16x768xf32> -> vector<16x768xf32>
      %iota3A = tpu.iota {dimensions = array<i32: 0>} : vector<16x1xi32>
      %add3A_469 = vector.broadcast %mul3A_451 : i32 to vector<16x1xi32>
      %add3A_470 = arith.addi %add3A_469, %iota3A : vector<16x1xi32>
      %lt3A = vector.broadcast %add3A_190 : i32 to vector<16x1xi32>
      %lt3A_471 = arith.cmpi slt, %add3A_470, %lt3A : vector<16x1xi32>
      %get3A_472 = arith.index_cast %mul3A_451 : i32 to index
      %get3A_473 = arith.constant 0 : index
      %get3A_474 = vector.load %arg8[%get3A_472, %get3A_473] : memref<4096x768xf32, #tpu.memory_space<vmem>>, vector<16x768xf32>
      %broadcast_in_dim3A_475 = vector.shape_cast %lt3A_471 : vector<16x1xi1> to vector<16x1xi1>
      %broadcast_in_dim3A_476 = vector.broadcast %broadcast_in_dim3A_475 : vector<16x1xi1> to vector<16x768xi1>
      %select_n3A_477 = arith.select %broadcast_in_dim3A_476, %dot_general3A_468, %get3A_474 : vector<16x768xi1>, vector<16x768xf32>
      %swap3A = arith.index_cast %mul3A_451 : i32 to index
      %swap3A_478 = arith.constant 0 : index
      %swap3A_479 = vector.load %arg8[%swap3A, %swap3A_478] : memref<4096x768xf32, #tpu.memory_space<vmem>>, vector<16x768xf32>
      tpu.vector_store %arg8[%swap3A, %swap3A_478], %select_n3A_477 {strides = array<i32>} : memref<4096x768xf32, #tpu.memory_space<vmem>>, vector<16x768xf32>,
      %while3A_480 = arith.constant 0 : i32
      scf.yield %while3A_480 : i32
    }
    %while3A_231 = arith.constant 1 : i32
    %while3A_232 = scf.for %while3A_445 = %while3A_228 to %while3A_224 step %while3A_231 iter_args(%while3A_446 = %while3A_230) -> (i32)  : i32 {
      %mul3A_447 = arith.constant 2 : i32
      %mul3A_448 = arith.muli %while3A_445, %mul3A_447 : i32
      %add3A_449 = arith.addi %get3A_185, %mul3A_448 : i32
      %mul3A_450 = arith.constant 8 : i32
      %mul3A_451 = arith.muli %add3A_449, %mul3A_450 : i32
      %get3A_452 = arith.index_cast %mul3A_451 : i32 to index
      %get3A_453 = arith.constant 0 : index
      %get3A_454 = vector.load %arg7[%get3A_452, %get3A_453] : memref<4096x768xf32, #tpu.memory_space<vmem>>, vector<16x768xf32>
      %dot_general3A = arith.constant dense<0.000000e+00> : vector<16x64xf32>
      %dot_general3A_455 = tpu.matmul %get3A_454, %slice3A_219, %dot_general3A {dimension_numbers = #tpu.dot_dimension_numbers<[1], [0], [0], [1], [0, 0, 1, 1], [], []>, transpose_lhs_hint = false} : vector<16x768xf32>, vector<768x64xf32>, vector<16x64xf32> -> vector<16x64xf32>
      %mul3A_456 = vector.broadcast %div3A_27 : vector<1x1xf32> to vector<16x64xf32>
      %mul3A_457 = arith.mulf %dot_general3A_455, %mul3A_456 : vector<16x64xf32>
      %reduce_max3A = arith.constant dense<0xFF800000> : vector<16xf32>
      %reduce_max3A_458 = vector.multi_reduction <maximumf>, %mul3A_457, %reduce_max3A [1] : vector<16x64xf32> to vector<16xf32>
      %broadcast_in_dim3A = vector.shape_cast %reduce_max3A_458 : vector<16xf32> to vector<16x1xf32>
      %sub3A_459 = vector.broadcast %broadcast_in_dim3A : vector<16x1xf32> to vector<16x64xf32>
      %sub3A_460 = arith.subf %mul3A_457, %sub3A_459 : vector<16x64xf32>
      %exp3A = math.exp %sub3A_460 : vector<16x64xf32>
      %mul3A_461 = vector.broadcast %div3A_30 : vector<1x1xf32> to vector<16x64xf32>
      %mul3A_462 = arith.mulf %exp3A, %mul3A_461 : vector<16x64xf32>
      %reduce_sum3A = arith.constant dense<0.000000e+00> : vector<16xf32>
      %reduce_sum3A_463 = vector.multi_reduction <add>, %exp3A, %reduce_sum3A [1] : vector<16x64xf32> to vector<16xf32>
      %broadcast_in_dim3A_464 = vector.shape_cast %reduce_sum3A_463 : vector<16xf32> to vector<16x1xf32>
      %div3A_465 = vector.broadcast %broadcast_in_dim3A_464 : vector<16x1xf32> to vector<16x64xf32>
      %div3A_466 = arith.divf %mul3A_462, %div3A_465 : vector<16x64xf32>
      %dot_general3A_467 = arith.constant dense<0.000000e+00> : vector<16x768xf32>
      %dot_general3A_468 = tpu.matmul %div3A_466, %slice3A_220, %dot_general3A_467 {dimension_numbers = #tpu.dot_dimension_numbers<[1], [1], [0], [0], [0, 0, 1, 0], [], []>, transpose_lhs_hint = false} : vector<16x64xf32>, vector<768x64xf32>, vector<16x768xf32> -> vector<16x768xf32>
      %iota3A = tpu.iota {dimensions = array<i32: 0>} : vector<16x1xi32>
      %add3A_469 = vector.broadcast %mul3A_451 : i32 to vector<16x1xi32>
      %add3A_470 = arith.addi %add3A_469, %iota3A : vector<16x1xi32>
      %lt3A = vector.broadcast %add3A_190 : i32 to vector<16x1xi32>
      %lt3A_471 = arith.cmpi slt, %add3A_470, %lt3A : vector<16x1xi32>
      %get3A_472 = arith.index_cast %mul3A_451 : i32 to index
      %get3A_473 = arith.constant 0 : index
      %get3A_474 = vector.load %arg8[%get3A_472, %get3A_473] : memref<4096x768xf32, #tpu.memory_space<vmem>>, vector<16x768xf32>
      %broadcast_in_dim3A_475 = vector.shape_cast %lt3A_471 : vector<16x1xi1> to vector<16x1xi1>
      %broadcast_in_dim3A_476 = vector.broadcast %broadcast_in_dim3A_475 : vector<16x1xi1> to vector<16x768xi1>
      %select_n3A_477 = arith.select %broadcast_in_dim3A_476, %dot_general3A_468, %get3A_474 : vector<16x768xi1>, vector<16x768xf32>
      %swap3A = arith.index_cast %mul3A_451 : i32 to index
      %swap3A_478 = arith.constant 0 : index
      %swap3A_479 = vector.load %arg8[%swap3A, %swap3A_478] : memref<4096x768xf32, #tpu.memory_space<vmem>>, vector<16x768xf32>
      tpu.vector_store %arg8[%swap3A, %swap3A_478], %select_n3A_477 {strides = array<i32>} : memref<4096x768xf32, #tpu.memory_space<vmem>>, vector<16x768xf32>,
      %while3A_480 = arith.constant 0 : i32
      scf.yield %while3A_480 : i32
    }
    %mul3A_233 = arith.constant 8 : i32
    %mul3A_234 = arith.muli %arg0, %mul3A_233 : i32
    %add3A_235 = arith.constant 4 : i32
    %add3A_236 = arith.addi %mul3A_234, %add3A_235 : i32
    %get3A_237 = arith.index_cast %add3A_236 : i32 to index
    %get3A_238 = memref.load %arg1[%get3A_237] : memref<257xi32, #tpu.memory_space<smem>>
    %get3A_239 = arith.index_cast %add3A_236 : i32 to index
    %get3A_240 = memref.load %arg2[%get3A_239] : memref<256xi32, #tpu.memory_space<smem>>
    %mul3A_241 = arith.constant 8 : i32
    %mul3A_242 = arith.muli %get3A_238, %mul3A_241 : i32
    %add3A_243 = arith.addi %mul3A_242, %get3A_240 : i32
    %add3A_244 = arith.constant 16 : i32
    %add3A_245 = arith.addi %get3A_240, %add3A_244 : i32
    %sub3A_246 = arith.constant 1 : i32
    %sub3A_247 = arith.subi %add3A_245, %sub3A_246 : i32
    %jit3A_248 = arith.constant 16 : i32
    %div3A_249 = arith.divsi %sub3A_247, %jit3A_248 : i32
    %sign3A_250 = arith.constant 0 : i32
    %sign3A_251 = arith.cmpi sgt, %sub3A_247, %sign3A_250 : i32
    %sign3A_252 = arith.extui %sign3A_251 : i1 to i32
    %sign3A_253 = arith.constant 0 : i32
    %sign3A_254 = arith.cmpi slt, %sub3A_247, %sign3A_253 : i32
    %sign3A_255 = arith.extui %sign3A_254 : i1 to i32
    %sign3A_256 = arith.subi %sign3A_252, %sign3A_255 : i32
    %sign3A_257 = arith.constant 0 : i32
    %sign3A_258 = arith.cmpi sgt, %jit3A_248, %sign3A_257 : i32
    %sign3A_259 = arith.extui %sign3A_258 : i1 to i32
    %sign3A_260 = arith.constant 0 : i32
    %sign3A_261 = arith.cmpi slt, %jit3A_248, %sign3A_260 : i32
    %sign3A_262 = arith.extui %sign3A_261 : i1 to i32
    %sign3A_263 = arith.subi %sign3A_259, %sign3A_262 : i32
    %ne3A_264 = arith.cmpi ne, %sign3A_256, %sign3A_263 : i32
    %rem3A_265 = arith.remsi %sub3A_247, %jit3A_248 : i32
    %ne3A_266 = arith.constant 0 : i32
    %ne3A_267 = arith.cmpi ne, %rem3A_265, %ne3A_266 : i32
    %and3A_268 = arith.andi %ne3A_264, %ne3A_267 : i1
    %sub3A_269 = arith.constant 1 : i32
    %sub3A_270 = arith.subi %div3A_249, %sub3A_269 : i32
    %select_n3A_271 = arith.select %and3A_268, %sub3A_270, %div3A_249 : i32
    %slice3A_272 = vector.extract_strided_slice %round3A {offsets = [0, 256], sizes = [768, 64], strides = [1, 1]} : vector<768x512xf32> to vector<768x64xf32>
    %slice3A_273 = vector.extract_strided_slice %round3A_24 {offsets = [0, 256], sizes = [768, 64], strides = [1, 1]} : vector<768x512xf32> to vector<768x64xf32>
    %while3A_274 = arith.constant 0 : i32
    %while3A_275 = arith.constant 0 : i32
    %while3A_276 = arith.subi %select_n3A_271, %while3A_274 : i32
    %while3A_277 = arith.addi %while3A_274, %while3A_276 : i32
    %while3A_278 = arith.constant 1 : i32
    %while3A_279 = arith.divsi %while3A_276, %while3A_278 : i32
    %while3A_280 = arith.muli %while3A_279, %while3A_278 : i32
    %while3A_281 = arith.addi %while3A_274, %while3A_280 : i32
    %while3A_282 = arith.constant 1 : i32
    %while3A_283 = scf.for %while3A_445 = %while3A_274 to %while3A_281 step %while3A_282 iter_args(%while3A_446 = %while3A_275) -> (i32)  : i32 {
      %mul3A_447 = arith.constant 2 : i32
      %mul3A_448 = arith.muli %while3A_445, %mul3A_447 : i32
      %add3A_449 = arith.addi %get3A_238, %mul3A_448 : i32
      %mul3A_450 = arith.constant 8 : i32
      %mul3A_451 = arith.muli %add3A_449, %mul3A_450 : i32
      %get3A_452 = arith.index_cast %mul3A_451 : i32 to index
      %get3A_453 = arith.constant 0 : index
      %get3A_454 = vector.load %arg7[%get3A_452, %get3A_453] : memref<4096x768xf32, #tpu.memory_space<vmem>>, vector<16x768xf32>
      %dot_general3A = arith.constant dense<0.000000e+00> : vector<16x64xf32>
      %dot_general3A_455 = tpu.matmul %get3A_454, %slice3A_272, %dot_general3A {dimension_numbers = #tpu.dot_dimension_numbers<[1], [0], [0], [1], [0, 0, 1, 1], [], []>, transpose_lhs_hint = false} : vector<16x768xf32>, vector<768x64xf32>, vector<16x64xf32> -> vector<16x64xf32>
      %mul3A_456 = vector.broadcast %div3A_27 : vector<1x1xf32> to vector<16x64xf32>
      %mul3A_457 = arith.mulf %dot_general3A_455, %mul3A_456 : vector<16x64xf32>
      %reduce_max3A = arith.constant dense<0xFF800000> : vector<16xf32>
      %reduce_max3A_458 = vector.multi_reduction <maximumf>, %mul3A_457, %reduce_max3A [1] : vector<16x64xf32> to vector<16xf32>
      %broadcast_in_dim3A = vector.shape_cast %reduce_max3A_458 : vector<16xf32> to vector<16x1xf32>
      %sub3A_459 = vector.broadcast %broadcast_in_dim3A : vector<16x1xf32> to vector<16x64xf32>
      %sub3A_460 = arith.subf %mul3A_457, %sub3A_459 : vector<16x64xf32>
      %exp3A = math.exp %sub3A_460 : vector<16x64xf32>
      %mul3A_461 = vector.broadcast %div3A_30 : vector<1x1xf32> to vector<16x64xf32>
      %mul3A_462 = arith.mulf %exp3A, %mul3A_461 : vector<16x64xf32>
      %reduce_sum3A = arith.constant dense<0.000000e+00> : vector<16xf32>
      %reduce_sum3A_463 = vector.multi_reduction <add>, %exp3A, %reduce_sum3A [1] : vector<16x64xf32> to vector<16xf32>
      %broadcast_in_dim3A_464 = vector.shape_cast %reduce_sum3A_463 : vector<16xf32> to vector<16x1xf32>
      %div3A_465 = vector.broadcast %broadcast_in_dim3A_464 : vector<16x1xf32> to vector<16x64xf32>
      %div3A_466 = arith.divf %mul3A_462, %div3A_465 : vector<16x64xf32>
      %dot_general3A_467 = arith.constant dense<0.000000e+00> : vector<16x768xf32>
      %dot_general3A_468 = tpu.matmul %div3A_466, %slice3A_273, %dot_general3A_467 {dimension_numbers = #tpu.dot_dimension_numbers<[1], [1], [0], [0], [0, 0, 1, 0], [], []>, transpose_lhs_hint = false} : vector<16x64xf32>, vector<768x64xf32>, vector<16x768xf32> -> vector<16x768xf32>
      %iota3A = tpu.iota {dimensions = array<i32: 0>} : vector<16x1xi32>
      %add3A_469 = vector.broadcast %mul3A_451 : i32 to vector<16x1xi32>
      %add3A_470 = arith.addi %add3A_469, %iota3A : vector<16x1xi32>
      %lt3A = vector.broadcast %add3A_243 : i32 to vector<16x1xi32>
      %lt3A_471 = arith.cmpi slt, %add3A_470, %lt3A : vector<16x1xi32>
      %get3A_472 = arith.index_cast %mul3A_451 : i32 to index
      %get3A_473 = arith.constant 0 : index
      %get3A_474 = vector.load %arg8[%get3A_472, %get3A_473] : memref<4096x768xf32, #tpu.memory_space<vmem>>, vector<16x768xf32>
      %broadcast_in_dim3A_475 = vector.shape_cast %lt3A_471 : vector<16x1xi1> to vector<16x1xi1>
      %broadcast_in_dim3A_476 = vector.broadcast %broadcast_in_dim3A_475 : vector<16x1xi1> to vector<16x768xi1>
      %select_n3A_477 = arith.select %broadcast_in_dim3A_476, %dot_general3A_468, %get3A_474 : vector<16x768xi1>, vector<16x768xf32>
      %swap3A = arith.index_cast %mul3A_451 : i32 to index
      %swap3A_478 = arith.constant 0 : index
      %swap3A_479 = vector.load %arg8[%swap3A, %swap3A_478] : memref<4096x768xf32, #tpu.memory_space<vmem>>, vector<16x768xf32>
      tpu.vector_store %arg8[%swap3A, %swap3A_478], %select_n3A_477 {strides = array<i32>} : memref<4096x768xf32, #tpu.memory_space<vmem>>, vector<16x768xf32>,
      %while3A_480 = arith.constant 0 : i32
      scf.yield %while3A_480 : i32
    }
    %while3A_284 = arith.constant 1 : i32
    %while3A_285 = scf.for %while3A_445 = %while3A_281 to %while3A_277 step %while3A_284 iter_args(%while3A_446 = %while3A_283) -> (i32)  : i32 {
      %mul3A_447 = arith.constant 2 : i32
      %mul3A_448 = arith.muli %while3A_445, %mul3A_447 : i32
      %add3A_449 = arith.addi %get3A_238, %mul3A_448 : i32
      %mul3A_450 = arith.constant 8 : i32
      %mul3A_451 = arith.muli %add3A_449, %mul3A_450 : i32
      %get3A_452 = arith.index_cast %mul3A_451 : i32 to index
      %get3A_453 = arith.constant 0 : index
      %get3A_454 = vector.load %arg7[%get3A_452, %get3A_453] : memref<4096x768xf32, #tpu.memory_space<vmem>>, vector<16x768xf32>
      %dot_general3A = arith.constant dense<0.000000e+00> : vector<16x64xf32>
      %dot_general3A_455 = tpu.matmul %get3A_454, %slice3A_272, %dot_general3A {dimension_numbers = #tpu.dot_dimension_numbers<[1], [0], [0], [1], [0, 0, 1, 1], [], []>, transpose_lhs_hint = false} : vector<16x768xf32>, vector<768x64xf32>, vector<16x64xf32> -> vector<16x64xf32>
      %mul3A_456 = vector.broadcast %div3A_27 : vector<1x1xf32> to vector<16x64xf32>
      %mul3A_457 = arith.mulf %dot_general3A_455, %mul3A_456 : vector<16x64xf32>
      %reduce_max3A = arith.constant dense<0xFF800000> : vector<16xf32>
      %reduce_max3A_458 = vector.multi_reduction <maximumf>, %mul3A_457, %reduce_max3A [1] : vector<16x64xf32> to vector<16xf32>
      %broadcast_in_dim3A = vector.shape_cast %reduce_max3A_458 : vector<16xf32> to vector<16x1xf32>
      %sub3A_459 = vector.broadcast %broadcast_in_dim3A : vector<16x1xf32> to vector<16x64xf32>
      %sub3A_460 = arith.subf %mul3A_457, %sub3A_459 : vector<16x64xf32>
      %exp3A = math.exp %sub3A_460 : vector<16x64xf32>
      %mul3A_461 = vector.broadcast %div3A_30 : vector<1x1xf32> to vector<16x64xf32>
      %mul3A_462 = arith.mulf %exp3A, %mul3A_461 : vector<16x64xf32>
      %reduce_sum3A = arith.constant dense<0.000000e+00> : vector<16xf32>
      %reduce_sum3A_463 = vector.multi_reduction <add>, %exp3A, %reduce_sum3A [1] : vector<16x64xf32> to vector<16xf32>
      %broadcast_in_dim3A_464 = vector.shape_cast %reduce_sum3A_463 : vector<16xf32> to vector<16x1xf32>
      %div3A_465 = vector.broadcast %broadcast_in_dim3A_464 : vector<16x1xf32> to vector<16x64xf32>
      %div3A_466 = arith.divf %mul3A_462, %div3A_465 : vector<16x64xf32>
      %dot_general3A_467 = arith.constant dense<0.000000e+00> : vector<16x768xf32>
      %dot_general3A_468 = tpu.matmul %div3A_466, %slice3A_273, %dot_general3A_467 {dimension_numbers = #tpu.dot_dimension_numbers<[1], [1], [0], [0], [0, 0, 1, 0], [], []>, transpose_lhs_hint = false} : vector<16x64xf32>, vector<768x64xf32>, vector<16x768xf32> -> vector<16x768xf32>
      %iota3A = tpu.iota {dimensions = array<i32: 0>} : vector<16x1xi32>
      %add3A_469 = vector.broadcast %mul3A_451 : i32 to vector<16x1xi32>
      %add3A_470 = arith.addi %add3A_469, %iota3A : vector<16x1xi32>
      %lt3A = vector.broadcast %add3A_243 : i32 to vector<16x1xi32>
      %lt3A_471 = arith.cmpi slt, %add3A_470, %lt3A : vector<16x1xi32>
      %get3A_472 = arith.index_cast %mul3A_451 : i32 to index
      %get3A_473 = arith.constant 0 : index
      %get3A_474 = vector.load %arg8[%get3A_472, %get3A_473] : memref<4096x768xf32, #tpu.memory_space<vmem>>, vector<16x768xf32>
      %broadcast_in_dim3A_475 = vector.shape_cast %lt3A_471 : vector<16x1xi1> to vector<16x1xi1>
      %broadcast_in_dim3A_476 = vector.broadcast %broadcast_in_dim3A_475 : vector<16x1xi1> to vector<16x768xi1>
      %select_n3A_477 = arith.select %broadcast_in_dim3A_476, %dot_general3A_468, %get3A_474 : vector<16x768xi1>, vector<16x768xf32>
      %swap3A = arith.index_cast %mul3A_451 : i32 to index
      %swap3A_478 = arith.constant 0 : index
      %swap3A_479 = vector.load %arg8[%swap3A, %swap3A_478] : memref<4096x768xf32, #tpu.memory_space<vmem>>, vector<16x768xf32>
      tpu.vector_store %arg8[%swap3A, %swap3A_478], %select_n3A_477 {strides = array<i32>} : memref<4096x768xf32, #tpu.memory_space<vmem>>, vector<16x768xf32>,
      %while3A_480 = arith.constant 0 : i32
      scf.yield %while3A_480 : i32
    }
    %mul3A_286 = arith.constant 8 : i32
    %mul3A_287 = arith.muli %arg0, %mul3A_286 : i32
    %add3A_288 = arith.constant 5 : i32
    %add3A_289 = arith.addi %mul3A_287, %add3A_288 : i32
    %get3A_290 = arith.index_cast %add3A_289 : i32 to index
    %get3A_291 = memref.load %arg1[%get3A_290] : memref<257xi32, #tpu.memory_space<smem>>
    %get3A_292 = arith.index_cast %add3A_289 : i32 to index
    %get3A_293 = memref.load %arg2[%get3A_292] : memref<256xi32, #tpu.memory_space<smem>>
    %mul3A_294 = arith.constant 8 : i32
    %mul3A_295 = arith.muli %get3A_291, %mul3A_294 : i32
    %add3A_296 = arith.addi %mul3A_295, %get3A_293 : i32
    %add3A_297 = arith.constant 16 : i32
    %add3A_298 = arith.addi %get3A_293, %add3A_297 : i32
    %sub3A_299 = arith.constant 1 : i32
    %sub3A_300 = arith.subi %add3A_298, %sub3A_299 : i32
    %jit3A_301 = arith.constant 16 : i32
    %div3A_302 = arith.divsi %sub3A_300, %jit3A_301 : i32
    %sign3A_303 = arith.constant 0 : i32
    %sign3A_304 = arith.cmpi sgt, %sub3A_300, %sign3A_303 : i32
    %sign3A_305 = arith.extui %sign3A_304 : i1 to i32
    %sign3A_306 = arith.constant 0 : i32
    %sign3A_307 = arith.cmpi slt, %sub3A_300, %sign3A_306 : i32
    %sign3A_308 = arith.extui %sign3A_307 : i1 to i32
    %sign3A_309 = arith.subi %sign3A_305, %sign3A_308 : i32
    %sign3A_310 = arith.constant 0 : i32
    %sign3A_311 = arith.cmpi sgt, %jit3A_301, %sign3A_310 : i32
    %sign3A_312 = arith.extui %sign3A_311 : i1 to i32
    %sign3A_313 = arith.constant 0 : i32
    %sign3A_314 = arith.cmpi slt, %jit3A_301, %sign3A_313 : i32
    %sign3A_315 = arith.extui %sign3A_314 : i1 to i32
    %sign3A_316 = arith.subi %sign3A_312, %sign3A_315 : i32
    %ne3A_317 = arith.cmpi ne, %sign3A_309, %sign3A_316 : i32
    %rem3A_318 = arith.remsi %sub3A_300, %jit3A_301 : i32
    %ne3A_319 = arith.constant 0 : i32
    %ne3A_320 = arith.cmpi ne, %rem3A_318, %ne3A_319 : i32
    %and3A_321 = arith.andi %ne3A_317, %ne3A_320 : i1
    %sub3A_322 = arith.constant 1 : i32
    %sub3A_323 = arith.subi %div3A_302, %sub3A_322 : i32
    %select_n3A_324 = arith.select %and3A_321, %sub3A_323, %div3A_302 : i32
    %slice3A_325 = vector.extract_strided_slice %round3A {offsets = [0, 320], sizes = [768, 64], strides = [1, 1]} : vector<768x512xf32> to vector<768x64xf32>
    %slice3A_326 = vector.extract_strided_slice %round3A_24 {offsets = [0, 320], sizes = [768, 64], strides = [1, 1]} : vector<768x512xf32> to vector<768x64xf32>
    %while3A_327 = arith.constant 0 : i32
    %while3A_328 = arith.constant 0 : i32
    %while3A_329 = arith.subi %select_n3A_324, %while3A_327 : i32
    %while3A_330 = arith.addi %while3A_327, %while3A_329 : i32
    %while3A_331 = arith.constant 1 : i32
    %while3A_332 = arith.divsi %while3A_329, %while3A_331 : i32
    %while3A_333 = arith.muli %while3A_332, %while3A_331 : i32
    %while3A_334 = arith.addi %while3A_327, %while3A_333 : i32
    %while3A_335 = arith.constant 1 : i32
    %while3A_336 = scf.for %while3A_445 = %while3A_327 to %while3A_334 step %while3A_335 iter_args(%while3A_446 = %while3A_328) -> (i32)  : i32 {
      %mul3A_447 = arith.constant 2 : i32
      %mul3A_448 = arith.muli %while3A_445, %mul3A_447 : i32
      %add3A_449 = arith.addi %get3A_291, %mul3A_448 : i32
      %mul3A_450 = arith.constant 8 : i32
      %mul3A_451 = arith.muli %add3A_449, %mul3A_450 : i32
      %get3A_452 = arith.index_cast %mul3A_451 : i32 to index
      %get3A_453 = arith.constant 0 : index
      %get3A_454 = vector.load %arg7[%get3A_452, %get3A_453] : memref<4096x768xf32, #tpu.memory_space<vmem>>, vector<16x768xf32>
      %dot_general3A = arith.constant dense<0.000000e+00> : vector<16x64xf32>
      %dot_general3A_455 = tpu.matmul %get3A_454, %slice3A_325, %dot_general3A {dimension_numbers = #tpu.dot_dimension_numbers<[1], [0], [0], [1], [0, 0, 1, 1], [], []>, transpose_lhs_hint = false} : vector<16x768xf32>, vector<768x64xf32>, vector<16x64xf32> -> vector<16x64xf32>
      %mul3A_456 = vector.broadcast %div3A_27 : vector<1x1xf32> to vector<16x64xf32>
      %mul3A_457 = arith.mulf %dot_general3A_455, %mul3A_456 : vector<16x64xf32>
      %reduce_max3A = arith.constant dense<0xFF800000> : vector<16xf32>
      %reduce_max3A_458 = vector.multi_reduction <maximumf>, %mul3A_457, %reduce_max3A [1] : vector<16x64xf32> to vector<16xf32>
      %broadcast_in_dim3A = vector.shape_cast %reduce_max3A_458 : vector<16xf32> to vector<16x1xf32>
      %sub3A_459 = vector.broadcast %broadcast_in_dim3A : vector<16x1xf32> to vector<16x64xf32>
      %sub3A_460 = arith.subf %mul3A_457, %sub3A_459 : vector<16x64xf32>
      %exp3A = math.exp %sub3A_460 : vector<16x64xf32>
      %mul3A_461 = vector.broadcast %div3A_30 : vector<1x1xf32> to vector<16x64xf32>
      %mul3A_462 = arith.mulf %exp3A, %mul3A_461 : vector<16x64xf32>
      %reduce_sum3A = arith.constant dense<0.000000e+00> : vector<16xf32>
      %reduce_sum3A_463 = vector.multi_reduction <add>, %exp3A, %reduce_sum3A [1] : vector<16x64xf32> to vector<16xf32>
      %broadcast_in_dim3A_464 = vector.shape_cast %reduce_sum3A_463 : vector<16xf32> to vector<16x1xf32>
      %div3A_465 = vector.broadcast %broadcast_in_dim3A_464 : vector<16x1xf32> to vector<16x64xf32>
      %div3A_466 = arith.divf %mul3A_462, %div3A_465 : vector<16x64xf32>
      %dot_general3A_467 = arith.constant dense<0.000000e+00> : vector<16x768xf32>
      %dot_general3A_468 = tpu.matmul %div3A_466, %slice3A_326, %dot_general3A_467 {dimension_numbers = #tpu.dot_dimension_numbers<[1], [1], [0], [0], [0, 0, 1, 0], [], []>, transpose_lhs_hint = false} : vector<16x64xf32>, vector<768x64xf32>, vector<16x768xf32> -> vector<16x768xf32>
      %iota3A = tpu.iota {dimensions = array<i32: 0>} : vector<16x1xi32>
      %add3A_469 = vector.broadcast %mul3A_451 : i32 to vector<16x1xi32>
      %add3A_470 = arith.addi %add3A_469, %iota3A : vector<16x1xi32>
      %lt3A = vector.broadcast %add3A_296 : i32 to vector<16x1xi32>
      %lt3A_471 = arith.cmpi slt, %add3A_470, %lt3A : vector<16x1xi32>
      %get3A_472 = arith.index_cast %mul3A_451 : i32 to index
      %get3A_473 = arith.constant 0 : index
      %get3A_474 = vector.load %arg8[%get3A_472, %get3A_473] : memref<4096x768xf32, #tpu.memory_space<vmem>>, vector<16x768xf32>
      %broadcast_in_dim3A_475 = vector.shape_cast %lt3A_471 : vector<16x1xi1> to vector<16x1xi1>
      %broadcast_in_dim3A_476 = vector.broadcast %broadcast_in_dim3A_475 : vector<16x1xi1> to vector<16x768xi1>
      %select_n3A_477 = arith.select %broadcast_in_dim3A_476, %dot_general3A_468, %get3A_474 : vector<16x768xi1>, vector<16x768xf32>
      %swap3A = arith.index_cast %mul3A_451 : i32 to index
      %swap3A_478 = arith.constant 0 : index
      %swap3A_479 = vector.load %arg8[%swap3A, %swap3A_478] : memref<4096x768xf32, #tpu.memory_space<vmem>>, vector<16x768xf32>
      tpu.vector_store %arg8[%swap3A, %swap3A_478], %select_n3A_477 {strides = array<i32>} : memref<4096x768xf32, #tpu.memory_space<vmem>>, vector<16x768xf32>,
      %while3A_480 = arith.constant 0 : i32
      scf.yield %while3A_480 : i32
    }
    %while3A_337 = arith.constant 1 : i32
    %while3A_338 = scf.for %while3A_445 = %while3A_334 to %while3A_330 step %while3A_337 iter_args(%while3A_446 = %while3A_336) -> (i32)  : i32 {
      %mul3A_447 = arith.constant 2 : i32
      %mul3A_448 = arith.muli %while3A_445, %mul3A_447 : i32
      %add3A_449 = arith.addi %get3A_291, %mul3A_448 : i32
      %mul3A_450 = arith.constant 8 : i32
      %mul3A_451 = arith.muli %add3A_449, %mul3A_450 : i32
      %get3A_452 = arith.index_cast %mul3A_451 : i32 to index
      %get3A_453 = arith.constant 0 : index
      %get3A_454 = vector.load %arg7[%get3A_452, %get3A_453] : memref<4096x768xf32, #tpu.memory_space<vmem>>, vector<16x768xf32>
      %dot_general3A = arith.constant dense<0.000000e+00> : vector<16x64xf32>
      %dot_general3A_455 = tpu.matmul %get3A_454, %slice3A_325, %dot_general3A {dimension_numbers = #tpu.dot_dimension_numbers<[1], [0], [0], [1], [0, 0, 1, 1], [], []>, transpose_lhs_hint = false} : vector<16x768xf32>, vector<768x64xf32>, vector<16x64xf32> -> vector<16x64xf32>
      %mul3A_456 = vector.broadcast %div3A_27 : vector<1x1xf32> to vector<16x64xf32>
      %mul3A_457 = arith.mulf %dot_general3A_455, %mul3A_456 : vector<16x64xf32>
      %reduce_max3A = arith.constant dense<0xFF800000> : vector<16xf32>
      %reduce_max3A_458 = vector.multi_reduction <maximumf>, %mul3A_457, %reduce_max3A [1] : vector<16x64xf32> to vector<16xf32>
      %broadcast_in_dim3A = vector.shape_cast %reduce_max3A_458 : vector<16xf32> to vector<16x1xf32>
      %sub3A_459 = vector.broadcast %broadcast_in_dim3A : vector<16x1xf32> to vector<16x64xf32>
      %sub3A_460 = arith.subf %mul3A_457, %sub3A_459 : vector<16x64xf32>
      %exp3A = math.exp %sub3A_460 : vector<16x64xf32>
      %mul3A_461 = vector.broadcast %div3A_30 : vector<1x1xf32> to vector<16x64xf32>
      %mul3A_462 = arith.mulf %exp3A, %mul3A_461 : vector<16x64xf32>
      %reduce_sum3A = arith.constant dense<0.000000e+00> : vector<16xf32>
      %reduce_sum3A_463 = vector.multi_reduction <add>, %exp3A, %reduce_sum3A [1] : vector<16x64xf32> to vector<16xf32>
      %broadcast_in_dim3A_464 = vector.shape_cast %reduce_sum3A_463 : vector<16xf32> to vector<16x1xf32>
      %div3A_465 = vector.broadcast %broadcast_in_dim3A_464 : vector<16x1xf32> to vector<16x64xf32>
      %div3A_466 = arith.divf %mul3A_462, %div3A_465 : vector<16x64xf32>
      %dot_general3A_467 = arith.constant dense<0.000000e+00> : vector<16x768xf32>
      %dot_general3A_468 = tpu.matmul %div3A_466, %slice3A_326, %dot_general3A_467 {dimension_numbers = #tpu.dot_dimension_numbers<[1], [1], [0], [0], [0, 0, 1, 0], [], []>, transpose_lhs_hint = false} : vector<16x64xf32>, vector<768x64xf32>, vector<16x768xf32> -> vector<16x768xf32>
      %iota3A = tpu.iota {dimensions = array<i32: 0>} : vector<16x1xi32>
      %add3A_469 = vector.broadcast %mul3A_451 : i32 to vector<16x1xi32>
      %add3A_470 = arith.addi %add3A_469, %iota3A : vector<16x1xi32>
      %lt3A = vector.broadcast %add3A_296 : i32 to vector<16x1xi32>
      %lt3A_471 = arith.cmpi slt, %add3A_470, %lt3A : vector<16x1xi32>
      %get3A_472 = arith.index_cast %mul3A_451 : i32 to index
      %get3A_473 = arith.constant 0 : index
      %get3A_474 = vector.load %arg8[%get3A_472, %get3A_473] : memref<4096x768xf32, #tpu.memory_space<vmem>>, vector<16x768xf32>
      %broadcast_in_dim3A_475 = vector.shape_cast %lt3A_471 : vector<16x1xi1> to vector<16x1xi1>
      %broadcast_in_dim3A_476 = vector.broadcast %broadcast_in_dim3A_475 : vector<16x1xi1> to vector<16x768xi1>
      %select_n3A_477 = arith.select %broadcast_in_dim3A_476, %dot_general3A_468, %get3A_474 : vector<16x768xi1>, vector<16x768xf32>
      %swap3A = arith.index_cast %mul3A_451 : i32 to index
      %swap3A_478 = arith.constant 0 : index
      %swap3A_479 = vector.load %arg8[%swap3A, %swap3A_478] : memref<4096x768xf32, #tpu.memory_space<vmem>>, vector<16x768xf32>
      tpu.vector_store %arg8[%swap3A, %swap3A_478], %select_n3A_477 {strides = array<i32>} : memref<4096x768xf32, #tpu.memory_space<vmem>>, vector<16x768xf32>,
      %while3A_480 = arith.constant 0 : i32
      scf.yield %while3A_480 : i32
    }
    %mul3A_339 = arith.constant 8 : i32
    %mul3A_340 = arith.muli %arg0, %mul3A_339 : i32
    %add3A_341 = arith.constant 6 : i32
    %add3A_342 = arith.addi %mul3A_340, %add3A_341 : i32
    %get3A_343 = arith.index_cast %add3A_342 : i32 to index
    %get3A_344 = memref.load %arg1[%get3A_343] : memref<257xi32, #tpu.memory_space<smem>>
    %get3A_345 = arith.index_cast %add3A_342 : i32 to index
    %get3A_346 = memref.load %arg2[%get3A_345] : memref<256xi32, #tpu.memory_space<smem>>
    %mul3A_347 = arith.constant 8 : i32
    %mul3A_348 = arith.muli %get3A_344, %mul3A_347 : i32
    %add3A_349 = arith.addi %mul3A_348, %get3A_346 : i32
    %add3A_350 = arith.constant 16 : i32
    %add3A_351 = arith.addi %get3A_346, %add3A_350 : i32
    %sub3A_352 = arith.constant 1 : i32
    %sub3A_353 = arith.subi %add3A_351, %sub3A_352 : i32
    %jit3A_354 = arith.constant 16 : i32
    %div3A_355 = arith.divsi %sub3A_353, %jit3A_354 : i32
    %sign3A_356 = arith.constant 0 : i32
    %sign3A_357 = arith.cmpi sgt, %sub3A_353, %sign3A_356 : i32
    %sign3A_358 = arith.extui %sign3A_357 : i1 to i32
    %sign3A_359 = arith.constant 0 : i32
    %sign3A_360 = arith.cmpi slt, %sub3A_353, %sign3A_359 : i32
    %sign3A_361 = arith.extui %sign3A_360 : i1 to i32
    %sign3A_362 = arith.subi %sign3A_358, %sign3A_361 : i32
    %sign3A_363 = arith.constant 0 : i32
    %sign3A_364 = arith.cmpi sgt, %jit3A_354, %sign3A_363 : i32
    %sign3A_365 = arith.extui %sign3A_364 : i1 to i32
    %sign3A_366 = arith.constant 0 : i32
    %sign3A_367 = arith.cmpi slt, %jit3A_354, %sign3A_366 : i32
    %sign3A_368 = arith.extui %sign3A_367 : i1 to i32
    %sign3A_369 = arith.subi %sign3A_365, %sign3A_368 : i32
    %ne3A_370 = arith.cmpi ne, %sign3A_362, %sign3A_369 : i32
    %rem3A_371 = arith.remsi %sub3A_353, %jit3A_354 : i32
    %ne3A_372 = arith.constant 0 : i32
    %ne3A_373 = arith.cmpi ne, %rem3A_371, %ne3A_372 : i32
    %and3A_374 = arith.andi %ne3A_370, %ne3A_373 : i1
    %sub3A_375 = arith.constant 1 : i32
    %sub3A_376 = arith.subi %div3A_355, %sub3A_375 : i32
    %select_n3A_377 = arith.select %and3A_374, %sub3A_376, %div3A_355 : i32
    %slice3A_378 = vector.extract_strided_slice %round3A {offsets = [0, 384], sizes = [768, 64], strides = [1, 1]} : vector<768x512xf32> to vector<768x64xf32>
    %slice3A_379 = vector.extract_strided_slice %round3A_24 {offsets = [0, 384], sizes = [768, 64], strides = [1, 1]} : vector<768x512xf32> to vector<768x64xf32>
    %while3A_380 = arith.constant 0 : i32
    %while3A_381 = arith.constant 0 : i32
    %while3A_382 = arith.subi %select_n3A_377, %while3A_380 : i32
    %while3A_383 = arith.addi %while3A_380, %while3A_382 : i32
    %while3A_384 = arith.constant 1 : i32
    %while3A_385 = arith.divsi %while3A_382, %while3A_384 : i32
    %while3A_386 = arith.muli %while3A_385, %while3A_384 : i32
    %while3A_387 = arith.addi %while3A_380, %while3A_386 : i32
    %while3A_388 = arith.constant 1 : i32
    %while3A_389 = scf.for %while3A_445 = %while3A_380 to %while3A_387 step %while3A_388 iter_args(%while3A_446 = %while3A_381) -> (i32)  : i32 {
      %mul3A_447 = arith.constant 2 : i32
      %mul3A_448 = arith.muli %while3A_445, %mul3A_447 : i32
      %add3A_449 = arith.addi %get3A_344, %mul3A_448 : i32
      %mul3A_450 = arith.constant 8 : i32
      %mul3A_451 = arith.muli %add3A_449, %mul3A_450 : i32
      %get3A_452 = arith.index_cast %mul3A_451 : i32 to index
      %get3A_453 = arith.constant 0 : index
      %get3A_454 = vector.load %arg7[%get3A_452, %get3A_453] : memref<4096x768xf32, #tpu.memory_space<vmem>>, vector<16x768xf32>
      %dot_general3A = arith.constant dense<0.000000e+00> : vector<16x64xf32>
      %dot_general3A_455 = tpu.matmul %get3A_454, %slice3A_378, %dot_general3A {dimension_numbers = #tpu.dot_dimension_numbers<[1], [0], [0], [1], [0, 0, 1, 1], [], []>, transpose_lhs_hint = false} : vector<16x768xf32>, vector<768x64xf32>, vector<16x64xf32> -> vector<16x64xf32>
      %mul3A_456 = vector.broadcast %div3A_27 : vector<1x1xf32> to vector<16x64xf32>
      %mul3A_457 = arith.mulf %dot_general3A_455, %mul3A_456 : vector<16x64xf32>
      %reduce_max3A = arith.constant dense<0xFF800000> : vector<16xf32>
      %reduce_max3A_458 = vector.multi_reduction <maximumf>, %mul3A_457, %reduce_max3A [1] : vector<16x64xf32> to vector<16xf32>
      %broadcast_in_dim3A = vector.shape_cast %reduce_max3A_458 : vector<16xf32> to vector<16x1xf32>
      %sub3A_459 = vector.broadcast %broadcast_in_dim3A : vector<16x1xf32> to vector<16x64xf32>
      %sub3A_460 = arith.subf %mul3A_457, %sub3A_459 : vector<16x64xf32>
      %exp3A = math.exp %sub3A_460 : vector<16x64xf32>
      %mul3A_461 = vector.broadcast %div3A_30 : vector<1x1xf32> to vector<16x64xf32>
      %mul3A_462 = arith.mulf %exp3A, %mul3A_461 : vector<16x64xf32>
      %reduce_sum3A = arith.constant dense<0.000000e+00> : vector<16xf32>
      %reduce_sum3A_463 = vector.multi_reduction <add>, %exp3A, %reduce_sum3A [1] : vector<16x64xf32> to vector<16xf32>
      %broadcast_in_dim3A_464 = vector.shape_cast %reduce_sum3A_463 : vector<16xf32> to vector<16x1xf32>
      %div3A_465 = vector.broadcast %broadcast_in_dim3A_464 : vector<16x1xf32> to vector<16x64xf32>
      %div3A_466 = arith.divf %mul3A_462, %div3A_465 : vector<16x64xf32>
      %dot_general3A_467 = arith.constant dense<0.000000e+00> : vector<16x768xf32>
      %dot_general3A_468 = tpu.matmul %div3A_466, %slice3A_379, %dot_general3A_467 {dimension_numbers = #tpu.dot_dimension_numbers<[1], [1], [0], [0], [0, 0, 1, 0], [], []>, transpose_lhs_hint = false} : vector<16x64xf32>, vector<768x64xf32>, vector<16x768xf32> -> vector<16x768xf32>
      %iota3A = tpu.iota {dimensions = array<i32: 0>} : vector<16x1xi32>
      %add3A_469 = vector.broadcast %mul3A_451 : i32 to vector<16x1xi32>
      %add3A_470 = arith.addi %add3A_469, %iota3A : vector<16x1xi32>
      %lt3A = vector.broadcast %add3A_349 : i32 to vector<16x1xi32>
      %lt3A_471 = arith.cmpi slt, %add3A_470, %lt3A : vector<16x1xi32>
      %get3A_472 = arith.index_cast %mul3A_451 : i32 to index
      %get3A_473 = arith.constant 0 : index
      %get3A_474 = vector.load %arg8[%get3A_472, %get3A_473] : memref<4096x768xf32, #tpu.memory_space<vmem>>, vector<16x768xf32>
      %broadcast_in_dim3A_475 = vector.shape_cast %lt3A_471 : vector<16x1xi1> to vector<16x1xi1>
      %broadcast_in_dim3A_476 = vector.broadcast %broadcast_in_dim3A_475 : vector<16x1xi1> to vector<16x768xi1>
      %select_n3A_477 = arith.select %broadcast_in_dim3A_476, %dot_general3A_468, %get3A_474 : vector<16x768xi1>, vector<16x768xf32>
      %swap3A = arith.index_cast %mul3A_451 : i32 to index
      %swap3A_478 = arith.constant 0 : index
      %swap3A_479 = vector.load %arg8[%swap3A, %swap3A_478] : memref<4096x768xf32, #tpu.memory_space<vmem>>, vector<16x768xf32>
      tpu.vector_store %arg8[%swap3A, %swap3A_478], %select_n3A_477 {strides = array<i32>} : memref<4096x768xf32, #tpu.memory_space<vmem>>, vector<16x768xf32>,
      %while3A_480 = arith.constant 0 : i32
      scf.yield %while3A_480 : i32
    }
    %while3A_390 = arith.constant 1 : i32
    %while3A_391 = scf.for %while3A_445 = %while3A_387 to %while3A_383 step %while3A_390 iter_args(%while3A_446 = %while3A_389) -> (i32)  : i32 {
      %mul3A_447 = arith.constant 2 : i32
      %mul3A_448 = arith.muli %while3A_445, %mul3A_447 : i32
      %add3A_449 = arith.addi %get3A_344, %mul3A_448 : i32
      %mul3A_450 = arith.constant 8 : i32
      %mul3A_451 = arith.muli %add3A_449, %mul3A_450 : i32
      %get3A_452 = arith.index_cast %mul3A_451 : i32 to index
      %get3A_453 = arith.constant 0 : index
      %get3A_454 = vector.load %arg7[%get3A_452, %get3A_453] : memref<4096x768xf32, #tpu.memory_space<vmem>>, vector<16x768xf32>
      %dot_general3A = arith.constant dense<0.000000e+00> : vector<16x64xf32>
      %dot_general3A_455 = tpu.matmul %get3A_454, %slice3A_378, %dot_general3A {dimension_numbers = #tpu.dot_dimension_numbers<[1], [0], [0], [1], [0, 0, 1, 1], [], []>, transpose_lhs_hint = false} : vector<16x768xf32>, vector<768x64xf32>, vector<16x64xf32> -> vector<16x64xf32>
      %mul3A_456 = vector.broadcast %div3A_27 : vector<1x1xf32> to vector<16x64xf32>
      %mul3A_457 = arith.mulf %dot_general3A_455, %mul3A_456 : vector<16x64xf32>
      %reduce_max3A = arith.constant dense<0xFF800000> : vector<16xf32>
      %reduce_max3A_458 = vector.multi_reduction <maximumf>, %mul3A_457, %reduce_max3A [1] : vector<16x64xf32> to vector<16xf32>
      %broadcast_in_dim3A = vector.shape_cast %reduce_max3A_458 : vector<16xf32> to vector<16x1xf32>
      %sub3A_459 = vector.broadcast %broadcast_in_dim3A : vector<16x1xf32> to vector<16x64xf32>
      %sub3A_460 = arith.subf %mul3A_457, %sub3A_459 : vector<16x64xf32>
      %exp3A = math.exp %sub3A_460 : vector<16x64xf32>
      %mul3A_461 = vector.broadcast %div3A_30 : vector<1x1xf32> to vector<16x64xf32>
      %mul3A_462 = arith.mulf %exp3A, %mul3A_461 : vector<16x64xf32>
      %reduce_sum3A = arith.constant dense<0.000000e+00> : vector<16xf32>
      %reduce_sum3A_463 = vector.multi_reduction <add>, %exp3A, %reduce_sum3A [1] : vector<16x64xf32> to vector<16xf32>
      %broadcast_in_dim3A_464 = vector.shape_cast %reduce_sum3A_463 : vector<16xf32> to vector<16x1xf32>
      %div3A_465 = vector.broadcast %broadcast_in_dim3A_464 : vector<16x1xf32> to vector<16x64xf32>
      %div3A_466 = arith.divf %mul3A_462, %div3A_465 : vector<16x64xf32>
      %dot_general3A_467 = arith.constant dense<0.000000e+00> : vector<16x768xf32>
      %dot_general3A_468 = tpu.matmul %div3A_466, %slice3A_379, %dot_general3A_467 {dimension_numbers = #tpu.dot_dimension_numbers<[1], [1], [0], [0], [0, 0, 1, 0], [], []>, transpose_lhs_hint = false} : vector<16x64xf32>, vector<768x64xf32>, vector<16x768xf32> -> vector<16x768xf32>
      %iota3A = tpu.iota {dimensions = array<i32: 0>} : vector<16x1xi32>
      %add3A_469 = vector.broadcast %mul3A_451 : i32 to vector<16x1xi32>
      %add3A_470 = arith.addi %add3A_469, %iota3A : vector<16x1xi32>
      %lt3A = vector.broadcast %add3A_349 : i32 to vector<16x1xi32>
      %lt3A_471 = arith.cmpi slt, %add3A_470, %lt3A : vector<16x1xi32>
      %get3A_472 = arith.index_cast %mul3A_451 : i32 to index
      %get3A_473 = arith.constant 0 : index
      %get3A_474 = vector.load %arg8[%get3A_472, %get3A_473] : memref<4096x768xf32, #tpu.memory_space<vmem>>, vector<16x768xf32>
      %broadcast_in_dim3A_475 = vector.shape_cast %lt3A_471 : vector<16x1xi1> to vector<16x1xi1>
      %broadcast_in_dim3A_476 = vector.broadcast %broadcast_in_dim3A_475 : vector<16x1xi1> to vector<16x768xi1>
      %select_n3A_477 = arith.select %broadcast_in_dim3A_476, %dot_general3A_468, %get3A_474 : vector<16x768xi1>, vector<16x768xf32>
      %swap3A = arith.index_cast %mul3A_451 : i32 to index
      %swap3A_478 = arith.constant 0 : index
      %swap3A_479 = vector.load %arg8[%swap3A, %swap3A_478] : memref<4096x768xf32, #tpu.memory_space<vmem>>, vector<16x768xf32>
      tpu.vector_store %arg8[%swap3A, %swap3A_478], %select_n3A_477 {strides = array<i32>} : memref<4096x768xf32, #tpu.memory_space<vmem>>, vector<16x768xf32>,
      %while3A_480 = arith.constant 0 : i32
      scf.yield %while3A_480 : i32
    }
    %mul3A_392 = arith.constant 8 : i32
    %mul3A_393 = arith.muli %arg0, %mul3A_392 : i32
    %add3A_394 = arith.constant 7 : i32
    %add3A_395 = arith.addi %mul3A_393, %add3A_394 : i32
    %get3A_396 = arith.index_cast %add3A_395 : i32 to index
    %get3A_397 = memref.load %arg1[%get3A_396] : memref<257xi32, #tpu.memory_space<smem>>
    %get3A_398 = arith.index_cast %add3A_395 : i32 to index
    %get3A_399 = memref.load %arg2[%get3A_398] : memref<256xi32, #tpu.memory_space<smem>>
    %mul3A_400 = arith.constant 8 : i32
    %mul3A_401 = arith.muli %get3A_397, %mul3A_400 : i32
    %add3A_402 = arith.addi %mul3A_401, %get3A_399 : i32
    %add3A_403 = arith.constant 16 : i32
    %add3A_404 = arith.addi %get3A_399, %add3A_403 : i32
    %sub3A_405 = arith.constant 1 : i32
    %sub3A_406 = arith.subi %add3A_404, %sub3A_405 : i32
    %jit3A_407 = arith.constant 16 : i32
    %div3A_408 = arith.divsi %sub3A_406, %jit3A_407 : i32
    %sign3A_409 = arith.constant 0 : i32
    %sign3A_410 = arith.cmpi sgt, %sub3A_406, %sign3A_409 : i32
    %sign3A_411 = arith.extui %sign3A_410 : i1 to i32
    %sign3A_412 = arith.constant 0 : i32
    %sign3A_413 = arith.cmpi slt, %sub3A_406, %sign3A_412 : i32
    %sign3A_414 = arith.extui %sign3A_413 : i1 to i32
    %sign3A_415 = arith.subi %sign3A_411, %sign3A_414 : i32
    %sign3A_416 = arith.constant 0 : i32
    %sign3A_417 = arith.cmpi sgt, %jit3A_407, %sign3A_416 : i32
    %sign3A_418 = arith.extui %sign3A_417 : i1 to i32
    %sign3A_419 = arith.constant 0 : i32
    %sign3A_420 = arith.cmpi slt, %jit3A_407, %sign3A_419 : i32
    %sign3A_421 = arith.extui %sign3A_420 : i1 to i32
    %sign3A_422 = arith.subi %sign3A_418, %sign3A_421 : i32
    %ne3A_423 = arith.cmpi ne, %sign3A_415, %sign3A_422 : i32
    %rem3A_424 = arith.remsi %sub3A_406, %jit3A_407 : i32
    %ne3A_425 = arith.constant 0 : i32
    %ne3A_426 = arith.cmpi ne, %rem3A_424, %ne3A_425 : i32
    %and3A_427 = arith.andi %ne3A_423, %ne3A_426 : i1
    %sub3A_428 = arith.constant 1 : i32
    %sub3A_429 = arith.subi %div3A_408, %sub3A_428 : i32
    %select_n3A_430 = arith.select %and3A_427, %sub3A_429, %div3A_408 : i32
    %slice3A_431 = vector.extract_strided_slice %round3A {offsets = [0, 448], sizes = [768, 64], strides = [1, 1]} : vector<768x512xf32> to vector<768x64xf32>
    %slice3A_432 = vector.extract_strided_slice %round3A_24 {offsets = [0, 448], sizes = [768, 64], strides = [1, 1]} : vector<768x512xf32> to vector<768x64xf32>
    %while3A_433 = arith.constant 0 : i32
    %while3A_434 = arith.constant 0 : i32
    %while3A_435 = arith.subi %select_n3A_430, %while3A_433 : i32
    %while3A_436 = arith.addi %while3A_433, %while3A_435 : i32
    %while3A_437 = arith.constant 1 : i32
    %while3A_438 = arith.divsi %while3A_435, %while3A_437 : i32
    %while3A_439 = arith.muli %while3A_438, %while3A_437 : i32
    %while3A_440 = arith.addi %while3A_433, %while3A_439 : i32
    %while3A_441 = arith.constant 1 : i32
    %while3A_442 = scf.for %while3A_445 = %while3A_433 to %while3A_440 step %while3A_441 iter_args(%while3A_446 = %while3A_434) -> (i32)  : i32 {
      %mul3A_447 = arith.constant 2 : i32
      %mul3A_448 = arith.muli %while3A_445, %mul3A_447 : i32
      %add3A_449 = arith.addi %get3A_397, %mul3A_448 : i32
      %mul3A_450 = arith.constant 8 : i32
      %mul3A_451 = arith.muli %add3A_449, %mul3A_450 : i32
      %get3A_452 = arith.index_cast %mul3A_451 : i32 to index
      %get3A_453 = arith.constant 0 : index
      %get3A_454 = vector.load %arg7[%get3A_452, %get3A_453] : memref<4096x768xf32, #tpu.memory_space<vmem>>, vector<16x768xf32>
      %dot_general3A = arith.constant dense<0.000000e+00> : vector<16x64xf32>
      %dot_general3A_455 = tpu.matmul %get3A_454, %slice3A_431, %dot_general3A {dimension_numbers = #tpu.dot_dimension_numbers<[1], [0], [0], [1], [0, 0, 1, 1], [], []>, transpose_lhs_hint = false} : vector<16x768xf32>, vector<768x64xf32>, vector<16x64xf32> -> vector<16x64xf32>
      %mul3A_456 = vector.broadcast %div3A_27 : vector<1x1xf32> to vector<16x64xf32>
      %mul3A_457 = arith.mulf %dot_general3A_455, %mul3A_456 : vector<16x64xf32>
      %reduce_max3A = arith.constant dense<0xFF800000> : vector<16xf32>
      %reduce_max3A_458 = vector.multi_reduction <maximumf>, %mul3A_457, %reduce_max3A [1] : vector<16x64xf32> to vector<16xf32>
      %broadcast_in_dim3A = vector.shape_cast %reduce_max3A_458 : vector<16xf32> to vector<16x1xf32>
      %sub3A_459 = vector.broadcast %broadcast_in_dim3A : vector<16x1xf32> to vector<16x64xf32>
      %sub3A_460 = arith.subf %mul3A_457, %sub3A_459 : vector<16x64xf32>
      %exp3A = math.exp %sub3A_460 : vector<16x64xf32>
      %mul3A_461 = vector.broadcast %div3A_30 : vector<1x1xf32> to vector<16x64xf32>
      %mul3A_462 = arith.mulf %exp3A, %mul3A_461 : vector<16x64xf32>
      %reduce_sum3A = arith.constant dense<0.000000e+00> : vector<16xf32>
      %reduce_sum3A_463 = vector.multi_reduction <add>, %exp3A, %reduce_sum3A [1] : vector<16x64xf32> to vector<16xf32>
      %broadcast_in_dim3A_464 = vector.shape_cast %reduce_sum3A_463 : vector<16xf32> to vector<16x1xf32>
      %div3A_465 = vector.broadcast %broadcast_in_dim3A_464 : vector<16x1xf32> to vector<16x64xf32>
      %div3A_466 = arith.divf %mul3A_462, %div3A_465 : vector<16x64xf32>
      %dot_general3A_467 = arith.constant dense<0.000000e+00> : vector<16x768xf32>
      %dot_general3A_468 = tpu.matmul %div3A_466, %slice3A_432, %dot_general3A_467 {dimension_numbers = #tpu.dot_dimension_numbers<[1], [1], [0], [0], [0, 0, 1, 0], [], []>, transpose_lhs_hint = false} : vector<16x64xf32>, vector<768x64xf32>, vector<16x768xf32> -> vector<16x768xf32>
      %iota3A = tpu.iota {dimensions = array<i32: 0>} : vector<16x1xi32>
      %add3A_469 = vector.broadcast %mul3A_451 : i32 to vector<16x1xi32>
      %add3A_470 = arith.addi %add3A_469, %iota3A : vector<16x1xi32>
      %lt3A = vector.broadcast %add3A_402 : i32 to vector<16x1xi32>
      %lt3A_471 = arith.cmpi slt, %add3A_470, %lt3A : vector<16x1xi32>
      %get3A_472 = arith.index_cast %mul3A_451 : i32 to index
      %get3A_473 = arith.constant 0 : index
      %get3A_474 = vector.load %arg8[%get3A_472, %get3A_473] : memref<4096x768xf32, #tpu.memory_space<vmem>>, vector<16x768xf32>
      %broadcast_in_dim3A_475 = vector.shape_cast %lt3A_471 : vector<16x1xi1> to vector<16x1xi1>
      %broadcast_in_dim3A_476 = vector.broadcast %broadcast_in_dim3A_475 : vector<16x1xi1> to vector<16x768xi1>
      %select_n3A_477 = arith.select %broadcast_in_dim3A_476, %dot_general3A_468, %get3A_474 : vector<16x768xi1>, vector<16x768xf32>
      %swap3A = arith.index_cast %mul3A_451 : i32 to index
      %swap3A_478 = arith.constant 0 : index
      %swap3A_479 = vector.load %arg8[%swap3A, %swap3A_478] : memref<4096x768xf32, #tpu.memory_space<vmem>>, vector<16x768xf32>
      tpu.vector_store %arg8[%swap3A, %swap3A_478], %select_n3A_477 {strides = array<i32>} : memref<4096x768xf32, #tpu.memory_space<vmem>>, vector<16x768xf32>,
      %while3A_480 = arith.constant 0 : i32
      scf.yield %while3A_480 : i32
    }
    %while3A_443 = arith.constant 1 : i32
    %while3A_444 = scf.for %while3A_445 = %while3A_440 to %while3A_436 step %while3A_443 iter_args(%while3A_446 = %while3A_442) -> (i32)  : i32 {
      %mul3A_447 = arith.constant 2 : i32
      %mul3A_448 = arith.muli %while3A_445, %mul3A_447 : i32
      %add3A_449 = arith.addi %get3A_397, %mul3A_448 : i32
      %mul3A_450 = arith.constant 8 : i32
      %mul3A_451 = arith.muli %add3A_449, %mul3A_450 : i32
      %get3A_452 = arith.index_cast %mul3A_451 : i32 to index
      %get3A_453 = arith.constant 0 : index
      %get3A_454 = vector.load %arg7[%get3A_452, %get3A_453] : memref<4096x768xf32, #tpu.memory_space<vmem>>, vector<16x768xf32>
      %dot_general3A = arith.constant dense<0.000000e+00> : vector<16x64xf32>
      %dot_general3A_455 = tpu.matmul %get3A_454, %slice3A_431, %dot_general3A {dimension_numbers = #tpu.dot_dimension_numbers<[1], [0], [0], [1], [0, 0, 1, 1], [], []>, transpose_lhs_hint = false} : vector<16x768xf32>, vector<768x64xf32>, vector<16x64xf32> -> vector<16x64xf32>
      %mul3A_456 = vector.broadcast %div3A_27 : vector<1x1xf32> to vector<16x64xf32>
      %mul3A_457 = arith.mulf %dot_general3A_455, %mul3A_456 : vector<16x64xf32>
      %reduce_max3A = arith.constant dense<0xFF800000> : vector<16xf32>
      %reduce_max3A_458 = vector.multi_reduction <maximumf>, %mul3A_457, %reduce_max3A [1] : vector<16x64xf32> to vector<16xf32>
      %broadcast_in_dim3A = vector.shape_cast %reduce_max3A_458 : vector<16xf32> to vector<16x1xf32>
      %sub3A_459 = vector.broadcast %broadcast_in_dim3A : vector<16x1xf32> to vector<16x64xf32>
      %sub3A_460 = arith.subf %mul3A_457, %sub3A_459 : vector<16x64xf32>
      %exp3A = math.exp %sub3A_460 : vector<16x64xf32>
      %mul3A_461 = vector.broadcast %div3A_30 : vector<1x1xf32> to vector<16x64xf32>
      %mul3A_462 = arith.mulf %exp3A, %mul3A_461 : vector<16x64xf32>
      %reduce_sum3A = arith.constant dense<0.000000e+00> : vector<16xf32>
      %reduce_sum3A_463 = vector.multi_reduction <add>, %exp3A, %reduce_sum3A [1] : vector<16x64xf32> to vector<16xf32>
      %broadcast_in_dim3A_464 = vector.shape_cast %reduce_sum3A_463 : vector<16xf32> to vector<16x1xf32>
      %div3A_465 = vector.broadcast %broadcast_in_dim3A_464 : vector<16x1xf32> to vector<16x64xf32>
      %div3A_466 = arith.divf %mul3A_462, %div3A_465 : vector<16x64xf32>
      %dot_general3A_467 = arith.constant dense<0.000000e+00> : vector<16x768xf32>
      %dot_general3A_468 = tpu.matmul %div3A_466, %slice3A_432, %dot_general3A_467 {dimension_numbers = #tpu.dot_dimension_numbers<[1], [1], [0], [0], [0, 0, 1, 0], [], []>, transpose_lhs_hint = false} : vector<16x64xf32>, vector<768x64xf32>, vector<16x768xf32> -> vector<16x768xf32>
      %iota3A = tpu.iota {dimensions = array<i32: 0>} : vector<16x1xi32>
      %add3A_469 = vector.broadcast %mul3A_451 : i32 to vector<16x1xi32>
      %add3A_470 = arith.addi %add3A_469, %iota3A : vector<16x1xi32>
      %lt3A = vector.broadcast %add3A_402 : i32 to vector<16x1xi32>
      %lt3A_471 = arith.cmpi slt, %add3A_470, %lt3A : vector<16x1xi32>
      %get3A_472 = arith.index_cast %mul3A_451 : i32 to index
      %get3A_473 = arith.constant 0 : index
      %get3A_474 = vector.load %arg8[%get3A_472, %get3A_473] : memref<4096x768xf32, #tpu.memory_space<vmem>>, vector<16x768xf32>
      %broadcast_in_dim3A_475 = vector.shape_cast %lt3A_471 : vector<16x1xi1> to vector<16x1xi1>
      %broadcast_in_dim3A_476 = vector.broadcast %broadcast_in_dim3A_475 : vector<16x1xi1> to vector<16x768xi1>
      %select_n3A_477 = arith.select %broadcast_in_dim3A_476, %dot_general3A_468, %get3A_474 : vector<16x768xi1>, vector<16x768xf32>
      %swap3A = arith.index_cast %mul3A_451 : i32 to index
      %swap3A_478 = arith.constant 0 : index
      %swap3A_479 = vector.load %arg8[%swap3A, %swap3A_478] : memref<4096x768xf32, #tpu.memory_space<vmem>>, vector<16x768xf32>
      tpu.vector_store %arg8[%swap3A, %swap3A_478], %select_n3A_477 {strides = array<i32>} : memref<4096x768xf32, #tpu.memory_space<vmem>>, vector<16x768xf32>,
      %while3A_480 = arith.constant 0 : i32
      scf.yield %while3A_480 : i32
    }
    return
  }
  func.func @transform_0(%arg0: i32, %arg1: memref<257xi32, #tpu.memory_space<smem>>, %arg2: memref<256xi32, #tpu.memory_space<smem>>) -> (i32, i32) {
    %c0_i32 = arith.constant 0 : i32
    %c0_i32_0 = arith.constant 0 : i32
    return %c0_i32, %arg0 : i32, i32
  }
  func.func @transform_1(%arg0: i32, %arg1: memref<257xi32, #tpu.memory_space<smem>>, %arg2: memref<256xi32, #tpu.memory_space<smem>>) -> (i32, i32) {
    %c0_i32 = arith.constant 0 : i32
    %c0_i32_0 = arith.constant 0 : i32
    return %c0_i32, %arg0 : i32, i32
  }
  func.func @transform_2(%arg0: i32, %arg1: memref<257xi32, #tpu.memory_space<smem>>, %arg2: memref<256xi32, #tpu.memory_space<smem>>) -> (i32, i32) {
    %c0_i32 = arith.constant 0 : i32
    %c0_i32_0 = arith.constant 0 : i32
    %c0_i32_1 = arith.constant 0 : i32
    return %c0_i32, %c0_i32_0 : i32, i32
  }
  func.func @transform_3(%arg0: i32, %arg1: memref<257xi32, #tpu.memory_space<smem>>, %arg2: memref<256xi32, #tpu.memory_space<smem>>) -> (i32, i32) {
    %c0_i32 = arith.constant 0 : i32
    %c0_i32_0 = arith.constant 0 : i32
    %c0_i32_1 = arith.constant 0 : i32
    return %c0_i32, %c0_i32_0 : i32, i32
  }
  func.func @transform_4(%arg0: i32, %arg1: memref<257xi32, #tpu.memory_space<smem>>, %arg2: memref<256xi32, #tpu.memory_space<smem>>) -> (i32, i32) {
    %c0_i32 = arith.constant 0 : i32
    %c0_i32_0 = arith.constant 0 : i32
    %c0_i32_1 = arith.constant 0 : i32
    return %c0_i32, %c0_i32_0 : i32, i32
  }
  func.func @transform_5(%arg0: i32, %arg1: memref<257xi32, #tpu.memory_space<smem>>, %arg2: memref<256xi32, #tpu.memory_space<smem>>) -> (i32, i32) {
    %c0_i32 = arith.constant 0 : i32
    %c0_i32_0 = arith.constant 0 : i32
    %c0_i32_1 = arith.constant 0 : i32
    return %c0_i32, %c0_i32_0 : i32, i32
  }
}

module attributes {stable_mosaic.version = 14 : i64} {
  func.func @_tc_gather_kernel(%arg0: i32, %arg1: memref<2048xi32, #tpu.memory_space<smem>>, %arg2: memref<4096x768xf32, #tpu.memory_space<vmem>>, %arg3: memref<128x768xf32, #tpu.memory_space<vmem>>) attributes {dimension_semantics = [#tpu.dimension_semantics<arbitrary>], iteration_bounds = array<i64: 16>, scalar_prefetch = 1 : i64, scratch_operands = 0 : i64, tpu.core_type = #tpu.core_type<tc>, window_params = [{pipeline_mode = #tpu.pipeline_mode<synchronous>, transform_indices = @transform_0, window_bounds = array<i64: 4096, 768>}, {transform_indices = @transform_1, window_bounds = array<i64: 128, 768>}]} {
    %mul3A = arith.constant 128 : i32
    %mul3A_0 = arith.muli %arg0, %mul3A : i32
    %add3A = arith.constant 0 : i32
    %add3A_1 = arith.addi %mul3A_0, %add3A : i32
    %get3A = arith.index_cast %add3A_1 : i32 to index
    %get3A_2 = memref.load %arg1[%get3A] : memref<2048xi32, #tpu.memory_space<smem>>
    %get3A_3 = arith.index_cast %get3A_2 : i32 to index
    %get3A_4 = arith.constant 0 : index
    %get3A_5 = vector.load %arg2[%get3A_3, %get3A_4] : memref<4096x768xf32, #tpu.memory_space<vmem>>, vector<1x768xf32>
    %get3A_6 = vector.shape_cast %get3A_5 : vector<1x768xf32> to vector<768xf32>
    %swap3A = arith.constant 0 : index
    %swap3A_7 = arith.constant 0 : index
    %swap3A_8 = vector.load %arg3[%swap3A, %swap3A_7] : memref<128x768xf32, #tpu.memory_space<vmem>>, vector<1x768xf32>
    %swap3A_9 = vector.shape_cast %swap3A_8 : vector<1x768xf32> to vector<768xf32>
    %swap3A_10 = vector.shape_cast %get3A_6 : vector<768xf32> to vector<1x768xf32>
    tpu.vector_store %arg3[%swap3A, %swap3A_7], %swap3A_10 {strides = array<i32>} : memref<128x768xf32, #tpu.memory_space<vmem>>, vector<1x768xf32>,
    %mul3A_11 = arith.constant 128 : i32
    %mul3A_12 = arith.muli %arg0, %mul3A_11 : i32
    %add3A_13 = arith.constant 1 : i32
    %add3A_14 = arith.addi %mul3A_12, %add3A_13 : i32
    %get3A_15 = arith.index_cast %add3A_14 : i32 to index
    %get3A_16 = memref.load %arg1[%get3A_15] : memref<2048xi32, #tpu.memory_space<smem>>
    %get3A_17 = arith.index_cast %get3A_16 : i32 to index
    %get3A_18 = arith.constant 0 : index
    %get3A_19 = vector.load %arg2[%get3A_17, %get3A_18] : memref<4096x768xf32, #tpu.memory_space<vmem>>, vector<1x768xf32>
    %get3A_20 = vector.shape_cast %get3A_19 : vector<1x768xf32> to vector<768xf32>
    %swap3A_21 = arith.constant 1 : index
    %swap3A_22 = arith.constant 0 : index
    %swap3A_23 = vector.load %arg3[%swap3A_21, %swap3A_22] : memref<128x768xf32, #tpu.memory_space<vmem>>, vector<1x768xf32>
    %swap3A_24 = vector.shape_cast %swap3A_23 : vector<1x768xf32> to vector<768xf32>
    %swap3A_25 = vector.shape_cast %get3A_20 : vector<768xf32> to vector<1x768xf32>
    tpu.vector_store %arg3[%swap3A_21, %swap3A_22], %swap3A_25 {strides = array<i32>} : memref<128x768xf32, #tpu.memory_space<vmem>>, vector<1x768xf32>,
    %mul3A_26 = arith.constant 128 : i32
    %mul3A_27 = arith.muli %arg0, %mul3A_26 : i32
    %add3A_28 = arith.constant 2 : i32
    %add3A_29 = arith.addi %mul3A_27, %add3A_28 : i32
    %get3A_30 = arith.index_cast %add3A_29 : i32 to index
    %get3A_31 = memref.load %arg1[%get3A_30] : memref<2048xi32, #tpu.memory_space<smem>>
    %get3A_32 = arith.index_cast %get3A_31 : i32 to index
    %get3A_33 = arith.constant 0 : index
    %get3A_34 = vector.load %arg2[%get3A_32, %get3A_33] : memref<4096x768xf32, #tpu.memory_space<vmem>>, vector<1x768xf32>
    %get3A_35 = vector.shape_cast %get3A_34 : vector<1x768xf32> to vector<768xf32>
    %swap3A_36 = arith.constant 2 : index
    %swap3A_37 = arith.constant 0 : index
    %swap3A_38 = vector.load %arg3[%swap3A_36, %swap3A_37] : memref<128x768xf32, #tpu.memory_space<vmem>>, vector<1x768xf32>
    %swap3A_39 = vector.shape_cast %swap3A_38 : vector<1x768xf32> to vector<768xf32>
    %swap3A_40 = vector.shape_cast %get3A_35 : vector<768xf32> to vector<1x768xf32>
    tpu.vector_store %arg3[%swap3A_36, %swap3A_37], %swap3A_40 {strides = array<i32>} : memref<128x768xf32, #tpu.memory_space<vmem>>, vector<1x768xf32>,
    %mul3A_41 = arith.constant 128 : i32
    %mul3A_42 = arith.muli %arg0, %mul3A_41 : i32
    %add3A_43 = arith.constant 3 : i32
    %add3A_44 = arith.addi %mul3A_42, %add3A_43 : i32
    %get3A_45 = arith.index_cast %add3A_44 : i32 to index
    %get3A_46 = memref.load %arg1[%get3A_45] : memref<2048xi32, #tpu.memory_space<smem>>
    %get3A_47 = arith.index_cast %get3A_46 : i32 to index
    %get3A_48 = arith.constant 0 : index
    %get3A_49 = vector.load %arg2[%get3A_47, %get3A_48] : memref<4096x768xf32, #tpu.memory_space<vmem>>, vector<1x768xf32>
    %get3A_50 = vector.shape_cast %get3A_49 : vector<1x768xf32> to vector<768xf32>
    %swap3A_51 = arith.constant 3 : index
    %swap3A_52 = arith.constant 0 : index
    %swap3A_53 = vector.load %arg3[%swap3A_51, %swap3A_52] : memref<128x768xf32, #tpu.memory_space<vmem>>, vector<1x768xf32>
    %swap3A_54 = vector.shape_cast %swap3A_53 : vector<1x768xf32> to vector<768xf32>
    %swap3A_55 = vector.shape_cast %get3A_50 : vector<768xf32> to vector<1x768xf32>
    tpu.vector_store %arg3[%swap3A_51, %swap3A_52], %swap3A_55 {strides = array<i32>} : memref<128x768xf32, #tpu.memory_space<vmem>>, vector<1x768xf32>,
    %mul3A_56 = arith.constant 128 : i32
    %mul3A_57 = arith.muli %arg0, %mul3A_56 : i32
    %add3A_58 = arith.constant 4 : i32
    %add3A_59 = arith.addi %mul3A_57, %add3A_58 : i32
    %get3A_60 = arith.index_cast %add3A_59 : i32 to index
    %get3A_61 = memref.load %arg1[%get3A_60] : memref<2048xi32, #tpu.memory_space<smem>>
    %get3A_62 = arith.index_cast %get3A_61 : i32 to index
    %get3A_63 = arith.constant 0 : index
    %get3A_64 = vector.load %arg2[%get3A_62, %get3A_63] : memref<4096x768xf32, #tpu.memory_space<vmem>>, vector<1x768xf32>
    %get3A_65 = vector.shape_cast %get3A_64 : vector<1x768xf32> to vector<768xf32>
    %swap3A_66 = arith.constant 4 : index
    %swap3A_67 = arith.constant 0 : index
    %swap3A_68 = vector.load %arg3[%swap3A_66, %swap3A_67] : memref<128x768xf32, #tpu.memory_space<vmem>>, vector<1x768xf32>
    %swap3A_69 = vector.shape_cast %swap3A_68 : vector<1x768xf32> to vector<768xf32>
    %swap3A_70 = vector.shape_cast %get3A_65 : vector<768xf32> to vector<1x768xf32>
    tpu.vector_store %arg3[%swap3A_66, %swap3A_67], %swap3A_70 {strides = array<i32>} : memref<128x768xf32, #tpu.memory_space<vmem>>, vector<1x768xf32>,
    %mul3A_71 = arith.constant 128 : i32
    %mul3A_72 = arith.muli %arg0, %mul3A_71 : i32
    %add3A_73 = arith.constant 5 : i32
    %add3A_74 = arith.addi %mul3A_72, %add3A_73 : i32
    %get3A_75 = arith.index_cast %add3A_74 : i32 to index
    %get3A_76 = memref.load %arg1[%get3A_75] : memref<2048xi32, #tpu.memory_space<smem>>
    %get3A_77 = arith.index_cast %get3A_76 : i32 to index
    %get3A_78 = arith.constant 0 : index
    %get3A_79 = vector.load %arg2[%get3A_77, %get3A_78] : memref<4096x768xf32, #tpu.memory_space<vmem>>, vector<1x768xf32>
    %get3A_80 = vector.shape_cast %get3A_79 : vector<1x768xf32> to vector<768xf32>
    %swap3A_81 = arith.constant 5 : index
    %swap3A_82 = arith.constant 0 : index
    %swap3A_83 = vector.load %arg3[%swap3A_81, %swap3A_82] : memref<128x768xf32, #tpu.memory_space<vmem>>, vector<1x768xf32>
    %swap3A_84 = vector.shape_cast %swap3A_83 : vector<1x768xf32> to vector<768xf32>
    %swap3A_85 = vector.shape_cast %get3A_80 : vector<768xf32> to vector<1x768xf32>
    tpu.vector_store %arg3[%swap3A_81, %swap3A_82], %swap3A_85 {strides = array<i32>} : memref<128x768xf32, #tpu.memory_space<vmem>>, vector<1x768xf32>,
    %mul3A_86 = arith.constant 128 : i32
    %mul3A_87 = arith.muli %arg0, %mul3A_86 : i32
    %add3A_88 = arith.constant 6 : i32
    %add3A_89 = arith.addi %mul3A_87, %add3A_88 : i32
    %get3A_90 = arith.index_cast %add3A_89 : i32 to index
    %get3A_91 = memref.load %arg1[%get3A_90] : memref<2048xi32, #tpu.memory_space<smem>>
    %get3A_92 = arith.index_cast %get3A_91 : i32 to index
    %get3A_93 = arith.constant 0 : index
    %get3A_94 = vector.load %arg2[%get3A_92, %get3A_93] : memref<4096x768xf32, #tpu.memory_space<vmem>>, vector<1x768xf32>
    %get3A_95 = vector.shape_cast %get3A_94 : vector<1x768xf32> to vector<768xf32>
    %swap3A_96 = arith.constant 6 : index
    %swap3A_97 = arith.constant 0 : index
    %swap3A_98 = vector.load %arg3[%swap3A_96, %swap3A_97] : memref<128x768xf32, #tpu.memory_space<vmem>>, vector<1x768xf32>
    %swap3A_99 = vector.shape_cast %swap3A_98 : vector<1x768xf32> to vector<768xf32>
    %swap3A_100 = vector.shape_cast %get3A_95 : vector<768xf32> to vector<1x768xf32>
    tpu.vector_store %arg3[%swap3A_96, %swap3A_97], %swap3A_100 {strides = array<i32>} : memref<128x768xf32, #tpu.memory_space<vmem>>, vector<1x768xf32>,
    %mul3A_101 = arith.constant 128 : i32
    %mul3A_102 = arith.muli %arg0, %mul3A_101 : i32
    %add3A_103 = arith.constant 7 : i32
    %add3A_104 = arith.addi %mul3A_102, %add3A_103 : i32
    %get3A_105 = arith.index_cast %add3A_104 : i32 to index
    %get3A_106 = memref.load %arg1[%get3A_105] : memref<2048xi32, #tpu.memory_space<smem>>
    %get3A_107 = arith.index_cast %get3A_106 : i32 to index
    %get3A_108 = arith.constant 0 : index
    %get3A_109 = vector.load %arg2[%get3A_107, %get3A_108] : memref<4096x768xf32, #tpu.memory_space<vmem>>, vector<1x768xf32>
    %get3A_110 = vector.shape_cast %get3A_109 : vector<1x768xf32> to vector<768xf32>
    %swap3A_111 = arith.constant 7 : index
    %swap3A_112 = arith.constant 0 : index
    %swap3A_113 = vector.load %arg3[%swap3A_111, %swap3A_112] : memref<128x768xf32, #tpu.memory_space<vmem>>, vector<1x768xf32>
    %swap3A_114 = vector.shape_cast %swap3A_113 : vector<1x768xf32> to vector<768xf32>
    %swap3A_115 = vector.shape_cast %get3A_110 : vector<768xf32> to vector<1x768xf32>
    tpu.vector_store %arg3[%swap3A_111, %swap3A_112], %swap3A_115 {strides = array<i32>} : memref<128x768xf32, #tpu.memory_space<vmem>>, vector<1x768xf32>,
    %mul3A_116 = arith.constant 128 : i32
    %mul3A_117 = arith.muli %arg0, %mul3A_116 : i32
    %add3A_118 = arith.constant 8 : i32
    %add3A_119 = arith.addi %mul3A_117, %add3A_118 : i32
    %get3A_120 = arith.index_cast %add3A_119 : i32 to index
    %get3A_121 = memref.load %arg1[%get3A_120] : memref<2048xi32, #tpu.memory_space<smem>>
    %get3A_122 = arith.index_cast %get3A_121 : i32 to index
    %get3A_123 = arith.constant 0 : index
    %get3A_124 = vector.load %arg2[%get3A_122, %get3A_123] : memref<4096x768xf32, #tpu.memory_space<vmem>>, vector<1x768xf32>
    %get3A_125 = vector.shape_cast %get3A_124 : vector<1x768xf32> to vector<768xf32>
    %swap3A_126 = arith.constant 8 : index
    %swap3A_127 = arith.constant 0 : index
    %swap3A_128 = vector.load %arg3[%swap3A_126, %swap3A_127] : memref<128x768xf32, #tpu.memory_space<vmem>>, vector<1x768xf32>
    %swap3A_129 = vector.shape_cast %swap3A_128 : vector<1x768xf32> to vector<768xf32>
    %swap3A_130 = vector.shape_cast %get3A_125 : vector<768xf32> to vector<1x768xf32>
    tpu.vector_store %arg3[%swap3A_126, %swap3A_127], %swap3A_130 {strides = array<i32>} : memref<128x768xf32, #tpu.memory_space<vmem>>, vector<1x768xf32>,
    %mul3A_131 = arith.constant 128 : i32
    %mul3A_132 = arith.muli %arg0, %mul3A_131 : i32
    %add3A_133 = arith.constant 9 : i32
    %add3A_134 = arith.addi %mul3A_132, %add3A_133 : i32
    %get3A_135 = arith.index_cast %add3A_134 : i32 to index
    %get3A_136 = memref.load %arg1[%get3A_135] : memref<2048xi32, #tpu.memory_space<smem>>
    %get3A_137 = arith.index_cast %get3A_136 : i32 to index
    %get3A_138 = arith.constant 0 : index
    %get3A_139 = vector.load %arg2[%get3A_137, %get3A_138] : memref<4096x768xf32, #tpu.memory_space<vmem>>, vector<1x768xf32>
    %get3A_140 = vector.shape_cast %get3A_139 : vector<1x768xf32> to vector<768xf32>
    %swap3A_141 = arith.constant 9 : index
    %swap3A_142 = arith.constant 0 : index
    %swap3A_143 = vector.load %arg3[%swap3A_141, %swap3A_142] : memref<128x768xf32, #tpu.memory_space<vmem>>, vector<1x768xf32>
    %swap3A_144 = vector.shape_cast %swap3A_143 : vector<1x768xf32> to vector<768xf32>
    %swap3A_145 = vector.shape_cast %get3A_140 : vector<768xf32> to vector<1x768xf32>
    tpu.vector_store %arg3[%swap3A_141, %swap3A_142], %swap3A_145 {strides = array<i32>} : memref<128x768xf32, #tpu.memory_space<vmem>>, vector<1x768xf32>,
    %mul3A_146 = arith.constant 128 : i32
    %mul3A_147 = arith.muli %arg0, %mul3A_146 : i32
    %add3A_148 = arith.constant 10 : i32
    %add3A_149 = arith.addi %mul3A_147, %add3A_148 : i32
    %get3A_150 = arith.index_cast %add3A_149 : i32 to index
    %get3A_151 = memref.load %arg1[%get3A_150] : memref<2048xi32, #tpu.memory_space<smem>>
    %get3A_152 = arith.index_cast %get3A_151 : i32 to index
    %get3A_153 = arith.constant 0 : index
    %get3A_154 = vector.load %arg2[%get3A_152, %get3A_153] : memref<4096x768xf32, #tpu.memory_space<vmem>>, vector<1x768xf32>
    %get3A_155 = vector.shape_cast %get3A_154 : vector<1x768xf32> to vector<768xf32>
    %swap3A_156 = arith.constant 10 : index
    %swap3A_157 = arith.constant 0 : index
    %swap3A_158 = vector.load %arg3[%swap3A_156, %swap3A_157] : memref<128x768xf32, #tpu.memory_space<vmem>>, vector<1x768xf32>
    %swap3A_159 = vector.shape_cast %swap3A_158 : vector<1x768xf32> to vector<768xf32>
    %swap3A_160 = vector.shape_cast %get3A_155 : vector<768xf32> to vector<1x768xf32>
    tpu.vector_store %arg3[%swap3A_156, %swap3A_157], %swap3A_160 {strides = array<i32>} : memref<128x768xf32, #tpu.memory_space<vmem>>, vector<1x768xf32>,
    %mul3A_161 = arith.constant 128 : i32
    %mul3A_162 = arith.muli %arg0, %mul3A_161 : i32
    %add3A_163 = arith.constant 11 : i32
    %add3A_164 = arith.addi %mul3A_162, %add3A_163 : i32
    %get3A_165 = arith.index_cast %add3A_164 : i32 to index
    %get3A_166 = memref.load %arg1[%get3A_165] : memref<2048xi32, #tpu.memory_space<smem>>
    %get3A_167 = arith.index_cast %get3A_166 : i32 to index
    %get3A_168 = arith.constant 0 : index
    %get3A_169 = vector.load %arg2[%get3A_167, %get3A_168] : memref<4096x768xf32, #tpu.memory_space<vmem>>, vector<1x768xf32>
    %get3A_170 = vector.shape_cast %get3A_169 : vector<1x768xf32> to vector<768xf32>
    %swap3A_171 = arith.constant 11 : index
    %swap3A_172 = arith.constant 0 : index
    %swap3A_173 = vector.load %arg3[%swap3A_171, %swap3A_172] : memref<128x768xf32, #tpu.memory_space<vmem>>, vector<1x768xf32>
    %swap3A_174 = vector.shape_cast %swap3A_173 : vector<1x768xf32> to vector<768xf32>
    %swap3A_175 = vector.shape_cast %get3A_170 : vector<768xf32> to vector<1x768xf32>
    tpu.vector_store %arg3[%swap3A_171, %swap3A_172], %swap3A_175 {strides = array<i32>} : memref<128x768xf32, #tpu.memory_space<vmem>>, vector<1x768xf32>,
    %mul3A_176 = arith.constant 128 : i32
    %mul3A_177 = arith.muli %arg0, %mul3A_176 : i32
    %add3A_178 = arith.constant 12 : i32
    %add3A_179 = arith.addi %mul3A_177, %add3A_178 : i32
    %get3A_180 = arith.index_cast %add3A_179 : i32 to index
    %get3A_181 = memref.load %arg1[%get3A_180] : memref<2048xi32, #tpu.memory_space<smem>>
    %get3A_182 = arith.index_cast %get3A_181 : i32 to index
    %get3A_183 = arith.constant 0 : index
    %get3A_184 = vector.load %arg2[%get3A_182, %get3A_183] : memref<4096x768xf32, #tpu.memory_space<vmem>>, vector<1x768xf32>
    %get3A_185 = vector.shape_cast %get3A_184 : vector<1x768xf32> to vector<768xf32>
    %swap3A_186 = arith.constant 12 : index
    %swap3A_187 = arith.constant 0 : index
    %swap3A_188 = vector.load %arg3[%swap3A_186, %swap3A_187] : memref<128x768xf32, #tpu.memory_space<vmem>>, vector<1x768xf32>
    %swap3A_189 = vector.shape_cast %swap3A_188 : vector<1x768xf32> to vector<768xf32>
    %swap3A_190 = vector.shape_cast %get3A_185 : vector<768xf32> to vector<1x768xf32>
    tpu.vector_store %arg3[%swap3A_186, %swap3A_187], %swap3A_190 {strides = array<i32>} : memref<128x768xf32, #tpu.memory_space<vmem>>, vector<1x768xf32>,
    %mul3A_191 = arith.constant 128 : i32
    %mul3A_192 = arith.muli %arg0, %mul3A_191 : i32
    %add3A_193 = arith.constant 13 : i32
    %add3A_194 = arith.addi %mul3A_192, %add3A_193 : i32
    %get3A_195 = arith.index_cast %add3A_194 : i32 to index
    %get3A_196 = memref.load %arg1[%get3A_195] : memref<2048xi32, #tpu.memory_space<smem>>
    %get3A_197 = arith.index_cast %get3A_196 : i32 to index
    %get3A_198 = arith.constant 0 : index
    %get3A_199 = vector.load %arg2[%get3A_197, %get3A_198] : memref<4096x768xf32, #tpu.memory_space<vmem>>, vector<1x768xf32>
    %get3A_200 = vector.shape_cast %get3A_199 : vector<1x768xf32> to vector<768xf32>
    %swap3A_201 = arith.constant 13 : index
    %swap3A_202 = arith.constant 0 : index
    %swap3A_203 = vector.load %arg3[%swap3A_201, %swap3A_202] : memref<128x768xf32, #tpu.memory_space<vmem>>, vector<1x768xf32>
    %swap3A_204 = vector.shape_cast %swap3A_203 : vector<1x768xf32> to vector<768xf32>
    %swap3A_205 = vector.shape_cast %get3A_200 : vector<768xf32> to vector<1x768xf32>
    tpu.vector_store %arg3[%swap3A_201, %swap3A_202], %swap3A_205 {strides = array<i32>} : memref<128x768xf32, #tpu.memory_space<vmem>>, vector<1x768xf32>,
    %mul3A_206 = arith.constant 128 : i32
    %mul3A_207 = arith.muli %arg0, %mul3A_206 : i32
    %add3A_208 = arith.constant 14 : i32
    %add3A_209 = arith.addi %mul3A_207, %add3A_208 : i32
    %get3A_210 = arith.index_cast %add3A_209 : i32 to index
    %get3A_211 = memref.load %arg1[%get3A_210] : memref<2048xi32, #tpu.memory_space<smem>>
    %get3A_212 = arith.index_cast %get3A_211 : i32 to index
    %get3A_213 = arith.constant 0 : index
    %get3A_214 = vector.load %arg2[%get3A_212, %get3A_213] : memref<4096x768xf32, #tpu.memory_space<vmem>>, vector<1x768xf32>
    %get3A_215 = vector.shape_cast %get3A_214 : vector<1x768xf32> to vector<768xf32>
    %swap3A_216 = arith.constant 14 : index
    %swap3A_217 = arith.constant 0 : index
    %swap3A_218 = vector.load %arg3[%swap3A_216, %swap3A_217] : memref<128x768xf32, #tpu.memory_space<vmem>>, vector<1x768xf32>
    %swap3A_219 = vector.shape_cast %swap3A_218 : vector<1x768xf32> to vector<768xf32>
    %swap3A_220 = vector.shape_cast %get3A_215 : vector<768xf32> to vector<1x768xf32>
    tpu.vector_store %arg3[%swap3A_216, %swap3A_217], %swap3A_220 {strides = array<i32>} : memref<128x768xf32, #tpu.memory_space<vmem>>, vector<1x768xf32>,
    %mul3A_221 = arith.constant 128 : i32
    %mul3A_222 = arith.muli %arg0, %mul3A_221 : i32
    %add3A_223 = arith.constant 15 : i32
    %add3A_224 = arith.addi %mul3A_222, %add3A_223 : i32
    %get3A_225 = arith.index_cast %add3A_224 : i32 to index
    %get3A_226 = memref.load %arg1[%get3A_225] : memref<2048xi32, #tpu.memory_space<smem>>
    %get3A_227 = arith.index_cast %get3A_226 : i32 to index
    %get3A_228 = arith.constant 0 : index
    %get3A_229 = vector.load %arg2[%get3A_227, %get3A_228] : memref<4096x768xf32, #tpu.memory_space<vmem>>, vector<1x768xf32>
    %get3A_230 = vector.shape_cast %get3A_229 : vector<1x768xf32> to vector<768xf32>
    %swap3A_231 = arith.constant 15 : index
    %swap3A_232 = arith.constant 0 : index
    %swap3A_233 = vector.load %arg3[%swap3A_231, %swap3A_232] : memref<128x768xf32, #tpu.memory_space<vmem>>, vector<1x768xf32>
    %swap3A_234 = vector.shape_cast %swap3A_233 : vector<1x768xf32> to vector<768xf32>
    %swap3A_235 = vector.shape_cast %get3A_230 : vector<768xf32> to vector<1x768xf32>
    tpu.vector_store %arg3[%swap3A_231, %swap3A_232], %swap3A_235 {strides = array<i32>} : memref<128x768xf32, #tpu.memory_space<vmem>>, vector<1x768xf32>,
    %mul3A_236 = arith.constant 128 : i32
    %mul3A_237 = arith.muli %arg0, %mul3A_236 : i32
    %add3A_238 = arith.constant 16 : i32
    %add3A_239 = arith.addi %mul3A_237, %add3A_238 : i32
    %get3A_240 = arith.index_cast %add3A_239 : i32 to index
    %get3A_241 = memref.load %arg1[%get3A_240] : memref<2048xi32, #tpu.memory_space<smem>>
    %get3A_242 = arith.index_cast %get3A_241 : i32 to index
    %get3A_243 = arith.constant 0 : index
    %get3A_244 = vector.load %arg2[%get3A_242, %get3A_243] : memref<4096x768xf32, #tpu.memory_space<vmem>>, vector<1x768xf32>
    %get3A_245 = vector.shape_cast %get3A_244 : vector<1x768xf32> to vector<768xf32>
    %swap3A_246 = arith.constant 16 : index
    %swap3A_247 = arith.constant 0 : index
    %swap3A_248 = vector.load %arg3[%swap3A_246, %swap3A_247] : memref<128x768xf32, #tpu.memory_space<vmem>>, vector<1x768xf32>
    %swap3A_249 = vector.shape_cast %swap3A_248 : vector<1x768xf32> to vector<768xf32>
    %swap3A_250 = vector.shape_cast %get3A_245 : vector<768xf32> to vector<1x768xf32>
    tpu.vector_store %arg3[%swap3A_246, %swap3A_247], %swap3A_250 {strides = array<i32>} : memref<128x768xf32, #tpu.memory_space<vmem>>, vector<1x768xf32>,
    %mul3A_251 = arith.constant 128 : i32
    %mul3A_252 = arith.muli %arg0, %mul3A_251 : i32
    %add3A_253 = arith.constant 17 : i32
    %add3A_254 = arith.addi %mul3A_252, %add3A_253 : i32
    %get3A_255 = arith.index_cast %add3A_254 : i32 to index
    %get3A_256 = memref.load %arg1[%get3A_255] : memref<2048xi32, #tpu.memory_space<smem>>
    %get3A_257 = arith.index_cast %get3A_256 : i32 to index
    %get3A_258 = arith.constant 0 : index
    %get3A_259 = vector.load %arg2[%get3A_257, %get3A_258] : memref<4096x768xf32, #tpu.memory_space<vmem>>, vector<1x768xf32>
    %get3A_260 = vector.shape_cast %get3A_259 : vector<1x768xf32> to vector<768xf32>
    %swap3A_261 = arith.constant 17 : index
    %swap3A_262 = arith.constant 0 : index
    %swap3A_263 = vector.load %arg3[%swap3A_261, %swap3A_262] : memref<128x768xf32, #tpu.memory_space<vmem>>, vector<1x768xf32>
    %swap3A_264 = vector.shape_cast %swap3A_263 : vector<1x768xf32> to vector<768xf32>
    %swap3A_265 = vector.shape_cast %get3A_260 : vector<768xf32> to vector<1x768xf32>
    tpu.vector_store %arg3[%swap3A_261, %swap3A_262], %swap3A_265 {strides = array<i32>} : memref<128x768xf32, #tpu.memory_space<vmem>>, vector<1x768xf32>,
    %mul3A_266 = arith.constant 128 : i32
    %mul3A_267 = arith.muli %arg0, %mul3A_266 : i32
    %add3A_268 = arith.constant 18 : i32
    %add3A_269 = arith.addi %mul3A_267, %add3A_268 : i32
    %get3A_270 = arith.index_cast %add3A_269 : i32 to index
    %get3A_271 = memref.load %arg1[%get3A_270] : memref<2048xi32, #tpu.memory_space<smem>>
    %get3A_272 = arith.index_cast %get3A_271 : i32 to index
    %get3A_273 = arith.constant 0 : index
    %get3A_274 = vector.load %arg2[%get3A_272, %get3A_273] : memref<4096x768xf32, #tpu.memory_space<vmem>>, vector<1x768xf32>
    %get3A_275 = vector.shape_cast %get3A_274 : vector<1x768xf32> to vector<768xf32>
    %swap3A_276 = arith.constant 18 : index
    %swap3A_277 = arith.constant 0 : index
    %swap3A_278 = vector.load %arg3[%swap3A_276, %swap3A_277] : memref<128x768xf32, #tpu.memory_space<vmem>>, vector<1x768xf32>
    %swap3A_279 = vector.shape_cast %swap3A_278 : vector<1x768xf32> to vector<768xf32>
    %swap3A_280 = vector.shape_cast %get3A_275 : vector<768xf32> to vector<1x768xf32>
    tpu.vector_store %arg3[%swap3A_276, %swap3A_277], %swap3A_280 {strides = array<i32>} : memref<128x768xf32, #tpu.memory_space<vmem>>, vector<1x768xf32>,
    %mul3A_281 = arith.constant 128 : i32
    %mul3A_282 = arith.muli %arg0, %mul3A_281 : i32
    %add3A_283 = arith.constant 19 : i32
    %add3A_284 = arith.addi %mul3A_282, %add3A_283 : i32
    %get3A_285 = arith.index_cast %add3A_284 : i32 to index
    %get3A_286 = memref.load %arg1[%get3A_285] : memref<2048xi32, #tpu.memory_space<smem>>
    %get3A_287 = arith.index_cast %get3A_286 : i32 to index
    %get3A_288 = arith.constant 0 : index
    %get3A_289 = vector.load %arg2[%get3A_287, %get3A_288] : memref<4096x768xf32, #tpu.memory_space<vmem>>, vector<1x768xf32>
    %get3A_290 = vector.shape_cast %get3A_289 : vector<1x768xf32> to vector<768xf32>
    %swap3A_291 = arith.constant 19 : index
    %swap3A_292 = arith.constant 0 : index
    %swap3A_293 = vector.load %arg3[%swap3A_291, %swap3A_292] : memref<128x768xf32, #tpu.memory_space<vmem>>, vector<1x768xf32>
    %swap3A_294 = vector.shape_cast %swap3A_293 : vector<1x768xf32> to vector<768xf32>
    %swap3A_295 = vector.shape_cast %get3A_290 : vector<768xf32> to vector<1x768xf32>
    tpu.vector_store %arg3[%swap3A_291, %swap3A_292], %swap3A_295 {strides = array<i32>} : memref<128x768xf32, #tpu.memory_space<vmem>>, vector<1x768xf32>,
    %mul3A_296 = arith.constant 128 : i32
    %mul3A_297 = arith.muli %arg0, %mul3A_296 : i32
    %add3A_298 = arith.constant 20 : i32
    %add3A_299 = arith.addi %mul3A_297, %add3A_298 : i32
    %get3A_300 = arith.index_cast %add3A_299 : i32 to index
    %get3A_301 = memref.load %arg1[%get3A_300] : memref<2048xi32, #tpu.memory_space<smem>>
    %get3A_302 = arith.index_cast %get3A_301 : i32 to index
    %get3A_303 = arith.constant 0 : index
    %get3A_304 = vector.load %arg2[%get3A_302, %get3A_303] : memref<4096x768xf32, #tpu.memory_space<vmem>>, vector<1x768xf32>
    %get3A_305 = vector.shape_cast %get3A_304 : vector<1x768xf32> to vector<768xf32>
    %swap3A_306 = arith.constant 20 : index
    %swap3A_307 = arith.constant 0 : index
    %swap3A_308 = vector.load %arg3[%swap3A_306, %swap3A_307] : memref<128x768xf32, #tpu.memory_space<vmem>>, vector<1x768xf32>
    %swap3A_309 = vector.shape_cast %swap3A_308 : vector<1x768xf32> to vector<768xf32>
    %swap3A_310 = vector.shape_cast %get3A_305 : vector<768xf32> to vector<1x768xf32>
    tpu.vector_store %arg3[%swap3A_306, %swap3A_307], %swap3A_310 {strides = array<i32>} : memref<128x768xf32, #tpu.memory_space<vmem>>, vector<1x768xf32>,
    %mul3A_311 = arith.constant 128 : i32
    %mul3A_312 = arith.muli %arg0, %mul3A_311 : i32
    %add3A_313 = arith.constant 21 : i32
    %add3A_314 = arith.addi %mul3A_312, %add3A_313 : i32
    %get3A_315 = arith.index_cast %add3A_314 : i32 to index
    %get3A_316 = memref.load %arg1[%get3A_315] : memref<2048xi32, #tpu.memory_space<smem>>
    %get3A_317 = arith.index_cast %get3A_316 : i32 to index
    %get3A_318 = arith.constant 0 : index
    %get3A_319 = vector.load %arg2[%get3A_317, %get3A_318] : memref<4096x768xf32, #tpu.memory_space<vmem>>, vector<1x768xf32>
    %get3A_320 = vector.shape_cast %get3A_319 : vector<1x768xf32> to vector<768xf32>
    %swap3A_321 = arith.constant 21 : index
    %swap3A_322 = arith.constant 0 : index
    %swap3A_323 = vector.load %arg3[%swap3A_321, %swap3A_322] : memref<128x768xf32, #tpu.memory_space<vmem>>, vector<1x768xf32>
    %swap3A_324 = vector.shape_cast %swap3A_323 : vector<1x768xf32> to vector<768xf32>
    %swap3A_325 = vector.shape_cast %get3A_320 : vector<768xf32> to vector<1x768xf32>
    tpu.vector_store %arg3[%swap3A_321, %swap3A_322], %swap3A_325 {strides = array<i32>} : memref<128x768xf32, #tpu.memory_space<vmem>>, vector<1x768xf32>,
    %mul3A_326 = arith.constant 128 : i32
    %mul3A_327 = arith.muli %arg0, %mul3A_326 : i32
    %add3A_328 = arith.constant 22 : i32
    %add3A_329 = arith.addi %mul3A_327, %add3A_328 : i32
    %get3A_330 = arith.index_cast %add3A_329 : i32 to index
    %get3A_331 = memref.load %arg1[%get3A_330] : memref<2048xi32, #tpu.memory_space<smem>>
    %get3A_332 = arith.index_cast %get3A_331 : i32 to index
    %get3A_333 = arith.constant 0 : index
    %get3A_334 = vector.load %arg2[%get3A_332, %get3A_333] : memref<4096x768xf32, #tpu.memory_space<vmem>>, vector<1x768xf32>
    %get3A_335 = vector.shape_cast %get3A_334 : vector<1x768xf32> to vector<768xf32>
    %swap3A_336 = arith.constant 22 : index
    %swap3A_337 = arith.constant 0 : index
    %swap3A_338 = vector.load %arg3[%swap3A_336, %swap3A_337] : memref<128x768xf32, #tpu.memory_space<vmem>>, vector<1x768xf32>
    %swap3A_339 = vector.shape_cast %swap3A_338 : vector<1x768xf32> to vector<768xf32>
    %swap3A_340 = vector.shape_cast %get3A_335 : vector<768xf32> to vector<1x768xf32>
    tpu.vector_store %arg3[%swap3A_336, %swap3A_337], %swap3A_340 {strides = array<i32>} : memref<128x768xf32, #tpu.memory_space<vmem>>, vector<1x768xf32>,
    %mul3A_341 = arith.constant 128 : i32
    %mul3A_342 = arith.muli %arg0, %mul3A_341 : i32
    %add3A_343 = arith.constant 23 : i32
    %add3A_344 = arith.addi %mul3A_342, %add3A_343 : i32
    %get3A_345 = arith.index_cast %add3A_344 : i32 to index
    %get3A_346 = memref.load %arg1[%get3A_345] : memref<2048xi32, #tpu.memory_space<smem>>
    %get3A_347 = arith.index_cast %get3A_346 : i32 to index
    %get3A_348 = arith.constant 0 : index
    %get3A_349 = vector.load %arg2[%get3A_347, %get3A_348] : memref<4096x768xf32, #tpu.memory_space<vmem>>, vector<1x768xf32>
    %get3A_350 = vector.shape_cast %get3A_349 : vector<1x768xf32> to vector<768xf32>
    %swap3A_351 = arith.constant 23 : index
    %swap3A_352 = arith.constant 0 : index
    %swap3A_353 = vector.load %arg3[%swap3A_351, %swap3A_352] : memref<128x768xf32, #tpu.memory_space<vmem>>, vector<1x768xf32>
    %swap3A_354 = vector.shape_cast %swap3A_353 : vector<1x768xf32> to vector<768xf32>
    %swap3A_355 = vector.shape_cast %get3A_350 : vector<768xf32> to vector<1x768xf32>
    tpu.vector_store %arg3[%swap3A_351, %swap3A_352], %swap3A_355 {strides = array<i32>} : memref<128x768xf32, #tpu.memory_space<vmem>>, vector<1x768xf32>,
    %mul3A_356 = arith.constant 128 : i32
    %mul3A_357 = arith.muli %arg0, %mul3A_356 : i32
    %add3A_358 = arith.constant 24 : i32
    %add3A_359 = arith.addi %mul3A_357, %add3A_358 : i32
    %get3A_360 = arith.index_cast %add3A_359 : i32 to index
    %get3A_361 = memref.load %arg1[%get3A_360] : memref<2048xi32, #tpu.memory_space<smem>>
    %get3A_362 = arith.index_cast %get3A_361 : i32 to index
    %get3A_363 = arith.constant 0 : index
    %get3A_364 = vector.load %arg2[%get3A_362, %get3A_363] : memref<4096x768xf32, #tpu.memory_space<vmem>>, vector<1x768xf32>
    %get3A_365 = vector.shape_cast %get3A_364 : vector<1x768xf32> to vector<768xf32>
    %swap3A_366 = arith.constant 24 : index
    %swap3A_367 = arith.constant 0 : index
    %swap3A_368 = vector.load %arg3[%swap3A_366, %swap3A_367] : memref<128x768xf32, #tpu.memory_space<vmem>>, vector<1x768xf32>
    %swap3A_369 = vector.shape_cast %swap3A_368 : vector<1x768xf32> to vector<768xf32>
    %swap3A_370 = vector.shape_cast %get3A_365 : vector<768xf32> to vector<1x768xf32>
    tpu.vector_store %arg3[%swap3A_366, %swap3A_367], %swap3A_370 {strides = array<i32>} : memref<128x768xf32, #tpu.memory_space<vmem>>, vector<1x768xf32>,
    %mul3A_371 = arith.constant 128 : i32
    %mul3A_372 = arith.muli %arg0, %mul3A_371 : i32
    %add3A_373 = arith.constant 25 : i32
    %add3A_374 = arith.addi %mul3A_372, %add3A_373 : i32
    %get3A_375 = arith.index_cast %add3A_374 : i32 to index
    %get3A_376 = memref.load %arg1[%get3A_375] : memref<2048xi32, #tpu.memory_space<smem>>
    %get3A_377 = arith.index_cast %get3A_376 : i32 to index
    %get3A_378 = arith.constant 0 : index
    %get3A_379 = vector.load %arg2[%get3A_377, %get3A_378] : memref<4096x768xf32, #tpu.memory_space<vmem>>, vector<1x768xf32>
    %get3A_380 = vector.shape_cast %get3A_379 : vector<1x768xf32> to vector<768xf32>
    %swap3A_381 = arith.constant 25 : index
    %swap3A_382 = arith.constant 0 : index
    %swap3A_383 = vector.load %arg3[%swap3A_381, %swap3A_382] : memref<128x768xf32, #tpu.memory_space<vmem>>, vector<1x768xf32>
    %swap3A_384 = vector.shape_cast %swap3A_383 : vector<1x768xf32> to vector<768xf32>
    %swap3A_385 = vector.shape_cast %get3A_380 : vector<768xf32> to vector<1x768xf32>
    tpu.vector_store %arg3[%swap3A_381, %swap3A_382], %swap3A_385 {strides = array<i32>} : memref<128x768xf32, #tpu.memory_space<vmem>>, vector<1x768xf32>,
    %mul3A_386 = arith.constant 128 : i32
    %mul3A_387 = arith.muli %arg0, %mul3A_386 : i32
    %add3A_388 = arith.constant 26 : i32
    %add3A_389 = arith.addi %mul3A_387, %add3A_388 : i32
    %get3A_390 = arith.index_cast %add3A_389 : i32 to index
    %get3A_391 = memref.load %arg1[%get3A_390] : memref<2048xi32, #tpu.memory_space<smem>>
    %get3A_392 = arith.index_cast %get3A_391 : i32 to index
    %get3A_393 = arith.constant 0 : index
    %get3A_394 = vector.load %arg2[%get3A_392, %get3A_393] : memref<4096x768xf32, #tpu.memory_space<vmem>>, vector<1x768xf32>
    %get3A_395 = vector.shape_cast %get3A_394 : vector<1x768xf32> to vector<768xf32>
    %swap3A_396 = arith.constant 26 : index
    %swap3A_397 = arith.constant 0 : index
    %swap3A_398 = vector.load %arg3[%swap3A_396, %swap3A_397] : memref<128x768xf32, #tpu.memory_space<vmem>>, vector<1x768xf32>
    %swap3A_399 = vector.shape_cast %swap3A_398 : vector<1x768xf32> to vector<768xf32>
    %swap3A_400 = vector.shape_cast %get3A_395 : vector<768xf32> to vector<1x768xf32>
    tpu.vector_store %arg3[%swap3A_396, %swap3A_397], %swap3A_400 {strides = array<i32>} : memref<128x768xf32, #tpu.memory_space<vmem>>, vector<1x768xf32>,
    %mul3A_401 = arith.constant 128 : i32
    %mul3A_402 = arith.muli %arg0, %mul3A_401 : i32
    %add3A_403 = arith.constant 27 : i32
    %add3A_404 = arith.addi %mul3A_402, %add3A_403 : i32
    %get3A_405 = arith.index_cast %add3A_404 : i32 to index
    %get3A_406 = memref.load %arg1[%get3A_405] : memref<2048xi32, #tpu.memory_space<smem>>
    %get3A_407 = arith.index_cast %get3A_406 : i32 to index
    %get3A_408 = arith.constant 0 : index
    %get3A_409 = vector.load %arg2[%get3A_407, %get3A_408] : memref<4096x768xf32, #tpu.memory_space<vmem>>, vector<1x768xf32>
    %get3A_410 = vector.shape_cast %get3A_409 : vector<1x768xf32> to vector<768xf32>
    %swap3A_411 = arith.constant 27 : index
    %swap3A_412 = arith.constant 0 : index
    %swap3A_413 = vector.load %arg3[%swap3A_411, %swap3A_412] : memref<128x768xf32, #tpu.memory_space<vmem>>, vector<1x768xf32>
    %swap3A_414 = vector.shape_cast %swap3A_413 : vector<1x768xf32> to vector<768xf32>
    %swap3A_415 = vector.shape_cast %get3A_410 : vector<768xf32> to vector<1x768xf32>
    tpu.vector_store %arg3[%swap3A_411, %swap3A_412], %swap3A_415 {strides = array<i32>} : memref<128x768xf32, #tpu.memory_space<vmem>>, vector<1x768xf32>,
    %mul3A_416 = arith.constant 128 : i32
    %mul3A_417 = arith.muli %arg0, %mul3A_416 : i32
    %add3A_418 = arith.constant 28 : i32
    %add3A_419 = arith.addi %mul3A_417, %add3A_418 : i32
    %get3A_420 = arith.index_cast %add3A_419 : i32 to index
    %get3A_421 = memref.load %arg1[%get3A_420] : memref<2048xi32, #tpu.memory_space<smem>>
    %get3A_422 = arith.index_cast %get3A_421 : i32 to index
    %get3A_423 = arith.constant 0 : index
    %get3A_424 = vector.load %arg2[%get3A_422, %get3A_423] : memref<4096x768xf32, #tpu.memory_space<vmem>>, vector<1x768xf32>
    %get3A_425 = vector.shape_cast %get3A_424 : vector<1x768xf32> to vector<768xf32>
    %swap3A_426 = arith.constant 28 : index
    %swap3A_427 = arith.constant 0 : index
    %swap3A_428 = vector.load %arg3[%swap3A_426, %swap3A_427] : memref<128x768xf32, #tpu.memory_space<vmem>>, vector<1x768xf32>
    %swap3A_429 = vector.shape_cast %swap3A_428 : vector<1x768xf32> to vector<768xf32>
    %swap3A_430 = vector.shape_cast %get3A_425 : vector<768xf32> to vector<1x768xf32>
    tpu.vector_store %arg3[%swap3A_426, %swap3A_427], %swap3A_430 {strides = array<i32>} : memref<128x768xf32, #tpu.memory_space<vmem>>, vector<1x768xf32>,
    %mul3A_431 = arith.constant 128 : i32
    %mul3A_432 = arith.muli %arg0, %mul3A_431 : i32
    %add3A_433 = arith.constant 29 : i32
    %add3A_434 = arith.addi %mul3A_432, %add3A_433 : i32
    %get3A_435 = arith.index_cast %add3A_434 : i32 to index
    %get3A_436 = memref.load %arg1[%get3A_435] : memref<2048xi32, #tpu.memory_space<smem>>
    %get3A_437 = arith.index_cast %get3A_436 : i32 to index
    %get3A_438 = arith.constant 0 : index
    %get3A_439 = vector.load %arg2[%get3A_437, %get3A_438] : memref<4096x768xf32, #tpu.memory_space<vmem>>, vector<1x768xf32>
    %get3A_440 = vector.shape_cast %get3A_439 : vector<1x768xf32> to vector<768xf32>
    %swap3A_441 = arith.constant 29 : index
    %swap3A_442 = arith.constant 0 : index
    %swap3A_443 = vector.load %arg3[%swap3A_441, %swap3A_442] : memref<128x768xf32, #tpu.memory_space<vmem>>, vector<1x768xf32>
    %swap3A_444 = vector.shape_cast %swap3A_443 : vector<1x768xf32> to vector<768xf32>
    %swap3A_445 = vector.shape_cast %get3A_440 : vector<768xf32> to vector<1x768xf32>
    tpu.vector_store %arg3[%swap3A_441, %swap3A_442], %swap3A_445 {strides = array<i32>} : memref<128x768xf32, #tpu.memory_space<vmem>>, vector<1x768xf32>,
    %mul3A_446 = arith.constant 128 : i32
    %mul3A_447 = arith.muli %arg0, %mul3A_446 : i32
    %add3A_448 = arith.constant 30 : i32
    %add3A_449 = arith.addi %mul3A_447, %add3A_448 : i32
    %get3A_450 = arith.index_cast %add3A_449 : i32 to index
    %get3A_451 = memref.load %arg1[%get3A_450] : memref<2048xi32, #tpu.memory_space<smem>>
    %get3A_452 = arith.index_cast %get3A_451 : i32 to index
    %get3A_453 = arith.constant 0 : index
    %get3A_454 = vector.load %arg2[%get3A_452, %get3A_453] : memref<4096x768xf32, #tpu.memory_space<vmem>>, vector<1x768xf32>
    %get3A_455 = vector.shape_cast %get3A_454 : vector<1x768xf32> to vector<768xf32>
    %swap3A_456 = arith.constant 30 : index
    %swap3A_457 = arith.constant 0 : index
    %swap3A_458 = vector.load %arg3[%swap3A_456, %swap3A_457] : memref<128x768xf32, #tpu.memory_space<vmem>>, vector<1x768xf32>
    %swap3A_459 = vector.shape_cast %swap3A_458 : vector<1x768xf32> to vector<768xf32>
    %swap3A_460 = vector.shape_cast %get3A_455 : vector<768xf32> to vector<1x768xf32>
    tpu.vector_store %arg3[%swap3A_456, %swap3A_457], %swap3A_460 {strides = array<i32>} : memref<128x768xf32, #tpu.memory_space<vmem>>, vector<1x768xf32>,
    %mul3A_461 = arith.constant 128 : i32
    %mul3A_462 = arith.muli %arg0, %mul3A_461 : i32
    %add3A_463 = arith.constant 31 : i32
    %add3A_464 = arith.addi %mul3A_462, %add3A_463 : i32
    %get3A_465 = arith.index_cast %add3A_464 : i32 to index
    %get3A_466 = memref.load %arg1[%get3A_465] : memref<2048xi32, #tpu.memory_space<smem>>
    %get3A_467 = arith.index_cast %get3A_466 : i32 to index
    %get3A_468 = arith.constant 0 : index
    %get3A_469 = vector.load %arg2[%get3A_467, %get3A_468] : memref<4096x768xf32, #tpu.memory_space<vmem>>, vector<1x768xf32>
    %get3A_470 = vector.shape_cast %get3A_469 : vector<1x768xf32> to vector<768xf32>
    %swap3A_471 = arith.constant 31 : index
    %swap3A_472 = arith.constant 0 : index
    %swap3A_473 = vector.load %arg3[%swap3A_471, %swap3A_472] : memref<128x768xf32, #tpu.memory_space<vmem>>, vector<1x768xf32>
    %swap3A_474 = vector.shape_cast %swap3A_473 : vector<1x768xf32> to vector<768xf32>
    %swap3A_475 = vector.shape_cast %get3A_470 : vector<768xf32> to vector<1x768xf32>
    tpu.vector_store %arg3[%swap3A_471, %swap3A_472], %swap3A_475 {strides = array<i32>} : memref<128x768xf32, #tpu.memory_space<vmem>>, vector<1x768xf32>,
    %mul3A_476 = arith.constant 128 : i32
    %mul3A_477 = arith.muli %arg0, %mul3A_476 : i32
    %add3A_478 = arith.constant 32 : i32
    %add3A_479 = arith.addi %mul3A_477, %add3A_478 : i32
    %get3A_480 = arith.index_cast %add3A_479 : i32 to index
    %get3A_481 = memref.load %arg1[%get3A_480] : memref<2048xi32, #tpu.memory_space<smem>>
    %get3A_482 = arith.index_cast %get3A_481 : i32 to index
    %get3A_483 = arith.constant 0 : index
    %get3A_484 = vector.load %arg2[%get3A_482, %get3A_483] : memref<4096x768xf32, #tpu.memory_space<vmem>>, vector<1x768xf32>
    %get3A_485 = vector.shape_cast %get3A_484 : vector<1x768xf32> to vector<768xf32>
    %swap3A_486 = arith.constant 32 : index
    %swap3A_487 = arith.constant 0 : index
    %swap3A_488 = vector.load %arg3[%swap3A_486, %swap3A_487] : memref<128x768xf32, #tpu.memory_space<vmem>>, vector<1x768xf32>
    %swap3A_489 = vector.shape_cast %swap3A_488 : vector<1x768xf32> to vector<768xf32>
    %swap3A_490 = vector.shape_cast %get3A_485 : vector<768xf32> to vector<1x768xf32>
    tpu.vector_store %arg3[%swap3A_486, %swap3A_487], %swap3A_490 {strides = array<i32>} : memref<128x768xf32, #tpu.memory_space<vmem>>, vector<1x768xf32>,
    %mul3A_491 = arith.constant 128 : i32
    %mul3A_492 = arith.muli %arg0, %mul3A_491 : i32
    %add3A_493 = arith.constant 33 : i32
    %add3A_494 = arith.addi %mul3A_492, %add3A_493 : i32
    %get3A_495 = arith.index_cast %add3A_494 : i32 to index
    %get3A_496 = memref.load %arg1[%get3A_495] : memref<2048xi32, #tpu.memory_space<smem>>
    %get3A_497 = arith.index_cast %get3A_496 : i32 to index
    %get3A_498 = arith.constant 0 : index
    %get3A_499 = vector.load %arg2[%get3A_497, %get3A_498] : memref<4096x768xf32, #tpu.memory_space<vmem>>, vector<1x768xf32>
    %get3A_500 = vector.shape_cast %get3A_499 : vector<1x768xf32> to vector<768xf32>
    %swap3A_501 = arith.constant 33 : index
    %swap3A_502 = arith.constant 0 : index
    %swap3A_503 = vector.load %arg3[%swap3A_501, %swap3A_502] : memref<128x768xf32, #tpu.memory_space<vmem>>, vector<1x768xf32>
    %swap3A_504 = vector.shape_cast %swap3A_503 : vector<1x768xf32> to vector<768xf32>
    %swap3A_505 = vector.shape_cast %get3A_500 : vector<768xf32> to vector<1x768xf32>
    tpu.vector_store %arg3[%swap3A_501, %swap3A_502], %swap3A_505 {strides = array<i32>} : memref<128x768xf32, #tpu.memory_space<vmem>>, vector<1x768xf32>,
    %mul3A_506 = arith.constant 128 : i32
    %mul3A_507 = arith.muli %arg0, %mul3A_506 : i32
    %add3A_508 = arith.constant 34 : i32
    %add3A_509 = arith.addi %mul3A_507, %add3A_508 : i32
    %get3A_510 = arith.index_cast %add3A_509 : i32 to index
    %get3A_511 = memref.load %arg1[%get3A_510] : memref<2048xi32, #tpu.memory_space<smem>>
    %get3A_512 = arith.index_cast %get3A_511 : i32 to index
    %get3A_513 = arith.constant 0 : index
    %get3A_514 = vector.load %arg2[%get3A_512, %get3A_513] : memref<4096x768xf32, #tpu.memory_space<vmem>>, vector<1x768xf32>
    %get3A_515 = vector.shape_cast %get3A_514 : vector<1x768xf32> to vector<768xf32>
    %swap3A_516 = arith.constant 34 : index
    %swap3A_517 = arith.constant 0 : index
    %swap3A_518 = vector.load %arg3[%swap3A_516, %swap3A_517] : memref<128x768xf32, #tpu.memory_space<vmem>>, vector<1x768xf32>
    %swap3A_519 = vector.shape_cast %swap3A_518 : vector<1x768xf32> to vector<768xf32>
    %swap3A_520 = vector.shape_cast %get3A_515 : vector<768xf32> to vector<1x768xf32>
    tpu.vector_store %arg3[%swap3A_516, %swap3A_517], %swap3A_520 {strides = array<i32>} : memref<128x768xf32, #tpu.memory_space<vmem>>, vector<1x768xf32>,
    %mul3A_521 = arith.constant 128 : i32
    %mul3A_522 = arith.muli %arg0, %mul3A_521 : i32
    %add3A_523 = arith.constant 35 : i32
    %add3A_524 = arith.addi %mul3A_522, %add3A_523 : i32
    %get3A_525 = arith.index_cast %add3A_524 : i32 to index
    %get3A_526 = memref.load %arg1[%get3A_525] : memref<2048xi32, #tpu.memory_space<smem>>
    %get3A_527 = arith.index_cast %get3A_526 : i32 to index
    %get3A_528 = arith.constant 0 : index
    %get3A_529 = vector.load %arg2[%get3A_527, %get3A_528] : memref<4096x768xf32, #tpu.memory_space<vmem>>, vector<1x768xf32>
    %get3A_530 = vector.shape_cast %get3A_529 : vector<1x768xf32> to vector<768xf32>
    %swap3A_531 = arith.constant 35 : index
    %swap3A_532 = arith.constant 0 : index
    %swap3A_533 = vector.load %arg3[%swap3A_531, %swap3A_532] : memref<128x768xf32, #tpu.memory_space<vmem>>, vector<1x768xf32>
    %swap3A_534 = vector.shape_cast %swap3A_533 : vector<1x768xf32> to vector<768xf32>
    %swap3A_535 = vector.shape_cast %get3A_530 : vector<768xf32> to vector<1x768xf32>
    tpu.vector_store %arg3[%swap3A_531, %swap3A_532], %swap3A_535 {strides = array<i32>} : memref<128x768xf32, #tpu.memory_space<vmem>>, vector<1x768xf32>,
    %mul3A_536 = arith.constant 128 : i32
    %mul3A_537 = arith.muli %arg0, %mul3A_536 : i32
    %add3A_538 = arith.constant 36 : i32
    %add3A_539 = arith.addi %mul3A_537, %add3A_538 : i32
    %get3A_540 = arith.index_cast %add3A_539 : i32 to index
    %get3A_541 = memref.load %arg1[%get3A_540] : memref<2048xi32, #tpu.memory_space<smem>>
    %get3A_542 = arith.index_cast %get3A_541 : i32 to index
    %get3A_543 = arith.constant 0 : index
    %get3A_544 = vector.load %arg2[%get3A_542, %get3A_543] : memref<4096x768xf32, #tpu.memory_space<vmem>>, vector<1x768xf32>
    %get3A_545 = vector.shape_cast %get3A_544 : vector<1x768xf32> to vector<768xf32>
    %swap3A_546 = arith.constant 36 : index
    %swap3A_547 = arith.constant 0 : index
    %swap3A_548 = vector.load %arg3[%swap3A_546, %swap3A_547] : memref<128x768xf32, #tpu.memory_space<vmem>>, vector<1x768xf32>
    %swap3A_549 = vector.shape_cast %swap3A_548 : vector<1x768xf32> to vector<768xf32>
    %swap3A_550 = vector.shape_cast %get3A_545 : vector<768xf32> to vector<1x768xf32>
    tpu.vector_store %arg3[%swap3A_546, %swap3A_547], %swap3A_550 {strides = array<i32>} : memref<128x768xf32, #tpu.memory_space<vmem>>, vector<1x768xf32>,
    %mul3A_551 = arith.constant 128 : i32
    %mul3A_552 = arith.muli %arg0, %mul3A_551 : i32
    %add3A_553 = arith.constant 37 : i32
    %add3A_554 = arith.addi %mul3A_552, %add3A_553 : i32
    %get3A_555 = arith.index_cast %add3A_554 : i32 to index
    %get3A_556 = memref.load %arg1[%get3A_555] : memref<2048xi32, #tpu.memory_space<smem>>
    %get3A_557 = arith.index_cast %get3A_556 : i32 to index
    %get3A_558 = arith.constant 0 : index
    %get3A_559 = vector.load %arg2[%get3A_557, %get3A_558] : memref<4096x768xf32, #tpu.memory_space<vmem>>, vector<1x768xf32>
    %get3A_560 = vector.shape_cast %get3A_559 : vector<1x768xf32> to vector<768xf32>
    %swap3A_561 = arith.constant 37 : index
    %swap3A_562 = arith.constant 0 : index
    %swap3A_563 = vector.load %arg3[%swap3A_561, %swap3A_562] : memref<128x768xf32, #tpu.memory_space<vmem>>, vector<1x768xf32>
    %swap3A_564 = vector.shape_cast %swap3A_563 : vector<1x768xf32> to vector<768xf32>
    %swap3A_565 = vector.shape_cast %get3A_560 : vector<768xf32> to vector<1x768xf32>
    tpu.vector_store %arg3[%swap3A_561, %swap3A_562], %swap3A_565 {strides = array<i32>} : memref<128x768xf32, #tpu.memory_space<vmem>>, vector<1x768xf32>,
    %mul3A_566 = arith.constant 128 : i32
    %mul3A_567 = arith.muli %arg0, %mul3A_566 : i32
    %add3A_568 = arith.constant 38 : i32
    %add3A_569 = arith.addi %mul3A_567, %add3A_568 : i32
    %get3A_570 = arith.index_cast %add3A_569 : i32 to index
    %get3A_571 = memref.load %arg1[%get3A_570] : memref<2048xi32, #tpu.memory_space<smem>>
    %get3A_572 = arith.index_cast %get3A_571 : i32 to index
    %get3A_573 = arith.constant 0 : index
    %get3A_574 = vector.load %arg2[%get3A_572, %get3A_573] : memref<4096x768xf32, #tpu.memory_space<vmem>>, vector<1x768xf32>
    %get3A_575 = vector.shape_cast %get3A_574 : vector<1x768xf32> to vector<768xf32>
    %swap3A_576 = arith.constant 38 : index
    %swap3A_577 = arith.constant 0 : index
    %swap3A_578 = vector.load %arg3[%swap3A_576, %swap3A_577] : memref<128x768xf32, #tpu.memory_space<vmem>>, vector<1x768xf32>
    %swap3A_579 = vector.shape_cast %swap3A_578 : vector<1x768xf32> to vector<768xf32>
    %swap3A_580 = vector.shape_cast %get3A_575 : vector<768xf32> to vector<1x768xf32>
    tpu.vector_store %arg3[%swap3A_576, %swap3A_577], %swap3A_580 {strides = array<i32>} : memref<128x768xf32, #tpu.memory_space<vmem>>, vector<1x768xf32>,
    %mul3A_581 = arith.constant 128 : i32
    %mul3A_582 = arith.muli %arg0, %mul3A_581 : i32
    %add3A_583 = arith.constant 39 : i32
    %add3A_584 = arith.addi %mul3A_582, %add3A_583 : i32
    %get3A_585 = arith.index_cast %add3A_584 : i32 to index
    %get3A_586 = memref.load %arg1[%get3A_585] : memref<2048xi32, #tpu.memory_space<smem>>
    %get3A_587 = arith.index_cast %get3A_586 : i32 to index
    %get3A_588 = arith.constant 0 : index
    %get3A_589 = vector.load %arg2[%get3A_587, %get3A_588] : memref<4096x768xf32, #tpu.memory_space<vmem>>, vector<1x768xf32>
    %get3A_590 = vector.shape_cast %get3A_589 : vector<1x768xf32> to vector<768xf32>
    %swap3A_591 = arith.constant 39 : index
    %swap3A_592 = arith.constant 0 : index
    %swap3A_593 = vector.load %arg3[%swap3A_591, %swap3A_592] : memref<128x768xf32, #tpu.memory_space<vmem>>, vector<1x768xf32>
    %swap3A_594 = vector.shape_cast %swap3A_593 : vector<1x768xf32> to vector<768xf32>
    %swap3A_595 = vector.shape_cast %get3A_590 : vector<768xf32> to vector<1x768xf32>
    tpu.vector_store %arg3[%swap3A_591, %swap3A_592], %swap3A_595 {strides = array<i32>} : memref<128x768xf32, #tpu.memory_space<vmem>>, vector<1x768xf32>,
    %mul3A_596 = arith.constant 128 : i32
    %mul3A_597 = arith.muli %arg0, %mul3A_596 : i32
    %add3A_598 = arith.constant 40 : i32
    %add3A_599 = arith.addi %mul3A_597, %add3A_598 : i32
    %get3A_600 = arith.index_cast %add3A_599 : i32 to index
    %get3A_601 = memref.load %arg1[%get3A_600] : memref<2048xi32, #tpu.memory_space<smem>>
    %get3A_602 = arith.index_cast %get3A_601 : i32 to index
    %get3A_603 = arith.constant 0 : index
    %get3A_604 = vector.load %arg2[%get3A_602, %get3A_603] : memref<4096x768xf32, #tpu.memory_space<vmem>>, vector<1x768xf32>
    %get3A_605 = vector.shape_cast %get3A_604 : vector<1x768xf32> to vector<768xf32>
    %swap3A_606 = arith.constant 40 : index
    %swap3A_607 = arith.constant 0 : index
    %swap3A_608 = vector.load %arg3[%swap3A_606, %swap3A_607] : memref<128x768xf32, #tpu.memory_space<vmem>>, vector<1x768xf32>
    %swap3A_609 = vector.shape_cast %swap3A_608 : vector<1x768xf32> to vector<768xf32>
    %swap3A_610 = vector.shape_cast %get3A_605 : vector<768xf32> to vector<1x768xf32>
    tpu.vector_store %arg3[%swap3A_606, %swap3A_607], %swap3A_610 {strides = array<i32>} : memref<128x768xf32, #tpu.memory_space<vmem>>, vector<1x768xf32>,
    %mul3A_611 = arith.constant 128 : i32
    %mul3A_612 = arith.muli %arg0, %mul3A_611 : i32
    %add3A_613 = arith.constant 41 : i32
    %add3A_614 = arith.addi %mul3A_612, %add3A_613 : i32
    %get3A_615 = arith.index_cast %add3A_614 : i32 to index
    %get3A_616 = memref.load %arg1[%get3A_615] : memref<2048xi32, #tpu.memory_space<smem>>
    %get3A_617 = arith.index_cast %get3A_616 : i32 to index
    %get3A_618 = arith.constant 0 : index
    %get3A_619 = vector.load %arg2[%get3A_617, %get3A_618] : memref<4096x768xf32, #tpu.memory_space<vmem>>, vector<1x768xf32>
    %get3A_620 = vector.shape_cast %get3A_619 : vector<1x768xf32> to vector<768xf32>
    %swap3A_621 = arith.constant 41 : index
    %swap3A_622 = arith.constant 0 : index
    %swap3A_623 = vector.load %arg3[%swap3A_621, %swap3A_622] : memref<128x768xf32, #tpu.memory_space<vmem>>, vector<1x768xf32>
    %swap3A_624 = vector.shape_cast %swap3A_623 : vector<1x768xf32> to vector<768xf32>
    %swap3A_625 = vector.shape_cast %get3A_620 : vector<768xf32> to vector<1x768xf32>
    tpu.vector_store %arg3[%swap3A_621, %swap3A_622], %swap3A_625 {strides = array<i32>} : memref<128x768xf32, #tpu.memory_space<vmem>>, vector<1x768xf32>,
    %mul3A_626 = arith.constant 128 : i32
    %mul3A_627 = arith.muli %arg0, %mul3A_626 : i32
    %add3A_628 = arith.constant 42 : i32
    %add3A_629 = arith.addi %mul3A_627, %add3A_628 : i32
    %get3A_630 = arith.index_cast %add3A_629 : i32 to index
    %get3A_631 = memref.load %arg1[%get3A_630] : memref<2048xi32, #tpu.memory_space<smem>>
    %get3A_632 = arith.index_cast %get3A_631 : i32 to index
    %get3A_633 = arith.constant 0 : index
    %get3A_634 = vector.load %arg2[%get3A_632, %get3A_633] : memref<4096x768xf32, #tpu.memory_space<vmem>>, vector<1x768xf32>
    %get3A_635 = vector.shape_cast %get3A_634 : vector<1x768xf32> to vector<768xf32>
    %swap3A_636 = arith.constant 42 : index
    %swap3A_637 = arith.constant 0 : index
    %swap3A_638 = vector.load %arg3[%swap3A_636, %swap3A_637] : memref<128x768xf32, #tpu.memory_space<vmem>>, vector<1x768xf32>
    %swap3A_639 = vector.shape_cast %swap3A_638 : vector<1x768xf32> to vector<768xf32>
    %swap3A_640 = vector.shape_cast %get3A_635 : vector<768xf32> to vector<1x768xf32>
    tpu.vector_store %arg3[%swap3A_636, %swap3A_637], %swap3A_640 {strides = array<i32>} : memref<128x768xf32, #tpu.memory_space<vmem>>, vector<1x768xf32>,
    %mul3A_641 = arith.constant 128 : i32
    %mul3A_642 = arith.muli %arg0, %mul3A_641 : i32
    %add3A_643 = arith.constant 43 : i32
    %add3A_644 = arith.addi %mul3A_642, %add3A_643 : i32
    %get3A_645 = arith.index_cast %add3A_644 : i32 to index
    %get3A_646 = memref.load %arg1[%get3A_645] : memref<2048xi32, #tpu.memory_space<smem>>
    %get3A_647 = arith.index_cast %get3A_646 : i32 to index
    %get3A_648 = arith.constant 0 : index
    %get3A_649 = vector.load %arg2[%get3A_647, %get3A_648] : memref<4096x768xf32, #tpu.memory_space<vmem>>, vector<1x768xf32>
    %get3A_650 = vector.shape_cast %get3A_649 : vector<1x768xf32> to vector<768xf32>
    %swap3A_651 = arith.constant 43 : index
    %swap3A_652 = arith.constant 0 : index
    %swap3A_653 = vector.load %arg3[%swap3A_651, %swap3A_652] : memref<128x768xf32, #tpu.memory_space<vmem>>, vector<1x768xf32>
    %swap3A_654 = vector.shape_cast %swap3A_653 : vector<1x768xf32> to vector<768xf32>
    %swap3A_655 = vector.shape_cast %get3A_650 : vector<768xf32> to vector<1x768xf32>
    tpu.vector_store %arg3[%swap3A_651, %swap3A_652], %swap3A_655 {strides = array<i32>} : memref<128x768xf32, #tpu.memory_space<vmem>>, vector<1x768xf32>,
    %mul3A_656 = arith.constant 128 : i32
    %mul3A_657 = arith.muli %arg0, %mul3A_656 : i32
    %add3A_658 = arith.constant 44 : i32
    %add3A_659 = arith.addi %mul3A_657, %add3A_658 : i32
    %get3A_660 = arith.index_cast %add3A_659 : i32 to index
    %get3A_661 = memref.load %arg1[%get3A_660] : memref<2048xi32, #tpu.memory_space<smem>>
    %get3A_662 = arith.index_cast %get3A_661 : i32 to index
    %get3A_663 = arith.constant 0 : index
    %get3A_664 = vector.load %arg2[%get3A_662, %get3A_663] : memref<4096x768xf32, #tpu.memory_space<vmem>>, vector<1x768xf32>
    %get3A_665 = vector.shape_cast %get3A_664 : vector<1x768xf32> to vector<768xf32>
    %swap3A_666 = arith.constant 44 : index
    %swap3A_667 = arith.constant 0 : index
    %swap3A_668 = vector.load %arg3[%swap3A_666, %swap3A_667] : memref<128x768xf32, #tpu.memory_space<vmem>>, vector<1x768xf32>
    %swap3A_669 = vector.shape_cast %swap3A_668 : vector<1x768xf32> to vector<768xf32>
    %swap3A_670 = vector.shape_cast %get3A_665 : vector<768xf32> to vector<1x768xf32>
    tpu.vector_store %arg3[%swap3A_666, %swap3A_667], %swap3A_670 {strides = array<i32>} : memref<128x768xf32, #tpu.memory_space<vmem>>, vector<1x768xf32>,
    %mul3A_671 = arith.constant 128 : i32
    %mul3A_672 = arith.muli %arg0, %mul3A_671 : i32
    %add3A_673 = arith.constant 45 : i32
    %add3A_674 = arith.addi %mul3A_672, %add3A_673 : i32
    %get3A_675 = arith.index_cast %add3A_674 : i32 to index
    %get3A_676 = memref.load %arg1[%get3A_675] : memref<2048xi32, #tpu.memory_space<smem>>
    %get3A_677 = arith.index_cast %get3A_676 : i32 to index
    %get3A_678 = arith.constant 0 : index
    %get3A_679 = vector.load %arg2[%get3A_677, %get3A_678] : memref<4096x768xf32, #tpu.memory_space<vmem>>, vector<1x768xf32>
    %get3A_680 = vector.shape_cast %get3A_679 : vector<1x768xf32> to vector<768xf32>
    %swap3A_681 = arith.constant 45 : index
    %swap3A_682 = arith.constant 0 : index
    %swap3A_683 = vector.load %arg3[%swap3A_681, %swap3A_682] : memref<128x768xf32, #tpu.memory_space<vmem>>, vector<1x768xf32>
    %swap3A_684 = vector.shape_cast %swap3A_683 : vector<1x768xf32> to vector<768xf32>
    %swap3A_685 = vector.shape_cast %get3A_680 : vector<768xf32> to vector<1x768xf32>
    tpu.vector_store %arg3[%swap3A_681, %swap3A_682], %swap3A_685 {strides = array<i32>} : memref<128x768xf32, #tpu.memory_space<vmem>>, vector<1x768xf32>,
    %mul3A_686 = arith.constant 128 : i32
    %mul3A_687 = arith.muli %arg0, %mul3A_686 : i32
    %add3A_688 = arith.constant 46 : i32
    %add3A_689 = arith.addi %mul3A_687, %add3A_688 : i32
    %get3A_690 = arith.index_cast %add3A_689 : i32 to index
    %get3A_691 = memref.load %arg1[%get3A_690] : memref<2048xi32, #tpu.memory_space<smem>>
    %get3A_692 = arith.index_cast %get3A_691 : i32 to index
    %get3A_693 = arith.constant 0 : index
    %get3A_694 = vector.load %arg2[%get3A_692, %get3A_693] : memref<4096x768xf32, #tpu.memory_space<vmem>>, vector<1x768xf32>
    %get3A_695 = vector.shape_cast %get3A_694 : vector<1x768xf32> to vector<768xf32>
    %swap3A_696 = arith.constant 46 : index
    %swap3A_697 = arith.constant 0 : index
    %swap3A_698 = vector.load %arg3[%swap3A_696, %swap3A_697] : memref<128x768xf32, #tpu.memory_space<vmem>>, vector<1x768xf32>
    %swap3A_699 = vector.shape_cast %swap3A_698 : vector<1x768xf32> to vector<768xf32>
    %swap3A_700 = vector.shape_cast %get3A_695 : vector<768xf32> to vector<1x768xf32>
    tpu.vector_store %arg3[%swap3A_696, %swap3A_697], %swap3A_700 {strides = array<i32>} : memref<128x768xf32, #tpu.memory_space<vmem>>, vector<1x768xf32>,
    %mul3A_701 = arith.constant 128 : i32
    %mul3A_702 = arith.muli %arg0, %mul3A_701 : i32
    %add3A_703 = arith.constant 47 : i32
    %add3A_704 = arith.addi %mul3A_702, %add3A_703 : i32
    %get3A_705 = arith.index_cast %add3A_704 : i32 to index
    %get3A_706 = memref.load %arg1[%get3A_705] : memref<2048xi32, #tpu.memory_space<smem>>
    %get3A_707 = arith.index_cast %get3A_706 : i32 to index
    %get3A_708 = arith.constant 0 : index
    %get3A_709 = vector.load %arg2[%get3A_707, %get3A_708] : memref<4096x768xf32, #tpu.memory_space<vmem>>, vector<1x768xf32>
    %get3A_710 = vector.shape_cast %get3A_709 : vector<1x768xf32> to vector<768xf32>
    %swap3A_711 = arith.constant 47 : index
    %swap3A_712 = arith.constant 0 : index
    %swap3A_713 = vector.load %arg3[%swap3A_711, %swap3A_712] : memref<128x768xf32, #tpu.memory_space<vmem>>, vector<1x768xf32>
    %swap3A_714 = vector.shape_cast %swap3A_713 : vector<1x768xf32> to vector<768xf32>
    %swap3A_715 = vector.shape_cast %get3A_710 : vector<768xf32> to vector<1x768xf32>
    tpu.vector_store %arg3[%swap3A_711, %swap3A_712], %swap3A_715 {strides = array<i32>} : memref<128x768xf32, #tpu.memory_space<vmem>>, vector<1x768xf32>,
    %mul3A_716 = arith.constant 128 : i32
    %mul3A_717 = arith.muli %arg0, %mul3A_716 : i32
    %add3A_718 = arith.constant 48 : i32
    %add3A_719 = arith.addi %mul3A_717, %add3A_718 : i32
    %get3A_720 = arith.index_cast %add3A_719 : i32 to index
    %get3A_721 = memref.load %arg1[%get3A_720] : memref<2048xi32, #tpu.memory_space<smem>>
    %get3A_722 = arith.index_cast %get3A_721 : i32 to index
    %get3A_723 = arith.constant 0 : index
    %get3A_724 = vector.load %arg2[%get3A_722, %get3A_723] : memref<4096x768xf32, #tpu.memory_space<vmem>>, vector<1x768xf32>
    %get3A_725 = vector.shape_cast %get3A_724 : vector<1x768xf32> to vector<768xf32>
    %swap3A_726 = arith.constant 48 : index
    %swap3A_727 = arith.constant 0 : index
    %swap3A_728 = vector.load %arg3[%swap3A_726, %swap3A_727] : memref<128x768xf32, #tpu.memory_space<vmem>>, vector<1x768xf32>
    %swap3A_729 = vector.shape_cast %swap3A_728 : vector<1x768xf32> to vector<768xf32>
    %swap3A_730 = vector.shape_cast %get3A_725 : vector<768xf32> to vector<1x768xf32>
    tpu.vector_store %arg3[%swap3A_726, %swap3A_727], %swap3A_730 {strides = array<i32>} : memref<128x768xf32, #tpu.memory_space<vmem>>, vector<1x768xf32>,
    %mul3A_731 = arith.constant 128 : i32
    %mul3A_732 = arith.muli %arg0, %mul3A_731 : i32
    %add3A_733 = arith.constant 49 : i32
    %add3A_734 = arith.addi %mul3A_732, %add3A_733 : i32
    %get3A_735 = arith.index_cast %add3A_734 : i32 to index
    %get3A_736 = memref.load %arg1[%get3A_735] : memref<2048xi32, #tpu.memory_space<smem>>
    %get3A_737 = arith.index_cast %get3A_736 : i32 to index
    %get3A_738 = arith.constant 0 : index
    %get3A_739 = vector.load %arg2[%get3A_737, %get3A_738] : memref<4096x768xf32, #tpu.memory_space<vmem>>, vector<1x768xf32>
    %get3A_740 = vector.shape_cast %get3A_739 : vector<1x768xf32> to vector<768xf32>
    %swap3A_741 = arith.constant 49 : index
    %swap3A_742 = arith.constant 0 : index
    %swap3A_743 = vector.load %arg3[%swap3A_741, %swap3A_742] : memref<128x768xf32, #tpu.memory_space<vmem>>, vector<1x768xf32>
    %swap3A_744 = vector.shape_cast %swap3A_743 : vector<1x768xf32> to vector<768xf32>
    %swap3A_745 = vector.shape_cast %get3A_740 : vector<768xf32> to vector<1x768xf32>
    tpu.vector_store %arg3[%swap3A_741, %swap3A_742], %swap3A_745 {strides = array<i32>} : memref<128x768xf32, #tpu.memory_space<vmem>>, vector<1x768xf32>,
    %mul3A_746 = arith.constant 128 : i32
    %mul3A_747 = arith.muli %arg0, %mul3A_746 : i32
    %add3A_748 = arith.constant 50 : i32
    %add3A_749 = arith.addi %mul3A_747, %add3A_748 : i32
    %get3A_750 = arith.index_cast %add3A_749 : i32 to index
    %get3A_751 = memref.load %arg1[%get3A_750] : memref<2048xi32, #tpu.memory_space<smem>>
    %get3A_752 = arith.index_cast %get3A_751 : i32 to index
    %get3A_753 = arith.constant 0 : index
    %get3A_754 = vector.load %arg2[%get3A_752, %get3A_753] : memref<4096x768xf32, #tpu.memory_space<vmem>>, vector<1x768xf32>
    %get3A_755 = vector.shape_cast %get3A_754 : vector<1x768xf32> to vector<768xf32>
    %swap3A_756 = arith.constant 50 : index
    %swap3A_757 = arith.constant 0 : index
    %swap3A_758 = vector.load %arg3[%swap3A_756, %swap3A_757] : memref<128x768xf32, #tpu.memory_space<vmem>>, vector<1x768xf32>
    %swap3A_759 = vector.shape_cast %swap3A_758 : vector<1x768xf32> to vector<768xf32>
    %swap3A_760 = vector.shape_cast %get3A_755 : vector<768xf32> to vector<1x768xf32>
    tpu.vector_store %arg3[%swap3A_756, %swap3A_757], %swap3A_760 {strides = array<i32>} : memref<128x768xf32, #tpu.memory_space<vmem>>, vector<1x768xf32>,
    %mul3A_761 = arith.constant 128 : i32
    %mul3A_762 = arith.muli %arg0, %mul3A_761 : i32
    %add3A_763 = arith.constant 51 : i32
    %add3A_764 = arith.addi %mul3A_762, %add3A_763 : i32
    %get3A_765 = arith.index_cast %add3A_764 : i32 to index
    %get3A_766 = memref.load %arg1[%get3A_765] : memref<2048xi32, #tpu.memory_space<smem>>
    %get3A_767 = arith.index_cast %get3A_766 : i32 to index
    %get3A_768 = arith.constant 0 : index
    %get3A_769 = vector.load %arg2[%get3A_767, %get3A_768] : memref<4096x768xf32, #tpu.memory_space<vmem>>, vector<1x768xf32>
    %get3A_770 = vector.shape_cast %get3A_769 : vector<1x768xf32> to vector<768xf32>
    %swap3A_771 = arith.constant 51 : index
    %swap3A_772 = arith.constant 0 : index
    %swap3A_773 = vector.load %arg3[%swap3A_771, %swap3A_772] : memref<128x768xf32, #tpu.memory_space<vmem>>, vector<1x768xf32>
    %swap3A_774 = vector.shape_cast %swap3A_773 : vector<1x768xf32> to vector<768xf32>
    %swap3A_775 = vector.shape_cast %get3A_770 : vector<768xf32> to vector<1x768xf32>
    tpu.vector_store %arg3[%swap3A_771, %swap3A_772], %swap3A_775 {strides = array<i32>} : memref<128x768xf32, #tpu.memory_space<vmem>>, vector<1x768xf32>,
    %mul3A_776 = arith.constant 128 : i32
    %mul3A_777 = arith.muli %arg0, %mul3A_776 : i32
    %add3A_778 = arith.constant 52 : i32
    %add3A_779 = arith.addi %mul3A_777, %add3A_778 : i32
    %get3A_780 = arith.index_cast %add3A_779 : i32 to index
    %get3A_781 = memref.load %arg1[%get3A_780] : memref<2048xi32, #tpu.memory_space<smem>>
    %get3A_782 = arith.index_cast %get3A_781 : i32 to index
    %get3A_783 = arith.constant 0 : index
    %get3A_784 = vector.load %arg2[%get3A_782, %get3A_783] : memref<4096x768xf32, #tpu.memory_space<vmem>>, vector<1x768xf32>
    %get3A_785 = vector.shape_cast %get3A_784 : vector<1x768xf32> to vector<768xf32>
    %swap3A_786 = arith.constant 52 : index
    %swap3A_787 = arith.constant 0 : index
    %swap3A_788 = vector.load %arg3[%swap3A_786, %swap3A_787] : memref<128x768xf32, #tpu.memory_space<vmem>>, vector<1x768xf32>
    %swap3A_789 = vector.shape_cast %swap3A_788 : vector<1x768xf32> to vector<768xf32>
    %swap3A_790 = vector.shape_cast %get3A_785 : vector<768xf32> to vector<1x768xf32>
    tpu.vector_store %arg3[%swap3A_786, %swap3A_787], %swap3A_790 {strides = array<i32>} : memref<128x768xf32, #tpu.memory_space<vmem>>, vector<1x768xf32>,
    %mul3A_791 = arith.constant 128 : i32
    %mul3A_792 = arith.muli %arg0, %mul3A_791 : i32
    %add3A_793 = arith.constant 53 : i32
    %add3A_794 = arith.addi %mul3A_792, %add3A_793 : i32
    %get3A_795 = arith.index_cast %add3A_794 : i32 to index
    %get3A_796 = memref.load %arg1[%get3A_795] : memref<2048xi32, #tpu.memory_space<smem>>
    %get3A_797 = arith.index_cast %get3A_796 : i32 to index
    %get3A_798 = arith.constant 0 : index
    %get3A_799 = vector.load %arg2[%get3A_797, %get3A_798] : memref<4096x768xf32, #tpu.memory_space<vmem>>, vector<1x768xf32>
    %get3A_800 = vector.shape_cast %get3A_799 : vector<1x768xf32> to vector<768xf32>
    %swap3A_801 = arith.constant 53 : index
    %swap3A_802 = arith.constant 0 : index
    %swap3A_803 = vector.load %arg3[%swap3A_801, %swap3A_802] : memref<128x768xf32, #tpu.memory_space<vmem>>, vector<1x768xf32>
    %swap3A_804 = vector.shape_cast %swap3A_803 : vector<1x768xf32> to vector<768xf32>
    %swap3A_805 = vector.shape_cast %get3A_800 : vector<768xf32> to vector<1x768xf32>
    tpu.vector_store %arg3[%swap3A_801, %swap3A_802], %swap3A_805 {strides = array<i32>} : memref<128x768xf32, #tpu.memory_space<vmem>>, vector<1x768xf32>,
    %mul3A_806 = arith.constant 128 : i32
    %mul3A_807 = arith.muli %arg0, %mul3A_806 : i32
    %add3A_808 = arith.constant 54 : i32
    %add3A_809 = arith.addi %mul3A_807, %add3A_808 : i32
    %get3A_810 = arith.index_cast %add3A_809 : i32 to index
    %get3A_811 = memref.load %arg1[%get3A_810] : memref<2048xi32, #tpu.memory_space<smem>>
    %get3A_812 = arith.index_cast %get3A_811 : i32 to index
    %get3A_813 = arith.constant 0 : index
    %get3A_814 = vector.load %arg2[%get3A_812, %get3A_813] : memref<4096x768xf32, #tpu.memory_space<vmem>>, vector<1x768xf32>
    %get3A_815 = vector.shape_cast %get3A_814 : vector<1x768xf32> to vector<768xf32>
    %swap3A_816 = arith.constant 54 : index
    %swap3A_817 = arith.constant 0 : index
    %swap3A_818 = vector.load %arg3[%swap3A_816, %swap3A_817] : memref<128x768xf32, #tpu.memory_space<vmem>>, vector<1x768xf32>
    %swap3A_819 = vector.shape_cast %swap3A_818 : vector<1x768xf32> to vector<768xf32>
    %swap3A_820 = vector.shape_cast %get3A_815 : vector<768xf32> to vector<1x768xf32>
    tpu.vector_store %arg3[%swap3A_816, %swap3A_817], %swap3A_820 {strides = array<i32>} : memref<128x768xf32, #tpu.memory_space<vmem>>, vector<1x768xf32>,
    %mul3A_821 = arith.constant 128 : i32
    %mul3A_822 = arith.muli %arg0, %mul3A_821 : i32
    %add3A_823 = arith.constant 55 : i32
    %add3A_824 = arith.addi %mul3A_822, %add3A_823 : i32
    %get3A_825 = arith.index_cast %add3A_824 : i32 to index
    %get3A_826 = memref.load %arg1[%get3A_825] : memref<2048xi32, #tpu.memory_space<smem>>
    %get3A_827 = arith.index_cast %get3A_826 : i32 to index
    %get3A_828 = arith.constant 0 : index
    %get3A_829 = vector.load %arg2[%get3A_827, %get3A_828] : memref<4096x768xf32, #tpu.memory_space<vmem>>, vector<1x768xf32>
    %get3A_830 = vector.shape_cast %get3A_829 : vector<1x768xf32> to vector<768xf32>
    %swap3A_831 = arith.constant 55 : index
    %swap3A_832 = arith.constant 0 : index
    %swap3A_833 = vector.load %arg3[%swap3A_831, %swap3A_832] : memref<128x768xf32, #tpu.memory_space<vmem>>, vector<1x768xf32>
    %swap3A_834 = vector.shape_cast %swap3A_833 : vector<1x768xf32> to vector<768xf32>
    %swap3A_835 = vector.shape_cast %get3A_830 : vector<768xf32> to vector<1x768xf32>
    tpu.vector_store %arg3[%swap3A_831, %swap3A_832], %swap3A_835 {strides = array<i32>} : memref<128x768xf32, #tpu.memory_space<vmem>>, vector<1x768xf32>,
    %mul3A_836 = arith.constant 128 : i32
    %mul3A_837 = arith.muli %arg0, %mul3A_836 : i32
    %add3A_838 = arith.constant 56 : i32
    %add3A_839 = arith.addi %mul3A_837, %add3A_838 : i32
    %get3A_840 = arith.index_cast %add3A_839 : i32 to index
    %get3A_841 = memref.load %arg1[%get3A_840] : memref<2048xi32, #tpu.memory_space<smem>>
    %get3A_842 = arith.index_cast %get3A_841 : i32 to index
    %get3A_843 = arith.constant 0 : index
    %get3A_844 = vector.load %arg2[%get3A_842, %get3A_843] : memref<4096x768xf32, #tpu.memory_space<vmem>>, vector<1x768xf32>
    %get3A_845 = vector.shape_cast %get3A_844 : vector<1x768xf32> to vector<768xf32>
    %swap3A_846 = arith.constant 56 : index
    %swap3A_847 = arith.constant 0 : index
    %swap3A_848 = vector.load %arg3[%swap3A_846, %swap3A_847] : memref<128x768xf32, #tpu.memory_space<vmem>>, vector<1x768xf32>
    %swap3A_849 = vector.shape_cast %swap3A_848 : vector<1x768xf32> to vector<768xf32>
    %swap3A_850 = vector.shape_cast %get3A_845 : vector<768xf32> to vector<1x768xf32>
    tpu.vector_store %arg3[%swap3A_846, %swap3A_847], %swap3A_850 {strides = array<i32>} : memref<128x768xf32, #tpu.memory_space<vmem>>, vector<1x768xf32>,
    %mul3A_851 = arith.constant 128 : i32
    %mul3A_852 = arith.muli %arg0, %mul3A_851 : i32
    %add3A_853 = arith.constant 57 : i32
    %add3A_854 = arith.addi %mul3A_852, %add3A_853 : i32
    %get3A_855 = arith.index_cast %add3A_854 : i32 to index
    %get3A_856 = memref.load %arg1[%get3A_855] : memref<2048xi32, #tpu.memory_space<smem>>
    %get3A_857 = arith.index_cast %get3A_856 : i32 to index
    %get3A_858 = arith.constant 0 : index
    %get3A_859 = vector.load %arg2[%get3A_857, %get3A_858] : memref<4096x768xf32, #tpu.memory_space<vmem>>, vector<1x768xf32>
    %get3A_860 = vector.shape_cast %get3A_859 : vector<1x768xf32> to vector<768xf32>
    %swap3A_861 = arith.constant 57 : index
    %swap3A_862 = arith.constant 0 : index
    %swap3A_863 = vector.load %arg3[%swap3A_861, %swap3A_862] : memref<128x768xf32, #tpu.memory_space<vmem>>, vector<1x768xf32>
    %swap3A_864 = vector.shape_cast %swap3A_863 : vector<1x768xf32> to vector<768xf32>
    %swap3A_865 = vector.shape_cast %get3A_860 : vector<768xf32> to vector<1x768xf32>
    tpu.vector_store %arg3[%swap3A_861, %swap3A_862], %swap3A_865 {strides = array<i32>} : memref<128x768xf32, #tpu.memory_space<vmem>>, vector<1x768xf32>,
    %mul3A_866 = arith.constant 128 : i32
    %mul3A_867 = arith.muli %arg0, %mul3A_866 : i32
    %add3A_868 = arith.constant 58 : i32
    %add3A_869 = arith.addi %mul3A_867, %add3A_868 : i32
    %get3A_870 = arith.index_cast %add3A_869 : i32 to index
    %get3A_871 = memref.load %arg1[%get3A_870] : memref<2048xi32, #tpu.memory_space<smem>>
    %get3A_872 = arith.index_cast %get3A_871 : i32 to index
    %get3A_873 = arith.constant 0 : index
    %get3A_874 = vector.load %arg2[%get3A_872, %get3A_873] : memref<4096x768xf32, #tpu.memory_space<vmem>>, vector<1x768xf32>
    %get3A_875 = vector.shape_cast %get3A_874 : vector<1x768xf32> to vector<768xf32>
    %swap3A_876 = arith.constant 58 : index
    %swap3A_877 = arith.constant 0 : index
    %swap3A_878 = vector.load %arg3[%swap3A_876, %swap3A_877] : memref<128x768xf32, #tpu.memory_space<vmem>>, vector<1x768xf32>
    %swap3A_879 = vector.shape_cast %swap3A_878 : vector<1x768xf32> to vector<768xf32>
    %swap3A_880 = vector.shape_cast %get3A_875 : vector<768xf32> to vector<1x768xf32>
    tpu.vector_store %arg3[%swap3A_876, %swap3A_877], %swap3A_880 {strides = array<i32>} : memref<128x768xf32, #tpu.memory_space<vmem>>, vector<1x768xf32>,
    %mul3A_881 = arith.constant 128 : i32
    %mul3A_882 = arith.muli %arg0, %mul3A_881 : i32
    %add3A_883 = arith.constant 59 : i32
    %add3A_884 = arith.addi %mul3A_882, %add3A_883 : i32
    %get3A_885 = arith.index_cast %add3A_884 : i32 to index
    %get3A_886 = memref.load %arg1[%get3A_885] : memref<2048xi32, #tpu.memory_space<smem>>
    %get3A_887 = arith.index_cast %get3A_886 : i32 to index
    %get3A_888 = arith.constant 0 : index
    %get3A_889 = vector.load %arg2[%get3A_887, %get3A_888] : memref<4096x768xf32, #tpu.memory_space<vmem>>, vector<1x768xf32>
    %get3A_890 = vector.shape_cast %get3A_889 : vector<1x768xf32> to vector<768xf32>
    %swap3A_891 = arith.constant 59 : index
    %swap3A_892 = arith.constant 0 : index
    %swap3A_893 = vector.load %arg3[%swap3A_891, %swap3A_892] : memref<128x768xf32, #tpu.memory_space<vmem>>, vector<1x768xf32>
    %swap3A_894 = vector.shape_cast %swap3A_893 : vector<1x768xf32> to vector<768xf32>
    %swap3A_895 = vector.shape_cast %get3A_890 : vector<768xf32> to vector<1x768xf32>
    tpu.vector_store %arg3[%swap3A_891, %swap3A_892], %swap3A_895 {strides = array<i32>} : memref<128x768xf32, #tpu.memory_space<vmem>>, vector<1x768xf32>,
    %mul3A_896 = arith.constant 128 : i32
    %mul3A_897 = arith.muli %arg0, %mul3A_896 : i32
    %add3A_898 = arith.constant 60 : i32
    %add3A_899 = arith.addi %mul3A_897, %add3A_898 : i32
    %get3A_900 = arith.index_cast %add3A_899 : i32 to index
    %get3A_901 = memref.load %arg1[%get3A_900] : memref<2048xi32, #tpu.memory_space<smem>>
    %get3A_902 = arith.index_cast %get3A_901 : i32 to index
    %get3A_903 = arith.constant 0 : index
    %get3A_904 = vector.load %arg2[%get3A_902, %get3A_903] : memref<4096x768xf32, #tpu.memory_space<vmem>>, vector<1x768xf32>
    %get3A_905 = vector.shape_cast %get3A_904 : vector<1x768xf32> to vector<768xf32>
    %swap3A_906 = arith.constant 60 : index
    %swap3A_907 = arith.constant 0 : index
    %swap3A_908 = vector.load %arg3[%swap3A_906, %swap3A_907] : memref<128x768xf32, #tpu.memory_space<vmem>>, vector<1x768xf32>
    %swap3A_909 = vector.shape_cast %swap3A_908 : vector<1x768xf32> to vector<768xf32>
    %swap3A_910 = vector.shape_cast %get3A_905 : vector<768xf32> to vector<1x768xf32>
    tpu.vector_store %arg3[%swap3A_906, %swap3A_907], %swap3A_910 {strides = array<i32>} : memref<128x768xf32, #tpu.memory_space<vmem>>, vector<1x768xf32>,
    %mul3A_911 = arith.constant 128 : i32
    %mul3A_912 = arith.muli %arg0, %mul3A_911 : i32
    %add3A_913 = arith.constant 61 : i32
    %add3A_914 = arith.addi %mul3A_912, %add3A_913 : i32
    %get3A_915 = arith.index_cast %add3A_914 : i32 to index
    %get3A_916 = memref.load %arg1[%get3A_915] : memref<2048xi32, #tpu.memory_space<smem>>
    %get3A_917 = arith.index_cast %get3A_916 : i32 to index
    %get3A_918 = arith.constant 0 : index
    %get3A_919 = vector.load %arg2[%get3A_917, %get3A_918] : memref<4096x768xf32, #tpu.memory_space<vmem>>, vector<1x768xf32>
    %get3A_920 = vector.shape_cast %get3A_919 : vector<1x768xf32> to vector<768xf32>
    %swap3A_921 = arith.constant 61 : index
    %swap3A_922 = arith.constant 0 : index
    %swap3A_923 = vector.load %arg3[%swap3A_921, %swap3A_922] : memref<128x768xf32, #tpu.memory_space<vmem>>, vector<1x768xf32>
    %swap3A_924 = vector.shape_cast %swap3A_923 : vector<1x768xf32> to vector<768xf32>
    %swap3A_925 = vector.shape_cast %get3A_920 : vector<768xf32> to vector<1x768xf32>
    tpu.vector_store %arg3[%swap3A_921, %swap3A_922], %swap3A_925 {strides = array<i32>} : memref<128x768xf32, #tpu.memory_space<vmem>>, vector<1x768xf32>,
    %mul3A_926 = arith.constant 128 : i32
    %mul3A_927 = arith.muli %arg0, %mul3A_926 : i32
    %add3A_928 = arith.constant 62 : i32
    %add3A_929 = arith.addi %mul3A_927, %add3A_928 : i32
    %get3A_930 = arith.index_cast %add3A_929 : i32 to index
    %get3A_931 = memref.load %arg1[%get3A_930] : memref<2048xi32, #tpu.memory_space<smem>>
    %get3A_932 = arith.index_cast %get3A_931 : i32 to index
    %get3A_933 = arith.constant 0 : index
    %get3A_934 = vector.load %arg2[%get3A_932, %get3A_933] : memref<4096x768xf32, #tpu.memory_space<vmem>>, vector<1x768xf32>
    %get3A_935 = vector.shape_cast %get3A_934 : vector<1x768xf32> to vector<768xf32>
    %swap3A_936 = arith.constant 62 : index
    %swap3A_937 = arith.constant 0 : index
    %swap3A_938 = vector.load %arg3[%swap3A_936, %swap3A_937] : memref<128x768xf32, #tpu.memory_space<vmem>>, vector<1x768xf32>
    %swap3A_939 = vector.shape_cast %swap3A_938 : vector<1x768xf32> to vector<768xf32>
    %swap3A_940 = vector.shape_cast %get3A_935 : vector<768xf32> to vector<1x768xf32>
    tpu.vector_store %arg3[%swap3A_936, %swap3A_937], %swap3A_940 {strides = array<i32>} : memref<128x768xf32, #tpu.memory_space<vmem>>, vector<1x768xf32>,
    %mul3A_941 = arith.constant 128 : i32
    %mul3A_942 = arith.muli %arg0, %mul3A_941 : i32
    %add3A_943 = arith.constant 63 : i32
    %add3A_944 = arith.addi %mul3A_942, %add3A_943 : i32
    %get3A_945 = arith.index_cast %add3A_944 : i32 to index
    %get3A_946 = memref.load %arg1[%get3A_945] : memref<2048xi32, #tpu.memory_space<smem>>
    %get3A_947 = arith.index_cast %get3A_946 : i32 to index
    %get3A_948 = arith.constant 0 : index
    %get3A_949 = vector.load %arg2[%get3A_947, %get3A_948] : memref<4096x768xf32, #tpu.memory_space<vmem>>, vector<1x768xf32>
    %get3A_950 = vector.shape_cast %get3A_949 : vector<1x768xf32> to vector<768xf32>
    %swap3A_951 = arith.constant 63 : index
    %swap3A_952 = arith.constant 0 : index
    %swap3A_953 = vector.load %arg3[%swap3A_951, %swap3A_952] : memref<128x768xf32, #tpu.memory_space<vmem>>, vector<1x768xf32>
    %swap3A_954 = vector.shape_cast %swap3A_953 : vector<1x768xf32> to vector<768xf32>
    %swap3A_955 = vector.shape_cast %get3A_950 : vector<768xf32> to vector<1x768xf32>
    tpu.vector_store %arg3[%swap3A_951, %swap3A_952], %swap3A_955 {strides = array<i32>} : memref<128x768xf32, #tpu.memory_space<vmem>>, vector<1x768xf32>,
    %mul3A_956 = arith.constant 128 : i32
    %mul3A_957 = arith.muli %arg0, %mul3A_956 : i32
    %add3A_958 = arith.constant 64 : i32
    %add3A_959 = arith.addi %mul3A_957, %add3A_958 : i32
    %get3A_960 = arith.index_cast %add3A_959 : i32 to index
    %get3A_961 = memref.load %arg1[%get3A_960] : memref<2048xi32, #tpu.memory_space<smem>>
    %get3A_962 = arith.index_cast %get3A_961 : i32 to index
    %get3A_963 = arith.constant 0 : index
    %get3A_964 = vector.load %arg2[%get3A_962, %get3A_963] : memref<4096x768xf32, #tpu.memory_space<vmem>>, vector<1x768xf32>
    %get3A_965 = vector.shape_cast %get3A_964 : vector<1x768xf32> to vector<768xf32>
    %swap3A_966 = arith.constant 64 : index
    %swap3A_967 = arith.constant 0 : index
    %swap3A_968 = vector.load %arg3[%swap3A_966, %swap3A_967] : memref<128x768xf32, #tpu.memory_space<vmem>>, vector<1x768xf32>
    %swap3A_969 = vector.shape_cast %swap3A_968 : vector<1x768xf32> to vector<768xf32>
    %swap3A_970 = vector.shape_cast %get3A_965 : vector<768xf32> to vector<1x768xf32>
    tpu.vector_store %arg3[%swap3A_966, %swap3A_967], %swap3A_970 {strides = array<i32>} : memref<128x768xf32, #tpu.memory_space<vmem>>, vector<1x768xf32>,
    %mul3A_971 = arith.constant 128 : i32
    %mul3A_972 = arith.muli %arg0, %mul3A_971 : i32
    %add3A_973 = arith.constant 65 : i32
    %add3A_974 = arith.addi %mul3A_972, %add3A_973 : i32
    %get3A_975 = arith.index_cast %add3A_974 : i32 to index
    %get3A_976 = memref.load %arg1[%get3A_975] : memref<2048xi32, #tpu.memory_space<smem>>
    %get3A_977 = arith.index_cast %get3A_976 : i32 to index
    %get3A_978 = arith.constant 0 : index
    %get3A_979 = vector.load %arg2[%get3A_977, %get3A_978] : memref<4096x768xf32, #tpu.memory_space<vmem>>, vector<1x768xf32>
    %get3A_980 = vector.shape_cast %get3A_979 : vector<1x768xf32> to vector<768xf32>
    %swap3A_981 = arith.constant 65 : index
    %swap3A_982 = arith.constant 0 : index
    %swap3A_983 = vector.load %arg3[%swap3A_981, %swap3A_982] : memref<128x768xf32, #tpu.memory_space<vmem>>, vector<1x768xf32>
    %swap3A_984 = vector.shape_cast %swap3A_983 : vector<1x768xf32> to vector<768xf32>
    %swap3A_985 = vector.shape_cast %get3A_980 : vector<768xf32> to vector<1x768xf32>
    tpu.vector_store %arg3[%swap3A_981, %swap3A_982], %swap3A_985 {strides = array<i32>} : memref<128x768xf32, #tpu.memory_space<vmem>>, vector<1x768xf32>,
    %mul3A_986 = arith.constant 128 : i32
    %mul3A_987 = arith.muli %arg0, %mul3A_986 : i32
    %add3A_988 = arith.constant 66 : i32
    %add3A_989 = arith.addi %mul3A_987, %add3A_988 : i32
    %get3A_990 = arith.index_cast %add3A_989 : i32 to index
    %get3A_991 = memref.load %arg1[%get3A_990] : memref<2048xi32, #tpu.memory_space<smem>>
    %get3A_992 = arith.index_cast %get3A_991 : i32 to index
    %get3A_993 = arith.constant 0 : index
    %get3A_994 = vector.load %arg2[%get3A_992, %get3A_993] : memref<4096x768xf32, #tpu.memory_space<vmem>>, vector<1x768xf32>
    %get3A_995 = vector.shape_cast %get3A_994 : vector<1x768xf32> to vector<768xf32>
    %swap3A_996 = arith.constant 66 : index
    %swap3A_997 = arith.constant 0 : index
    %swap3A_998 = vector.load %arg3[%swap3A_996, %swap3A_997] : memref<128x768xf32, #tpu.memory_space<vmem>>, vector<1x768xf32>
    %swap3A_999 = vector.shape_cast %swap3A_998 : vector<1x768xf32> to vector<768xf32>
    %swap3A_1000 = vector.shape_cast %get3A_995 : vector<768xf32> to vector<1x768xf32>
    tpu.vector_store %arg3[%swap3A_996, %swap3A_997], %swap3A_1000 {strides = array<i32>} : memref<128x768xf32, #tpu.memory_space<vmem>>, vector<1x768xf32>,
    %mul3A_1001 = arith.constant 128 : i32
    %mul3A_1002 = arith.muli %arg0, %mul3A_1001 : i32
    %add3A_1003 = arith.constant 67 : i32
    %add3A_1004 = arith.addi %mul3A_1002, %add3A_1003 : i32
    %get3A_1005 = arith.index_cast %add3A_1004 : i32 to index
    %get3A_1006 = memref.load %arg1[%get3A_1005] : memref<2048xi32, #tpu.memory_space<smem>>
    %get3A_1007 = arith.index_cast %get3A_1006 : i32 to index
    %get3A_1008 = arith.constant 0 : index
    %get3A_1009 = vector.load %arg2[%get3A_1007, %get3A_1008] : memref<4096x768xf32, #tpu.memory_space<vmem>>, vector<1x768xf32>
    %get3A_1010 = vector.shape_cast %get3A_1009 : vector<1x768xf32> to vector<768xf32>
    %swap3A_1011 = arith.constant 67 : index
    %swap3A_1012 = arith.constant 0 : index
    %swap3A_1013 = vector.load %arg3[%swap3A_1011, %swap3A_1012] : memref<128x768xf32, #tpu.memory_space<vmem>>, vector<1x768xf32>
    %swap3A_1014 = vector.shape_cast %swap3A_1013 : vector<1x768xf32> to vector<768xf32>
    %swap3A_1015 = vector.shape_cast %get3A_1010 : vector<768xf32> to vector<1x768xf32>
    tpu.vector_store %arg3[%swap3A_1011, %swap3A_1012], %swap3A_1015 {strides = array<i32>} : memref<128x768xf32, #tpu.memory_space<vmem>>, vector<1x768xf32>,
    %mul3A_1016 = arith.constant 128 : i32
    %mul3A_1017 = arith.muli %arg0, %mul3A_1016 : i32
    %add3A_1018 = arith.constant 68 : i32
    %add3A_1019 = arith.addi %mul3A_1017, %add3A_1018 : i32
    %get3A_1020 = arith.index_cast %add3A_1019 : i32 to index
    %get3A_1021 = memref.load %arg1[%get3A_1020] : memref<2048xi32, #tpu.memory_space<smem>>
    %get3A_1022 = arith.index_cast %get3A_1021 : i32 to index
    %get3A_1023 = arith.constant 0 : index
    %get3A_1024 = vector.load %arg2[%get3A_1022, %get3A_1023] : memref<4096x768xf32, #tpu.memory_space<vmem>>, vector<1x768xf32>
    %get3A_1025 = vector.shape_cast %get3A_1024 : vector<1x768xf32> to vector<768xf32>
    %swap3A_1026 = arith.constant 68 : index
    %swap3A_1027 = arith.constant 0 : index
    %swap3A_1028 = vector.load %arg3[%swap3A_1026, %swap3A_1027] : memref<128x768xf32, #tpu.memory_space<vmem>>, vector<1x768xf32>
    %swap3A_1029 = vector.shape_cast %swap3A_1028 : vector<1x768xf32> to vector<768xf32>
    %swap3A_1030 = vector.shape_cast %get3A_1025 : vector<768xf32> to vector<1x768xf32>
    tpu.vector_store %arg3[%swap3A_1026, %swap3A_1027], %swap3A_1030 {strides = array<i32>} : memref<128x768xf32, #tpu.memory_space<vmem>>, vector<1x768xf32>,
    %mul3A_1031 = arith.constant 128 : i32
    %mul3A_1032 = arith.muli %arg0, %mul3A_1031 : i32
    %add3A_1033 = arith.constant 69 : i32
    %add3A_1034 = arith.addi %mul3A_1032, %add3A_1033 : i32
    %get3A_1035 = arith.index_cast %add3A_1034 : i32 to index
    %get3A_1036 = memref.load %arg1[%get3A_1035] : memref<2048xi32, #tpu.memory_space<smem>>
    %get3A_1037 = arith.index_cast %get3A_1036 : i32 to index
    %get3A_1038 = arith.constant 0 : index
    %get3A_1039 = vector.load %arg2[%get3A_1037, %get3A_1038] : memref<4096x768xf32, #tpu.memory_space<vmem>>, vector<1x768xf32>
    %get3A_1040 = vector.shape_cast %get3A_1039 : vector<1x768xf32> to vector<768xf32>
    %swap3A_1041 = arith.constant 69 : index
    %swap3A_1042 = arith.constant 0 : index
    %swap3A_1043 = vector.load %arg3[%swap3A_1041, %swap3A_1042] : memref<128x768xf32, #tpu.memory_space<vmem>>, vector<1x768xf32>
    %swap3A_1044 = vector.shape_cast %swap3A_1043 : vector<1x768xf32> to vector<768xf32>
    %swap3A_1045 = vector.shape_cast %get3A_1040 : vector<768xf32> to vector<1x768xf32>
    tpu.vector_store %arg3[%swap3A_1041, %swap3A_1042], %swap3A_1045 {strides = array<i32>} : memref<128x768xf32, #tpu.memory_space<vmem>>, vector<1x768xf32>,
    %mul3A_1046 = arith.constant 128 : i32
    %mul3A_1047 = arith.muli %arg0, %mul3A_1046 : i32
    %add3A_1048 = arith.constant 70 : i32
    %add3A_1049 = arith.addi %mul3A_1047, %add3A_1048 : i32
    %get3A_1050 = arith.index_cast %add3A_1049 : i32 to index
    %get3A_1051 = memref.load %arg1[%get3A_1050] : memref<2048xi32, #tpu.memory_space<smem>>
    %get3A_1052 = arith.index_cast %get3A_1051 : i32 to index
    %get3A_1053 = arith.constant 0 : index
    %get3A_1054 = vector.load %arg2[%get3A_1052, %get3A_1053] : memref<4096x768xf32, #tpu.memory_space<vmem>>, vector<1x768xf32>
    %get3A_1055 = vector.shape_cast %get3A_1054 : vector<1x768xf32> to vector<768xf32>
    %swap3A_1056 = arith.constant 70 : index
    %swap3A_1057 = arith.constant 0 : index
    %swap3A_1058 = vector.load %arg3[%swap3A_1056, %swap3A_1057] : memref<128x768xf32, #tpu.memory_space<vmem>>, vector<1x768xf32>
    %swap3A_1059 = vector.shape_cast %swap3A_1058 : vector<1x768xf32> to vector<768xf32>
    %swap3A_1060 = vector.shape_cast %get3A_1055 : vector<768xf32> to vector<1x768xf32>
    tpu.vector_store %arg3[%swap3A_1056, %swap3A_1057], %swap3A_1060 {strides = array<i32>} : memref<128x768xf32, #tpu.memory_space<vmem>>, vector<1x768xf32>,
    %mul3A_1061 = arith.constant 128 : i32
    %mul3A_1062 = arith.muli %arg0, %mul3A_1061 : i32
    %add3A_1063 = arith.constant 71 : i32
    %add3A_1064 = arith.addi %mul3A_1062, %add3A_1063 : i32
    %get3A_1065 = arith.index_cast %add3A_1064 : i32 to index
    %get3A_1066 = memref.load %arg1[%get3A_1065] : memref<2048xi32, #tpu.memory_space<smem>>
    %get3A_1067 = arith.index_cast %get3A_1066 : i32 to index
    %get3A_1068 = arith.constant 0 : index
    %get3A_1069 = vector.load %arg2[%get3A_1067, %get3A_1068] : memref<4096x768xf32, #tpu.memory_space<vmem>>, vector<1x768xf32>
    %get3A_1070 = vector.shape_cast %get3A_1069 : vector<1x768xf32> to vector<768xf32>
    %swap3A_1071 = arith.constant 71 : index
    %swap3A_1072 = arith.constant 0 : index
    %swap3A_1073 = vector.load %arg3[%swap3A_1071, %swap3A_1072] : memref<128x768xf32, #tpu.memory_space<vmem>>, vector<1x768xf32>
    %swap3A_1074 = vector.shape_cast %swap3A_1073 : vector<1x768xf32> to vector<768xf32>
    %swap3A_1075 = vector.shape_cast %get3A_1070 : vector<768xf32> to vector<1x768xf32>
    tpu.vector_store %arg3[%swap3A_1071, %swap3A_1072], %swap3A_1075 {strides = array<i32>} : memref<128x768xf32, #tpu.memory_space<vmem>>, vector<1x768xf32>,
    %mul3A_1076 = arith.constant 128 : i32
    %mul3A_1077 = arith.muli %arg0, %mul3A_1076 : i32
    %add3A_1078 = arith.constant 72 : i32
    %add3A_1079 = arith.addi %mul3A_1077, %add3A_1078 : i32
    %get3A_1080 = arith.index_cast %add3A_1079 : i32 to index
    %get3A_1081 = memref.load %arg1[%get3A_1080] : memref<2048xi32, #tpu.memory_space<smem>>
    %get3A_1082 = arith.index_cast %get3A_1081 : i32 to index
    %get3A_1083 = arith.constant 0 : index
    %get3A_1084 = vector.load %arg2[%get3A_1082, %get3A_1083] : memref<4096x768xf32, #tpu.memory_space<vmem>>, vector<1x768xf32>
    %get3A_1085 = vector.shape_cast %get3A_1084 : vector<1x768xf32> to vector<768xf32>
    %swap3A_1086 = arith.constant 72 : index
    %swap3A_1087 = arith.constant 0 : index
    %swap3A_1088 = vector.load %arg3[%swap3A_1086, %swap3A_1087] : memref<128x768xf32, #tpu.memory_space<vmem>>, vector<1x768xf32>
    %swap3A_1089 = vector.shape_cast %swap3A_1088 : vector<1x768xf32> to vector<768xf32>
    %swap3A_1090 = vector.shape_cast %get3A_1085 : vector<768xf32> to vector<1x768xf32>
    tpu.vector_store %arg3[%swap3A_1086, %swap3A_1087], %swap3A_1090 {strides = array<i32>} : memref<128x768xf32, #tpu.memory_space<vmem>>, vector<1x768xf32>,
    %mul3A_1091 = arith.constant 128 : i32
    %mul3A_1092 = arith.muli %arg0, %mul3A_1091 : i32
    %add3A_1093 = arith.constant 73 : i32
    %add3A_1094 = arith.addi %mul3A_1092, %add3A_1093 : i32
    %get3A_1095 = arith.index_cast %add3A_1094 : i32 to index
    %get3A_1096 = memref.load %arg1[%get3A_1095] : memref<2048xi32, #tpu.memory_space<smem>>
    %get3A_1097 = arith.index_cast %get3A_1096 : i32 to index
    %get3A_1098 = arith.constant 0 : index
    %get3A_1099 = vector.load %arg2[%get3A_1097, %get3A_1098] : memref<4096x768xf32, #tpu.memory_space<vmem>>, vector<1x768xf32>
    %get3A_1100 = vector.shape_cast %get3A_1099 : vector<1x768xf32> to vector<768xf32>
    %swap3A_1101 = arith.constant 73 : index
    %swap3A_1102 = arith.constant 0 : index
    %swap3A_1103 = vector.load %arg3[%swap3A_1101, %swap3A_1102] : memref<128x768xf32, #tpu.memory_space<vmem>>, vector<1x768xf32>
    %swap3A_1104 = vector.shape_cast %swap3A_1103 : vector<1x768xf32> to vector<768xf32>
    %swap3A_1105 = vector.shape_cast %get3A_1100 : vector<768xf32> to vector<1x768xf32>
    tpu.vector_store %arg3[%swap3A_1101, %swap3A_1102], %swap3A_1105 {strides = array<i32>} : memref<128x768xf32, #tpu.memory_space<vmem>>, vector<1x768xf32>,
    %mul3A_1106 = arith.constant 128 : i32
    %mul3A_1107 = arith.muli %arg0, %mul3A_1106 : i32
    %add3A_1108 = arith.constant 74 : i32
    %add3A_1109 = arith.addi %mul3A_1107, %add3A_1108 : i32
    %get3A_1110 = arith.index_cast %add3A_1109 : i32 to index
    %get3A_1111 = memref.load %arg1[%get3A_1110] : memref<2048xi32, #tpu.memory_space<smem>>
    %get3A_1112 = arith.index_cast %get3A_1111 : i32 to index
    %get3A_1113 = arith.constant 0 : index
    %get3A_1114 = vector.load %arg2[%get3A_1112, %get3A_1113] : memref<4096x768xf32, #tpu.memory_space<vmem>>, vector<1x768xf32>
    %get3A_1115 = vector.shape_cast %get3A_1114 : vector<1x768xf32> to vector<768xf32>
    %swap3A_1116 = arith.constant 74 : index
    %swap3A_1117 = arith.constant 0 : index
    %swap3A_1118 = vector.load %arg3[%swap3A_1116, %swap3A_1117] : memref<128x768xf32, #tpu.memory_space<vmem>>, vector<1x768xf32>
    %swap3A_1119 = vector.shape_cast %swap3A_1118 : vector<1x768xf32> to vector<768xf32>
    %swap3A_1120 = vector.shape_cast %get3A_1115 : vector<768xf32> to vector<1x768xf32>
    tpu.vector_store %arg3[%swap3A_1116, %swap3A_1117], %swap3A_1120 {strides = array<i32>} : memref<128x768xf32, #tpu.memory_space<vmem>>, vector<1x768xf32>,
    %mul3A_1121 = arith.constant 128 : i32
    %mul3A_1122 = arith.muli %arg0, %mul3A_1121 : i32
    %add3A_1123 = arith.constant 75 : i32
    %add3A_1124 = arith.addi %mul3A_1122, %add3A_1123 : i32
    %get3A_1125 = arith.index_cast %add3A_1124 : i32 to index
    %get3A_1126 = memref.load %arg1[%get3A_1125] : memref<2048xi32, #tpu.memory_space<smem>>
    %get3A_1127 = arith.index_cast %get3A_1126 : i32 to index
    %get3A_1128 = arith.constant 0 : index
    %get3A_1129 = vector.load %arg2[%get3A_1127, %get3A_1128] : memref<4096x768xf32, #tpu.memory_space<vmem>>, vector<1x768xf32>
    %get3A_1130 = vector.shape_cast %get3A_1129 : vector<1x768xf32> to vector<768xf32>
    %swap3A_1131 = arith.constant 75 : index
    %swap3A_1132 = arith.constant 0 : index
    %swap3A_1133 = vector.load %arg3[%swap3A_1131, %swap3A_1132] : memref<128x768xf32, #tpu.memory_space<vmem>>, vector<1x768xf32>
    %swap3A_1134 = vector.shape_cast %swap3A_1133 : vector<1x768xf32> to vector<768xf32>
    %swap3A_1135 = vector.shape_cast %get3A_1130 : vector<768xf32> to vector<1x768xf32>
    tpu.vector_store %arg3[%swap3A_1131, %swap3A_1132], %swap3A_1135 {strides = array<i32>} : memref<128x768xf32, #tpu.memory_space<vmem>>, vector<1x768xf32>,
    %mul3A_1136 = arith.constant 128 : i32
    %mul3A_1137 = arith.muli %arg0, %mul3A_1136 : i32
    %add3A_1138 = arith.constant 76 : i32
    %add3A_1139 = arith.addi %mul3A_1137, %add3A_1138 : i32
    %get3A_1140 = arith.index_cast %add3A_1139 : i32 to index
    %get3A_1141 = memref.load %arg1[%get3A_1140] : memref<2048xi32, #tpu.memory_space<smem>>
    %get3A_1142 = arith.index_cast %get3A_1141 : i32 to index
    %get3A_1143 = arith.constant 0 : index
    %get3A_1144 = vector.load %arg2[%get3A_1142, %get3A_1143] : memref<4096x768xf32, #tpu.memory_space<vmem>>, vector<1x768xf32>
    %get3A_1145 = vector.shape_cast %get3A_1144 : vector<1x768xf32> to vector<768xf32>
    %swap3A_1146 = arith.constant 76 : index
    %swap3A_1147 = arith.constant 0 : index
    %swap3A_1148 = vector.load %arg3[%swap3A_1146, %swap3A_1147] : memref<128x768xf32, #tpu.memory_space<vmem>>, vector<1x768xf32>
    %swap3A_1149 = vector.shape_cast %swap3A_1148 : vector<1x768xf32> to vector<768xf32>
    %swap3A_1150 = vector.shape_cast %get3A_1145 : vector<768xf32> to vector<1x768xf32>
    tpu.vector_store %arg3[%swap3A_1146, %swap3A_1147], %swap3A_1150 {strides = array<i32>} : memref<128x768xf32, #tpu.memory_space<vmem>>, vector<1x768xf32>,
    %mul3A_1151 = arith.constant 128 : i32
    %mul3A_1152 = arith.muli %arg0, %mul3A_1151 : i32
    %add3A_1153 = arith.constant 77 : i32
    %add3A_1154 = arith.addi %mul3A_1152, %add3A_1153 : i32
    %get3A_1155 = arith.index_cast %add3A_1154 : i32 to index
    %get3A_1156 = memref.load %arg1[%get3A_1155] : memref<2048xi32, #tpu.memory_space<smem>>
    %get3A_1157 = arith.index_cast %get3A_1156 : i32 to index
    %get3A_1158 = arith.constant 0 : index
    %get3A_1159 = vector.load %arg2[%get3A_1157, %get3A_1158] : memref<4096x768xf32, #tpu.memory_space<vmem>>, vector<1x768xf32>
    %get3A_1160 = vector.shape_cast %get3A_1159 : vector<1x768xf32> to vector<768xf32>
    %swap3A_1161 = arith.constant 77 : index
    %swap3A_1162 = arith.constant 0 : index
    %swap3A_1163 = vector.load %arg3[%swap3A_1161, %swap3A_1162] : memref<128x768xf32, #tpu.memory_space<vmem>>, vector<1x768xf32>
    %swap3A_1164 = vector.shape_cast %swap3A_1163 : vector<1x768xf32> to vector<768xf32>
    %swap3A_1165 = vector.shape_cast %get3A_1160 : vector<768xf32> to vector<1x768xf32>
    tpu.vector_store %arg3[%swap3A_1161, %swap3A_1162], %swap3A_1165 {strides = array<i32>} : memref<128x768xf32, #tpu.memory_space<vmem>>, vector<1x768xf32>,
    %mul3A_1166 = arith.constant 128 : i32
    %mul3A_1167 = arith.muli %arg0, %mul3A_1166 : i32
    %add3A_1168 = arith.constant 78 : i32
    %add3A_1169 = arith.addi %mul3A_1167, %add3A_1168 : i32
    %get3A_1170 = arith.index_cast %add3A_1169 : i32 to index
    %get3A_1171 = memref.load %arg1[%get3A_1170] : memref<2048xi32, #tpu.memory_space<smem>>
    %get3A_1172 = arith.index_cast %get3A_1171 : i32 to index
    %get3A_1173 = arith.constant 0 : index
    %get3A_1174 = vector.load %arg2[%get3A_1172, %get3A_1173] : memref<4096x768xf32, #tpu.memory_space<vmem>>, vector<1x768xf32>
    %get3A_1175 = vector.shape_cast %get3A_1174 : vector<1x768xf32> to vector<768xf32>
    %swap3A_1176 = arith.constant 78 : index
    %swap3A_1177 = arith.constant 0 : index
    %swap3A_1178 = vector.load %arg3[%swap3A_1176, %swap3A_1177] : memref<128x768xf32, #tpu.memory_space<vmem>>, vector<1x768xf32>
    %swap3A_1179 = vector.shape_cast %swap3A_1178 : vector<1x768xf32> to vector<768xf32>
    %swap3A_1180 = vector.shape_cast %get3A_1175 : vector<768xf32> to vector<1x768xf32>
    tpu.vector_store %arg3[%swap3A_1176, %swap3A_1177], %swap3A_1180 {strides = array<i32>} : memref<128x768xf32, #tpu.memory_space<vmem>>, vector<1x768xf32>,
    %mul3A_1181 = arith.constant 128 : i32
    %mul3A_1182 = arith.muli %arg0, %mul3A_1181 : i32
    %add3A_1183 = arith.constant 79 : i32
    %add3A_1184 = arith.addi %mul3A_1182, %add3A_1183 : i32
    %get3A_1185 = arith.index_cast %add3A_1184 : i32 to index
    %get3A_1186 = memref.load %arg1[%get3A_1185] : memref<2048xi32, #tpu.memory_space<smem>>
    %get3A_1187 = arith.index_cast %get3A_1186 : i32 to index
    %get3A_1188 = arith.constant 0 : index
    %get3A_1189 = vector.load %arg2[%get3A_1187, %get3A_1188] : memref<4096x768xf32, #tpu.memory_space<vmem>>, vector<1x768xf32>
    %get3A_1190 = vector.shape_cast %get3A_1189 : vector<1x768xf32> to vector<768xf32>
    %swap3A_1191 = arith.constant 79 : index
    %swap3A_1192 = arith.constant 0 : index
    %swap3A_1193 = vector.load %arg3[%swap3A_1191, %swap3A_1192] : memref<128x768xf32, #tpu.memory_space<vmem>>, vector<1x768xf32>
    %swap3A_1194 = vector.shape_cast %swap3A_1193 : vector<1x768xf32> to vector<768xf32>
    %swap3A_1195 = vector.shape_cast %get3A_1190 : vector<768xf32> to vector<1x768xf32>
    tpu.vector_store %arg3[%swap3A_1191, %swap3A_1192], %swap3A_1195 {strides = array<i32>} : memref<128x768xf32, #tpu.memory_space<vmem>>, vector<1x768xf32>,
    %mul3A_1196 = arith.constant 128 : i32
    %mul3A_1197 = arith.muli %arg0, %mul3A_1196 : i32
    %add3A_1198 = arith.constant 80 : i32
    %add3A_1199 = arith.addi %mul3A_1197, %add3A_1198 : i32
    %get3A_1200 = arith.index_cast %add3A_1199 : i32 to index
    %get3A_1201 = memref.load %arg1[%get3A_1200] : memref<2048xi32, #tpu.memory_space<smem>>
    %get3A_1202 = arith.index_cast %get3A_1201 : i32 to index
    %get3A_1203 = arith.constant 0 : index
    %get3A_1204 = vector.load %arg2[%get3A_1202, %get3A_1203] : memref<4096x768xf32, #tpu.memory_space<vmem>>, vector<1x768xf32>
    %get3A_1205 = vector.shape_cast %get3A_1204 : vector<1x768xf32> to vector<768xf32>
    %swap3A_1206 = arith.constant 80 : index
    %swap3A_1207 = arith.constant 0 : index
    %swap3A_1208 = vector.load %arg3[%swap3A_1206, %swap3A_1207] : memref<128x768xf32, #tpu.memory_space<vmem>>, vector<1x768xf32>
    %swap3A_1209 = vector.shape_cast %swap3A_1208 : vector<1x768xf32> to vector<768xf32>
    %swap3A_1210 = vector.shape_cast %get3A_1205 : vector<768xf32> to vector<1x768xf32>
    tpu.vector_store %arg3[%swap3A_1206, %swap3A_1207], %swap3A_1210 {strides = array<i32>} : memref<128x768xf32, #tpu.memory_space<vmem>>, vector<1x768xf32>,
    %mul3A_1211 = arith.constant 128 : i32
    %mul3A_1212 = arith.muli %arg0, %mul3A_1211 : i32
    %add3A_1213 = arith.constant 81 : i32
    %add3A_1214 = arith.addi %mul3A_1212, %add3A_1213 : i32
    %get3A_1215 = arith.index_cast %add3A_1214 : i32 to index
    %get3A_1216 = memref.load %arg1[%get3A_1215] : memref<2048xi32, #tpu.memory_space<smem>>
    %get3A_1217 = arith.index_cast %get3A_1216 : i32 to index
    %get3A_1218 = arith.constant 0 : index
    %get3A_1219 = vector.load %arg2[%get3A_1217, %get3A_1218] : memref<4096x768xf32, #tpu.memory_space<vmem>>, vector<1x768xf32>
    %get3A_1220 = vector.shape_cast %get3A_1219 : vector<1x768xf32> to vector<768xf32>
    %swap3A_1221 = arith.constant 81 : index
    %swap3A_1222 = arith.constant 0 : index
    %swap3A_1223 = vector.load %arg3[%swap3A_1221, %swap3A_1222] : memref<128x768xf32, #tpu.memory_space<vmem>>, vector<1x768xf32>
    %swap3A_1224 = vector.shape_cast %swap3A_1223 : vector<1x768xf32> to vector<768xf32>
    %swap3A_1225 = vector.shape_cast %get3A_1220 : vector<768xf32> to vector<1x768xf32>
    tpu.vector_store %arg3[%swap3A_1221, %swap3A_1222], %swap3A_1225 {strides = array<i32>} : memref<128x768xf32, #tpu.memory_space<vmem>>, vector<1x768xf32>,
    %mul3A_1226 = arith.constant 128 : i32
    %mul3A_1227 = arith.muli %arg0, %mul3A_1226 : i32
    %add3A_1228 = arith.constant 82 : i32
    %add3A_1229 = arith.addi %mul3A_1227, %add3A_1228 : i32
    %get3A_1230 = arith.index_cast %add3A_1229 : i32 to index
    %get3A_1231 = memref.load %arg1[%get3A_1230] : memref<2048xi32, #tpu.memory_space<smem>>
    %get3A_1232 = arith.index_cast %get3A_1231 : i32 to index
    %get3A_1233 = arith.constant 0 : index
    %get3A_1234 = vector.load %arg2[%get3A_1232, %get3A_1233] : memref<4096x768xf32, #tpu.memory_space<vmem>>, vector<1x768xf32>
    %get3A_1235 = vector.shape_cast %get3A_1234 : vector<1x768xf32> to vector<768xf32>
    %swap3A_1236 = arith.constant 82 : index
    %swap3A_1237 = arith.constant 0 : index
    %swap3A_1238 = vector.load %arg3[%swap3A_1236, %swap3A_1237] : memref<128x768xf32, #tpu.memory_space<vmem>>, vector<1x768xf32>
    %swap3A_1239 = vector.shape_cast %swap3A_1238 : vector<1x768xf32> to vector<768xf32>
    %swap3A_1240 = vector.shape_cast %get3A_1235 : vector<768xf32> to vector<1x768xf32>
    tpu.vector_store %arg3[%swap3A_1236, %swap3A_1237], %swap3A_1240 {strides = array<i32>} : memref<128x768xf32, #tpu.memory_space<vmem>>, vector<1x768xf32>,
    %mul3A_1241 = arith.constant 128 : i32
    %mul3A_1242 = arith.muli %arg0, %mul3A_1241 : i32
    %add3A_1243 = arith.constant 83 : i32
    %add3A_1244 = arith.addi %mul3A_1242, %add3A_1243 : i32
    %get3A_1245 = arith.index_cast %add3A_1244 : i32 to index
    %get3A_1246 = memref.load %arg1[%get3A_1245] : memref<2048xi32, #tpu.memory_space<smem>>
    %get3A_1247 = arith.index_cast %get3A_1246 : i32 to index
    %get3A_1248 = arith.constant 0 : index
    %get3A_1249 = vector.load %arg2[%get3A_1247, %get3A_1248] : memref<4096x768xf32, #tpu.memory_space<vmem>>, vector<1x768xf32>
    %get3A_1250 = vector.shape_cast %get3A_1249 : vector<1x768xf32> to vector<768xf32>
    %swap3A_1251 = arith.constant 83 : index
    %swap3A_1252 = arith.constant 0 : index
    %swap3A_1253 = vector.load %arg3[%swap3A_1251, %swap3A_1252] : memref<128x768xf32, #tpu.memory_space<vmem>>, vector<1x768xf32>
    %swap3A_1254 = vector.shape_cast %swap3A_1253 : vector<1x768xf32> to vector<768xf32>
    %swap3A_1255 = vector.shape_cast %get3A_1250 : vector<768xf32> to vector<1x768xf32>
    tpu.vector_store %arg3[%swap3A_1251, %swap3A_1252], %swap3A_1255 {strides = array<i32>} : memref<128x768xf32, #tpu.memory_space<vmem>>, vector<1x768xf32>,
    %mul3A_1256 = arith.constant 128 : i32
    %mul3A_1257 = arith.muli %arg0, %mul3A_1256 : i32
    %add3A_1258 = arith.constant 84 : i32
    %add3A_1259 = arith.addi %mul3A_1257, %add3A_1258 : i32
    %get3A_1260 = arith.index_cast %add3A_1259 : i32 to index
    %get3A_1261 = memref.load %arg1[%get3A_1260] : memref<2048xi32, #tpu.memory_space<smem>>
    %get3A_1262 = arith.index_cast %get3A_1261 : i32 to index
    %get3A_1263 = arith.constant 0 : index
    %get3A_1264 = vector.load %arg2[%get3A_1262, %get3A_1263] : memref<4096x768xf32, #tpu.memory_space<vmem>>, vector<1x768xf32>
    %get3A_1265 = vector.shape_cast %get3A_1264 : vector<1x768xf32> to vector<768xf32>
    %swap3A_1266 = arith.constant 84 : index
    %swap3A_1267 = arith.constant 0 : index
    %swap3A_1268 = vector.load %arg3[%swap3A_1266, %swap3A_1267] : memref<128x768xf32, #tpu.memory_space<vmem>>, vector<1x768xf32>
    %swap3A_1269 = vector.shape_cast %swap3A_1268 : vector<1x768xf32> to vector<768xf32>
    %swap3A_1270 = vector.shape_cast %get3A_1265 : vector<768xf32> to vector<1x768xf32>
    tpu.vector_store %arg3[%swap3A_1266, %swap3A_1267], %swap3A_1270 {strides = array<i32>} : memref<128x768xf32, #tpu.memory_space<vmem>>, vector<1x768xf32>,
    %mul3A_1271 = arith.constant 128 : i32
    %mul3A_1272 = arith.muli %arg0, %mul3A_1271 : i32
    %add3A_1273 = arith.constant 85 : i32
    %add3A_1274 = arith.addi %mul3A_1272, %add3A_1273 : i32
    %get3A_1275 = arith.index_cast %add3A_1274 : i32 to index
    %get3A_1276 = memref.load %arg1[%get3A_1275] : memref<2048xi32, #tpu.memory_space<smem>>
    %get3A_1277 = arith.index_cast %get3A_1276 : i32 to index
    %get3A_1278 = arith.constant 0 : index
    %get3A_1279 = vector.load %arg2[%get3A_1277, %get3A_1278] : memref<4096x768xf32, #tpu.memory_space<vmem>>, vector<1x768xf32>
    %get3A_1280 = vector.shape_cast %get3A_1279 : vector<1x768xf32> to vector<768xf32>
    %swap3A_1281 = arith.constant 85 : index
    %swap3A_1282 = arith.constant 0 : index
    %swap3A_1283 = vector.load %arg3[%swap3A_1281, %swap3A_1282] : memref<128x768xf32, #tpu.memory_space<vmem>>, vector<1x768xf32>
    %swap3A_1284 = vector.shape_cast %swap3A_1283 : vector<1x768xf32> to vector<768xf32>
    %swap3A_1285 = vector.shape_cast %get3A_1280 : vector<768xf32> to vector<1x768xf32>
    tpu.vector_store %arg3[%swap3A_1281, %swap3A_1282], %swap3A_1285 {strides = array<i32>} : memref<128x768xf32, #tpu.memory_space<vmem>>, vector<1x768xf32>,
    %mul3A_1286 = arith.constant 128 : i32
    %mul3A_1287 = arith.muli %arg0, %mul3A_1286 : i32
    %add3A_1288 = arith.constant 86 : i32
    %add3A_1289 = arith.addi %mul3A_1287, %add3A_1288 : i32
    %get3A_1290 = arith.index_cast %add3A_1289 : i32 to index
    %get3A_1291 = memref.load %arg1[%get3A_1290] : memref<2048xi32, #tpu.memory_space<smem>>
    %get3A_1292 = arith.index_cast %get3A_1291 : i32 to index
    %get3A_1293 = arith.constant 0 : index
    %get3A_1294 = vector.load %arg2[%get3A_1292, %get3A_1293] : memref<4096x768xf32, #tpu.memory_space<vmem>>, vector<1x768xf32>
    %get3A_1295 = vector.shape_cast %get3A_1294 : vector<1x768xf32> to vector<768xf32>
    %swap3A_1296 = arith.constant 86 : index
    %swap3A_1297 = arith.constant 0 : index
    %swap3A_1298 = vector.load %arg3[%swap3A_1296, %swap3A_1297] : memref<128x768xf32, #tpu.memory_space<vmem>>, vector<1x768xf32>
    %swap3A_1299 = vector.shape_cast %swap3A_1298 : vector<1x768xf32> to vector<768xf32>
    %swap3A_1300 = vector.shape_cast %get3A_1295 : vector<768xf32> to vector<1x768xf32>
    tpu.vector_store %arg3[%swap3A_1296, %swap3A_1297], %swap3A_1300 {strides = array<i32>} : memref<128x768xf32, #tpu.memory_space<vmem>>, vector<1x768xf32>,
    %mul3A_1301 = arith.constant 128 : i32
    %mul3A_1302 = arith.muli %arg0, %mul3A_1301 : i32
    %add3A_1303 = arith.constant 87 : i32
    %add3A_1304 = arith.addi %mul3A_1302, %add3A_1303 : i32
    %get3A_1305 = arith.index_cast %add3A_1304 : i32 to index
    %get3A_1306 = memref.load %arg1[%get3A_1305] : memref<2048xi32, #tpu.memory_space<smem>>
    %get3A_1307 = arith.index_cast %get3A_1306 : i32 to index
    %get3A_1308 = arith.constant 0 : index
    %get3A_1309 = vector.load %arg2[%get3A_1307, %get3A_1308] : memref<4096x768xf32, #tpu.memory_space<vmem>>, vector<1x768xf32>
    %get3A_1310 = vector.shape_cast %get3A_1309 : vector<1x768xf32> to vector<768xf32>
    %swap3A_1311 = arith.constant 87 : index
    %swap3A_1312 = arith.constant 0 : index
    %swap3A_1313 = vector.load %arg3[%swap3A_1311, %swap3A_1312] : memref<128x768xf32, #tpu.memory_space<vmem>>, vector<1x768xf32>
    %swap3A_1314 = vector.shape_cast %swap3A_1313 : vector<1x768xf32> to vector<768xf32>
    %swap3A_1315 = vector.shape_cast %get3A_1310 : vector<768xf32> to vector<1x768xf32>
    tpu.vector_store %arg3[%swap3A_1311, %swap3A_1312], %swap3A_1315 {strides = array<i32>} : memref<128x768xf32, #tpu.memory_space<vmem>>, vector<1x768xf32>,
    %mul3A_1316 = arith.constant 128 : i32
    %mul3A_1317 = arith.muli %arg0, %mul3A_1316 : i32
    %add3A_1318 = arith.constant 88 : i32
    %add3A_1319 = arith.addi %mul3A_1317, %add3A_1318 : i32
    %get3A_1320 = arith.index_cast %add3A_1319 : i32 to index
    %get3A_1321 = memref.load %arg1[%get3A_1320] : memref<2048xi32, #tpu.memory_space<smem>>
    %get3A_1322 = arith.index_cast %get3A_1321 : i32 to index
    %get3A_1323 = arith.constant 0 : index
    %get3A_1324 = vector.load %arg2[%get3A_1322, %get3A_1323] : memref<4096x768xf32, #tpu.memory_space<vmem>>, vector<1x768xf32>
    %get3A_1325 = vector.shape_cast %get3A_1324 : vector<1x768xf32> to vector<768xf32>
    %swap3A_1326 = arith.constant 88 : index
    %swap3A_1327 = arith.constant 0 : index
    %swap3A_1328 = vector.load %arg3[%swap3A_1326, %swap3A_1327] : memref<128x768xf32, #tpu.memory_space<vmem>>, vector<1x768xf32>
    %swap3A_1329 = vector.shape_cast %swap3A_1328 : vector<1x768xf32> to vector<768xf32>
    %swap3A_1330 = vector.shape_cast %get3A_1325 : vector<768xf32> to vector<1x768xf32>
    tpu.vector_store %arg3[%swap3A_1326, %swap3A_1327], %swap3A_1330 {strides = array<i32>} : memref<128x768xf32, #tpu.memory_space<vmem>>, vector<1x768xf32>,
    %mul3A_1331 = arith.constant 128 : i32
    %mul3A_1332 = arith.muli %arg0, %mul3A_1331 : i32
    %add3A_1333 = arith.constant 89 : i32
    %add3A_1334 = arith.addi %mul3A_1332, %add3A_1333 : i32
    %get3A_1335 = arith.index_cast %add3A_1334 : i32 to index
    %get3A_1336 = memref.load %arg1[%get3A_1335] : memref<2048xi32, #tpu.memory_space<smem>>
    %get3A_1337 = arith.index_cast %get3A_1336 : i32 to index
    %get3A_1338 = arith.constant 0 : index
    %get3A_1339 = vector.load %arg2[%get3A_1337, %get3A_1338] : memref<4096x768xf32, #tpu.memory_space<vmem>>, vector<1x768xf32>
    %get3A_1340 = vector.shape_cast %get3A_1339 : vector<1x768xf32> to vector<768xf32>
    %swap3A_1341 = arith.constant 89 : index
    %swap3A_1342 = arith.constant 0 : index
    %swap3A_1343 = vector.load %arg3[%swap3A_1341, %swap3A_1342] : memref<128x768xf32, #tpu.memory_space<vmem>>, vector<1x768xf32>
    %swap3A_1344 = vector.shape_cast %swap3A_1343 : vector<1x768xf32> to vector<768xf32>
    %swap3A_1345 = vector.shape_cast %get3A_1340 : vector<768xf32> to vector<1x768xf32>
    tpu.vector_store %arg3[%swap3A_1341, %swap3A_1342], %swap3A_1345 {strides = array<i32>} : memref<128x768xf32, #tpu.memory_space<vmem>>, vector<1x768xf32>,
    %mul3A_1346 = arith.constant 128 : i32
    %mul3A_1347 = arith.muli %arg0, %mul3A_1346 : i32
    %add3A_1348 = arith.constant 90 : i32
    %add3A_1349 = arith.addi %mul3A_1347, %add3A_1348 : i32
    %get3A_1350 = arith.index_cast %add3A_1349 : i32 to index
    %get3A_1351 = memref.load %arg1[%get3A_1350] : memref<2048xi32, #tpu.memory_space<smem>>
    %get3A_1352 = arith.index_cast %get3A_1351 : i32 to index
    %get3A_1353 = arith.constant 0 : index
    %get3A_1354 = vector.load %arg2[%get3A_1352, %get3A_1353] : memref<4096x768xf32, #tpu.memory_space<vmem>>, vector<1x768xf32>
    %get3A_1355 = vector.shape_cast %get3A_1354 : vector<1x768xf32> to vector<768xf32>
    %swap3A_1356 = arith.constant 90 : index
    %swap3A_1357 = arith.constant 0 : index
    %swap3A_1358 = vector.load %arg3[%swap3A_1356, %swap3A_1357] : memref<128x768xf32, #tpu.memory_space<vmem>>, vector<1x768xf32>
    %swap3A_1359 = vector.shape_cast %swap3A_1358 : vector<1x768xf32> to vector<768xf32>
    %swap3A_1360 = vector.shape_cast %get3A_1355 : vector<768xf32> to vector<1x768xf32>
    tpu.vector_store %arg3[%swap3A_1356, %swap3A_1357], %swap3A_1360 {strides = array<i32>} : memref<128x768xf32, #tpu.memory_space<vmem>>, vector<1x768xf32>,
    %mul3A_1361 = arith.constant 128 : i32
    %mul3A_1362 = arith.muli %arg0, %mul3A_1361 : i32
    %add3A_1363 = arith.constant 91 : i32
    %add3A_1364 = arith.addi %mul3A_1362, %add3A_1363 : i32
    %get3A_1365 = arith.index_cast %add3A_1364 : i32 to index
    %get3A_1366 = memref.load %arg1[%get3A_1365] : memref<2048xi32, #tpu.memory_space<smem>>
    %get3A_1367 = arith.index_cast %get3A_1366 : i32 to index
    %get3A_1368 = arith.constant 0 : index
    %get3A_1369 = vector.load %arg2[%get3A_1367, %get3A_1368] : memref<4096x768xf32, #tpu.memory_space<vmem>>, vector<1x768xf32>
    %get3A_1370 = vector.shape_cast %get3A_1369 : vector<1x768xf32> to vector<768xf32>
    %swap3A_1371 = arith.constant 91 : index
    %swap3A_1372 = arith.constant 0 : index
    %swap3A_1373 = vector.load %arg3[%swap3A_1371, %swap3A_1372] : memref<128x768xf32, #tpu.memory_space<vmem>>, vector<1x768xf32>
    %swap3A_1374 = vector.shape_cast %swap3A_1373 : vector<1x768xf32> to vector<768xf32>
    %swap3A_1375 = vector.shape_cast %get3A_1370 : vector<768xf32> to vector<1x768xf32>
    tpu.vector_store %arg3[%swap3A_1371, %swap3A_1372], %swap3A_1375 {strides = array<i32>} : memref<128x768xf32, #tpu.memory_space<vmem>>, vector<1x768xf32>,
    %mul3A_1376 = arith.constant 128 : i32
    %mul3A_1377 = arith.muli %arg0, %mul3A_1376 : i32
    %add3A_1378 = arith.constant 92 : i32
    %add3A_1379 = arith.addi %mul3A_1377, %add3A_1378 : i32
    %get3A_1380 = arith.index_cast %add3A_1379 : i32 to index
    %get3A_1381 = memref.load %arg1[%get3A_1380] : memref<2048xi32, #tpu.memory_space<smem>>
    %get3A_1382 = arith.index_cast %get3A_1381 : i32 to index
    %get3A_1383 = arith.constant 0 : index
    %get3A_1384 = vector.load %arg2[%get3A_1382, %get3A_1383] : memref<4096x768xf32, #tpu.memory_space<vmem>>, vector<1x768xf32>
    %get3A_1385 = vector.shape_cast %get3A_1384 : vector<1x768xf32> to vector<768xf32>
    %swap3A_1386 = arith.constant 92 : index
    %swap3A_1387 = arith.constant 0 : index
    %swap3A_1388 = vector.load %arg3[%swap3A_1386, %swap3A_1387] : memref<128x768xf32, #tpu.memory_space<vmem>>, vector<1x768xf32>
    %swap3A_1389 = vector.shape_cast %swap3A_1388 : vector<1x768xf32> to vector<768xf32>
    %swap3A_1390 = vector.shape_cast %get3A_1385 : vector<768xf32> to vector<1x768xf32>
    tpu.vector_store %arg3[%swap3A_1386, %swap3A_1387], %swap3A_1390 {strides = array<i32>} : memref<128x768xf32, #tpu.memory_space<vmem>>, vector<1x768xf32>,
    %mul3A_1391 = arith.constant 128 : i32
    %mul3A_1392 = arith.muli %arg0, %mul3A_1391 : i32
    %add3A_1393 = arith.constant 93 : i32
    %add3A_1394 = arith.addi %mul3A_1392, %add3A_1393 : i32
    %get3A_1395 = arith.index_cast %add3A_1394 : i32 to index
    %get3A_1396 = memref.load %arg1[%get3A_1395] : memref<2048xi32, #tpu.memory_space<smem>>
    %get3A_1397 = arith.index_cast %get3A_1396 : i32 to index
    %get3A_1398 = arith.constant 0 : index
    %get3A_1399 = vector.load %arg2[%get3A_1397, %get3A_1398] : memref<4096x768xf32, #tpu.memory_space<vmem>>, vector<1x768xf32>
    %get3A_1400 = vector.shape_cast %get3A_1399 : vector<1x768xf32> to vector<768xf32>
    %swap3A_1401 = arith.constant 93 : index
    %swap3A_1402 = arith.constant 0 : index
    %swap3A_1403 = vector.load %arg3[%swap3A_1401, %swap3A_1402] : memref<128x768xf32, #tpu.memory_space<vmem>>, vector<1x768xf32>
    %swap3A_1404 = vector.shape_cast %swap3A_1403 : vector<1x768xf32> to vector<768xf32>
    %swap3A_1405 = vector.shape_cast %get3A_1400 : vector<768xf32> to vector<1x768xf32>
    tpu.vector_store %arg3[%swap3A_1401, %swap3A_1402], %swap3A_1405 {strides = array<i32>} : memref<128x768xf32, #tpu.memory_space<vmem>>, vector<1x768xf32>,
    %mul3A_1406 = arith.constant 128 : i32
    %mul3A_1407 = arith.muli %arg0, %mul3A_1406 : i32
    %add3A_1408 = arith.constant 94 : i32
    %add3A_1409 = arith.addi %mul3A_1407, %add3A_1408 : i32
    %get3A_1410 = arith.index_cast %add3A_1409 : i32 to index
    %get3A_1411 = memref.load %arg1[%get3A_1410] : memref<2048xi32, #tpu.memory_space<smem>>
    %get3A_1412 = arith.index_cast %get3A_1411 : i32 to index
    %get3A_1413 = arith.constant 0 : index
    %get3A_1414 = vector.load %arg2[%get3A_1412, %get3A_1413] : memref<4096x768xf32, #tpu.memory_space<vmem>>, vector<1x768xf32>
    %get3A_1415 = vector.shape_cast %get3A_1414 : vector<1x768xf32> to vector<768xf32>
    %swap3A_1416 = arith.constant 94 : index
    %swap3A_1417 = arith.constant 0 : index
    %swap3A_1418 = vector.load %arg3[%swap3A_1416, %swap3A_1417] : memref<128x768xf32, #tpu.memory_space<vmem>>, vector<1x768xf32>
    %swap3A_1419 = vector.shape_cast %swap3A_1418 : vector<1x768xf32> to vector<768xf32>
    %swap3A_1420 = vector.shape_cast %get3A_1415 : vector<768xf32> to vector<1x768xf32>
    tpu.vector_store %arg3[%swap3A_1416, %swap3A_1417], %swap3A_1420 {strides = array<i32>} : memref<128x768xf32, #tpu.memory_space<vmem>>, vector<1x768xf32>,
    %mul3A_1421 = arith.constant 128 : i32
    %mul3A_1422 = arith.muli %arg0, %mul3A_1421 : i32
    %add3A_1423 = arith.constant 95 : i32
    %add3A_1424 = arith.addi %mul3A_1422, %add3A_1423 : i32
    %get3A_1425 = arith.index_cast %add3A_1424 : i32 to index
    %get3A_1426 = memref.load %arg1[%get3A_1425] : memref<2048xi32, #tpu.memory_space<smem>>
    %get3A_1427 = arith.index_cast %get3A_1426 : i32 to index
    %get3A_1428 = arith.constant 0 : index
    %get3A_1429 = vector.load %arg2[%get3A_1427, %get3A_1428] : memref<4096x768xf32, #tpu.memory_space<vmem>>, vector<1x768xf32>
    %get3A_1430 = vector.shape_cast %get3A_1429 : vector<1x768xf32> to vector<768xf32>
    %swap3A_1431 = arith.constant 95 : index
    %swap3A_1432 = arith.constant 0 : index
    %swap3A_1433 = vector.load %arg3[%swap3A_1431, %swap3A_1432] : memref<128x768xf32, #tpu.memory_space<vmem>>, vector<1x768xf32>
    %swap3A_1434 = vector.shape_cast %swap3A_1433 : vector<1x768xf32> to vector<768xf32>
    %swap3A_1435 = vector.shape_cast %get3A_1430 : vector<768xf32> to vector<1x768xf32>
    tpu.vector_store %arg3[%swap3A_1431, %swap3A_1432], %swap3A_1435 {strides = array<i32>} : memref<128x768xf32, #tpu.memory_space<vmem>>, vector<1x768xf32>,
    %mul3A_1436 = arith.constant 128 : i32
    %mul3A_1437 = arith.muli %arg0, %mul3A_1436 : i32
    %add3A_1438 = arith.constant 96 : i32
    %add3A_1439 = arith.addi %mul3A_1437, %add3A_1438 : i32
    %get3A_1440 = arith.index_cast %add3A_1439 : i32 to index
    %get3A_1441 = memref.load %arg1[%get3A_1440] : memref<2048xi32, #tpu.memory_space<smem>>
    %get3A_1442 = arith.index_cast %get3A_1441 : i32 to index
    %get3A_1443 = arith.constant 0 : index
    %get3A_1444 = vector.load %arg2[%get3A_1442, %get3A_1443] : memref<4096x768xf32, #tpu.memory_space<vmem>>, vector<1x768xf32>
    %get3A_1445 = vector.shape_cast %get3A_1444 : vector<1x768xf32> to vector<768xf32>
    %swap3A_1446 = arith.constant 96 : index
    %swap3A_1447 = arith.constant 0 : index
    %swap3A_1448 = vector.load %arg3[%swap3A_1446, %swap3A_1447] : memref<128x768xf32, #tpu.memory_space<vmem>>, vector<1x768xf32>
    %swap3A_1449 = vector.shape_cast %swap3A_1448 : vector<1x768xf32> to vector<768xf32>
    %swap3A_1450 = vector.shape_cast %get3A_1445 : vector<768xf32> to vector<1x768xf32>
    tpu.vector_store %arg3[%swap3A_1446, %swap3A_1447], %swap3A_1450 {strides = array<i32>} : memref<128x768xf32, #tpu.memory_space<vmem>>, vector<1x768xf32>,
    %mul3A_1451 = arith.constant 128 : i32
    %mul3A_1452 = arith.muli %arg0, %mul3A_1451 : i32
    %add3A_1453 = arith.constant 97 : i32
    %add3A_1454 = arith.addi %mul3A_1452, %add3A_1453 : i32
    %get3A_1455 = arith.index_cast %add3A_1454 : i32 to index
    %get3A_1456 = memref.load %arg1[%get3A_1455] : memref<2048xi32, #tpu.memory_space<smem>>
    %get3A_1457 = arith.index_cast %get3A_1456 : i32 to index
    %get3A_1458 = arith.constant 0 : index
    %get3A_1459 = vector.load %arg2[%get3A_1457, %get3A_1458] : memref<4096x768xf32, #tpu.memory_space<vmem>>, vector<1x768xf32>
    %get3A_1460 = vector.shape_cast %get3A_1459 : vector<1x768xf32> to vector<768xf32>
    %swap3A_1461 = arith.constant 97 : index
    %swap3A_1462 = arith.constant 0 : index
    %swap3A_1463 = vector.load %arg3[%swap3A_1461, %swap3A_1462] : memref<128x768xf32, #tpu.memory_space<vmem>>, vector<1x768xf32>
    %swap3A_1464 = vector.shape_cast %swap3A_1463 : vector<1x768xf32> to vector<768xf32>
    %swap3A_1465 = vector.shape_cast %get3A_1460 : vector<768xf32> to vector<1x768xf32>
    tpu.vector_store %arg3[%swap3A_1461, %swap3A_1462], %swap3A_1465 {strides = array<i32>} : memref<128x768xf32, #tpu.memory_space<vmem>>, vector<1x768xf32>,
    %mul3A_1466 = arith.constant 128 : i32
    %mul3A_1467 = arith.muli %arg0, %mul3A_1466 : i32
    %add3A_1468 = arith.constant 98 : i32
    %add3A_1469 = arith.addi %mul3A_1467, %add3A_1468 : i32
    %get3A_1470 = arith.index_cast %add3A_1469 : i32 to index
    %get3A_1471 = memref.load %arg1[%get3A_1470] : memref<2048xi32, #tpu.memory_space<smem>>
    %get3A_1472 = arith.index_cast %get3A_1471 : i32 to index
    %get3A_1473 = arith.constant 0 : index
    %get3A_1474 = vector.load %arg2[%get3A_1472, %get3A_1473] : memref<4096x768xf32, #tpu.memory_space<vmem>>, vector<1x768xf32>
    %get3A_1475 = vector.shape_cast %get3A_1474 : vector<1x768xf32> to vector<768xf32>
    %swap3A_1476 = arith.constant 98 : index
    %swap3A_1477 = arith.constant 0 : index
    %swap3A_1478 = vector.load %arg3[%swap3A_1476, %swap3A_1477] : memref<128x768xf32, #tpu.memory_space<vmem>>, vector<1x768xf32>
    %swap3A_1479 = vector.shape_cast %swap3A_1478 : vector<1x768xf32> to vector<768xf32>
    %swap3A_1480 = vector.shape_cast %get3A_1475 : vector<768xf32> to vector<1x768xf32>
    tpu.vector_store %arg3[%swap3A_1476, %swap3A_1477], %swap3A_1480 {strides = array<i32>} : memref<128x768xf32, #tpu.memory_space<vmem>>, vector<1x768xf32>,
    %mul3A_1481 = arith.constant 128 : i32
    %mul3A_1482 = arith.muli %arg0, %mul3A_1481 : i32
    %add3A_1483 = arith.constant 99 : i32
    %add3A_1484 = arith.addi %mul3A_1482, %add3A_1483 : i32
    %get3A_1485 = arith.index_cast %add3A_1484 : i32 to index
    %get3A_1486 = memref.load %arg1[%get3A_1485] : memref<2048xi32, #tpu.memory_space<smem>>
    %get3A_1487 = arith.index_cast %get3A_1486 : i32 to index
    %get3A_1488 = arith.constant 0 : index
    %get3A_1489 = vector.load %arg2[%get3A_1487, %get3A_1488] : memref<4096x768xf32, #tpu.memory_space<vmem>>, vector<1x768xf32>
    %get3A_1490 = vector.shape_cast %get3A_1489 : vector<1x768xf32> to vector<768xf32>
    %swap3A_1491 = arith.constant 99 : index
    %swap3A_1492 = arith.constant 0 : index
    %swap3A_1493 = vector.load %arg3[%swap3A_1491, %swap3A_1492] : memref<128x768xf32, #tpu.memory_space<vmem>>, vector<1x768xf32>
    %swap3A_1494 = vector.shape_cast %swap3A_1493 : vector<1x768xf32> to vector<768xf32>
    %swap3A_1495 = vector.shape_cast %get3A_1490 : vector<768xf32> to vector<1x768xf32>
    tpu.vector_store %arg3[%swap3A_1491, %swap3A_1492], %swap3A_1495 {strides = array<i32>} : memref<128x768xf32, #tpu.memory_space<vmem>>, vector<1x768xf32>,
    %mul3A_1496 = arith.constant 128 : i32
    %mul3A_1497 = arith.muli %arg0, %mul3A_1496 : i32
    %add3A_1498 = arith.constant 100 : i32
    %add3A_1499 = arith.addi %mul3A_1497, %add3A_1498 : i32
    %get3A_1500 = arith.index_cast %add3A_1499 : i32 to index
    %get3A_1501 = memref.load %arg1[%get3A_1500] : memref<2048xi32, #tpu.memory_space<smem>>
    %get3A_1502 = arith.index_cast %get3A_1501 : i32 to index
    %get3A_1503 = arith.constant 0 : index
    %get3A_1504 = vector.load %arg2[%get3A_1502, %get3A_1503] : memref<4096x768xf32, #tpu.memory_space<vmem>>, vector<1x768xf32>
    %get3A_1505 = vector.shape_cast %get3A_1504 : vector<1x768xf32> to vector<768xf32>
    %swap3A_1506 = arith.constant 100 : index
    %swap3A_1507 = arith.constant 0 : index
    %swap3A_1508 = vector.load %arg3[%swap3A_1506, %swap3A_1507] : memref<128x768xf32, #tpu.memory_space<vmem>>, vector<1x768xf32>
    %swap3A_1509 = vector.shape_cast %swap3A_1508 : vector<1x768xf32> to vector<768xf32>
    %swap3A_1510 = vector.shape_cast %get3A_1505 : vector<768xf32> to vector<1x768xf32>
    tpu.vector_store %arg3[%swap3A_1506, %swap3A_1507], %swap3A_1510 {strides = array<i32>} : memref<128x768xf32, #tpu.memory_space<vmem>>, vector<1x768xf32>,
    %mul3A_1511 = arith.constant 128 : i32
    %mul3A_1512 = arith.muli %arg0, %mul3A_1511 : i32
    %add3A_1513 = arith.constant 101 : i32
    %add3A_1514 = arith.addi %mul3A_1512, %add3A_1513 : i32
    %get3A_1515 = arith.index_cast %add3A_1514 : i32 to index
    %get3A_1516 = memref.load %arg1[%get3A_1515] : memref<2048xi32, #tpu.memory_space<smem>>
    %get3A_1517 = arith.index_cast %get3A_1516 : i32 to index
    %get3A_1518 = arith.constant 0 : index
    %get3A_1519 = vector.load %arg2[%get3A_1517, %get3A_1518] : memref<4096x768xf32, #tpu.memory_space<vmem>>, vector<1x768xf32>
    %get3A_1520 = vector.shape_cast %get3A_1519 : vector<1x768xf32> to vector<768xf32>
    %swap3A_1521 = arith.constant 101 : index
    %swap3A_1522 = arith.constant 0 : index
    %swap3A_1523 = vector.load %arg3[%swap3A_1521, %swap3A_1522] : memref<128x768xf32, #tpu.memory_space<vmem>>, vector<1x768xf32>
    %swap3A_1524 = vector.shape_cast %swap3A_1523 : vector<1x768xf32> to vector<768xf32>
    %swap3A_1525 = vector.shape_cast %get3A_1520 : vector<768xf32> to vector<1x768xf32>
    tpu.vector_store %arg3[%swap3A_1521, %swap3A_1522], %swap3A_1525 {strides = array<i32>} : memref<128x768xf32, #tpu.memory_space<vmem>>, vector<1x768xf32>,
    %mul3A_1526 = arith.constant 128 : i32
    %mul3A_1527 = arith.muli %arg0, %mul3A_1526 : i32
    %add3A_1528 = arith.constant 102 : i32
    %add3A_1529 = arith.addi %mul3A_1527, %add3A_1528 : i32
    %get3A_1530 = arith.index_cast %add3A_1529 : i32 to index
    %get3A_1531 = memref.load %arg1[%get3A_1530] : memref<2048xi32, #tpu.memory_space<smem>>
    %get3A_1532 = arith.index_cast %get3A_1531 : i32 to index
    %get3A_1533 = arith.constant 0 : index
    %get3A_1534 = vector.load %arg2[%get3A_1532, %get3A_1533] : memref<4096x768xf32, #tpu.memory_space<vmem>>, vector<1x768xf32>
    %get3A_1535 = vector.shape_cast %get3A_1534 : vector<1x768xf32> to vector<768xf32>
    %swap3A_1536 = arith.constant 102 : index
    %swap3A_1537 = arith.constant 0 : index
    %swap3A_1538 = vector.load %arg3[%swap3A_1536, %swap3A_1537] : memref<128x768xf32, #tpu.memory_space<vmem>>, vector<1x768xf32>
    %swap3A_1539 = vector.shape_cast %swap3A_1538 : vector<1x768xf32> to vector<768xf32>
    %swap3A_1540 = vector.shape_cast %get3A_1535 : vector<768xf32> to vector<1x768xf32>
    tpu.vector_store %arg3[%swap3A_1536, %swap3A_1537], %swap3A_1540 {strides = array<i32>} : memref<128x768xf32, #tpu.memory_space<vmem>>, vector<1x768xf32>,
    %mul3A_1541 = arith.constant 128 : i32
    %mul3A_1542 = arith.muli %arg0, %mul3A_1541 : i32
    %add3A_1543 = arith.constant 103 : i32
    %add3A_1544 = arith.addi %mul3A_1542, %add3A_1543 : i32
    %get3A_1545 = arith.index_cast %add3A_1544 : i32 to index
    %get3A_1546 = memref.load %arg1[%get3A_1545] : memref<2048xi32, #tpu.memory_space<smem>>
    %get3A_1547 = arith.index_cast %get3A_1546 : i32 to index
    %get3A_1548 = arith.constant 0 : index
    %get3A_1549 = vector.load %arg2[%get3A_1547, %get3A_1548] : memref<4096x768xf32, #tpu.memory_space<vmem>>, vector<1x768xf32>
    %get3A_1550 = vector.shape_cast %get3A_1549 : vector<1x768xf32> to vector<768xf32>
    %swap3A_1551 = arith.constant 103 : index
    %swap3A_1552 = arith.constant 0 : index
    %swap3A_1553 = vector.load %arg3[%swap3A_1551, %swap3A_1552] : memref<128x768xf32, #tpu.memory_space<vmem>>, vector<1x768xf32>
    %swap3A_1554 = vector.shape_cast %swap3A_1553 : vector<1x768xf32> to vector<768xf32>
    %swap3A_1555 = vector.shape_cast %get3A_1550 : vector<768xf32> to vector<1x768xf32>
    tpu.vector_store %arg3[%swap3A_1551, %swap3A_1552], %swap3A_1555 {strides = array<i32>} : memref<128x768xf32, #tpu.memory_space<vmem>>, vector<1x768xf32>,
    %mul3A_1556 = arith.constant 128 : i32
    %mul3A_1557 = arith.muli %arg0, %mul3A_1556 : i32
    %add3A_1558 = arith.constant 104 : i32
    %add3A_1559 = arith.addi %mul3A_1557, %add3A_1558 : i32
    %get3A_1560 = arith.index_cast %add3A_1559 : i32 to index
    %get3A_1561 = memref.load %arg1[%get3A_1560] : memref<2048xi32, #tpu.memory_space<smem>>
    %get3A_1562 = arith.index_cast %get3A_1561 : i32 to index
    %get3A_1563 = arith.constant 0 : index
    %get3A_1564 = vector.load %arg2[%get3A_1562, %get3A_1563] : memref<4096x768xf32, #tpu.memory_space<vmem>>, vector<1x768xf32>
    %get3A_1565 = vector.shape_cast %get3A_1564 : vector<1x768xf32> to vector<768xf32>
    %swap3A_1566 = arith.constant 104 : index
    %swap3A_1567 = arith.constant 0 : index
    %swap3A_1568 = vector.load %arg3[%swap3A_1566, %swap3A_1567] : memref<128x768xf32, #tpu.memory_space<vmem>>, vector<1x768xf32>
    %swap3A_1569 = vector.shape_cast %swap3A_1568 : vector<1x768xf32> to vector<768xf32>
    %swap3A_1570 = vector.shape_cast %get3A_1565 : vector<768xf32> to vector<1x768xf32>
    tpu.vector_store %arg3[%swap3A_1566, %swap3A_1567], %swap3A_1570 {strides = array<i32>} : memref<128x768xf32, #tpu.memory_space<vmem>>, vector<1x768xf32>,
    %mul3A_1571 = arith.constant 128 : i32
    %mul3A_1572 = arith.muli %arg0, %mul3A_1571 : i32
    %add3A_1573 = arith.constant 105 : i32
    %add3A_1574 = arith.addi %mul3A_1572, %add3A_1573 : i32
    %get3A_1575 = arith.index_cast %add3A_1574 : i32 to index
    %get3A_1576 = memref.load %arg1[%get3A_1575] : memref<2048xi32, #tpu.memory_space<smem>>
    %get3A_1577 = arith.index_cast %get3A_1576 : i32 to index
    %get3A_1578 = arith.constant 0 : index
    %get3A_1579 = vector.load %arg2[%get3A_1577, %get3A_1578] : memref<4096x768xf32, #tpu.memory_space<vmem>>, vector<1x768xf32>
    %get3A_1580 = vector.shape_cast %get3A_1579 : vector<1x768xf32> to vector<768xf32>
    %swap3A_1581 = arith.constant 105 : index
    %swap3A_1582 = arith.constant 0 : index
    %swap3A_1583 = vector.load %arg3[%swap3A_1581, %swap3A_1582] : memref<128x768xf32, #tpu.memory_space<vmem>>, vector<1x768xf32>
    %swap3A_1584 = vector.shape_cast %swap3A_1583 : vector<1x768xf32> to vector<768xf32>
    %swap3A_1585 = vector.shape_cast %get3A_1580 : vector<768xf32> to vector<1x768xf32>
    tpu.vector_store %arg3[%swap3A_1581, %swap3A_1582], %swap3A_1585 {strides = array<i32>} : memref<128x768xf32, #tpu.memory_space<vmem>>, vector<1x768xf32>,
    %mul3A_1586 = arith.constant 128 : i32
    %mul3A_1587 = arith.muli %arg0, %mul3A_1586 : i32
    %add3A_1588 = arith.constant 106 : i32
    %add3A_1589 = arith.addi %mul3A_1587, %add3A_1588 : i32
    %get3A_1590 = arith.index_cast %add3A_1589 : i32 to index
    %get3A_1591 = memref.load %arg1[%get3A_1590] : memref<2048xi32, #tpu.memory_space<smem>>
    %get3A_1592 = arith.index_cast %get3A_1591 : i32 to index
    %get3A_1593 = arith.constant 0 : index
    %get3A_1594 = vector.load %arg2[%get3A_1592, %get3A_1593] : memref<4096x768xf32, #tpu.memory_space<vmem>>, vector<1x768xf32>
    %get3A_1595 = vector.shape_cast %get3A_1594 : vector<1x768xf32> to vector<768xf32>
    %swap3A_1596 = arith.constant 106 : index
    %swap3A_1597 = arith.constant 0 : index
    %swap3A_1598 = vector.load %arg3[%swap3A_1596, %swap3A_1597] : memref<128x768xf32, #tpu.memory_space<vmem>>, vector<1x768xf32>
    %swap3A_1599 = vector.shape_cast %swap3A_1598 : vector<1x768xf32> to vector<768xf32>
    %swap3A_1600 = vector.shape_cast %get3A_1595 : vector<768xf32> to vector<1x768xf32>
    tpu.vector_store %arg3[%swap3A_1596, %swap3A_1597], %swap3A_1600 {strides = array<i32>} : memref<128x768xf32, #tpu.memory_space<vmem>>, vector<1x768xf32>,
    %mul3A_1601 = arith.constant 128 : i32
    %mul3A_1602 = arith.muli %arg0, %mul3A_1601 : i32
    %add3A_1603 = arith.constant 107 : i32
    %add3A_1604 = arith.addi %mul3A_1602, %add3A_1603 : i32
    %get3A_1605 = arith.index_cast %add3A_1604 : i32 to index
    %get3A_1606 = memref.load %arg1[%get3A_1605] : memref<2048xi32, #tpu.memory_space<smem>>
    %get3A_1607 = arith.index_cast %get3A_1606 : i32 to index
    %get3A_1608 = arith.constant 0 : index
    %get3A_1609 = vector.load %arg2[%get3A_1607, %get3A_1608] : memref<4096x768xf32, #tpu.memory_space<vmem>>, vector<1x768xf32>
    %get3A_1610 = vector.shape_cast %get3A_1609 : vector<1x768xf32> to vector<768xf32>
    %swap3A_1611 = arith.constant 107 : index
    %swap3A_1612 = arith.constant 0 : index
    %swap3A_1613 = vector.load %arg3[%swap3A_1611, %swap3A_1612] : memref<128x768xf32, #tpu.memory_space<vmem>>, vector<1x768xf32>
    %swap3A_1614 = vector.shape_cast %swap3A_1613 : vector<1x768xf32> to vector<768xf32>
    %swap3A_1615 = vector.shape_cast %get3A_1610 : vector<768xf32> to vector<1x768xf32>
    tpu.vector_store %arg3[%swap3A_1611, %swap3A_1612], %swap3A_1615 {strides = array<i32>} : memref<128x768xf32, #tpu.memory_space<vmem>>, vector<1x768xf32>,
    %mul3A_1616 = arith.constant 128 : i32
    %mul3A_1617 = arith.muli %arg0, %mul3A_1616 : i32
    %add3A_1618 = arith.constant 108 : i32
    %add3A_1619 = arith.addi %mul3A_1617, %add3A_1618 : i32
    %get3A_1620 = arith.index_cast %add3A_1619 : i32 to index
    %get3A_1621 = memref.load %arg1[%get3A_1620] : memref<2048xi32, #tpu.memory_space<smem>>
    %get3A_1622 = arith.index_cast %get3A_1621 : i32 to index
    %get3A_1623 = arith.constant 0 : index
    %get3A_1624 = vector.load %arg2[%get3A_1622, %get3A_1623] : memref<4096x768xf32, #tpu.memory_space<vmem>>, vector<1x768xf32>
    %get3A_1625 = vector.shape_cast %get3A_1624 : vector<1x768xf32> to vector<768xf32>
    %swap3A_1626 = arith.constant 108 : index
    %swap3A_1627 = arith.constant 0 : index
    %swap3A_1628 = vector.load %arg3[%swap3A_1626, %swap3A_1627] : memref<128x768xf32, #tpu.memory_space<vmem>>, vector<1x768xf32>
    %swap3A_1629 = vector.shape_cast %swap3A_1628 : vector<1x768xf32> to vector<768xf32>
    %swap3A_1630 = vector.shape_cast %get3A_1625 : vector<768xf32> to vector<1x768xf32>
    tpu.vector_store %arg3[%swap3A_1626, %swap3A_1627], %swap3A_1630 {strides = array<i32>} : memref<128x768xf32, #tpu.memory_space<vmem>>, vector<1x768xf32>,
    %mul3A_1631 = arith.constant 128 : i32
    %mul3A_1632 = arith.muli %arg0, %mul3A_1631 : i32
    %add3A_1633 = arith.constant 109 : i32
    %add3A_1634 = arith.addi %mul3A_1632, %add3A_1633 : i32
    %get3A_1635 = arith.index_cast %add3A_1634 : i32 to index
    %get3A_1636 = memref.load %arg1[%get3A_1635] : memref<2048xi32, #tpu.memory_space<smem>>
    %get3A_1637 = arith.index_cast %get3A_1636 : i32 to index
    %get3A_1638 = arith.constant 0 : index
    %get3A_1639 = vector.load %arg2[%get3A_1637, %get3A_1638] : memref<4096x768xf32, #tpu.memory_space<vmem>>, vector<1x768xf32>
    %get3A_1640 = vector.shape_cast %get3A_1639 : vector<1x768xf32> to vector<768xf32>
    %swap3A_1641 = arith.constant 109 : index
    %swap3A_1642 = arith.constant 0 : index
    %swap3A_1643 = vector.load %arg3[%swap3A_1641, %swap3A_1642] : memref<128x768xf32, #tpu.memory_space<vmem>>, vector<1x768xf32>
    %swap3A_1644 = vector.shape_cast %swap3A_1643 : vector<1x768xf32> to vector<768xf32>
    %swap3A_1645 = vector.shape_cast %get3A_1640 : vector<768xf32> to vector<1x768xf32>
    tpu.vector_store %arg3[%swap3A_1641, %swap3A_1642], %swap3A_1645 {strides = array<i32>} : memref<128x768xf32, #tpu.memory_space<vmem>>, vector<1x768xf32>,
    %mul3A_1646 = arith.constant 128 : i32
    %mul3A_1647 = arith.muli %arg0, %mul3A_1646 : i32
    %add3A_1648 = arith.constant 110 : i32
    %add3A_1649 = arith.addi %mul3A_1647, %add3A_1648 : i32
    %get3A_1650 = arith.index_cast %add3A_1649 : i32 to index
    %get3A_1651 = memref.load %arg1[%get3A_1650] : memref<2048xi32, #tpu.memory_space<smem>>
    %get3A_1652 = arith.index_cast %get3A_1651 : i32 to index
    %get3A_1653 = arith.constant 0 : index
    %get3A_1654 = vector.load %arg2[%get3A_1652, %get3A_1653] : memref<4096x768xf32, #tpu.memory_space<vmem>>, vector<1x768xf32>
    %get3A_1655 = vector.shape_cast %get3A_1654 : vector<1x768xf32> to vector<768xf32>
    %swap3A_1656 = arith.constant 110 : index
    %swap3A_1657 = arith.constant 0 : index
    %swap3A_1658 = vector.load %arg3[%swap3A_1656, %swap3A_1657] : memref<128x768xf32, #tpu.memory_space<vmem>>, vector<1x768xf32>
    %swap3A_1659 = vector.shape_cast %swap3A_1658 : vector<1x768xf32> to vector<768xf32>
    %swap3A_1660 = vector.shape_cast %get3A_1655 : vector<768xf32> to vector<1x768xf32>
    tpu.vector_store %arg3[%swap3A_1656, %swap3A_1657], %swap3A_1660 {strides = array<i32>} : memref<128x768xf32, #tpu.memory_space<vmem>>, vector<1x768xf32>,
    %mul3A_1661 = arith.constant 128 : i32
    %mul3A_1662 = arith.muli %arg0, %mul3A_1661 : i32
    %add3A_1663 = arith.constant 111 : i32
    %add3A_1664 = arith.addi %mul3A_1662, %add3A_1663 : i32
    %get3A_1665 = arith.index_cast %add3A_1664 : i32 to index
    %get3A_1666 = memref.load %arg1[%get3A_1665] : memref<2048xi32, #tpu.memory_space<smem>>
    %get3A_1667 = arith.index_cast %get3A_1666 : i32 to index
    %get3A_1668 = arith.constant 0 : index
    %get3A_1669 = vector.load %arg2[%get3A_1667, %get3A_1668] : memref<4096x768xf32, #tpu.memory_space<vmem>>, vector<1x768xf32>
    %get3A_1670 = vector.shape_cast %get3A_1669 : vector<1x768xf32> to vector<768xf32>
    %swap3A_1671 = arith.constant 111 : index
    %swap3A_1672 = arith.constant 0 : index
    %swap3A_1673 = vector.load %arg3[%swap3A_1671, %swap3A_1672] : memref<128x768xf32, #tpu.memory_space<vmem>>, vector<1x768xf32>
    %swap3A_1674 = vector.shape_cast %swap3A_1673 : vector<1x768xf32> to vector<768xf32>
    %swap3A_1675 = vector.shape_cast %get3A_1670 : vector<768xf32> to vector<1x768xf32>
    tpu.vector_store %arg3[%swap3A_1671, %swap3A_1672], %swap3A_1675 {strides = array<i32>} : memref<128x768xf32, #tpu.memory_space<vmem>>, vector<1x768xf32>,
    %mul3A_1676 = arith.constant 128 : i32
    %mul3A_1677 = arith.muli %arg0, %mul3A_1676 : i32
    %add3A_1678 = arith.constant 112 : i32
    %add3A_1679 = arith.addi %mul3A_1677, %add3A_1678 : i32
    %get3A_1680 = arith.index_cast %add3A_1679 : i32 to index
    %get3A_1681 = memref.load %arg1[%get3A_1680] : memref<2048xi32, #tpu.memory_space<smem>>
    %get3A_1682 = arith.index_cast %get3A_1681 : i32 to index
    %get3A_1683 = arith.constant 0 : index
    %get3A_1684 = vector.load %arg2[%get3A_1682, %get3A_1683] : memref<4096x768xf32, #tpu.memory_space<vmem>>, vector<1x768xf32>
    %get3A_1685 = vector.shape_cast %get3A_1684 : vector<1x768xf32> to vector<768xf32>
    %swap3A_1686 = arith.constant 112 : index
    %swap3A_1687 = arith.constant 0 : index
    %swap3A_1688 = vector.load %arg3[%swap3A_1686, %swap3A_1687] : memref<128x768xf32, #tpu.memory_space<vmem>>, vector<1x768xf32>
    %swap3A_1689 = vector.shape_cast %swap3A_1688 : vector<1x768xf32> to vector<768xf32>
    %swap3A_1690 = vector.shape_cast %get3A_1685 : vector<768xf32> to vector<1x768xf32>
    tpu.vector_store %arg3[%swap3A_1686, %swap3A_1687], %swap3A_1690 {strides = array<i32>} : memref<128x768xf32, #tpu.memory_space<vmem>>, vector<1x768xf32>,
    %mul3A_1691 = arith.constant 128 : i32
    %mul3A_1692 = arith.muli %arg0, %mul3A_1691 : i32
    %add3A_1693 = arith.constant 113 : i32
    %add3A_1694 = arith.addi %mul3A_1692, %add3A_1693 : i32
    %get3A_1695 = arith.index_cast %add3A_1694 : i32 to index
    %get3A_1696 = memref.load %arg1[%get3A_1695] : memref<2048xi32, #tpu.memory_space<smem>>
    %get3A_1697 = arith.index_cast %get3A_1696 : i32 to index
    %get3A_1698 = arith.constant 0 : index
    %get3A_1699 = vector.load %arg2[%get3A_1697, %get3A_1698] : memref<4096x768xf32, #tpu.memory_space<vmem>>, vector<1x768xf32>
    %get3A_1700 = vector.shape_cast %get3A_1699 : vector<1x768xf32> to vector<768xf32>
    %swap3A_1701 = arith.constant 113 : index
    %swap3A_1702 = arith.constant 0 : index
    %swap3A_1703 = vector.load %arg3[%swap3A_1701, %swap3A_1702] : memref<128x768xf32, #tpu.memory_space<vmem>>, vector<1x768xf32>
    %swap3A_1704 = vector.shape_cast %swap3A_1703 : vector<1x768xf32> to vector<768xf32>
    %swap3A_1705 = vector.shape_cast %get3A_1700 : vector<768xf32> to vector<1x768xf32>
    tpu.vector_store %arg3[%swap3A_1701, %swap3A_1702], %swap3A_1705 {strides = array<i32>} : memref<128x768xf32, #tpu.memory_space<vmem>>, vector<1x768xf32>,
    %mul3A_1706 = arith.constant 128 : i32
    %mul3A_1707 = arith.muli %arg0, %mul3A_1706 : i32
    %add3A_1708 = arith.constant 114 : i32
    %add3A_1709 = arith.addi %mul3A_1707, %add3A_1708 : i32
    %get3A_1710 = arith.index_cast %add3A_1709 : i32 to index
    %get3A_1711 = memref.load %arg1[%get3A_1710] : memref<2048xi32, #tpu.memory_space<smem>>
    %get3A_1712 = arith.index_cast %get3A_1711 : i32 to index
    %get3A_1713 = arith.constant 0 : index
    %get3A_1714 = vector.load %arg2[%get3A_1712, %get3A_1713] : memref<4096x768xf32, #tpu.memory_space<vmem>>, vector<1x768xf32>
    %get3A_1715 = vector.shape_cast %get3A_1714 : vector<1x768xf32> to vector<768xf32>
    %swap3A_1716 = arith.constant 114 : index
    %swap3A_1717 = arith.constant 0 : index
    %swap3A_1718 = vector.load %arg3[%swap3A_1716, %swap3A_1717] : memref<128x768xf32, #tpu.memory_space<vmem>>, vector<1x768xf32>
    %swap3A_1719 = vector.shape_cast %swap3A_1718 : vector<1x768xf32> to vector<768xf32>
    %swap3A_1720 = vector.shape_cast %get3A_1715 : vector<768xf32> to vector<1x768xf32>
    tpu.vector_store %arg3[%swap3A_1716, %swap3A_1717], %swap3A_1720 {strides = array<i32>} : memref<128x768xf32, #tpu.memory_space<vmem>>, vector<1x768xf32>,
    %mul3A_1721 = arith.constant 128 : i32
    %mul3A_1722 = arith.muli %arg0, %mul3A_1721 : i32
    %add3A_1723 = arith.constant 115 : i32
    %add3A_1724 = arith.addi %mul3A_1722, %add3A_1723 : i32
    %get3A_1725 = arith.index_cast %add3A_1724 : i32 to index
    %get3A_1726 = memref.load %arg1[%get3A_1725] : memref<2048xi32, #tpu.memory_space<smem>>
    %get3A_1727 = arith.index_cast %get3A_1726 : i32 to index
    %get3A_1728 = arith.constant 0 : index
    %get3A_1729 = vector.load %arg2[%get3A_1727, %get3A_1728] : memref<4096x768xf32, #tpu.memory_space<vmem>>, vector<1x768xf32>
    %get3A_1730 = vector.shape_cast %get3A_1729 : vector<1x768xf32> to vector<768xf32>
    %swap3A_1731 = arith.constant 115 : index
    %swap3A_1732 = arith.constant 0 : index
    %swap3A_1733 = vector.load %arg3[%swap3A_1731, %swap3A_1732] : memref<128x768xf32, #tpu.memory_space<vmem>>, vector<1x768xf32>
    %swap3A_1734 = vector.shape_cast %swap3A_1733 : vector<1x768xf32> to vector<768xf32>
    %swap3A_1735 = vector.shape_cast %get3A_1730 : vector<768xf32> to vector<1x768xf32>
    tpu.vector_store %arg3[%swap3A_1731, %swap3A_1732], %swap3A_1735 {strides = array<i32>} : memref<128x768xf32, #tpu.memory_space<vmem>>, vector<1x768xf32>,
    %mul3A_1736 = arith.constant 128 : i32
    %mul3A_1737 = arith.muli %arg0, %mul3A_1736 : i32
    %add3A_1738 = arith.constant 116 : i32
    %add3A_1739 = arith.addi %mul3A_1737, %add3A_1738 : i32
    %get3A_1740 = arith.index_cast %add3A_1739 : i32 to index
    %get3A_1741 = memref.load %arg1[%get3A_1740] : memref<2048xi32, #tpu.memory_space<smem>>
    %get3A_1742 = arith.index_cast %get3A_1741 : i32 to index
    %get3A_1743 = arith.constant 0 : index
    %get3A_1744 = vector.load %arg2[%get3A_1742, %get3A_1743] : memref<4096x768xf32, #tpu.memory_space<vmem>>, vector<1x768xf32>
    %get3A_1745 = vector.shape_cast %get3A_1744 : vector<1x768xf32> to vector<768xf32>
    %swap3A_1746 = arith.constant 116 : index
    %swap3A_1747 = arith.constant 0 : index
    %swap3A_1748 = vector.load %arg3[%swap3A_1746, %swap3A_1747] : memref<128x768xf32, #tpu.memory_space<vmem>>, vector<1x768xf32>
    %swap3A_1749 = vector.shape_cast %swap3A_1748 : vector<1x768xf32> to vector<768xf32>
    %swap3A_1750 = vector.shape_cast %get3A_1745 : vector<768xf32> to vector<1x768xf32>
    tpu.vector_store %arg3[%swap3A_1746, %swap3A_1747], %swap3A_1750 {strides = array<i32>} : memref<128x768xf32, #tpu.memory_space<vmem>>, vector<1x768xf32>,
    %mul3A_1751 = arith.constant 128 : i32
    %mul3A_1752 = arith.muli %arg0, %mul3A_1751 : i32
    %add3A_1753 = arith.constant 117 : i32
    %add3A_1754 = arith.addi %mul3A_1752, %add3A_1753 : i32
    %get3A_1755 = arith.index_cast %add3A_1754 : i32 to index
    %get3A_1756 = memref.load %arg1[%get3A_1755] : memref<2048xi32, #tpu.memory_space<smem>>
    %get3A_1757 = arith.index_cast %get3A_1756 : i32 to index
    %get3A_1758 = arith.constant 0 : index
    %get3A_1759 = vector.load %arg2[%get3A_1757, %get3A_1758] : memref<4096x768xf32, #tpu.memory_space<vmem>>, vector<1x768xf32>
    %get3A_1760 = vector.shape_cast %get3A_1759 : vector<1x768xf32> to vector<768xf32>
    %swap3A_1761 = arith.constant 117 : index
    %swap3A_1762 = arith.constant 0 : index
    %swap3A_1763 = vector.load %arg3[%swap3A_1761, %swap3A_1762] : memref<128x768xf32, #tpu.memory_space<vmem>>, vector<1x768xf32>
    %swap3A_1764 = vector.shape_cast %swap3A_1763 : vector<1x768xf32> to vector<768xf32>
    %swap3A_1765 = vector.shape_cast %get3A_1760 : vector<768xf32> to vector<1x768xf32>
    tpu.vector_store %arg3[%swap3A_1761, %swap3A_1762], %swap3A_1765 {strides = array<i32>} : memref<128x768xf32, #tpu.memory_space<vmem>>, vector<1x768xf32>,
    %mul3A_1766 = arith.constant 128 : i32
    %mul3A_1767 = arith.muli %arg0, %mul3A_1766 : i32
    %add3A_1768 = arith.constant 118 : i32
    %add3A_1769 = arith.addi %mul3A_1767, %add3A_1768 : i32
    %get3A_1770 = arith.index_cast %add3A_1769 : i32 to index
    %get3A_1771 = memref.load %arg1[%get3A_1770] : memref<2048xi32, #tpu.memory_space<smem>>
    %get3A_1772 = arith.index_cast %get3A_1771 : i32 to index
    %get3A_1773 = arith.constant 0 : index
    %get3A_1774 = vector.load %arg2[%get3A_1772, %get3A_1773] : memref<4096x768xf32, #tpu.memory_space<vmem>>, vector<1x768xf32>
    %get3A_1775 = vector.shape_cast %get3A_1774 : vector<1x768xf32> to vector<768xf32>
    %swap3A_1776 = arith.constant 118 : index
    %swap3A_1777 = arith.constant 0 : index
    %swap3A_1778 = vector.load %arg3[%swap3A_1776, %swap3A_1777] : memref<128x768xf32, #tpu.memory_space<vmem>>, vector<1x768xf32>
    %swap3A_1779 = vector.shape_cast %swap3A_1778 : vector<1x768xf32> to vector<768xf32>
    %swap3A_1780 = vector.shape_cast %get3A_1775 : vector<768xf32> to vector<1x768xf32>
    tpu.vector_store %arg3[%swap3A_1776, %swap3A_1777], %swap3A_1780 {strides = array<i32>} : memref<128x768xf32, #tpu.memory_space<vmem>>, vector<1x768xf32>,
    %mul3A_1781 = arith.constant 128 : i32
    %mul3A_1782 = arith.muli %arg0, %mul3A_1781 : i32
    %add3A_1783 = arith.constant 119 : i32
    %add3A_1784 = arith.addi %mul3A_1782, %add3A_1783 : i32
    %get3A_1785 = arith.index_cast %add3A_1784 : i32 to index
    %get3A_1786 = memref.load %arg1[%get3A_1785] : memref<2048xi32, #tpu.memory_space<smem>>
    %get3A_1787 = arith.index_cast %get3A_1786 : i32 to index
    %get3A_1788 = arith.constant 0 : index
    %get3A_1789 = vector.load %arg2[%get3A_1787, %get3A_1788] : memref<4096x768xf32, #tpu.memory_space<vmem>>, vector<1x768xf32>
    %get3A_1790 = vector.shape_cast %get3A_1789 : vector<1x768xf32> to vector<768xf32>
    %swap3A_1791 = arith.constant 119 : index
    %swap3A_1792 = arith.constant 0 : index
    %swap3A_1793 = vector.load %arg3[%swap3A_1791, %swap3A_1792] : memref<128x768xf32, #tpu.memory_space<vmem>>, vector<1x768xf32>
    %swap3A_1794 = vector.shape_cast %swap3A_1793 : vector<1x768xf32> to vector<768xf32>
    %swap3A_1795 = vector.shape_cast %get3A_1790 : vector<768xf32> to vector<1x768xf32>
    tpu.vector_store %arg3[%swap3A_1791, %swap3A_1792], %swap3A_1795 {strides = array<i32>} : memref<128x768xf32, #tpu.memory_space<vmem>>, vector<1x768xf32>,
    %mul3A_1796 = arith.constant 128 : i32
    %mul3A_1797 = arith.muli %arg0, %mul3A_1796 : i32
    %add3A_1798 = arith.constant 120 : i32
    %add3A_1799 = arith.addi %mul3A_1797, %add3A_1798 : i32
    %get3A_1800 = arith.index_cast %add3A_1799 : i32 to index
    %get3A_1801 = memref.load %arg1[%get3A_1800] : memref<2048xi32, #tpu.memory_space<smem>>
    %get3A_1802 = arith.index_cast %get3A_1801 : i32 to index
    %get3A_1803 = arith.constant 0 : index
    %get3A_1804 = vector.load %arg2[%get3A_1802, %get3A_1803] : memref<4096x768xf32, #tpu.memory_space<vmem>>, vector<1x768xf32>
    %get3A_1805 = vector.shape_cast %get3A_1804 : vector<1x768xf32> to vector<768xf32>
    %swap3A_1806 = arith.constant 120 : index
    %swap3A_1807 = arith.constant 0 : index
    %swap3A_1808 = vector.load %arg3[%swap3A_1806, %swap3A_1807] : memref<128x768xf32, #tpu.memory_space<vmem>>, vector<1x768xf32>
    %swap3A_1809 = vector.shape_cast %swap3A_1808 : vector<1x768xf32> to vector<768xf32>
    %swap3A_1810 = vector.shape_cast %get3A_1805 : vector<768xf32> to vector<1x768xf32>
    tpu.vector_store %arg3[%swap3A_1806, %swap3A_1807], %swap3A_1810 {strides = array<i32>} : memref<128x768xf32, #tpu.memory_space<vmem>>, vector<1x768xf32>,
    %mul3A_1811 = arith.constant 128 : i32
    %mul3A_1812 = arith.muli %arg0, %mul3A_1811 : i32
    %add3A_1813 = arith.constant 121 : i32
    %add3A_1814 = arith.addi %mul3A_1812, %add3A_1813 : i32
    %get3A_1815 = arith.index_cast %add3A_1814 : i32 to index
    %get3A_1816 = memref.load %arg1[%get3A_1815] : memref<2048xi32, #tpu.memory_space<smem>>
    %get3A_1817 = arith.index_cast %get3A_1816 : i32 to index
    %get3A_1818 = arith.constant 0 : index
    %get3A_1819 = vector.load %arg2[%get3A_1817, %get3A_1818] : memref<4096x768xf32, #tpu.memory_space<vmem>>, vector<1x768xf32>
    %get3A_1820 = vector.shape_cast %get3A_1819 : vector<1x768xf32> to vector<768xf32>
    %swap3A_1821 = arith.constant 121 : index
    %swap3A_1822 = arith.constant 0 : index
    %swap3A_1823 = vector.load %arg3[%swap3A_1821, %swap3A_1822] : memref<128x768xf32, #tpu.memory_space<vmem>>, vector<1x768xf32>
    %swap3A_1824 = vector.shape_cast %swap3A_1823 : vector<1x768xf32> to vector<768xf32>
    %swap3A_1825 = vector.shape_cast %get3A_1820 : vector<768xf32> to vector<1x768xf32>
    tpu.vector_store %arg3[%swap3A_1821, %swap3A_1822], %swap3A_1825 {strides = array<i32>} : memref<128x768xf32, #tpu.memory_space<vmem>>, vector<1x768xf32>,
    %mul3A_1826 = arith.constant 128 : i32
    %mul3A_1827 = arith.muli %arg0, %mul3A_1826 : i32
    %add3A_1828 = arith.constant 122 : i32
    %add3A_1829 = arith.addi %mul3A_1827, %add3A_1828 : i32
    %get3A_1830 = arith.index_cast %add3A_1829 : i32 to index
    %get3A_1831 = memref.load %arg1[%get3A_1830] : memref<2048xi32, #tpu.memory_space<smem>>
    %get3A_1832 = arith.index_cast %get3A_1831 : i32 to index
    %get3A_1833 = arith.constant 0 : index
    %get3A_1834 = vector.load %arg2[%get3A_1832, %get3A_1833] : memref<4096x768xf32, #tpu.memory_space<vmem>>, vector<1x768xf32>
    %get3A_1835 = vector.shape_cast %get3A_1834 : vector<1x768xf32> to vector<768xf32>
    %swap3A_1836 = arith.constant 122 : index
    %swap3A_1837 = arith.constant 0 : index
    %swap3A_1838 = vector.load %arg3[%swap3A_1836, %swap3A_1837] : memref<128x768xf32, #tpu.memory_space<vmem>>, vector<1x768xf32>
    %swap3A_1839 = vector.shape_cast %swap3A_1838 : vector<1x768xf32> to vector<768xf32>
    %swap3A_1840 = vector.shape_cast %get3A_1835 : vector<768xf32> to vector<1x768xf32>
    tpu.vector_store %arg3[%swap3A_1836, %swap3A_1837], %swap3A_1840 {strides = array<i32>} : memref<128x768xf32, #tpu.memory_space<vmem>>, vector<1x768xf32>,
    %mul3A_1841 = arith.constant 128 : i32
    %mul3A_1842 = arith.muli %arg0, %mul3A_1841 : i32
    %add3A_1843 = arith.constant 123 : i32
    %add3A_1844 = arith.addi %mul3A_1842, %add3A_1843 : i32
    %get3A_1845 = arith.index_cast %add3A_1844 : i32 to index
    %get3A_1846 = memref.load %arg1[%get3A_1845] : memref<2048xi32, #tpu.memory_space<smem>>
    %get3A_1847 = arith.index_cast %get3A_1846 : i32 to index
    %get3A_1848 = arith.constant 0 : index
    %get3A_1849 = vector.load %arg2[%get3A_1847, %get3A_1848] : memref<4096x768xf32, #tpu.memory_space<vmem>>, vector<1x768xf32>
    %get3A_1850 = vector.shape_cast %get3A_1849 : vector<1x768xf32> to vector<768xf32>
    %swap3A_1851 = arith.constant 123 : index
    %swap3A_1852 = arith.constant 0 : index
    %swap3A_1853 = vector.load %arg3[%swap3A_1851, %swap3A_1852] : memref<128x768xf32, #tpu.memory_space<vmem>>, vector<1x768xf32>
    %swap3A_1854 = vector.shape_cast %swap3A_1853 : vector<1x768xf32> to vector<768xf32>
    %swap3A_1855 = vector.shape_cast %get3A_1850 : vector<768xf32> to vector<1x768xf32>
    tpu.vector_store %arg3[%swap3A_1851, %swap3A_1852], %swap3A_1855 {strides = array<i32>} : memref<128x768xf32, #tpu.memory_space<vmem>>, vector<1x768xf32>,
    %mul3A_1856 = arith.constant 128 : i32
    %mul3A_1857 = arith.muli %arg0, %mul3A_1856 : i32
    %add3A_1858 = arith.constant 124 : i32
    %add3A_1859 = arith.addi %mul3A_1857, %add3A_1858 : i32
    %get3A_1860 = arith.index_cast %add3A_1859 : i32 to index
    %get3A_1861 = memref.load %arg1[%get3A_1860] : memref<2048xi32, #tpu.memory_space<smem>>
    %get3A_1862 = arith.index_cast %get3A_1861 : i32 to index
    %get3A_1863 = arith.constant 0 : index
    %get3A_1864 = vector.load %arg2[%get3A_1862, %get3A_1863] : memref<4096x768xf32, #tpu.memory_space<vmem>>, vector<1x768xf32>
    %get3A_1865 = vector.shape_cast %get3A_1864 : vector<1x768xf32> to vector<768xf32>
    %swap3A_1866 = arith.constant 124 : index
    %swap3A_1867 = arith.constant 0 : index
    %swap3A_1868 = vector.load %arg3[%swap3A_1866, %swap3A_1867] : memref<128x768xf32, #tpu.memory_space<vmem>>, vector<1x768xf32>
    %swap3A_1869 = vector.shape_cast %swap3A_1868 : vector<1x768xf32> to vector<768xf32>
    %swap3A_1870 = vector.shape_cast %get3A_1865 : vector<768xf32> to vector<1x768xf32>
    tpu.vector_store %arg3[%swap3A_1866, %swap3A_1867], %swap3A_1870 {strides = array<i32>} : memref<128x768xf32, #tpu.memory_space<vmem>>, vector<1x768xf32>,
    %mul3A_1871 = arith.constant 128 : i32
    %mul3A_1872 = arith.muli %arg0, %mul3A_1871 : i32
    %add3A_1873 = arith.constant 125 : i32
    %add3A_1874 = arith.addi %mul3A_1872, %add3A_1873 : i32
    %get3A_1875 = arith.index_cast %add3A_1874 : i32 to index
    %get3A_1876 = memref.load %arg1[%get3A_1875] : memref<2048xi32, #tpu.memory_space<smem>>
    %get3A_1877 = arith.index_cast %get3A_1876 : i32 to index
    %get3A_1878 = arith.constant 0 : index
    %get3A_1879 = vector.load %arg2[%get3A_1877, %get3A_1878] : memref<4096x768xf32, #tpu.memory_space<vmem>>, vector<1x768xf32>
    %get3A_1880 = vector.shape_cast %get3A_1879 : vector<1x768xf32> to vector<768xf32>
    %swap3A_1881 = arith.constant 125 : index
    %swap3A_1882 = arith.constant 0 : index
    %swap3A_1883 = vector.load %arg3[%swap3A_1881, %swap3A_1882] : memref<128x768xf32, #tpu.memory_space<vmem>>, vector<1x768xf32>
    %swap3A_1884 = vector.shape_cast %swap3A_1883 : vector<1x768xf32> to vector<768xf32>
    %swap3A_1885 = vector.shape_cast %get3A_1880 : vector<768xf32> to vector<1x768xf32>
    tpu.vector_store %arg3[%swap3A_1881, %swap3A_1882], %swap3A_1885 {strides = array<i32>} : memref<128x768xf32, #tpu.memory_space<vmem>>, vector<1x768xf32>,
    %mul3A_1886 = arith.constant 128 : i32
    %mul3A_1887 = arith.muli %arg0, %mul3A_1886 : i32
    %add3A_1888 = arith.constant 126 : i32
    %add3A_1889 = arith.addi %mul3A_1887, %add3A_1888 : i32
    %get3A_1890 = arith.index_cast %add3A_1889 : i32 to index
    %get3A_1891 = memref.load %arg1[%get3A_1890] : memref<2048xi32, #tpu.memory_space<smem>>
    %get3A_1892 = arith.index_cast %get3A_1891 : i32 to index
    %get3A_1893 = arith.constant 0 : index
    %get3A_1894 = vector.load %arg2[%get3A_1892, %get3A_1893] : memref<4096x768xf32, #tpu.memory_space<vmem>>, vector<1x768xf32>
    %get3A_1895 = vector.shape_cast %get3A_1894 : vector<1x768xf32> to vector<768xf32>
    %swap3A_1896 = arith.constant 126 : index
    %swap3A_1897 = arith.constant 0 : index
    %swap3A_1898 = vector.load %arg3[%swap3A_1896, %swap3A_1897] : memref<128x768xf32, #tpu.memory_space<vmem>>, vector<1x768xf32>
    %swap3A_1899 = vector.shape_cast %swap3A_1898 : vector<1x768xf32> to vector<768xf32>
    %swap3A_1900 = vector.shape_cast %get3A_1895 : vector<768xf32> to vector<1x768xf32>
    tpu.vector_store %arg3[%swap3A_1896, %swap3A_1897], %swap3A_1900 {strides = array<i32>} : memref<128x768xf32, #tpu.memory_space<vmem>>, vector<1x768xf32>,
    %mul3A_1901 = arith.constant 128 : i32
    %mul3A_1902 = arith.muli %arg0, %mul3A_1901 : i32
    %add3A_1903 = arith.constant 127 : i32
    %add3A_1904 = arith.addi %mul3A_1902, %add3A_1903 : i32
    %get3A_1905 = arith.index_cast %add3A_1904 : i32 to index
    %get3A_1906 = memref.load %arg1[%get3A_1905] : memref<2048xi32, #tpu.memory_space<smem>>
    %get3A_1907 = arith.index_cast %get3A_1906 : i32 to index
    %get3A_1908 = arith.constant 0 : index
    %get3A_1909 = vector.load %arg2[%get3A_1907, %get3A_1908] : memref<4096x768xf32, #tpu.memory_space<vmem>>, vector<1x768xf32>
    %get3A_1910 = vector.shape_cast %get3A_1909 : vector<1x768xf32> to vector<768xf32>
    %swap3A_1911 = arith.constant 127 : index
    %swap3A_1912 = arith.constant 0 : index
    %swap3A_1913 = vector.load %arg3[%swap3A_1911, %swap3A_1912] : memref<128x768xf32, #tpu.memory_space<vmem>>, vector<1x768xf32>
    %swap3A_1914 = vector.shape_cast %swap3A_1913 : vector<1x768xf32> to vector<768xf32>
    %swap3A_1915 = vector.shape_cast %get3A_1910 : vector<768xf32> to vector<1x768xf32>
    tpu.vector_store %arg3[%swap3A_1911, %swap3A_1912], %swap3A_1915 {strides = array<i32>} : memref<128x768xf32, #tpu.memory_space<vmem>>, vector<1x768xf32>,
    return
  }
  func.func @transform_0(%arg0: i32, %arg1: memref<2048xi32, #tpu.memory_space<smem>>) -> (i32, i32) {
    %c0_i32 = arith.constant 0 : i32
    %c0_i32_0 = arith.constant 0 : i32
    %c0_i32_1 = arith.constant 0 : i32
    return %c0_i32, %c0_i32_0 : i32, i32
  }
  func.func @transform_1(%arg0: i32, %arg1: memref<2048xi32, #tpu.memory_space<smem>>) -> (i32, i32) {
    %c0_i32 = arith.constant 0 : i32
    %c0_i32_0 = arith.constant 0 : i32
    return %arg0, %c0_i32 : i32, i32
  }
}

module attributes {stable_mosaic.version = 14 : i64} {
  func.func @_ffn1_kernel(%arg0: i32, %arg1: memref<256x768xf32, #tpu.memory_space<vmem>>, %arg2: memref<768x3072xf32, #tpu.memory_space<vmem>>, %arg3: memref<256x3072xf32, #tpu.memory_space<vmem>>, %arg4: memref<1x1xf32, #tpu.memory_space<vmem>>) attributes {dimension_semantics = [#tpu.dimension_semantics<arbitrary>], iteration_bounds = array<i64: 8>, scalar_prefetch = 0 : i64, scratch_operands = 0 : i64, tpu.core_type = #tpu.core_type<tc>, window_params = [{transform_indices = @transform_0, window_bounds = array<i64: 256, 768>}, {pipeline_mode = #tpu.pipeline_mode<synchronous>, transform_indices = @transform_1, window_bounds = array<i64: 768, 3072>}, {transform_indices = @transform_2, window_bounds = array<i64: 256, 3072>}, {pipeline_mode = #tpu.pipeline_mode<synchronous>, transform_indices = @transform_3, window_bounds = array<i64: 1, 1>}]} {
    %get3A = arith.constant 0 : index
    %get3A_0 = arith.constant 0 : index
    %get3A_1 = vector.load %arg2[%get3A, %get3A_0] : memref<768x3072xf32, #tpu.memory_space<vmem>>, vector<768x3072xf32>
    %abs3A = math.absf %get3A_1 : vector<768x3072xf32>
    %reduce_max3A = arith.constant dense<0xFF800000> : vector<3072xf32>
    %reduce_max3A_2 = vector.multi_reduction <maximumf>, %abs3A, %reduce_max3A [0] : vector<768x3072xf32> to vector<3072xf32>
    %broadcast_in_dim3A = vector.shape_cast %reduce_max3A_2 : vector<3072xf32> to vector<1x3072xf32>
    %max3A = arith.constant 9.99999993E-9 : f32
    %max3A_3 = vector.broadcast %max3A : f32 to vector<1x3072xf32>
    %max3A_4 = arith.maximumf %broadcast_in_dim3A, %max3A_3 : vector<1x3072xf32>
    %div3A = arith.constant 1.270000e+02 : f32
    %div3A_5 = vector.broadcast %div3A : f32 to vector<1x3072xf32>
    %div3A_6 = arith.divf %div3A_5, %max3A_4 : vector<1x3072xf32>
    %get3A_7 = arith.constant 0 : index
    %get3A_8 = arith.constant 0 : index
    %get3A_9 = vector.load %arg2[%get3A_7, %get3A_8] : memref<768x3072xf32, #tpu.memory_space<vmem>>, vector<768x3072xf32>
    %mul3A = vector.broadcast %div3A_6 : vector<1x3072xf32> to vector<768x3072xf32>
    %mul3A_10 = arith.mulf %get3A_9, %mul3A : vector<768x3072xf32>
    %round3A = math.roundeven %mul3A_10 : vector<768x3072xf32>
    %div3A_11 = vector.broadcast %div3A_6 : vector<1x3072xf32> to vector<768x3072xf32>
    %div3A_12 = arith.divf %round3A, %div3A_11 : vector<768x3072xf32>
    %get3A_13 = arith.constant 0 : index
    %get3A_14 = arith.constant 0 : index
    %get3A_15 = vector.load %arg1[%get3A_13, %get3A_14] : memref<256x768xf32, #tpu.memory_space<vmem>>, vector<256x768xf32>
    %dot_general3A = arith.constant dense<0.000000e+00> : vector<256x3072xf32>
    %dot_general3A_16 = tpu.matmul %get3A_15, %div3A_12, %dot_general3A {dimension_numbers = #tpu.dot_dimension_numbers<[1], [0], [0], [1], [0, 0, 1, 1], [], []>, transpose_lhs_hint = false} : vector<256x768xf32>, vector<768x3072xf32>, vector<256x3072xf32> -> vector<256x3072xf32>
    %swap3A = arith.constant 0 : index
    %swap3A_17 = arith.constant 0 : index
    %swap3A_18 = vector.load %arg3[%swap3A, %swap3A_17] : memref<256x3072xf32, #tpu.memory_space<vmem>>, vector<256x3072xf32>
    tpu.vector_store %arg3[%swap3A, %swap3A_17], %dot_general3A_16 {strides = array<i32>} : memref<256x3072xf32, #tpu.memory_space<vmem>>, vector<256x3072xf32>,
    %eq3A = arith.constant 0 : i32
    %eq3A_19 = arith.cmpi eq, %arg0, %eq3A : i32
    %convert_element_type3A = arith.extui %eq3A_19 : i1 to i32
    %cond3A = arith.constant 0 : i32
    %cond3A_20 = arith.cmpi ne, %convert_element_type3A, %cond3A : i32
    scf.if %cond3A_20 {
      %broadcast_in_dim3A_34 = arith.constant 0.000000e+00 : f32
      %broadcast_in_dim3A_35 = vector.broadcast %broadcast_in_dim3A_34 : f32 to vector<1x1xf32>
      %swap3A_36 = arith.constant 0 : index
      %swap3A_37 = arith.constant 0 : index
      %swap3A_38 = vector.load %arg4[%swap3A_36, %swap3A_37] : memref<1x1xf32, #tpu.memory_space<vmem>>, vector<1x1xf32>
      tpu.vector_store %arg4[%swap3A_36, %swap3A_37], %broadcast_in_dim3A_35 {strides = array<i32>} : memref<1x1xf32, #tpu.memory_space<vmem>>, vector<1x1xf32>,
    } else {
    }
    %get3A_21 = arith.constant 0 : index
    %get3A_22 = arith.constant 0 : index
    %get3A_23 = vector.load %arg4[%get3A_21, %get3A_22] : memref<1x1xf32, #tpu.memory_space<vmem>>, vector<1x1xf32>
    %abs3A_24 = math.absf %dot_general3A_16 : vector<256x3072xf32>
    %reduce_max3A_25 = vector.shape_cast %abs3A_24 : vector<256x3072xf32> to vector<1x256x3072xf32>
    %reduce_max3A_26 = arith.constant dense<0xFF800000> : vector<1xf32>
    %reduce_max3A_27 = vector.multi_reduction <maximumf>, %reduce_max3A_25, %reduce_max3A_26 [1, 2] : vector<1x256x3072xf32> to vector<1xf32>
    %reduce_max3A_28 = vector.shape_cast %reduce_max3A_27 : vector<1xf32> to vector<1x1x1xf32>
    %reduce_max3A_29 = vector.extract %reduce_max3A_28[0, 0, 0] : f32 from vector<1x1x1xf32>
    %reshape3A = vector.broadcast %reduce_max3A_29 : f32 to vector<1x1xf32>
    %max3A_30 = arith.maximumf %get3A_23, %reshape3A : vector<1x1xf32>
    %swap3A_31 = arith.constant 0 : index
    %swap3A_32 = arith.constant 0 : index
    %swap3A_33 = vector.load %arg4[%swap3A_31, %swap3A_32] : memref<1x1xf32, #tpu.memory_space<vmem>>, vector<1x1xf32>
    tpu.vector_store %arg4[%swap3A_31, %swap3A_32], %max3A_30 {strides = array<i32>} : memref<1x1xf32, #tpu.memory_space<vmem>>, vector<1x1xf32>,
    return
  }
  func.func @transform_0(%arg0: i32) -> (i32, i32) {
    %c0_i32 = arith.constant 0 : i32
    %c0_i32_0 = arith.constant 0 : i32
    return %arg0, %c0_i32 : i32, i32
  }
  func.func @transform_1(%arg0: i32) -> (i32, i32) {
    %c0_i32 = arith.constant 0 : i32
    %c0_i32_0 = arith.constant 0 : i32
    %c0_i32_1 = arith.constant 0 : i32
    return %c0_i32, %c0_i32_0 : i32, i32
  }
  func.func @transform_2(%arg0: i32) -> (i32, i32) {
    %c0_i32 = arith.constant 0 : i32
    %c0_i32_0 = arith.constant 0 : i32
    return %arg0, %c0_i32 : i32, i32
  }
  func.func @transform_3(%arg0: i32) -> (i32, i32) {
    %c0_i32 = arith.constant 0 : i32
    %c0_i32_0 = arith.constant 0 : i32
    %c0_i32_1 = arith.constant 0 : i32
    return %c0_i32, %c0_i32_0 : i32, i32
  }
}

module attributes {stable_mosaic.version = 14 : i64} {
  func.func @_ffn2_kernel(%arg0: i32, %arg1: memref<256x3072xf32, #tpu.memory_space<vmem>>, %arg2: memref<1x1xf32, #tpu.memory_space<vmem>>, %arg3: memref<256x768xf32, #tpu.memory_space<vmem>>, %arg4: memref<3072x768xf32, #tpu.memory_space<vmem>>, %arg5: memref<768x768xf32, #tpu.memory_space<vmem>>, %arg6: memref<1x3072xf32, #tpu.memory_space<vmem>>, %arg7: memref<1x3072xf32, #tpu.memory_space<vmem>>, %arg8: memref<256x768xf32, #tpu.memory_space<vmem>>) attributes {dimension_semantics = [#tpu.dimension_semantics<arbitrary>], iteration_bounds = array<i64: 8>, scalar_prefetch = 0 : i64, scratch_operands = 0 : i64, tpu.core_type = #tpu.core_type<tc>, window_params = [{transform_indices = @transform_0, window_bounds = array<i64: 256, 3072>}, {pipeline_mode = #tpu.pipeline_mode<synchronous>, transform_indices = @transform_1, window_bounds = array<i64: 1, 1>}, {transform_indices = @transform_2, window_bounds = array<i64: 256, 768>}, {pipeline_mode = #tpu.pipeline_mode<synchronous>, transform_indices = @transform_3, window_bounds = array<i64: 3072, 768>}, {pipeline_mode = #tpu.pipeline_mode<synchronous>, transform_indices = @transform_4, window_bounds = array<i64: 768, 768>}, {pipeline_mode = #tpu.pipeline_mode<synchronous>, transform_indices = @transform_5, window_bounds = array<i64: 1, 3072>}, {pipeline_mode = #tpu.pipeline_mode<synchronous>, transform_indices = @transform_6, window_bounds = array<i64: 1, 3072>}, {transform_indices = @transform_7, window_bounds = array<i64: 256, 768>}]} {
    %get3A = arith.constant 0 : index
    %get3A_0 = arith.constant 0 : index
    %get3A_1 = vector.load %arg2[%get3A, %get3A_0] : memref<1x1xf32, #tpu.memory_space<vmem>>, vector<1x1xf32>
    %max3A = arith.constant 9.99999993E-9 : f32
    %max3A_2 = vector.broadcast %max3A : f32 to vector<1x1xf32>
    %max3A_3 = arith.maximumf %get3A_1, %max3A_2 : vector<1x1xf32>
    %div3A = arith.constant 3.276700e+04 : f32
    %div3A_4 = vector.broadcast %div3A : f32 to vector<1x1xf32>
    %div3A_5 = arith.divf %div3A_4, %max3A_3 : vector<1x1xf32>
    %get3A_6 = arith.constant 0 : index
    %get3A_7 = arith.constant 0 : index
    %get3A_8 = vector.load %arg1[%get3A_6, %get3A_7] : memref<256x3072xf32, #tpu.memory_space<vmem>>, vector<256x3072xf32>
    %mul3A = vector.broadcast %div3A_5 : vector<1x1xf32> to vector<256x3072xf32>
    %mul3A_9 = arith.mulf %get3A_8, %mul3A : vector<256x3072xf32>
    %round3A = math.roundeven %mul3A_9 : vector<256x3072xf32>
    %div3A_10 = vector.broadcast %div3A_5 : vector<1x1xf32> to vector<256x3072xf32>
    %div3A_11 = arith.divf %round3A, %div3A_10 : vector<256x3072xf32>
    %reduce_sum3A = arith.constant dense<0.000000e+00> : vector<256xf32>
    %reduce_sum3A_12 = vector.multi_reduction <add>, %div3A_11, %reduce_sum3A [1] : vector<256x3072xf32> to vector<256xf32>
    %broadcast_in_dim3A = vector.shape_cast %reduce_sum3A_12 : vector<256xf32> to vector<256x1xf32>
    %div3A_13 = arith.constant 3.072000e+03 : f32
    %div3A_14 = vector.broadcast %div3A_13 : f32 to vector<256x1xf32>
    %div3A_15 = arith.divf %broadcast_in_dim3A, %div3A_14 : vector<256x1xf32>
    %sub3A = vector.broadcast %div3A_15 : vector<256x1xf32> to vector<256x3072xf32>
    %sub3A_16 = arith.subf %div3A_11, %sub3A : vector<256x3072xf32>
    %integer_pow3A = arith.mulf %sub3A_16, %sub3A_16 : vector<256x3072xf32>
    %reduce_sum3A_17 = arith.constant dense<0.000000e+00> : vector<256xf32>
    %reduce_sum3A_18 = vector.multi_reduction <add>, %integer_pow3A, %reduce_sum3A_17 [1] : vector<256x3072xf32> to vector<256xf32>
    %broadcast_in_dim3A_19 = vector.shape_cast %reduce_sum3A_18 : vector<256xf32> to vector<256x1xf32>
    %div3A_20 = arith.constant 3.072000e+03 : f32
    %div3A_21 = vector.broadcast %div3A_20 : f32 to vector<256x1xf32>
    %div3A_22 = arith.divf %broadcast_in_dim3A_19, %div3A_21 : vector<256x1xf32>
    %sub3A_23 = vector.broadcast %div3A_15 : vector<256x1xf32> to vector<256x3072xf32>
    %sub3A_24 = arith.subf %div3A_11, %sub3A_23 : vector<256x3072xf32>
    %add3A = arith.constant 9.99999974E-6 : f32
    %add3A_25 = vector.broadcast %add3A : f32 to vector<256x1xf32>
    %add3A_26 = arith.addf %div3A_22, %add3A_25 : vector<256x1xf32>
    %rsqrt3A = math.rsqrt %add3A_26 : vector<256x1xf32>
    %mul3A_27 = vector.broadcast %rsqrt3A : vector<256x1xf32> to vector<256x3072xf32>
    %mul3A_28 = arith.mulf %sub3A_24, %mul3A_27 : vector<256x3072xf32>
    %get3A_29 = arith.constant 0 : index
    %get3A_30 = arith.constant 0 : index
    %get3A_31 = vector.load %arg6[%get3A_29, %get3A_30] : memref<1x3072xf32, #tpu.memory_space<vmem>>, vector<1x3072xf32>
    %mul3A_32 = vector.broadcast %get3A_31 : vector<1x3072xf32> to vector<256x3072xf32>
    %mul3A_33 = arith.mulf %mul3A_28, %mul3A_32 : vector<256x3072xf32>
    %get3A_34 = arith.constant 0 : index
    %get3A_35 = arith.constant 0 : index
    %get3A_36 = vector.load %arg7[%get3A_34, %get3A_35] : memref<1x3072xf32, #tpu.memory_space<vmem>>, vector<1x3072xf32>
    %add3A_37 = vector.broadcast %get3A_36 : vector<1x3072xf32> to vector<256x3072xf32>
    %add3A_38 = arith.addf %mul3A_33, %add3A_37 : vector<256x3072xf32>
    %get3A_39 = arith.constant 0 : index
    %get3A_40 = arith.constant 0 : index
    %get3A_41 = vector.load %arg4[%get3A_39, %get3A_40] : memref<3072x768xf32, #tpu.memory_space<vmem>>, vector<3072x768xf32>
    %abs3A = math.absf %get3A_41 : vector<3072x768xf32>
    %reduce_max3A = arith.constant dense<0xFF800000> : vector<3072xf32>
    %reduce_max3A_42 = vector.multi_reduction <maximumf>, %abs3A, %reduce_max3A [1] : vector<3072x768xf32> to vector<3072xf32>
    %broadcast_in_dim3A_43 = vector.shape_cast %reduce_max3A_42 : vector<3072xf32> to vector<3072x1xf32>
    %max3A_44 = arith.constant 9.99999993E-9 : f32
    %max3A_45 = vector.broadcast %max3A_44 : f32 to vector<3072x1xf32>
    %max3A_46 = arith.maximumf %broadcast_in_dim3A_43, %max3A_45 : vector<3072x1xf32>
    %div3A_47 = arith.constant 1.270000e+02 : f32
    %div3A_48 = vector.broadcast %div3A_47 : f32 to vector<3072x1xf32>
    %div3A_49 = arith.divf %div3A_48, %max3A_46 : vector<3072x1xf32>
    %get3A_50 = arith.constant 0 : index
    %get3A_51 = arith.constant 0 : index
    %get3A_52 = vector.load %arg4[%get3A_50, %get3A_51] : memref<3072x768xf32, #tpu.memory_space<vmem>>, vector<3072x768xf32>
    %mul3A_53 = vector.broadcast %div3A_49 : vector<3072x1xf32> to vector<3072x768xf32>
    %mul3A_54 = arith.mulf %get3A_52, %mul3A_53 : vector<3072x768xf32>
    %round3A_55 = math.roundeven %mul3A_54 : vector<3072x768xf32>
    %div3A_56 = vector.broadcast %div3A_49 : vector<3072x1xf32> to vector<3072x768xf32>
    %div3A_57 = arith.divf %round3A_55, %div3A_56 : vector<3072x768xf32>
    %get3A_58 = arith.constant 0 : index
    %get3A_59 = arith.constant 0 : index
    %get3A_60 = vector.load %arg5[%get3A_58, %get3A_59] : memref<768x768xf32, #tpu.memory_space<vmem>>, vector<768x768xf32>
    %abs3A_61 = math.absf %get3A_60 : vector<768x768xf32>
    %reduce_max3A_62 = vector.shape_cast %abs3A_61 : vector<768x768xf32> to vector<1x768x768xf32>
    %reduce_max3A_63 = arith.constant dense<0xFF800000> : vector<1xf32>
    %reduce_max3A_64 = vector.multi_reduction <maximumf>, %reduce_max3A_62, %reduce_max3A_63 [1, 2] : vector<1x768x768xf32> to vector<1xf32>
    %reduce_max3A_65 = vector.shape_cast %reduce_max3A_64 : vector<1xf32> to vector<1x1x1xf32>
    %reduce_max3A_66 = vector.extract %reduce_max3A_65[0, 0, 0] : f32 from vector<1x1x1xf32>
    %max3A_67 = arith.constant 9.99999993E-9 : f32
    %max3A_68 = arith.maximumf %reduce_max3A_66, %max3A_67 : f32
    %div3A_69 = arith.constant 1.270000e+02 : f32
    %div3A_70 = arith.divf %div3A_69, %max3A_68 : f32
    %get3A_71 = arith.constant 0 : index
    %get3A_72 = arith.constant 0 : index
    %get3A_73 = vector.load %arg5[%get3A_71, %get3A_72] : memref<768x768xf32, #tpu.memory_space<vmem>>, vector<768x768xf32>
    %mul3A_74 = vector.broadcast %div3A_70 : f32 to vector<768x768xf32>
    %mul3A_75 = arith.mulf %get3A_73, %mul3A_74 : vector<768x768xf32>
    %round3A_76 = math.roundeven %mul3A_75 : vector<768x768xf32>
    %div3A_77 = vector.broadcast %div3A_70 : f32 to vector<768x768xf32>
    %div3A_78 = arith.divf %round3A_76, %div3A_77 : vector<768x768xf32>
    %dot_general3A = arith.constant dense<0.000000e+00> : vector<256x768xf32>
    %dot_general3A_79 = tpu.matmul %add3A_38, %div3A_57, %dot_general3A {dimension_numbers = #tpu.dot_dimension_numbers<[1], [0], [0], [1], [0, 0, 1, 1], [], []>, transpose_lhs_hint = false} : vector<256x3072xf32>, vector<3072x768xf32>, vector<256x768xf32> -> vector<256x768xf32>
    %get3A_80 = arith.constant 0 : index
    %get3A_81 = arith.constant 0 : index
    %get3A_82 = vector.load %arg3[%get3A_80, %get3A_81] : memref<256x768xf32, #tpu.memory_space<vmem>>, vector<256x768xf32>
    %dot_general3A_83 = arith.constant dense<0.000000e+00> : vector<256x768xf32>
    %dot_general3A_84 = tpu.matmul %get3A_82, %div3A_78, %dot_general3A_83 {dimension_numbers = #tpu.dot_dimension_numbers<[1], [0], [0], [1], [0, 0, 1, 1], [], []>, transpose_lhs_hint = false} : vector<256x768xf32>, vector<768x768xf32>, vector<256x768xf32> -> vector<256x768xf32>
    %add3A_85 = arith.addf %dot_general3A_79, %dot_general3A_84 : vector<256x768xf32>
    %swap3A = arith.constant 0 : index
    %swap3A_86 = arith.constant 0 : index
    %swap3A_87 = vector.load %arg8[%swap3A, %swap3A_86] : memref<256x768xf32, #tpu.memory_space<vmem>>, vector<256x768xf32>
    tpu.vector_store %arg8[%swap3A, %swap3A_86], %add3A_85 {strides = array<i32>} : memref<256x768xf32, #tpu.memory_space<vmem>>, vector<256x768xf32>,
    return
  }
  func.func @transform_0(%arg0: i32) -> (i32, i32) {
    %c0_i32 = arith.constant 0 : i32
    %c0_i32_0 = arith.constant 0 : i32
    return %arg0, %c0_i32 : i32, i32
  }
  func.func @transform_1(%arg0: i32) -> (i32, i32) {
    %c0_i32 = arith.constant 0 : i32
    %c0_i32_0 = arith.constant 0 : i32
    %c0_i32_1 = arith.constant 0 : i32
    return %c0_i32, %c0_i32_0 : i32, i32
  }
  func.func @transform_2(%arg0: i32) -> (i32, i32) {
    %c0_i32 = arith.constant 0 : i32
    %c0_i32_0 = arith.constant 0 : i32
    return %arg0, %c0_i32 : i32, i32
  }
  func.func @transform_3(%arg0: i32) -> (i32, i32) {
    %c0_i32 = arith.constant 0 : i32
    %c0_i32_0 = arith.constant 0 : i32
    %c0_i32_1 = arith.constant 0 : i32
    return %c0_i32, %c0_i32_0 : i32, i32
  }
  func.func @transform_4(%arg0: i32) -> (i32, i32) {
    %c0_i32 = arith.constant 0 : i32
    %c0_i32_0 = arith.constant 0 : i32
    %c0_i32_1 = arith.constant 0 : i32
    return %c0_i32, %c0_i32_0 : i32, i32
  }
  func.func @transform_5(%arg0: i32) -> (i32, i32) {
    %c0_i32 = arith.constant 0 : i32
    %c0_i32_0 = arith.constant 0 : i32
    %c0_i32_1 = arith.constant 0 : i32
    return %c0_i32, %c0_i32_0 : i32, i32
  }
  func.func @transform_6(%arg0: i32) -> (i32, i32) {
    %c0_i32 = arith.constant 0 : i32
    %c0_i32_0 = arith.constant 0 : i32
    %c0_i32_1 = arith.constant 0 : i32
    return %c0_i32, %c0_i32_0 : i32, i32
  }
  func.func @transform_7(%arg0: i32) -> (i32, i32) {
    %c0_i32 = arith.constant 0 : i32
    %c0_i32_0 = arith.constant 0 : i32
    return %arg0, %c0_i32 : i32, i32
  }
}

</mosaic_0001>

<sc_bundles>
// kernel: gather_offload_async_start
scs
__scs_entry_jumppad:
0x0: {  	(pc) =	sbr.rel $0x88, $3  }
0x1: {  	(tag) =	ssettag $0x0;
	lr =	simm.s32 $0x1  }
0x2: {  	[smem:$0x3F96] =	sst lr;
	_ =	strace $0xD0000000  }
0x3: {  	_ = 	snop  }
0x4: {  	_ = 	snop  }
0x5: {  	_ = 	snop  }
0x6: {  	_ = 	snop  }
0x7: {  	_ = 	snop  }
__scs_overlays_trampoline_lowered:
0x8: {  	[smem:$0x3FA5] =	sst s0  }
0x9: {  	[smem:$0x3FA6] =	sst s1  }
0xa: {  	[smem:$0x3FA7] =	sst s2  }
0xb: {  	[smem:$0x3FA8] =	sst s3  }
0xc: {  	[smem:$0x3FA9] =	sst s4  }
0xd: {  	[smem:$0x3FAA] =	sst s5  }
0xe: {  	[smem:$0x3FAB] =	sst s6  }
0xf: {  	[smem:$0x3FAC] =	sst s7  }
0x10: {  	[smem:$0x3FAD] =	sst s8  }
0x11: {  	[smem:$0x3FAE] =	sst s9;
	s0 =	simm.s32 @!p0 $0x0  }
0x12: {  	s1 =	sld [smem:$0x3F94];
	s0 =	simm.s32 @p0 $0x1  }
0x13: {  	[smem:$0x3FAF] =	sst s0;
	s0 =	simm.s32 @!p1 $0x0  }
0x14: {  	s2 =	sld [smem:$0x3F93];
	s0 =	simm.s32 @p1 $0x1  }
0x15: {  	[smem:$0x3FB0] =	sst s0;
	s0 =	simm.s32 @!p2 $0x0  }
0x16: {  	s3 =	sld [smem:$0x3FDB];
	s0 =	simm.s32 @p2 $0x1  }
0x17: {  	s4 =	simm.s32 $0x1BF5;
	[smem:$0x3FB2] =	sst s0  }
0x18: {  	s0 =	sld [smem:$0x3F95];
	_ =	swait.ge [sflag:s4], $0x0  }
0x19: {  	s7 =	sld [smem:$0x3F96]  }
0x1a: {  	s8 =	sadd.s32 $0xFFFFE003, lr  }
0x1b: {  	s9 =	sadd.s32 $0xFFFFFEF7, lr;
	s5 =	simm.s32 $0xFFFFFFFF;
	p2 =	slt.u32 s8, $0xFFFFF086  }
0x1c: {  	p1 =	slt.u32 s9, $0xF7A;
	s5 =	simm.s32 @!p2 $0x0  }
0x1d: {  	s5 =	simm.s32 @p1 $0x1;
	p0 =	seq.s32 s7, s2  }
0x1e: {  	s7 =	smul.u32 @!p0 $0xF7A, s2;
	p2 =	seq.s32 @!p0 s5, $0x0  }
0x1f: {  	s9 =	smul.u32 $0xF7A, s1;
	s8 =	simm.s32 @!p0 $0x1BF5;
	p2 =	por !p2, p0  }
0x20: {  	[sflag:s8] =	ssyncset.s32 @!p0 $0xFFFFF086;
	s6 =	sadd.s32 @!p0 s3, s7;
	s7 =	simm.s32 @!p0 $0x108  }
0x21: {  	s3 =	sadd.s32 s3, s9;
	s6 =	sadd.s32 @!p0 $0x88, s6;
	s7 =	simm.s32 @p2 $0x1082  }
0x22: {  	[simem:s7], [sflag:s8] =	dma.local @!p0 [hbm:s6], $0xF7A  }
0x23: {  	s9 =	sor.u32 $0xD0000000, s2;
	s6 =	simm.s32 $0x108;
	_ =	swait.ge @!p0 [sflag:s8], $0x0  }
0x24: {  	s3 =	sadd.s32 $0x88, s3;
	s6 =	simm.s32 @!p1 $0x1082;
	[sflag:s4] =	ssyncset.s32 $0xFFFFF086  }
0x25: {  	[simem:s6], [sflag:s4] =	dma.local [hbm:s3], $0xF7A  }
0x26: {  	[smem:$0x3F96] =	sst s1;
	(tag) =	ssettag s2;
	_ =	strace s9  }
0x27: {  	s1 =	sld [smem:$0x3FA6]  }
0x28: {  	s2 =	sld [smem:$0x3FA7]  }
0x29: {  	s4 =	sld [smem:$0x3FA9]  }
0x2a: {  	p0 =	seq.s32 s5, $0x0;
	s5 =	sld [smem:$0x3FAA]  }
0x2b: {  	s6 =	sld [smem:$0x3FAB]  }
0x2c: {  	s7 =	sld [smem:$0x3FAC]  }
0x2d: {  	s3 =	simm.s32 $0x108;
	s8 =	sld [smem:$0x3FAD]  }
0x2e: {  	s3 =	simm.s32 @!p0 $0x1082;
	s9 =	sld [smem:$0x3FAE]  }
0x2f: {  	lr =	sadd.s32 s0, s3;
	s0 =	sld [smem:$0x3FA5]  }
0x30: {  	s3 =	sld [smem:$0x3FA8]  }
0x31: {  	[smem:$0x3FB1] =	sst s10  }
0x32: {  	s10 =	sld [smem:$0x3FAF];
	_ =	sdelay $0x3  }
0x33: {  	p0 =	seq.s32 s10, $0x1;
	s10 =	sld [smem:$0x3FB1];
	_ =	sdelay $0x3  }
0x34: {  	[smem:$0x3FB1] =	sst s10  }
0x35: {  	s10 =	sld [smem:$0x3FB0];
	_ =	sdelay $0x3  }
0x36: {  	p1 =	seq.s32 s10, $0x1;
	s10 =	sld [smem:$0x3FB1];
	_ =	sdelay $0x3  }
0x37: {  	[smem:$0x3FB1] =	sst s10  }
0x38: {  	s10 =	sld [smem:$0x3FB2]  }
0x39: {  	_ = 	snop;
	(pc) =	sbr.ind lr, $3  }
0x3a: {  	_ = 	snop  }
0x3b: {  	_ = 	snop  }
0x3c: {  	p2 =	seq.s32 s10, $0x1;
	s10 =	sld [smem:$0x3FB1]  }
0x3d: {  	_ =	shalt  }
0x3e: {  	_ =	shalt  }
0x3f: {  	_ =	shalt  }
0x40: {  	_ =	shalt  }
0x41: {  	_ =	shalt  }
0x42: {  	_ =	shalt  }
0x43: {  	_ =	shalt  }
0x44: {  	_ =	shalt  }
0x45: {  	_ =	shalt  }
0x46: {  	_ =	shalt  }
0x47: {  	_ =	shalt  }
0x48: {  	_ =	shalt  }
0x49: {  	_ =	shalt  }
0x4a: {  	_ =	shalt  }
0x4b: {  	_ =	shalt  }
0x4c: {  	_ =	shalt  }
0x4d: {  	_ =	shalt  }
0x4e: {  	_ =	shalt  }
0x4f: {  	_ =	shalt  }
0x50: {  	_ =	shalt  }
0x51: {  	_ =	shalt  }
0x52: {  	_ =	shalt  }
0x53: {  	_ =	shalt  }
0x54: {  	_ =	shalt  }
0x55: {  	_ =	shalt  }
0x56: {  	_ =	shalt  }
0x57: {  	_ =	shalt  }
0x58: {  	_ =	shalt  }
0x59: {  	_ =	shalt  }
0x5a: {  	_ =	shalt  }
0x5b: {  	_ =	shalt  }
0x5c: {  	_ =	shalt  }
0x5d: {  	_ =	shalt  }
0x5e: {  	_ =	shalt  }
0x5f: {  	_ =	shalt  }
0x60: {  	_ =	shalt  }
0x61: {  	_ =	shalt  }
0x62: {  	_ =	shalt  }
0x63: {  	_ =	shalt  }
0x64: {  	_ =	shalt  }
0x65: {  	_ =	shalt  }
0x66: {  	_ =	shalt  }
0x67: {  	_ =	shalt  }
0x68: {  	_ =	shalt  }
0x69: {  	_ =	shalt  }
0x6a: {  	_ =	shalt  }
0x6b: {  	_ =	shalt  }
0x6c: {  	_ =	shalt  }
0x6d: {  	_ =	shalt  }
0x6e: {  	_ =	shalt  }
0x6f: {  	_ =	shalt  }
0x70: {  	_ =	shalt  }
0x71: {  	_ =	shalt  }
0x72: {  	_ =	shalt  }
0x73: {  	_ =	shalt  }
0x74: {  	_ =	shalt  }
0x75: {  	_ =	shalt  }
0x76: {  	_ =	shalt  }
0x77: {  	_ =	shalt  }
0x78: {  	_ =	shalt  }
0x79: {  	_ =	shalt  }
0x7a: {  	_ =	shalt  }
0x7b: {  	_ =	shalt  }
0x7c: {  	_ =	shalt  }
0x7d: {  	_ =	shalt  }
0x7e: {  	_ =	shalt  }
0x7f: {  	_ =	shalt  }
0x80: {  	_ =	shalt  }
0x81: {  	_ =	shalt  }
0x82: {  	_ =	shalt  }
0x83: {  	_ =	shalt  }
0x84: {  	_ =	shalt  }
0x85: {  	_ =	shalt  }
0x86: {  	_ =	shalt  }
0x87: {  	_ =	shalt  }
.Lfunc_end0:
.L_simem_size_0:
called_computation_lowered:
.L_overlay_start_0:
0x88: {  	s2 =	sld [smem:$0x3FD9]  }
0x89: {  	s3 =	sld [smem:$0x3FFE];
	_ =	sdelay $0x1  }
0x8a: {  	s1 =	srdreg.scid  }
0x8b: {  	s0 =	sand.u32 $0x1, s1  }
0x8c: {  	s16 =	sshll.u32 s0, $0xA;
	s2 =	sadd.s32 s3, s2  }
0x8d: {  	s2 =	sadd.s32 s2, s16  }
0x8e: {  	[smem:$0x3FBD] =	sst s2  }
0x8f: {  	_ = 	snop  }
0x90: {  	(tm) =	ssettm $0x1  }
0x91: {  	s17 =	sld [smem:$0x3FFB];
	_ =	sdelay $0x3  }
0x92: {  	_ =	strace s17  }
0x93: {  	s2 =	sld [smem:$0x3FFC];
	_ =	sdelay $0x3  }
0x94: {  	_ =	strace s2  }
0x95: {  	s2 =	sld [smem:$0x3FFD];
	_ =	sdelay $0x3  }
0x96: {  	_ =	strace s2  }
0x97: {  	_ =	strace $0x8FFFFFFF  }
0x98: {  	s18 =	sld [smem:$0x3FDB];
	_ =	sdelay $0x1  }
0x99: {  	s19 =	simm.s32 $_scs_section_size  }
0x9a: {  	s4 =	simm.s32 $_size__tile_overlayer_lowered;
	s5 =	simm.s32 $_tile_overlayer_lowered  }
0x9b: {  	s22 =	simm.s32 $0x1BFF;
	s21 =	sshll.u32 s5, $0x1;
	s2 =	sadd.s32 s19, s18  }
0x9c: {  	s6 =	simm.s32 $0x0;
	s20 =	sshll.u32 s4, $0x1;
	s4 =	sadd.s32 s21, s2  }
0x9d: {  	[timem:s6], [sflag:s22] =	dma.local [hbm:s4], s20  }
0x9e: {  	_ =	swait.ge [sflag:s22], s20  }
0x9f: {  	s3 =	ssub.s32 $0x0, s20;
	[sflag:s22] =	ssyncset.done $0x0  }
0xa0: {  	[sflag:s22] =	ssyncadd.s32 s3;
	_ =	sdelay $0x1  }
0xa1: {  	s23 =	simm.s32 $0x1B8B  }
0xa2: {  	_ =	swait.ge [sflag:s23], $0x1  }
0xa3: {  	[sflag:s23] =	ssyncset.done $0x0  }
0xa4: {  	s25 =	simm.s32 $0x1B8E;
	s24 =	sld [smem:$0x3FFE];
	[sflag:s23] =	ssyncadd.s32 $0xFFFFFFFF  }
0xa5: {  	s26 =	simm.s32 $execute0_lowered;
	[smem:$0x3FD2] =	sst s25  }
0xa6: {  	s4 =	sshll.u32 s26, $0x1;
	_ =	strace $0x80000046;
	[dreg:$0x1] =	wrdreg $0xFFFFFFFF  }
0xa7: {  	s28 =	simm.s32 $_size_execute0_lowered;
	s2 =	sadd.s32 s2, s4;
	[dreg:$0x0] =	wrdreg $0x0  }
0xa8: {  	s4 =	sshll.u32 s28, $0x1;
	[dreg:$0x2] =	wrdreg s2  }
0xa9: {  	[dreg:$0x3] =	wrdreg s4  }
0xaa: {  	[dreg:$0x4] =	wrdreg $0xC0  }
0xab: {  	_ =	task [dreg:s6], $0x5FFFF  }
0xac: {  	[dreg:$0x1] =	wrdreg $0xFFFFFFFF  }
0xad: {  	[dreg:$0x0] =	wrdreg $0x60  }
0xae: {  	[dreg:$0x2] =	wrdreg s24  }
0xaf: {  	[dreg:$0x3] =	wrdreg $0x9  }
0xb0: {  	_ =	task.clear_ibuf [dreg:s6], $0x4FFFF;
	_ =	strace $0x90000046  }
0xb1: {  	s29 =	simm.s32 $0x9;
	_ =	strace $0x80000048  }
0xb2: {  	_ =	swait.ge [sflag:s29], $0x1  }
0xb3: {  	[sflag:s29] =	ssyncadd.s32 $0xFFFFFFFF  }
0xb4: {  	_ =	strace $0x90000048  }
0xb5: {  	_ =	sfence  }
0xb6: {  	s30 =	sld [smem:$0x0];
	_ =	sdelay $0x2  }
0xb7: {  	s31 =	sshll.u32 s1, $0xD;
	s1 =	sshrl.u32 s1, $0x2  }
0xb8: {  	s3 =	sand.u32 $0x4000, s31;
	s1 =	sadd.s32 s1, s30  }
0xb9: {  	s0 =	sor.u32 s3, s0;
	s1 =	sshll.u32 s1, $0x11  }
0xba: {  	s0 =	sor.u32 s1, s0  }
0xbb: {  	s0 =	sadd.s32 $0x8F2B, s0  }
0xbc: {  	[sflag:s0] =	ssyncadd.remote.s32 $0x1  }
0xbd: {  	_ =	sfence.sel $0xFFFF  }
0xbe: {  	[dreg:$0x0] =	wrdreg $0xFFFFFFFF;
	(pc) =	sbr.abs _section_cstart, $3  }
0xbf: {  	[dreg:$0x1] =	wrdreg $0xFFFFFFFF  }
0xc0: {  	_ =	task.clear_ibuf [dreg:s6], $0x2FFFF;
	_ =	strace $0x9FFFFFFF  }
0xc1: {  	(tm) =	ssettm $0x7FFFFFFF  }
tec
execute0_lowered:
.L_overlay_start_1:
0x0: {  	(tag) =	ssettag $0x1  }
0x1: {  	s1 =	srdreg.scid  }
0x2: {  	s0 =	stileid.u32;
	s8 =	rddreg [dreg:$0x0];
	s5 =	simm.s32 $0x1  }
0x3: {  	s9 =	simm.s32 $0x1;
	s10 =	simm.s32 $0x3;
	s1 =	sshll.u32 s1, $0x5  }
0x4: {  	s13 =	simm.s32 $0x0;
	s2 =	sshll.u32 s0, $0x6;
	s3 =	sand.u32 $0x20, s1  }
0x5: {  	s12 =	simm.s32 $0x0;
	s4 =	sadd.s32 $0x1400, s8;
	s2 =	sor.u32 s2, s3  }
0x6: {  	s1 =	rddreg [dreg:$0x1];
	_ =	strace $0x80000047;
	s7 =	ssub.s32 $0x800, s2  }
.Ltmp0:
0x7: {  	s3 =	sadd.s32 $0x1600, s8;
	s6 =	sand.u32 $0x3E0, s7;
	(pc) =	sbr.rel .LBB2_1-.Ltmp0, $4  }
0x8: {  	[sflag:s5] =	ssyncpa.u1 $0x0;
	s8 =	sadd.s32 $0x11A00, s8;
	p0 =	sne.s32 s6, $0x0  }
0x9: {  	s7 =	sshrl.u32 s7, $0xA;
	s6 =	simm.s32 $0x2;
	s9 =	simm.s32 @!p0 $0x0  }
0xa: {  	s11 =	smov.u32 s2;
	[sflag:s6] =	ssyncpa.u1 $0x0;
	s7 =	sadd.s32 s9, s7  }
0xb: {  	vm0 =	vmmov $0xffff;
	[sflag:s10] =	ssyncpa.u1 $0x0;
	s10 =	simm.s32 $0x0;
	s9 =	sadd.s32 $0x1, s7  }
.LBB2_5:
0xc: {  	s15 =	sadd.s32 $0x400, s11  }
0xd: {  	p1 =	sgt.s32 s15, $0x7FF  }
0xe: {  	s15 =	smov.u32 @p1 s2;
	p1 =	sne.s32 s12, s9  }
.Ltmp1:
0xf: {  	p0 =	slt.u32 s12, $0x2;
	(pc) =	sbr.rel @!p1 .LBB2_6-.Ltmp1, $4  }
0x10: {  	s14 =	simm.s32 @!p0 $0x3  }
0x11: {  	_ =	swait.ge @!p0 [sflag:s14], $0x20  }
0x12: {  	s16 =	sadd.s32 $0x1, s12;
	s13 =	smov.u32 s11;
	[sflag:s14] =	ssyncset.done @!p0 $0x0  }
0x13: {  	s12 =	smov.u32 s16;
	s11 =	smov.u32 s15;
	[sflag:s14] =	ssyncadd.s32 @!p0 $0xFFFFFFE0  }
.LBB2_1:
0x14: {  	p0 =	sge.u32 s12, s7  }
0x15: {  	s14 =	sxor.u32 @!p0 $0xFFFFFFFF, s12  }
0x16: {  	s31 =	sadd.s32 $0xFFFFFFFF, s12;
	s15 =	sshrl.u32 @!p0 s11, $0x3;
	s14 =	sshll.u32 @!p0 s14, $0x5  }
0x17: {  	s16 =	sand.u32 @!p0 $0x7, s11;
	s15 =	sadd.s32 @!p0 s4, s15;
	s14 =	sand.u32 @!p0 $0x20, s14  }
0x18: {  	[tilespmem:s14], [sflag:$0x2] =	stream.linear.gather @!p0 [hbm4b:s15+s16], $0x20, $0x38;
	[tilespmem:$0x80] =	vst v63  }
0x19: {  	p0 =	sge.u32 s31, s7  }
.Ltmp2:
0x1a: {  	_ = 	snop;
	(pc) =	sbr.rel @p0 .LBB2_5-.Ltmp2, $1  }
0x1b: {  	_ =	sdelay $0x3  }
0x1c: {  	_ =	swait.ge [sflag:s6], $0x20;
	s14 =	sshll.u32 s12, $0x5;
	s16 =	simm.s32 $0x0  }
0x1d: {  	p0 =	por $0x1, $0x1;
	[sflag:s6] =	ssyncset.done $0x0;
	s15 =	sand.u32 $0x20, s14  }
0x1e: {  	[sflag:s6] =	ssyncadd.s32 $0xFFFFFFE0;
	(ifvalue) =	ssetifvalue $0x7FFFFFFF;
	s14 =	sor.u32 $0x40, s15  }
.LBB2_3:
0x1f: {  	s17 =	sadd.s32 s16, s15  }
0x20: {  	v0 =	vld.msk [tilespmem:s17+$0x0 ss:$0x1], $0xffff;
	_ =	sdelay $0x4  }
0x21: {  	v1 =	vshrl.u32 v0, $0xB  }
0x22: {  	vm1 =	veq.s32 v0, $0x80000000;
	v0 =	vand.u32 $0x7FF, v0;
	v1 =	vand.u32 $0xFF, v1  }
0x23: {  	v0 =	vsel vm1, $0xFFFFFFFF, v0;
	v1 =	vsel vm1, $0xFFFFFFFF, v1  }
0x24: {  	v2 =	vshll.u32 v0, $0x8;
	v3 =	vshll.u32 v1, $0x3  }
0x25: {  	v0 =	vshll.u32 v0, $0x7;
	v2 =	vand.u32 $0xFFFFF800, v2;
	v3 =	vand.u32 $0xFFFFFC00, v3  }
0x26: {  	v0 =	vand.u32 $0x380, v0;
	v2 =	vadd.s32 v2, v3  }
0x27: {  	v1 =	vand.u32 $0x7F, v1;
	v0 =	vor.u32 v0, v2  }
0x28: {  	p1 =	por p0, p0;
	v0 =	vor.u32 v1, v0  }
.Ltmp3:
0x29: {  	_ = 	snop;
	(pc) =	sbr.rel @p1 .LBB2_3-.Ltmp3, $4  }
0x2a: {  	_ = 	snop  }
0x2b: {  	s31 =	sadd.s32 s16, s14  }
0x2c: {  	s16 =	simm.s32 $0x10;
	p0 =	por $0x0, $0x0;
	(ifvalue) =	ssetifvalue $0x7FFFFFFF  }
0x2d: {  	[tilespmem:s31], [sflag:$0x1] =	stream.indirect_vreg.gather [hbm4b:s3+s10], $0x1, v0, vm0, $0x4038;
	[tilespmem:$0x80] =	vst v63  }
.Ltmp4:
0x2e: {  	(pc) =	sbr.rel .LBB2_5-.Ltmp4, $4  }
0x2f: {  	_ =	swait.ge [sflag:s5], $0x20  }
0x30: {  	s15 =	sshrl.u32 s13, $0x3;
	[sflag:s5] =	ssyncset.done $0x0  }
0x31: {  	s31 =	sand.u32 $0x7, s13;
	s15 =	sadd.s32 s8, s15;
	[sflag:s5] =	ssyncadd.s32 $0xFFFFFFE0  }
0x32: {  	[hbm4b:s15+s31] =	stream.linear.scatter [tilespmem:s14], [sflag:$0x3], $0x20, $0x38;
	[tilespmem:$0x80] =	vst v63  }
.LBB2_6:
0x33: {  	_ =	sfence.sel $0x180000  }
0x34: {  	s2 =	simm.s32 $0x2;
	[bflag:$0x0] =	sbarrier.arrive $0xFFFF  }
0x35: {  	s30 =	simm.s32 $0x3;
	[sflag:s2] =	ssyncpa.u1 $0x1  }
0x36: {  	s31 =	simm.s32 $0x1;
	[sflag:s30] =	ssyncpa.u1 $0x1  }
0x37: {  	[sflag:s31] =	ssyncpa.u1 $0x1  }
0x38: {  	p0 =	sne.s32 s0, $0x0;
	_ =	strace $0x90000047  }
0x39: {  	s0 =	sadd.s32 @!p0 $0x100000, s1;
	[bflag:$0x2] =	sbarrier.arrive $0xFFFF  }
0x3a: {  	[sflag:s0] =	ssyncadd.tile.s32 @!p0 $0x1;
	_ =	shalt  }
.Lfunc_end2:
_tile_overlayer_lowered:
.L_overlay_start_2:
0x3b: {  	(tag) =	ssettag $0x2  }
0x3c: {  	s0 =	rddreg [dreg:$0x0];
	s2 =	stileid.u32  }
0x3d: {  	s1 =	rddreg [dreg:$0x1];
	p0 =	sne.s32 s2, $0x0  }
0x3e: {  	s3 =	rddreg [dreg:$0x2];
	[bflag:$0x3] =	sbarrier.arrive $0xFFFF;
	s2 =	simm.s32 @!p0 $0x1C01  }
0x3f: {  	[timem:s3], [sflag:s2] =	dma.local @!p0 [hbm:s0], s1  }
0x40: {  	s0 =	simm.s32 @!p0 $0x1  }
0x41: {  	_ =	swait.ge @!p0 [sflag:s0], s1  }
0x42: {  	s1 =	ssub.s32 @!p0 $0x0, s1;
	[sflag:s0] =	ssyncset.done @!p0 $0x0  }
0x43: {  	[sflag:s0] =	ssyncadd.s32 @!p0 s1  }
0x44: {  	[bflag:$0x3] =	sbarrier.arrive $0xFFFF  }
0x45: {  	_ =	shalt  }

</sc_bundles>
